<compile_context>
chip_gen: v7x
topology: tpu7x:2x2x1
jax: 0.10.2.dev20260603
libtpu: 0.0.44.dev20260713+nightly
codegen_flags: <defaults>
</compile_context>

<pallas_src>
import functools

import jax
import jax.numpy as jnp
from jax import lax
from jax.experimental import pallas as pl
from jax.experimental.pallas import tpu as pltpu
from jax.experimental.pallas import tpu_sc as plsc

_NC = 2
_NS = 16
_NW = _NC * _NS
_R = 8
_L = 4


def _sc_gather(idx3d, table, batch, n_fields):
    b_per_w = idx3d.shape[1]
    fpad = idx3d.shape[2]
    d = table.shape[1]
    mesh = plsc.VectorSubcoreMesh(core_axis_name="c", subcore_axis_name="s")

    @functools.partial(
        pl.kernel,
        out_type=jax.ShapeDtypeStruct((batch, n_fields, d), jnp.float32),
        mesh=mesh,
        scratch_types=[
            pltpu.VMEM((b_per_w, fpad), jnp.int32),
            pltpu.VMEM((_R, n_fields, d), jnp.float32),
            pltpu.VMEM((d,), jnp.float32),
            pltpu.SemaphoreType.DMA,
            pltpu.SemaphoreType.DMA,
            pltpu.SemaphoreType.DMA,
            pltpu.SemaphoreType.DMA,
            pltpu.SemaphoreType.DMA,
        ],
    )
    def k(idx_hbm, table_hbm, out_hbm, idx_v, ring_v, dummy_v,
          sem_g0, sem_g1, sem_g2, sem_g3, sem_w):
        sems_g = (sem_g0, sem_g1, sem_g2, sem_g3)
        wid = lax.axis_index("s") * _NC + lax.axis_index("c")
        pltpu.sync_copy(idx_hbm.at[wid], idx_v)
        b0 = wid * b_per_w

        def wait_write(b):
            pltpu.make_async_copy(
                ring_v.at[b & (_R - 1)], out_hbm.at[b0 + b], sem_w
            ).wait()

        def fire_write(b):
            pltpu.async_copy(
                ring_v.at[b & (_R - 1)], out_hbm.at[b0 + b], sem_w
            )

        def wait_gathers(p):
            def w1(j, carry):
                pltpu.make_async_copy(table_hbm.at[0], dummy_v, sems_g[p]).wait()
                return carry

            lax.fori_loop(0, n_fields, w1, 0)

        def fire_gathers(b, p):
            slot = b & (_R - 1)
            vec_a = idx_v[b, pl.ds(0, 16)]
            vec_b = idx_v[b, pl.ds(16, 16)]
            for f in range(n_fields):
                r = vec_a[f] if f < 16 else vec_b[f - 16]
                pltpu.async_copy(table_hbm.at[r], ring_v.at[slot, f], sems_g[p])

        def quad_body(q, carry):
            b = q * _L
            for p in range(_L):
                @pl.when(q >= 1)
                def _():
                    wait_gathers(p)
                    fire_write(b + p - _L)

                @pl.when(b + p >= _R)
                def _():
                    wait_write(b + p - _R)

                fire_gathers(b + p, p)
            return carry

        lax.fori_loop(0, b_per_w // _L, quad_body, 0)

        for p in range(_L):
            wait_gathers(p)
            fire_write(b_per_w - _L + p)

        def tail_w(t, carry):
            wait_write(b_per_w - _R + t)
            return carry

        lax.fori_loop(0, _R, tail_w, 0)

    return k(idx3d, table)


def kernel(sparse_input, table):
    batch, n_fields = sparse_input.shape
    b_per_w = batch // _NW
    idx_pad = jnp.pad(sparse_input.astype(jnp.int32), ((0, 0), (0, 32 - n_fields)))
    idx3d = idx_pad.reshape(_NW, b_per_w, 32)
    return _sc_gather(idx3d, table, batch, n_fields)

# --- scband reference (transcript-rebuilt; emitter-appended) ---
"""Pipeline reference for scband-basic-model-18777597018200 (READ-ONLY COPY).

The authoritative reference and input builder live on the scoring server;
editing this copy changes nothing except your own understanding.
"""

import jax, jax.numpy as jnp
import numpy as np

NUM_EMBEDDINGS = 1000000
EMBED_DIM = 32
BATCH = 4096
N_FIELDS = 26

def setup_inputs(seed: int = 0) -> dict:
    key = jax.random.key(seed)
    k1, k2 = jax.random.split(key)
    sparse_input = jax.random.randint(k1, (BATCH, N_FIELDS), 0, NUM_EMBEDDINGS, dtype=jnp.int64 if jax.config.jax_enable_x64 else jnp.int32)
    table = jax.random.normal(k2, (NUM_EMBEDDINGS, EMBED_DIM), dtype=jnp.float32) * 0.01
    return {"sparse_input": sparse_input, "table": table}

def reference(sparse_input, table):
    # BasicModel.forward: dense_input = self.embedding_layer(sparse_input)
    # Embedding lookup: [B, F] int -> [B, F, D] float via row gather from table.
    dense_input = jnp.take(table, sparse_input, axis=0)
    return dense_input

if __name__ == "__main__":
    import jax
    _d = setup_inputs()
    print(jax.jit(kernel)(*tuple(_d.values())))

</pallas_src>

<mosaic_0001>
#map = affine_map<(d0, d1) -> (0, 0, 0)>
#map1 = affine_map<(d0, d1) -> (0, 0)>
module attributes {stable_mosaic.version = 14 : i64} {
  func.func @k(%arg0: i32, %arg1: i32, %arg2: memref<32x128x32xi32, #tpu.memory_space<hbm>>, %arg3: memref<1000000x32xf32, #tpu.memory_space<hbm>>, %arg4: memref<4096x26x32xf32, #tpu.memory_space<hbm>>, %arg5: memref<128x32xi32, #tpu.memory_space<vmem>>, %arg6: memref<8x26x32xf32, #tpu.memory_space<vmem>>, %arg7: memref<32xf32, #tpu.memory_space<vmem>>, %arg8: memref<!tpu.dma_semaphore, #tpu.memory_space<semaphore_mem>>, %arg9: memref<!tpu.dma_semaphore, #tpu.memory_space<semaphore_mem>>, %arg10: memref<!tpu.dma_semaphore, #tpu.memory_space<semaphore_mem>>, %arg11: memref<!tpu.dma_semaphore, #tpu.memory_space<semaphore_mem>>, %arg12: memref<!tpu.dma_semaphore, #tpu.memory_space<semaphore_mem>>) attributes {dimension_semantics = [#tpu.dimension_semantics<core_parallel>, #tpu.dimension_semantics<subcore_parallel>], iteration_bounds = array<i64: 2, 16>, scalar_prefetch = 0 : i64, scratch_operands = 8 : i64, tpu.core_type = #tpu.core_type<sc_vector_subcore>, window_params = [{transform_indices = #map}, {transform_indices = #map1}, {transform_indices = #map}]} {
    %mul3A = arith.constant 2 : i32
    %mul3A_0 = arith.muli %arg1, %mul3A : i32
    %add3A = arith.addi %mul3A_0, %arg0 : i32
    "tpu.region"() ({
      %run_scoped3A = tpu.sem_alloc : memref<!tpu.dma_semaphore, #tpu.memory_space<semaphore_mem>>
      %dma_start3A_113 = arith.constant 0 : i32
      %dma_start3A_114 = arith.constant 0 : i32
      %dma_start3A_115 = tpu.memref_slice %arg2[%add3A, %dma_start3A_113, %dma_start3A_114] : memref<32x128x32xi32, #tpu.memory_space<hbm>> -> memref<1x128x32xi32, #tpu.memory_space<hbm>>
      %dma_start3A_116 = tpu.memref_squeeze %dma_start3A_115 : memref<1x128x32xi32, #tpu.memory_space<hbm>> -> memref<128x32xi32, #tpu.memory_space<hbm>>
      %dma_start3A_117 = arith.constant 0 : i32
      %dma_start3A_118 = arith.constant 0 : i32
      %dma_start3A_119 = tpu.memref_slice %arg2[%add3A, %dma_start3A_117, %dma_start3A_118] : memref<32x128x32xi32, #tpu.memory_space<hbm>> -> memref<1x128x32xi32, #tpu.memory_space<hbm>>
      %dma_start3A_120 = tpu.memref_squeeze %dma_start3A_119 : memref<1x128x32xi32, #tpu.memory_space<hbm>> -> memref<128x32xi32, #tpu.memory_space<hbm>>
      tpu.enqueue_dma source(%dma_start3A_120 : memref<128x32xi32, #tpu.memory_space<hbm>>) target(%arg5 : memref<128x32xi32, #tpu.memory_space<vmem>>) target_semaphore(%run_scoped3A : memref<!tpu.dma_semaphore, #tpu.memory_space<semaphore_mem>>)
      %dma_wait3A = arith.constant 0 : i32
      %dma_wait3A_121 = arith.constant 0 : i32
      %dma_wait3A_122 = tpu.memref_slice %arg2[%add3A, %dma_wait3A, %dma_wait3A_121] : memref<32x128x32xi32, #tpu.memory_space<hbm>> -> memref<1x128x32xi32, #tpu.memory_space<hbm>>
      %dma_wait3A_123 = tpu.memref_squeeze %dma_wait3A_122 : memref<1x128x32xi32, #tpu.memory_space<hbm>> -> memref<128x32xi32, #tpu.memory_space<hbm>>
      %dma_wait3A_124 = arith.constant 0 : i32
      %dma_wait3A_125 = arith.constant 0 : i32
      %dma_wait3A_126 = tpu.memref_slice %arg2[%add3A, %dma_wait3A_124, %dma_wait3A_125] : memref<32x128x32xi32, #tpu.memory_space<hbm>> -> memref<1x128x32xi32, #tpu.memory_space<hbm>>
      %dma_wait3A_127 = tpu.memref_squeeze %dma_wait3A_126 : memref<1x128x32xi32, #tpu.memory_space<hbm>> -> memref<128x32xi32, #tpu.memory_space<hbm>>
      tpu.wait_dma2 semaphore(%run_scoped3A : memref<!tpu.dma_semaphore, #tpu.memory_space<semaphore_mem>>) src(%dma_wait3A_127 : memref<128x32xi32, #tpu.memory_space<hbm>>) dst(%arg5 : memref<128x32xi32, #tpu.memory_space<vmem>>)
      tpu.yield
    }) : () -> ()
    %mul3A_1 = arith.constant 128 : i32
    %mul3A_2 = arith.muli %add3A, %mul3A_1 : i32
    %scan3A = arith.constant 0 : i32
    %scan3A_3 = arith.constant 0 : i32
    %scan3A_4 = arith.constant 32 : i32
    %scan3A_5 = arith.addi %scan3A_3, %scan3A_4 : i32
    %scan3A_6 = arith.constant 1 : i32
    scf.for %scan3A_113 = %scan3A_3 to %scan3A_5 step %scan3A_6  : i32 {
      %mul3A_114 = arith.constant 4 : i32
      %mul3A_115 = arith.muli %scan3A_113, %mul3A_114 : i32
      %ge3A = arith.constant 1 : i32
      %ge3A_116 = arith.cmpi sge, %scan3A_113, %ge3A : i32
      %convert_element_type3A = arith.extui %ge3A_116 : i1 to i32
      %cond3A = arith.constant 0 : i32
      %cond3A_117 = arith.cmpi ne, %convert_element_type3A, %cond3A : i32
      scf.if %cond3A_117 {
        %scan3A_1765 = arith.constant 0 : i32
        %scan3A_1766 = arith.constant 0 : i32
        %scan3A_1767 = arith.constant 26 : i32
        %scan3A_1768 = arith.addi %scan3A_1766, %scan3A_1767 : i32
        %scan3A_1769 = arith.constant 1 : i32
        scf.for %scan3A_1793 = %scan3A_1766 to %scan3A_1768 step %scan3A_1769  : i32 {
          %dma_wait3A = arith.constant 0 : i32
          %dma_wait3A_1794 = arith.constant 0 : i32
          %dma_wait3A_1795 = tpu.memref_slice %arg3[%dma_wait3A, %dma_wait3A_1794] : memref<1000000x32xf32, #tpu.memory_space<hbm>> -> memref<1x32xf32, #tpu.memory_space<hbm>>
          %dma_wait3A_1796 = tpu.memref_squeeze %dma_wait3A_1795 : memref<1x32xf32, #tpu.memory_space<hbm>> -> memref<32xf32, #tpu.memory_space<hbm>>
          %dma_wait3A_1797 = arith.constant 0 : i32
          %dma_wait3A_1798 = tpu.memref_slice %arg3[%dma_wait3A, %dma_wait3A_1797] : memref<1000000x32xf32, #tpu.memory_space<hbm>> -> memref<1x32xf32, #tpu.memory_space<hbm>>
          %dma_wait3A_1799 = tpu.memref_squeeze %dma_wait3A_1798 : memref<1x32xf32, #tpu.memory_space<hbm>> -> memref<32xf32, #tpu.memory_space<hbm>>
          tpu.wait_dma2 semaphore(%arg8 : memref<!tpu.dma_semaphore, #tpu.memory_space<semaphore_mem>>) src(%dma_wait3A_1799 : memref<32xf32, #tpu.memory_space<hbm>>) dst(%arg7 : memref<32xf32, #tpu.memory_space<vmem>>)
        }
        %scan3A_1770 = arith.constant 26 : i32
        %add3A_1771 = arith.constant 0 : i32
        %add3A_1772 = arith.addi %mul3A_115, %add3A_1771 : i32
        %sub3A = arith.constant 4 : i32
        %sub3A_1773 = arith.subi %add3A_1772, %sub3A : i32
        %and3A_1774 = arith.constant 7 : i32
        %and3A_1775 = arith.andi %sub3A_1773, %and3A_1774 : i32
        %add3A_1776 = arith.addi %mul3A_2, %sub3A_1773 : i32
        %dma_start3A_1777 = arith.constant 0 : i32
        %dma_start3A_1778 = arith.constant 0 : i32
        %dma_start3A_1779 = tpu.memref_slice %arg6[%and3A_1775, %dma_start3A_1777, %dma_start3A_1778] : memref<8x26x32xf32, #tpu.memory_space<vmem>> -> memref<1x26x32xf32, #tpu.memory_space<vmem>>
        %dma_start3A_1780 = tpu.memref_squeeze %dma_start3A_1779 : memref<1x26x32xf32, #tpu.memory_space<vmem>> -> memref<26x32xf32, #tpu.memory_space<vmem>>
        %dma_start3A_1781 = arith.constant 0 : i32
        %dma_start3A_1782 = arith.constant 0 : i32
        %dma_start3A_1783 = tpu.memref_slice %arg4[%add3A_1776, %dma_start3A_1781, %dma_start3A_1782] : memref<4096x26x32xf32, #tpu.memory_space<hbm>> -> memref<1x26x32xf32, #tpu.memory_space<hbm>>
        %dma_start3A_1784 = tpu.memref_squeeze %dma_start3A_1783 : memref<1x26x32xf32, #tpu.memory_space<hbm>> -> memref<26x32xf32, #tpu.memory_space<hbm>>
        %dma_start3A_1785 = arith.constant 0 : i32
        %dma_start3A_1786 = arith.constant 0 : i32
        %dma_start3A_1787 = tpu.memref_slice %arg4[%add3A_1776, %dma_start3A_1785, %dma_start3A_1786] : memref<4096x26x32xf32, #tpu.memory_space<hbm>> -> memref<1x26x32xf32, #tpu.memory_space<hbm>>
        %dma_start3A_1788 = tpu.memref_squeeze %dma_start3A_1787 : memref<1x26x32xf32, #tpu.memory_space<hbm>> -> memref<26x32xf32, #tpu.memory_space<hbm>>
        %dma_start3A_1789 = arith.constant 0 : i32
        %dma_start3A_1790 = arith.constant 0 : i32
        %dma_start3A_1791 = tpu.memref_slice %arg6[%and3A_1775, %dma_start3A_1789, %dma_start3A_1790] : memref<8x26x32xf32, #tpu.memory_space<vmem>> -> memref<1x26x32xf32, #tpu.memory_space<vmem>>
        %dma_start3A_1792 = tpu.memref_squeeze %dma_start3A_1791 : memref<1x26x32xf32, #tpu.memory_space<vmem>> -> memref<26x32xf32, #tpu.memory_space<vmem>>
        tpu.enqueue_dma source(%dma_start3A_1792 : memref<26x32xf32, #tpu.memory_space<vmem>>) target(%dma_start3A_1788 : memref<26x32xf32, #tpu.memory_space<hbm>>) target_semaphore(%arg12 : memref<!tpu.dma_semaphore, #tpu.memory_space<semaphore_mem>>)
      } else {
      }
      %add3A_118 = arith.constant 0 : i32
      %add3A_119 = arith.addi %mul3A_115, %add3A_118 : i32
      %ge3A_120 = arith.constant 8 : i32
      %ge3A_121 = arith.cmpi sge, %add3A_119, %ge3A_120 : i32
      %convert_element_type3A_122 = arith.extui %ge3A_121 : i1 to i32
      %cond3A_123 = arith.constant 0 : i32
      %cond3A_124 = arith.cmpi ne, %convert_element_type3A_122, %cond3A_123 : i32
      scf.if %cond3A_124 {
        %add3A_1765 = arith.constant 0 : i32
        %add3A_1766 = arith.addi %mul3A_115, %add3A_1765 : i32
        %sub3A = arith.constant 8 : i32
        %sub3A_1767 = arith.subi %add3A_1766, %sub3A : i32
        %and3A_1768 = arith.constant 7 : i32
        %and3A_1769 = arith.andi %sub3A_1767, %and3A_1768 : i32
        %add3A_1770 = arith.addi %mul3A_2, %sub3A_1767 : i32
        %dma_wait3A = arith.constant 0 : i32
        %dma_wait3A_1771 = arith.constant 0 : i32
        %dma_wait3A_1772 = tpu.memref_slice %arg6[%and3A_1769, %dma_wait3A, %dma_wait3A_1771] : memref<8x26x32xf32, #tpu.memory_space<vmem>> -> memref<1x26x32xf32, #tpu.memory_space<vmem>>
        %dma_wait3A_1773 = tpu.memref_squeeze %dma_wait3A_1772 : memref<1x26x32xf32, #tpu.memory_space<vmem>> -> memref<26x32xf32, #tpu.memory_space<vmem>>
        %dma_wait3A_1774 = arith.constant 0 : i32
        %dma_wait3A_1775 = arith.constant 0 : i32
        %dma_wait3A_1776 = tpu.memref_slice %arg4[%add3A_1770, %dma_wait3A_1774, %dma_wait3A_1775] : memref<4096x26x32xf32, #tpu.memory_space<hbm>> -> memref<1x26x32xf32, #tpu.memory_space<hbm>>
        %dma_wait3A_1777 = tpu.memref_squeeze %dma_wait3A_1776 : memref<1x26x32xf32, #tpu.memory_space<hbm>> -> memref<26x32xf32, #tpu.memory_space<hbm>>
        %dma_wait3A_1778 = arith.constant 0 : i32
        %dma_wait3A_1779 = arith.constant 0 : i32
        %dma_wait3A_1780 = tpu.memref_slice %arg4[%add3A_1770, %dma_wait3A_1778, %dma_wait3A_1779] : memref<4096x26x32xf32, #tpu.memory_space<hbm>> -> memref<1x26x32xf32, #tpu.memory_space<hbm>>
        %dma_wait3A_1781 = tpu.memref_squeeze %dma_wait3A_1780 : memref<1x26x32xf32, #tpu.memory_space<hbm>> -> memref<26x32xf32, #tpu.memory_space<hbm>>
        %dma_wait3A_1782 = arith.constant 0 : i32
        %dma_wait3A_1783 = arith.constant 0 : i32
        %dma_wait3A_1784 = tpu.memref_slice %arg6[%and3A_1769, %dma_wait3A_1782, %dma_wait3A_1783] : memref<8x26x32xf32, #tpu.memory_space<vmem>> -> memref<1x26x32xf32, #tpu.memory_space<vmem>>
        %dma_wait3A_1785 = tpu.memref_squeeze %dma_wait3A_1784 : memref<1x26x32xf32, #tpu.memory_space<vmem>> -> memref<26x32xf32, #tpu.memory_space<vmem>>
        tpu.wait_dma2 semaphore(%arg12 : memref<!tpu.dma_semaphore, #tpu.memory_space<semaphore_mem>>) src(%dma_wait3A_1785 : memref<26x32xf32, #tpu.memory_space<vmem>>) dst(%dma_wait3A_1781 : memref<26x32xf32, #tpu.memory_space<hbm>>)
      } else {
      }
      %add3A_125 = arith.constant 0 : i32
      %add3A_126 = arith.addi %mul3A_115, %add3A_125 : i32
      %and3A = arith.constant 7 : i32
      %and3A_127 = arith.andi %add3A_126, %and3A : i32
      %get3A = arith.index_cast %add3A_126 : i32 to index
      %get3A_128 = arith.constant 0 : index
      %get3A_129 = tpu.vector_load %arg5[%get3A, %get3A_128] {strides = array<i32>} : memref<128x32xi32, #tpu.memory_space<vmem>>, vector<1x16xi32>,
      %get3A_130 = vector.shape_cast %get3A_129 : vector<1x16xi32> to vector<16xi32>
      %get3A_131 = arith.index_cast %add3A_126 : i32 to index
      %get3A_132 = arith.constant 16 : index
      %get3A_133 = tpu.vector_load %arg5[%get3A_131, %get3A_132] {strides = array<i32>} : memref<128x32xi32, #tpu.memory_space<vmem>>, vector<1x16xi32>,
      %get3A_134 = vector.shape_cast %get3A_133 : vector<1x16xi32> to vector<16xi32>
      %slice3A = vector.extract_strided_slice %get3A_130 {offsets = [0], sizes = [1], strides = [1]} : vector<16xi32> to vector<1xi32>
      %squeeze3A = vector.extract %slice3A[0] : i32 from vector<1xi32>
      %dma_start3A_135 = arith.constant 0 : i32
      %dma_start3A_136 = arith.constant 0 : i32
      %dma_start3A_137 = tpu.memref_slice %arg6[%and3A_127, %dma_start3A_135, %dma_start3A_136] : memref<8x26x32xf32, #tpu.memory_space<vmem>> -> memref<1x1x32xf32, #tpu.memory_space<vmem>>
      %dma_start3A_138 = tpu.memref_squeeze %dma_start3A_137 : memref<1x1x32xf32, #tpu.memory_space<vmem>> -> memref<32xf32, #tpu.memory_space<vmem>>
      %dma_start3A_139 = arith.constant 0 : i32
      %dma_start3A_140 = tpu.memref_slice %arg3[%squeeze3A, %dma_start3A_139] : memref<1000000x32xf32, #tpu.memory_space<hbm>> -> memref<1x32xf32, #tpu.memory_space<hbm>>
      %dma_start3A_141 = tpu.memref_squeeze %dma_start3A_140 : memref<1x32xf32, #tpu.memory_space<hbm>> -> memref<32xf32, #tpu.memory_space<hbm>>
      %dma_start3A_142 = arith.constant 0 : i32
      %dma_start3A_143 = tpu.memref_slice %arg6[%and3A_127, %dma_start3A_135, %dma_start3A_142] : memref<8x26x32xf32, #tpu.memory_space<vmem>> -> memref<1x1x32xf32, #tpu.memory_space<vmem>>
      %dma_start3A_144 = tpu.memref_squeeze %dma_start3A_143 : memref<1x1x32xf32, #tpu.memory_space<vmem>> -> memref<32xf32, #tpu.memory_space<vmem>>
      %dma_start3A_145 = arith.constant 0 : i32
      %dma_start3A_146 = tpu.memref_slice %arg3[%squeeze3A, %dma_start3A_145] : memref<1000000x32xf32, #tpu.memory_space<hbm>> -> memref<1x32xf32, #tpu.memory_space<hbm>>
      %dma_start3A_147 = tpu.memref_squeeze %dma_start3A_146 : memref<1x32xf32, #tpu.memory_space<hbm>> -> memref<32xf32, #tpu.memory_space<hbm>>
      tpu.enqueue_dma source(%dma_start3A_147 : memref<32xf32, #tpu.memory_space<hbm>>) target(%dma_start3A_144 : memref<32xf32, #tpu.memory_space<vmem>>) target_semaphore(%arg8 : memref<!tpu.dma_semaphore, #tpu.memory_space<semaphore_mem>>)
      %slice3A_148 = vector.extract_strided_slice %get3A_130 {offsets = [1], sizes = [1], strides = [1]} : vector<16xi32> to vector<1xi32>
      %squeeze3A_149 = vector.extract %slice3A_148[0] : i32 from vector<1xi32>
      %dma_start3A_150 = arith.constant 1 : i32
      %dma_start3A_151 = arith.constant 0 : i32
      %dma_start3A_152 = tpu.memref_slice %arg6[%and3A_127, %dma_start3A_150, %dma_start3A_151] : memref<8x26x32xf32, #tpu.memory_space<vmem>> -> memref<1x1x32xf32, #tpu.memory_space<vmem>>
      %dma_start3A_153 = tpu.memref_squeeze %dma_start3A_152 : memref<1x1x32xf32, #tpu.memory_space<vmem>> -> memref<32xf32, #tpu.memory_space<vmem>>
      %dma_start3A_154 = arith.constant 0 : i32
      %dma_start3A_155 = tpu.memref_slice %arg3[%squeeze3A_149, %dma_start3A_154] : memref<1000000x32xf32, #tpu.memory_space<hbm>> -> memref<1x32xf32, #tpu.memory_space<hbm>>
      %dma_start3A_156 = tpu.memref_squeeze %dma_start3A_155 : memref<1x32xf32, #tpu.memory_space<hbm>> -> memref<32xf32, #tpu.memory_space<hbm>>
      %dma_start3A_157 = arith.constant 0 : i32
      %dma_start3A_158 = tpu.memref_slice %arg6[%and3A_127, %dma_start3A_150, %dma_start3A_157] : memref<8x26x32xf32, #tpu.memory_space<vmem>> -> memref<1x1x32xf32, #tpu.memory_space<vmem>>
      %dma_start3A_159 = tpu.memref_squeeze %dma_start3A_158 : memref<1x1x32xf32, #tpu.memory_space<vmem>> -> memref<32xf32, #tpu.memory_space<vmem>>
      %dma_start3A_160 = arith.constant 0 : i32
      %dma_start3A_161 = tpu.memref_slice %arg3[%squeeze3A_149, %dma_start3A_160] : memref<1000000x32xf32, #tpu.memory_space<hbm>> -> memref<1x32xf32, #tpu.memory_space<hbm>>
      %dma_start3A_162 = tpu.memref_squeeze %dma_start3A_161 : memref<1x32xf32, #tpu.memory_space<hbm>> -> memref<32xf32, #tpu.memory_space<hbm>>
      tpu.enqueue_dma source(%dma_start3A_162 : memref<32xf32, #tpu.memory_space<hbm>>) target(%dma_start3A_159 : memref<32xf32, #tpu.memory_space<vmem>>) target_semaphore(%arg8 : memref<!tpu.dma_semaphore, #tpu.memory_space<semaphore_mem>>)
      %slice3A_163 = vector.extract_strided_slice %get3A_130 {offsets = [2], sizes = [1], strides = [1]} : vector<16xi32> to vector<1xi32>
      %squeeze3A_164 = vector.extract %slice3A_163[0] : i32 from vector<1xi32>
      %dma_start3A_165 = arith.constant 2 : i32
      %dma_start3A_166 = arith.constant 0 : i32
      %dma_start3A_167 = tpu.memref_slice %arg6[%and3A_127, %dma_start3A_165, %dma_start3A_166] : memref<8x26x32xf32, #tpu.memory_space<vmem>> -> memref<1x1x32xf32, #tpu.memory_space<vmem>>
      %dma_start3A_168 = tpu.memref_squeeze %dma_start3A_167 : memref<1x1x32xf32, #tpu.memory_space<vmem>> -> memref<32xf32, #tpu.memory_space<vmem>>
      %dma_start3A_169 = arith.constant 0 : i32
      %dma_start3A_170 = tpu.memref_slice %arg3[%squeeze3A_164, %dma_start3A_169] : memref<1000000x32xf32, #tpu.memory_space<hbm>> -> memref<1x32xf32, #tpu.memory_space<hbm>>
      %dma_start3A_171 = tpu.memref_squeeze %dma_start3A_170 : memref<1x32xf32, #tpu.memory_space<hbm>> -> memref<32xf32, #tpu.memory_space<hbm>>
      %dma_start3A_172 = arith.constant 0 : i32
      %dma_start3A_173 = tpu.memref_slice %arg6[%and3A_127, %dma_start3A_165, %dma_start3A_172] : memref<8x26x32xf32, #tpu.memory_space<vmem>> -> memref<1x1x32xf32, #tpu.memory_space<vmem>>
      %dma_start3A_174 = tpu.memref_squeeze %dma_start3A_173 : memref<1x1x32xf32, #tpu.memory_space<vmem>> -> memref<32xf32, #tpu.memory_space<vmem>>
      %dma_start3A_175 = arith.constant 0 : i32
      %dma_start3A_176 = tpu.memref_slice %arg3[%squeeze3A_164, %dma_start3A_175] : memref<1000000x32xf32, #tpu.memory_space<hbm>> -> memref<1x32xf32, #tpu.memory_space<hbm>>
      %dma_start3A_177 = tpu.memref_squeeze %dma_start3A_176 : memref<1x32xf32, #tpu.memory_space<hbm>> -> memref<32xf32, #tpu.memory_space<hbm>>
      tpu.enqueue_dma source(%dma_start3A_177 : memref<32xf32, #tpu.memory_space<hbm>>) target(%dma_start3A_174 : memref<32xf32, #tpu.memory_space<vmem>>) target_semaphore(%arg8 : memref<!tpu.dma_semaphore, #tpu.memory_space<semaphore_mem>>)
      %slice3A_178 = vector.extract_strided_slice %get3A_130 {offsets = [3], sizes = [1], strides = [1]} : vector<16xi32> to vector<1xi32>
      %squeeze3A_179 = vector.extract %slice3A_178[0] : i32 from vector<1xi32>
      %dma_start3A_180 = arith.constant 3 : i32
      %dma_start3A_181 = arith.constant 0 : i32
      %dma_start3A_182 = tpu.memref_slice %arg6[%and3A_127, %dma_start3A_180, %dma_start3A_181] : memref<8x26x32xf32, #tpu.memory_space<vmem>> -> memref<1x1x32xf32, #tpu.memory_space<vmem>>
      %dma_start3A_183 = tpu.memref_squeeze %dma_start3A_182 : memref<1x1x32xf32, #tpu.memory_space<vmem>> -> memref<32xf32, #tpu.memory_space<vmem>>
      %dma_start3A_184 = arith.constant 0 : i32
      %dma_start3A_185 = tpu.memref_slice %arg3[%squeeze3A_179, %dma_start3A_184] : memref<1000000x32xf32, #tpu.memory_space<hbm>> -> memref<1x32xf32, #tpu.memory_space<hbm>>
      %dma_start3A_186 = tpu.memref_squeeze %dma_start3A_185 : memref<1x32xf32, #tpu.memory_space<hbm>> -> memref<32xf32, #tpu.memory_space<hbm>>
      %dma_start3A_187 = arith.constant 0 : i32
      %dma_start3A_188 = tpu.memref_slice %arg6[%and3A_127, %dma_start3A_180, %dma_start3A_187] : memref<8x26x32xf32, #tpu.memory_space<vmem>> -> memref<1x1x32xf32, #tpu.memory_space<vmem>>
      %dma_start3A_189 = tpu.memref_squeeze %dma_start3A_188 : memref<1x1x32xf32, #tpu.memory_space<vmem>> -> memref<32xf32, #tpu.memory_space<vmem>>
      %dma_start3A_190 = arith.constant 0 : i32
      %dma_start3A_191 = tpu.memref_slice %arg3[%squeeze3A_179, %dma_start3A_190] : memref<1000000x32xf32, #tpu.memory_space<hbm>> -> memref<1x32xf32, #tpu.memory_space<hbm>>
      %dma_start3A_192 = tpu.memref_squeeze %dma_start3A_191 : memref<1x32xf32, #tpu.memory_space<hbm>> -> memref<32xf32, #tpu.memory_space<hbm>>
      tpu.enqueue_dma source(%dma_start3A_192 : memref<32xf32, #tpu.memory_space<hbm>>) target(%dma_start3A_189 : memref<32xf32, #tpu.memory_space<vmem>>) target_semaphore(%arg8 : memref<!tpu.dma_semaphore, #tpu.memory_space<semaphore_mem>>)
      %slice3A_193 = vector.extract_strided_slice %get3A_130 {offsets = [4], sizes = [1], strides = [1]} : vector<16xi32> to vector<1xi32>
      %squeeze3A_194 = vector.extract %slice3A_193[0] : i32 from vector<1xi32>
      %dma_start3A_195 = arith.constant 4 : i32
      %dma_start3A_196 = arith.constant 0 : i32
      %dma_start3A_197 = tpu.memref_slice %arg6[%and3A_127, %dma_start3A_195, %dma_start3A_196] : memref<8x26x32xf32, #tpu.memory_space<vmem>> -> memref<1x1x32xf32, #tpu.memory_space<vmem>>
      %dma_start3A_198 = tpu.memref_squeeze %dma_start3A_197 : memref<1x1x32xf32, #tpu.memory_space<vmem>> -> memref<32xf32, #tpu.memory_space<vmem>>
      %dma_start3A_199 = arith.constant 0 : i32
      %dma_start3A_200 = tpu.memref_slice %arg3[%squeeze3A_194, %dma_start3A_199] : memref<1000000x32xf32, #tpu.memory_space<hbm>> -> memref<1x32xf32, #tpu.memory_space<hbm>>
      %dma_start3A_201 = tpu.memref_squeeze %dma_start3A_200 : memref<1x32xf32, #tpu.memory_space<hbm>> -> memref<32xf32, #tpu.memory_space<hbm>>
      %dma_start3A_202 = arith.constant 0 : i32
      %dma_start3A_203 = tpu.memref_slice %arg6[%and3A_127, %dma_start3A_195, %dma_start3A_202] : memref<8x26x32xf32, #tpu.memory_space<vmem>> -> memref<1x1x32xf32, #tpu.memory_space<vmem>>
      %dma_start3A_204 = tpu.memref_squeeze %dma_start3A_203 : memref<1x1x32xf32, #tpu.memory_space<vmem>> -> memref<32xf32, #tpu.memory_space<vmem>>
      %dma_start3A_205 = arith.constant 0 : i32
      %dma_start3A_206 = tpu.memref_slice %arg3[%squeeze3A_194, %dma_start3A_205] : memref<1000000x32xf32, #tpu.memory_space<hbm>> -> memref<1x32xf32, #tpu.memory_space<hbm>>
      %dma_start3A_207 = tpu.memref_squeeze %dma_start3A_206 : memref<1x32xf32, #tpu.memory_space<hbm>> -> memref<32xf32, #tpu.memory_space<hbm>>
      tpu.enqueue_dma source(%dma_start3A_207 : memref<32xf32, #tpu.memory_space<hbm>>) target(%dma_start3A_204 : memref<32xf32, #tpu.memory_space<vmem>>) target_semaphore(%arg8 : memref<!tpu.dma_semaphore, #tpu.memory_space<semaphore_mem>>)
      %slice3A_208 = vector.extract_strided_slice %get3A_130 {offsets = [5], sizes = [1], strides = [1]} : vector<16xi32> to vector<1xi32>
      %squeeze3A_209 = vector.extract %slice3A_208[0] : i32 from vector<1xi32>
      %dma_start3A_210 = arith.constant 5 : i32
      %dma_start3A_211 = arith.constant 0 : i32
      %dma_start3A_212 = tpu.memref_slice %arg6[%and3A_127, %dma_start3A_210, %dma_start3A_211] : memref<8x26x32xf32, #tpu.memory_space<vmem>> -> memref<1x1x32xf32, #tpu.memory_space<vmem>>
      %dma_start3A_213 = tpu.memref_squeeze %dma_start3A_212 : memref<1x1x32xf32, #tpu.memory_space<vmem>> -> memref<32xf32, #tpu.memory_space<vmem>>
      %dma_start3A_214 = arith.constant 0 : i32
      %dma_start3A_215 = tpu.memref_slice %arg3[%squeeze3A_209, %dma_start3A_214] : memref<1000000x32xf32, #tpu.memory_space<hbm>> -> memref<1x32xf32, #tpu.memory_space<hbm>>
      %dma_start3A_216 = tpu.memref_squeeze %dma_start3A_215 : memref<1x32xf32, #tpu.memory_space<hbm>> -> memref<32xf32, #tpu.memory_space<hbm>>
      %dma_start3A_217 = arith.constant 0 : i32
      %dma_start3A_218 = tpu.memref_slice %arg6[%and3A_127, %dma_start3A_210, %dma_start3A_217] : memref<8x26x32xf32, #tpu.memory_space<vmem>> -> memref<1x1x32xf32, #tpu.memory_space<vmem>>
      %dma_start3A_219 = tpu.memref_squeeze %dma_start3A_218 : memref<1x1x32xf32, #tpu.memory_space<vmem>> -> memref<32xf32, #tpu.memory_space<vmem>>
      %dma_start3A_220 = arith.constant 0 : i32
      %dma_start3A_221 = tpu.memref_slice %arg3[%squeeze3A_209, %dma_start3A_220] : memref<1000000x32xf32, #tpu.memory_space<hbm>> -> memref<1x32xf32, #tpu.memory_space<hbm>>
      %dma_start3A_222 = tpu.memref_squeeze %dma_start3A_221 : memref<1x32xf32, #tpu.memory_space<hbm>> -> memref<32xf32, #tpu.memory_space<hbm>>
      tpu.enqueue_dma source(%dma_start3A_222 : memref<32xf32, #tpu.memory_space<hbm>>) target(%dma_start3A_219 : memref<32xf32, #tpu.memory_space<vmem>>) target_semaphore(%arg8 : memref<!tpu.dma_semaphore, #tpu.memory_space<semaphore_mem>>)
      %slice3A_223 = vector.extract_strided_slice %get3A_130 {offsets = [6], sizes = [1], strides = [1]} : vector<16xi32> to vector<1xi32>
      %squeeze3A_224 = vector.extract %slice3A_223[0] : i32 from vector<1xi32>
      %dma_start3A_225 = arith.constant 6 : i32
      %dma_start3A_226 = arith.constant 0 : i32
      %dma_start3A_227 = tpu.memref_slice %arg6[%and3A_127, %dma_start3A_225, %dma_start3A_226] : memref<8x26x32xf32, #tpu.memory_space<vmem>> -> memref<1x1x32xf32, #tpu.memory_space<vmem>>
      %dma_start3A_228 = tpu.memref_squeeze %dma_start3A_227 : memref<1x1x32xf32, #tpu.memory_space<vmem>> -> memref<32xf32, #tpu.memory_space<vmem>>
      %dma_start3A_229 = arith.constant 0 : i32
      %dma_start3A_230 = tpu.memref_slice %arg3[%squeeze3A_224, %dma_start3A_229] : memref<1000000x32xf32, #tpu.memory_space<hbm>> -> memref<1x32xf32, #tpu.memory_space<hbm>>
      %dma_start3A_231 = tpu.memref_squeeze %dma_start3A_230 : memref<1x32xf32, #tpu.memory_space<hbm>> -> memref<32xf32, #tpu.memory_space<hbm>>
      %dma_start3A_232 = arith.constant 0 : i32
      %dma_start3A_233 = tpu.memref_slice %arg6[%and3A_127, %dma_start3A_225, %dma_start3A_232] : memref<8x26x32xf32, #tpu.memory_space<vmem>> -> memref<1x1x32xf32, #tpu.memory_space<vmem>>
      %dma_start3A_234 = tpu.memref_squeeze %dma_start3A_233 : memref<1x1x32xf32, #tpu.memory_space<vmem>> -> memref<32xf32, #tpu.memory_space<vmem>>
      %dma_start3A_235 = arith.constant 0 : i32
      %dma_start3A_236 = tpu.memref_slice %arg3[%squeeze3A_224, %dma_start3A_235] : memref<1000000x32xf32, #tpu.memory_space<hbm>> -> memref<1x32xf32, #tpu.memory_space<hbm>>
      %dma_start3A_237 = tpu.memref_squeeze %dma_start3A_236 : memref<1x32xf32, #tpu.memory_space<hbm>> -> memref<32xf32, #tpu.memory_space<hbm>>
      tpu.enqueue_dma source(%dma_start3A_237 : memref<32xf32, #tpu.memory_space<hbm>>) target(%dma_start3A_234 : memref<32xf32, #tpu.memory_space<vmem>>) target_semaphore(%arg8 : memref<!tpu.dma_semaphore, #tpu.memory_space<semaphore_mem>>)
      %slice3A_238 = vector.extract_strided_slice %get3A_130 {offsets = [7], sizes = [1], strides = [1]} : vector<16xi32> to vector<1xi32>
      %squeeze3A_239 = vector.extract %slice3A_238[0] : i32 from vector<1xi32>
      %dma_start3A_240 = arith.constant 7 : i32
      %dma_start3A_241 = arith.constant 0 : i32
      %dma_start3A_242 = tpu.memref_slice %arg6[%and3A_127, %dma_start3A_240, %dma_start3A_241] : memref<8x26x32xf32, #tpu.memory_space<vmem>> -> memref<1x1x32xf32, #tpu.memory_space<vmem>>
      %dma_start3A_243 = tpu.memref_squeeze %dma_start3A_242 : memref<1x1x32xf32, #tpu.memory_space<vmem>> -> memref<32xf32, #tpu.memory_space<vmem>>
      %dma_start3A_244 = arith.constant 0 : i32
      %dma_start3A_245 = tpu.memref_slice %arg3[%squeeze3A_239, %dma_start3A_244] : memref<1000000x32xf32, #tpu.memory_space<hbm>> -> memref<1x32xf32, #tpu.memory_space<hbm>>
      %dma_start3A_246 = tpu.memref_squeeze %dma_start3A_245 : memref<1x32xf32, #tpu.memory_space<hbm>> -> memref<32xf32, #tpu.memory_space<hbm>>
      %dma_start3A_247 = arith.constant 0 : i32
      %dma_start3A_248 = tpu.memref_slice %arg6[%and3A_127, %dma_start3A_240, %dma_start3A_247] : memref<8x26x32xf32, #tpu.memory_space<vmem>> -> memref<1x1x32xf32, #tpu.memory_space<vmem>>
      %dma_start3A_249 = tpu.memref_squeeze %dma_start3A_248 : memref<1x1x32xf32, #tpu.memory_space<vmem>> -> memref<32xf32, #tpu.memory_space<vmem>>
      %dma_start3A_250 = arith.constant 0 : i32
      %dma_start3A_251 = tpu.memref_slice %arg3[%squeeze3A_239, %dma_start3A_250] : memref<1000000x32xf32, #tpu.memory_space<hbm>> -> memref<1x32xf32, #tpu.memory_space<hbm>>
      %dma_start3A_252 = tpu.memref_squeeze %dma_start3A_251 : memref<1x32xf32, #tpu.memory_space<hbm>> -> memref<32xf32, #tpu.memory_space<hbm>>
      tpu.enqueue_dma source(%dma_start3A_252 : memref<32xf32, #tpu.memory_space<hbm>>) target(%dma_start3A_249 : memref<32xf32, #tpu.memory_space<vmem>>) target_semaphore(%arg8 : memref<!tpu.dma_semaphore, #tpu.memory_space<semaphore_mem>>)
      %slice3A_253 = vector.extract_strided_slice %get3A_130 {offsets = [8], sizes = [1], strides = [1]} : vector<16xi32> to vector<1xi32>
      %squeeze3A_254 = vector.extract %slice3A_253[0] : i32 from vector<1xi32>
      %dma_start3A_255 = arith.constant 8 : i32
      %dma_start3A_256 = arith.constant 0 : i32
      %dma_start3A_257 = tpu.memref_slice %arg6[%and3A_127, %dma_start3A_255, %dma_start3A_256] : memref<8x26x32xf32, #tpu.memory_space<vmem>> -> memref<1x1x32xf32, #tpu.memory_space<vmem>>
      %dma_start3A_258 = tpu.memref_squeeze %dma_start3A_257 : memref<1x1x32xf32, #tpu.memory_space<vmem>> -> memref<32xf32, #tpu.memory_space<vmem>>
      %dma_start3A_259 = arith.constant 0 : i32
      %dma_start3A_260 = tpu.memref_slice %arg3[%squeeze3A_254, %dma_start3A_259] : memref<1000000x32xf32, #tpu.memory_space<hbm>> -> memref<1x32xf32, #tpu.memory_space<hbm>>
      %dma_start3A_261 = tpu.memref_squeeze %dma_start3A_260 : memref<1x32xf32, #tpu.memory_space<hbm>> -> memref<32xf32, #tpu.memory_space<hbm>>
      %dma_start3A_262 = arith.constant 0 : i32
      %dma_start3A_263 = tpu.memref_slice %arg6[%and3A_127, %dma_start3A_255, %dma_start3A_262] : memref<8x26x32xf32, #tpu.memory_space<vmem>> -> memref<1x1x32xf32, #tpu.memory_space<vmem>>
      %dma_start3A_264 = tpu.memref_squeeze %dma_start3A_263 : memref<1x1x32xf32, #tpu.memory_space<vmem>> -> memref<32xf32, #tpu.memory_space<vmem>>
      %dma_start3A_265 = arith.constant 0 : i32
      %dma_start3A_266 = tpu.memref_slice %arg3[%squeeze3A_254, %dma_start3A_265] : memref<1000000x32xf32, #tpu.memory_space<hbm>> -> memref<1x32xf32, #tpu.memory_space<hbm>>
      %dma_start3A_267 = tpu.memref_squeeze %dma_start3A_266 : memref<1x32xf32, #tpu.memory_space<hbm>> -> memref<32xf32, #tpu.memory_space<hbm>>
      tpu.enqueue_dma source(%dma_start3A_267 : memref<32xf32, #tpu.memory_space<hbm>>) target(%dma_start3A_264 : memref<32xf32, #tpu.memory_space<vmem>>) target_semaphore(%arg8 : memref<!tpu.dma_semaphore, #tpu.memory_space<semaphore_mem>>)
      %slice3A_268 = vector.extract_strided_slice %get3A_130 {offsets = [9], sizes = [1], strides = [1]} : vector<16xi32> to vector<1xi32>
      %squeeze3A_269 = vector.extract %slice3A_268[0] : i32 from vector<1xi32>
      %dma_start3A_270 = arith.constant 9 : i32
      %dma_start3A_271 = arith.constant 0 : i32
      %dma_start3A_272 = tpu.memref_slice %arg6[%and3A_127, %dma_start3A_270, %dma_start3A_271] : memref<8x26x32xf32, #tpu.memory_space<vmem>> -> memref<1x1x32xf32, #tpu.memory_space<vmem>>
      %dma_start3A_273 = tpu.memref_squeeze %dma_start3A_272 : memref<1x1x32xf32, #tpu.memory_space<vmem>> -> memref<32xf32, #tpu.memory_space<vmem>>
      %dma_start3A_274 = arith.constant 0 : i32
      %dma_start3A_275 = tpu.memref_slice %arg3[%squeeze3A_269, %dma_start3A_274] : memref<1000000x32xf32, #tpu.memory_space<hbm>> -> memref<1x32xf32, #tpu.memory_space<hbm>>
      %dma_start3A_276 = tpu.memref_squeeze %dma_start3A_275 : memref<1x32xf32, #tpu.memory_space<hbm>> -> memref<32xf32, #tpu.memory_space<hbm>>
      %dma_start3A_277 = arith.constant 0 : i32
      %dma_start3A_278 = tpu.memref_slice %arg6[%and3A_127, %dma_start3A_270, %dma_start3A_277] : memref<8x26x32xf32, #tpu.memory_space<vmem>> -> memref<1x1x32xf32, #tpu.memory_space<vmem>>
      %dma_start3A_279 = tpu.memref_squeeze %dma_start3A_278 : memref<1x1x32xf32, #tpu.memory_space<vmem>> -> memref<32xf32, #tpu.memory_space<vmem>>
      %dma_start3A_280 = arith.constant 0 : i32
      %dma_start3A_281 = tpu.memref_slice %arg3[%squeeze3A_269, %dma_start3A_280] : memref<1000000x32xf32, #tpu.memory_space<hbm>> -> memref<1x32xf32, #tpu.memory_space<hbm>>
      %dma_start3A_282 = tpu.memref_squeeze %dma_start3A_281 : memref<1x32xf32, #tpu.memory_space<hbm>> -> memref<32xf32, #tpu.memory_space<hbm>>
      tpu.enqueue_dma source(%dma_start3A_282 : memref<32xf32, #tpu.memory_space<hbm>>) target(%dma_start3A_279 : memref<32xf32, #tpu.memory_space<vmem>>) target_semaphore(%arg8 : memref<!tpu.dma_semaphore, #tpu.memory_space<semaphore_mem>>)
      %slice3A_283 = vector.extract_strided_slice %get3A_130 {offsets = [10], sizes = [1], strides = [1]} : vector<16xi32> to vector<1xi32>
      %squeeze3A_284 = vector.extract %slice3A_283[0] : i32 from vector<1xi32>
      %dma_start3A_285 = arith.constant 10 : i32
      %dma_start3A_286 = arith.constant 0 : i32
      %dma_start3A_287 = tpu.memref_slice %arg6[%and3A_127, %dma_start3A_285, %dma_start3A_286] : memref<8x26x32xf32, #tpu.memory_space<vmem>> -> memref<1x1x32xf32, #tpu.memory_space<vmem>>
      %dma_start3A_288 = tpu.memref_squeeze %dma_start3A_287 : memref<1x1x32xf32, #tpu.memory_space<vmem>> -> memref<32xf32, #tpu.memory_space<vmem>>
      %dma_start3A_289 = arith.constant 0 : i32
      %dma_start3A_290 = tpu.memref_slice %arg3[%squeeze3A_284, %dma_start3A_289] : memref<1000000x32xf32, #tpu.memory_space<hbm>> -> memref<1x32xf32, #tpu.memory_space<hbm>>
      %dma_start3A_291 = tpu.memref_squeeze %dma_start3A_290 : memref<1x32xf32, #tpu.memory_space<hbm>> -> memref<32xf32, #tpu.memory_space<hbm>>
      %dma_start3A_292 = arith.constant 0 : i32
      %dma_start3A_293 = tpu.memref_slice %arg6[%and3A_127, %dma_start3A_285, %dma_start3A_292] : memref<8x26x32xf32, #tpu.memory_space<vmem>> -> memref<1x1x32xf32, #tpu.memory_space<vmem>>
      %dma_start3A_294 = tpu.memref_squeeze %dma_start3A_293 : memref<1x1x32xf32, #tpu.memory_space<vmem>> -> memref<32xf32, #tpu.memory_space<vmem>>
      %dma_start3A_295 = arith.constant 0 : i32
      %dma_start3A_296 = tpu.memref_slice %arg3[%squeeze3A_284, %dma_start3A_295] : memref<1000000x32xf32, #tpu.memory_space<hbm>> -> memref<1x32xf32, #tpu.memory_space<hbm>>
      %dma_start3A_297 = tpu.memref_squeeze %dma_start3A_296 : memref<1x32xf32, #tpu.memory_space<hbm>> -> memref<32xf32, #tpu.memory_space<hbm>>
      tpu.enqueue_dma source(%dma_start3A_297 : memref<32xf32, #tpu.memory_space<hbm>>) target(%dma_start3A_294 : memref<32xf32, #tpu.memory_space<vmem>>) target_semaphore(%arg8 : memref<!tpu.dma_semaphore, #tpu.memory_space<semaphore_mem>>)
      %slice3A_298 = vector.extract_strided_slice %get3A_130 {offsets = [11], sizes = [1], strides = [1]} : vector<16xi32> to vector<1xi32>
      %squeeze3A_299 = vector.extract %slice3A_298[0] : i32 from vector<1xi32>
      %dma_start3A_300 = arith.constant 11 : i32
      %dma_start3A_301 = arith.constant 0 : i32
      %dma_start3A_302 = tpu.memref_slice %arg6[%and3A_127, %dma_start3A_300, %dma_start3A_301] : memref<8x26x32xf32, #tpu.memory_space<vmem>> -> memref<1x1x32xf32, #tpu.memory_space<vmem>>
      %dma_start3A_303 = tpu.memref_squeeze %dma_start3A_302 : memref<1x1x32xf32, #tpu.memory_space<vmem>> -> memref<32xf32, #tpu.memory_space<vmem>>
      %dma_start3A_304 = arith.constant 0 : i32
      %dma_start3A_305 = tpu.memref_slice %arg3[%squeeze3A_299, %dma_start3A_304] : memref<1000000x32xf32, #tpu.memory_space<hbm>> -> memref<1x32xf32, #tpu.memory_space<hbm>>
      %dma_start3A_306 = tpu.memref_squeeze %dma_start3A_305 : memref<1x32xf32, #tpu.memory_space<hbm>> -> memref<32xf32, #tpu.memory_space<hbm>>
      %dma_start3A_307 = arith.constant 0 : i32
      %dma_start3A_308 = tpu.memref_slice %arg6[%and3A_127, %dma_start3A_300, %dma_start3A_307] : memref<8x26x32xf32, #tpu.memory_space<vmem>> -> memref<1x1x32xf32, #tpu.memory_space<vmem>>
      %dma_start3A_309 = tpu.memref_squeeze %dma_start3A_308 : memref<1x1x32xf32, #tpu.memory_space<vmem>> -> memref<32xf32, #tpu.memory_space<vmem>>
      %dma_start3A_310 = arith.constant 0 : i32
      %dma_start3A_311 = tpu.memref_slice %arg3[%squeeze3A_299, %dma_start3A_310] : memref<1000000x32xf32, #tpu.memory_space<hbm>> -> memref<1x32xf32, #tpu.memory_space<hbm>>
      %dma_start3A_312 = tpu.memref_squeeze %dma_start3A_311 : memref<1x32xf32, #tpu.memory_space<hbm>> -> memref<32xf32, #tpu.memory_space<hbm>>
      tpu.enqueue_dma source(%dma_start3A_312 : memref<32xf32, #tpu.memory_space<hbm>>) target(%dma_start3A_309 : memref<32xf32, #tpu.memory_space<vmem>>) target_semaphore(%arg8 : memref<!tpu.dma_semaphore, #tpu.memory_space<semaphore_mem>>)
      %slice3A_313 = vector.extract_strided_slice %get3A_130 {offsets = [12], sizes = [1], strides = [1]} : vector<16xi32> to vector<1xi32>
      %squeeze3A_314 = vector.extract %slice3A_313[0] : i32 from vector<1xi32>
      %dma_start3A_315 = arith.constant 12 : i32
      %dma_start3A_316 = arith.constant 0 : i32
      %dma_start3A_317 = tpu.memref_slice %arg6[%and3A_127, %dma_start3A_315, %dma_start3A_316] : memref<8x26x32xf32, #tpu.memory_space<vmem>> -> memref<1x1x32xf32, #tpu.memory_space<vmem>>
      %dma_start3A_318 = tpu.memref_squeeze %dma_start3A_317 : memref<1x1x32xf32, #tpu.memory_space<vmem>> -> memref<32xf32, #tpu.memory_space<vmem>>
      %dma_start3A_319 = arith.constant 0 : i32
      %dma_start3A_320 = tpu.memref_slice %arg3[%squeeze3A_314, %dma_start3A_319] : memref<1000000x32xf32, #tpu.memory_space<hbm>> -> memref<1x32xf32, #tpu.memory_space<hbm>>
      %dma_start3A_321 = tpu.memref_squeeze %dma_start3A_320 : memref<1x32xf32, #tpu.memory_space<hbm>> -> memref<32xf32, #tpu.memory_space<hbm>>
      %dma_start3A_322 = arith.constant 0 : i32
      %dma_start3A_323 = tpu.memref_slice %arg6[%and3A_127, %dma_start3A_315, %dma_start3A_322] : memref<8x26x32xf32, #tpu.memory_space<vmem>> -> memref<1x1x32xf32, #tpu.memory_space<vmem>>
      %dma_start3A_324 = tpu.memref_squeeze %dma_start3A_323 : memref<1x1x32xf32, #tpu.memory_space<vmem>> -> memref<32xf32, #tpu.memory_space<vmem>>
      %dma_start3A_325 = arith.constant 0 : i32
      %dma_start3A_326 = tpu.memref_slice %arg3[%squeeze3A_314, %dma_start3A_325] : memref<1000000x32xf32, #tpu.memory_space<hbm>> -> memref<1x32xf32, #tpu.memory_space<hbm>>
      %dma_start3A_327 = tpu.memref_squeeze %dma_start3A_326 : memref<1x32xf32, #tpu.memory_space<hbm>> -> memref<32xf32, #tpu.memory_space<hbm>>
      tpu.enqueue_dma source(%dma_start3A_327 : memref<32xf32, #tpu.memory_space<hbm>>) target(%dma_start3A_324 : memref<32xf32, #tpu.memory_space<vmem>>) target_semaphore(%arg8 : memref<!tpu.dma_semaphore, #tpu.memory_space<semaphore_mem>>)
      %slice3A_328 = vector.extract_strided_slice %get3A_130 {offsets = [13], sizes = [1], strides = [1]} : vector<16xi32> to vector<1xi32>
      %squeeze3A_329 = vector.extract %slice3A_328[0] : i32 from vector<1xi32>
      %dma_start3A_330 = arith.constant 13 : i32
      %dma_start3A_331 = arith.constant 0 : i32
      %dma_start3A_332 = tpu.memref_slice %arg6[%and3A_127, %dma_start3A_330, %dma_start3A_331] : memref<8x26x32xf32, #tpu.memory_space<vmem>> -> memref<1x1x32xf32, #tpu.memory_space<vmem>>
      %dma_start3A_333 = tpu.memref_squeeze %dma_start3A_332 : memref<1x1x32xf32, #tpu.memory_space<vmem>> -> memref<32xf32, #tpu.memory_space<vmem>>
      %dma_start3A_334 = arith.constant 0 : i32
      %dma_start3A_335 = tpu.memref_slice %arg3[%squeeze3A_329, %dma_start3A_334] : memref<1000000x32xf32, #tpu.memory_space<hbm>> -> memref<1x32xf32, #tpu.memory_space<hbm>>
      %dma_start3A_336 = tpu.memref_squeeze %dma_start3A_335 : memref<1x32xf32, #tpu.memory_space<hbm>> -> memref<32xf32, #tpu.memory_space<hbm>>
      %dma_start3A_337 = arith.constant 0 : i32
      %dma_start3A_338 = tpu.memref_slice %arg6[%and3A_127, %dma_start3A_330, %dma_start3A_337] : memref<8x26x32xf32, #tpu.memory_space<vmem>> -> memref<1x1x32xf32, #tpu.memory_space<vmem>>
      %dma_start3A_339 = tpu.memref_squeeze %dma_start3A_338 : memref<1x1x32xf32, #tpu.memory_space<vmem>> -> memref<32xf32, #tpu.memory_space<vmem>>
      %dma_start3A_340 = arith.constant 0 : i32
      %dma_start3A_341 = tpu.memref_slice %arg3[%squeeze3A_329, %dma_start3A_340] : memref<1000000x32xf32, #tpu.memory_space<hbm>> -> memref<1x32xf32, #tpu.memory_space<hbm>>
      %dma_start3A_342 = tpu.memref_squeeze %dma_start3A_341 : memref<1x32xf32, #tpu.memory_space<hbm>> -> memref<32xf32, #tpu.memory_space<hbm>>
      tpu.enqueue_dma source(%dma_start3A_342 : memref<32xf32, #tpu.memory_space<hbm>>) target(%dma_start3A_339 : memref<32xf32, #tpu.memory_space<vmem>>) target_semaphore(%arg8 : memref<!tpu.dma_semaphore, #tpu.memory_space<semaphore_mem>>)
      %slice3A_343 = vector.extract_strided_slice %get3A_130 {offsets = [14], sizes = [1], strides = [1]} : vector<16xi32> to vector<1xi32>
      %squeeze3A_344 = vector.extract %slice3A_343[0] : i32 from vector<1xi32>
      %dma_start3A_345 = arith.constant 14 : i32
      %dma_start3A_346 = arith.constant 0 : i32
      %dma_start3A_347 = tpu.memref_slice %arg6[%and3A_127, %dma_start3A_345, %dma_start3A_346] : memref<8x26x32xf32, #tpu.memory_space<vmem>> -> memref<1x1x32xf32, #tpu.memory_space<vmem>>
      %dma_start3A_348 = tpu.memref_squeeze %dma_start3A_347 : memref<1x1x32xf32, #tpu.memory_space<vmem>> -> memref<32xf32, #tpu.memory_space<vmem>>
      %dma_start3A_349 = arith.constant 0 : i32
      %dma_start3A_350 = tpu.memref_slice %arg3[%squeeze3A_344, %dma_start3A_349] : memref<1000000x32xf32, #tpu.memory_space<hbm>> -> memref<1x32xf32, #tpu.memory_space<hbm>>
      %dma_start3A_351 = tpu.memref_squeeze %dma_start3A_350 : memref<1x32xf32, #tpu.memory_space<hbm>> -> memref<32xf32, #tpu.memory_space<hbm>>
      %dma_start3A_352 = arith.constant 0 : i32
      %dma_start3A_353 = tpu.memref_slice %arg6[%and3A_127, %dma_start3A_345, %dma_start3A_352] : memref<8x26x32xf32, #tpu.memory_space<vmem>> -> memref<1x1x32xf32, #tpu.memory_space<vmem>>
      %dma_start3A_354 = tpu.memref_squeeze %dma_start3A_353 : memref<1x1x32xf32, #tpu.memory_space<vmem>> -> memref<32xf32, #tpu.memory_space<vmem>>
      %dma_start3A_355 = arith.constant 0 : i32
      %dma_start3A_356 = tpu.memref_slice %arg3[%squeeze3A_344, %dma_start3A_355] : memref<1000000x32xf32, #tpu.memory_space<hbm>> -> memref<1x32xf32, #tpu.memory_space<hbm>>
      %dma_start3A_357 = tpu.memref_squeeze %dma_start3A_356 : memref<1x32xf32, #tpu.memory_space<hbm>> -> memref<32xf32, #tpu.memory_space<hbm>>
      tpu.enqueue_dma source(%dma_start3A_357 : memref<32xf32, #tpu.memory_space<hbm>>) target(%dma_start3A_354 : memref<32xf32, #tpu.memory_space<vmem>>) target_semaphore(%arg8 : memref<!tpu.dma_semaphore, #tpu.memory_space<semaphore_mem>>)
      %slice3A_358 = vector.extract_strided_slice %get3A_130 {offsets = [15], sizes = [1], strides = [1]} : vector<16xi32> to vector<1xi32>
      %squeeze3A_359 = vector.extract %slice3A_358[0] : i32 from vector<1xi32>
      %dma_start3A_360 = arith.constant 15 : i32
      %dma_start3A_361 = arith.constant 0 : i32
      %dma_start3A_362 = tpu.memref_slice %arg6[%and3A_127, %dma_start3A_360, %dma_start3A_361] : memref<8x26x32xf32, #tpu.memory_space<vmem>> -> memref<1x1x32xf32, #tpu.memory_space<vmem>>
      %dma_start3A_363 = tpu.memref_squeeze %dma_start3A_362 : memref<1x1x32xf32, #tpu.memory_space<vmem>> -> memref<32xf32, #tpu.memory_space<vmem>>
      %dma_start3A_364 = arith.constant 0 : i32
      %dma_start3A_365 = tpu.memref_slice %arg3[%squeeze3A_359, %dma_start3A_364] : memref<1000000x32xf32, #tpu.memory_space<hbm>> -> memref<1x32xf32, #tpu.memory_space<hbm>>
      %dma_start3A_366 = tpu.memref_squeeze %dma_start3A_365 : memref<1x32xf32, #tpu.memory_space<hbm>> -> memref<32xf32, #tpu.memory_space<hbm>>
      %dma_start3A_367 = arith.constant 0 : i32
      %dma_start3A_368 = tpu.memref_slice %arg6[%and3A_127, %dma_start3A_360, %dma_start3A_367] : memref<8x26x32xf32, #tpu.memory_space<vmem>> -> memref<1x1x32xf32, #tpu.memory_space<vmem>>
      %dma_start3A_369 = tpu.memref_squeeze %dma_start3A_368 : memref<1x1x32xf32, #tpu.memory_space<vmem>> -> memref<32xf32, #tpu.memory_space<vmem>>
      %dma_start3A_370 = arith.constant 0 : i32
      %dma_start3A_371 = tpu.memref_slice %arg3[%squeeze3A_359, %dma_start3A_370] : memref<1000000x32xf32, #tpu.memory_space<hbm>> -> memref<1x32xf32, #tpu.memory_space<hbm>>
      %dma_start3A_372 = tpu.memref_squeeze %dma_start3A_371 : memref<1x32xf32, #tpu.memory_space<hbm>> -> memref<32xf32, #tpu.memory_space<hbm>>
      tpu.enqueue_dma source(%dma_start3A_372 : memref<32xf32, #tpu.memory_space<hbm>>) target(%dma_start3A_369 : memref<32xf32, #tpu.memory_space<vmem>>) target_semaphore(%arg8 : memref<!tpu.dma_semaphore, #tpu.memory_space<semaphore_mem>>)
      %slice3A_373 = vector.extract_strided_slice %get3A_134 {offsets = [0], sizes = [1], strides = [1]} : vector<16xi32> to vector<1xi32>
      %squeeze3A_374 = vector.extract %slice3A_373[0] : i32 from vector<1xi32>
      %dma_start3A_375 = arith.constant 16 : i32
      %dma_start3A_376 = arith.constant 0 : i32
      %dma_start3A_377 = tpu.memref_slice %arg6[%and3A_127, %dma_start3A_375, %dma_start3A_376] : memref<8x26x32xf32, #tpu.memory_space<vmem>> -> memref<1x1x32xf32, #tpu.memory_space<vmem>>
      %dma_start3A_378 = tpu.memref_squeeze %dma_start3A_377 : memref<1x1x32xf32, #tpu.memory_space<vmem>> -> memref<32xf32, #tpu.memory_space<vmem>>
      %dma_start3A_379 = arith.constant 0 : i32
      %dma_start3A_380 = tpu.memref_slice %arg3[%squeeze3A_374, %dma_start3A_379] : memref<1000000x32xf32, #tpu.memory_space<hbm>> -> memref<1x32xf32, #tpu.memory_space<hbm>>
      %dma_start3A_381 = tpu.memref_squeeze %dma_start3A_380 : memref<1x32xf32, #tpu.memory_space<hbm>> -> memref<32xf32, #tpu.memory_space<hbm>>
      %dma_start3A_382 = arith.constant 0 : i32
      %dma_start3A_383 = tpu.memref_slice %arg6[%and3A_127, %dma_start3A_375, %dma_start3A_382] : memref<8x26x32xf32, #tpu.memory_space<vmem>> -> memref<1x1x32xf32, #tpu.memory_space<vmem>>
      %dma_start3A_384 = tpu.memref_squeeze %dma_start3A_383 : memref<1x1x32xf32, #tpu.memory_space<vmem>> -> memref<32xf32, #tpu.memory_space<vmem>>
      %dma_start3A_385 = arith.constant 0 : i32
      %dma_start3A_386 = tpu.memref_slice %arg3[%squeeze3A_374, %dma_start3A_385] : memref<1000000x32xf32, #tpu.memory_space<hbm>> -> memref<1x32xf32, #tpu.memory_space<hbm>>
      %dma_start3A_387 = tpu.memref_squeeze %dma_start3A_386 : memref<1x32xf32, #tpu.memory_space<hbm>> -> memref<32xf32, #tpu.memory_space<hbm>>
      tpu.enqueue_dma source(%dma_start3A_387 : memref<32xf32, #tpu.memory_space<hbm>>) target(%dma_start3A_384 : memref<32xf32, #tpu.memory_space<vmem>>) target_semaphore(%arg8 : memref<!tpu.dma_semaphore, #tpu.memory_space<semaphore_mem>>)
      %slice3A_388 = vector.extract_strided_slice %get3A_134 {offsets = [1], sizes = [1], strides = [1]} : vector<16xi32> to vector<1xi32>
      %squeeze3A_389 = vector.extract %slice3A_388[0] : i32 from vector<1xi32>
      %dma_start3A_390 = arith.constant 17 : i32
      %dma_start3A_391 = arith.constant 0 : i32
      %dma_start3A_392 = tpu.memref_slice %arg6[%and3A_127, %dma_start3A_390, %dma_start3A_391] : memref<8x26x32xf32, #tpu.memory_space<vmem>> -> memref<1x1x32xf32, #tpu.memory_space<vmem>>
      %dma_start3A_393 = tpu.memref_squeeze %dma_start3A_392 : memref<1x1x32xf32, #tpu.memory_space<vmem>> -> memref<32xf32, #tpu.memory_space<vmem>>
      %dma_start3A_394 = arith.constant 0 : i32
      %dma_start3A_395 = tpu.memref_slice %arg3[%squeeze3A_389, %dma_start3A_394] : memref<1000000x32xf32, #tpu.memory_space<hbm>> -> memref<1x32xf32, #tpu.memory_space<hbm>>
      %dma_start3A_396 = tpu.memref_squeeze %dma_start3A_395 : memref<1x32xf32, #tpu.memory_space<hbm>> -> memref<32xf32, #tpu.memory_space<hbm>>
      %dma_start3A_397 = arith.constant 0 : i32
      %dma_start3A_398 = tpu.memref_slice %arg6[%and3A_127, %dma_start3A_390, %dma_start3A_397] : memref<8x26x32xf32, #tpu.memory_space<vmem>> -> memref<1x1x32xf32, #tpu.memory_space<vmem>>
      %dma_start3A_399 = tpu.memref_squeeze %dma_start3A_398 : memref<1x1x32xf32, #tpu.memory_space<vmem>> -> memref<32xf32, #tpu.memory_space<vmem>>
      %dma_start3A_400 = arith.constant 0 : i32
      %dma_start3A_401 = tpu.memref_slice %arg3[%squeeze3A_389, %dma_start3A_400] : memref<1000000x32xf32, #tpu.memory_space<hbm>> -> memref<1x32xf32, #tpu.memory_space<hbm>>
      %dma_start3A_402 = tpu.memref_squeeze %dma_start3A_401 : memref<1x32xf32, #tpu.memory_space<hbm>> -> memref<32xf32, #tpu.memory_space<hbm>>
      tpu.enqueue_dma source(%dma_start3A_402 : memref<32xf32, #tpu.memory_space<hbm>>) target(%dma_start3A_399 : memref<32xf32, #tpu.memory_space<vmem>>) target_semaphore(%arg8 : memref<!tpu.dma_semaphore, #tpu.memory_space<semaphore_mem>>)
      %slice3A_403 = vector.extract_strided_slice %get3A_134 {offsets = [2], sizes = [1], strides = [1]} : vector<16xi32> to vector<1xi32>
      %squeeze3A_404 = vector.extract %slice3A_403[0] : i32 from vector<1xi32>
      %dma_start3A_405 = arith.constant 18 : i32
      %dma_start3A_406 = arith.constant 0 : i32
      %dma_start3A_407 = tpu.memref_slice %arg6[%and3A_127, %dma_start3A_405, %dma_start3A_406] : memref<8x26x32xf32, #tpu.memory_space<vmem>> -> memref<1x1x32xf32, #tpu.memory_space<vmem>>
      %dma_start3A_408 = tpu.memref_squeeze %dma_start3A_407 : memref<1x1x32xf32, #tpu.memory_space<vmem>> -> memref<32xf32, #tpu.memory_space<vmem>>
      %dma_start3A_409 = arith.constant 0 : i32
      %dma_start3A_410 = tpu.memref_slice %arg3[%squeeze3A_404, %dma_start3A_409] : memref<1000000x32xf32, #tpu.memory_space<hbm>> -> memref<1x32xf32, #tpu.memory_space<hbm>>
      %dma_start3A_411 = tpu.memref_squeeze %dma_start3A_410 : memref<1x32xf32, #tpu.memory_space<hbm>> -> memref<32xf32, #tpu.memory_space<hbm>>
      %dma_start3A_412 = arith.constant 0 : i32
      %dma_start3A_413 = tpu.memref_slice %arg6[%and3A_127, %dma_start3A_405, %dma_start3A_412] : memref<8x26x32xf32, #tpu.memory_space<vmem>> -> memref<1x1x32xf32, #tpu.memory_space<vmem>>
      %dma_start3A_414 = tpu.memref_squeeze %dma_start3A_413 : memref<1x1x32xf32, #tpu.memory_space<vmem>> -> memref<32xf32, #tpu.memory_space<vmem>>
      %dma_start3A_415 = arith.constant 0 : i32
      %dma_start3A_416 = tpu.memref_slice %arg3[%squeeze3A_404, %dma_start3A_415] : memref<1000000x32xf32, #tpu.memory_space<hbm>> -> memref<1x32xf32, #tpu.memory_space<hbm>>
      %dma_start3A_417 = tpu.memref_squeeze %dma_start3A_416 : memref<1x32xf32, #tpu.memory_space<hbm>> -> memref<32xf32, #tpu.memory_space<hbm>>
      tpu.enqueue_dma source(%dma_start3A_417 : memref<32xf32, #tpu.memory_space<hbm>>) target(%dma_start3A_414 : memref<32xf32, #tpu.memory_space<vmem>>) target_semaphore(%arg8 : memref<!tpu.dma_semaphore, #tpu.memory_space<semaphore_mem>>)
      %slice3A_418 = vector.extract_strided_slice %get3A_134 {offsets = [3], sizes = [1], strides = [1]} : vector<16xi32> to vector<1xi32>
      %squeeze3A_419 = vector.extract %slice3A_418[0] : i32 from vector<1xi32>
      %dma_start3A_420 = arith.constant 19 : i32
      %dma_start3A_421 = arith.constant 0 : i32
      %dma_start3A_422 = tpu.memref_slice %arg6[%and3A_127, %dma_start3A_420, %dma_start3A_421] : memref<8x26x32xf32, #tpu.memory_space<vmem>> -> memref<1x1x32xf32, #tpu.memory_space<vmem>>
      %dma_start3A_423 = tpu.memref_squeeze %dma_start3A_422 : memref<1x1x32xf32, #tpu.memory_space<vmem>> -> memref<32xf32, #tpu.memory_space<vmem>>
      %dma_start3A_424 = arith.constant 0 : i32
      %dma_start3A_425 = tpu.memref_slice %arg3[%squeeze3A_419, %dma_start3A_424] : memref<1000000x32xf32, #tpu.memory_space<hbm>> -> memref<1x32xf32, #tpu.memory_space<hbm>>
      %dma_start3A_426 = tpu.memref_squeeze %dma_start3A_425 : memref<1x32xf32, #tpu.memory_space<hbm>> -> memref<32xf32, #tpu.memory_space<hbm>>
      %dma_start3A_427 = arith.constant 0 : i32
      %dma_start3A_428 = tpu.memref_slice %arg6[%and3A_127, %dma_start3A_420, %dma_start3A_427] : memref<8x26x32xf32, #tpu.memory_space<vmem>> -> memref<1x1x32xf32, #tpu.memory_space<vmem>>
      %dma_start3A_429 = tpu.memref_squeeze %dma_start3A_428 : memref<1x1x32xf32, #tpu.memory_space<vmem>> -> memref<32xf32, #tpu.memory_space<vmem>>
      %dma_start3A_430 = arith.constant 0 : i32
      %dma_start3A_431 = tpu.memref_slice %arg3[%squeeze3A_419, %dma_start3A_430] : memref<1000000x32xf32, #tpu.memory_space<hbm>> -> memref<1x32xf32, #tpu.memory_space<hbm>>
      %dma_start3A_432 = tpu.memref_squeeze %dma_start3A_431 : memref<1x32xf32, #tpu.memory_space<hbm>> -> memref<32xf32, #tpu.memory_space<hbm>>
      tpu.enqueue_dma source(%dma_start3A_432 : memref<32xf32, #tpu.memory_space<hbm>>) target(%dma_start3A_429 : memref<32xf32, #tpu.memory_space<vmem>>) target_semaphore(%arg8 : memref<!tpu.dma_semaphore, #tpu.memory_space<semaphore_mem>>)
      %slice3A_433 = vector.extract_strided_slice %get3A_134 {offsets = [4], sizes = [1], strides = [1]} : vector<16xi32> to vector<1xi32>
      %squeeze3A_434 = vector.extract %slice3A_433[0] : i32 from vector<1xi32>
      %dma_start3A_435 = arith.constant 20 : i32
      %dma_start3A_436 = arith.constant 0 : i32
      %dma_start3A_437 = tpu.memref_slice %arg6[%and3A_127, %dma_start3A_435, %dma_start3A_436] : memref<8x26x32xf32, #tpu.memory_space<vmem>> -> memref<1x1x32xf32, #tpu.memory_space<vmem>>
      %dma_start3A_438 = tpu.memref_squeeze %dma_start3A_437 : memref<1x1x32xf32, #tpu.memory_space<vmem>> -> memref<32xf32, #tpu.memory_space<vmem>>
      %dma_start3A_439 = arith.constant 0 : i32
      %dma_start3A_440 = tpu.memref_slice %arg3[%squeeze3A_434, %dma_start3A_439] : memref<1000000x32xf32, #tpu.memory_space<hbm>> -> memref<1x32xf32, #tpu.memory_space<hbm>>
      %dma_start3A_441 = tpu.memref_squeeze %dma_start3A_440 : memref<1x32xf32, #tpu.memory_space<hbm>> -> memref<32xf32, #tpu.memory_space<hbm>>
      %dma_start3A_442 = arith.constant 0 : i32
      %dma_start3A_443 = tpu.memref_slice %arg6[%and3A_127, %dma_start3A_435, %dma_start3A_442] : memref<8x26x32xf32, #tpu.memory_space<vmem>> -> memref<1x1x32xf32, #tpu.memory_space<vmem>>
      %dma_start3A_444 = tpu.memref_squeeze %dma_start3A_443 : memref<1x1x32xf32, #tpu.memory_space<vmem>> -> memref<32xf32, #tpu.memory_space<vmem>>
      %dma_start3A_445 = arith.constant 0 : i32
      %dma_start3A_446 = tpu.memref_slice %arg3[%squeeze3A_434, %dma_start3A_445] : memref<1000000x32xf32, #tpu.memory_space<hbm>> -> memref<1x32xf32, #tpu.memory_space<hbm>>
      %dma_start3A_447 = tpu.memref_squeeze %dma_start3A_446 : memref<1x32xf32, #tpu.memory_space<hbm>> -> memref<32xf32, #tpu.memory_space<hbm>>
      tpu.enqueue_dma source(%dma_start3A_447 : memref<32xf32, #tpu.memory_space<hbm>>) target(%dma_start3A_444 : memref<32xf32, #tpu.memory_space<vmem>>) target_semaphore(%arg8 : memref<!tpu.dma_semaphore, #tpu.memory_space<semaphore_mem>>)
      %slice3A_448 = vector.extract_strided_slice %get3A_134 {offsets = [5], sizes = [1], strides = [1]} : vector<16xi32> to vector<1xi32>
      %squeeze3A_449 = vector.extract %slice3A_448[0] : i32 from vector<1xi32>
      %dma_start3A_450 = arith.constant 21 : i32
      %dma_start3A_451 = arith.constant 0 : i32
      %dma_start3A_452 = tpu.memref_slice %arg6[%and3A_127, %dma_start3A_450, %dma_start3A_451] : memref<8x26x32xf32, #tpu.memory_space<vmem>> -> memref<1x1x32xf32, #tpu.memory_space<vmem>>
      %dma_start3A_453 = tpu.memref_squeeze %dma_start3A_452 : memref<1x1x32xf32, #tpu.memory_space<vmem>> -> memref<32xf32, #tpu.memory_space<vmem>>
      %dma_start3A_454 = arith.constant 0 : i32
      %dma_start3A_455 = tpu.memref_slice %arg3[%squeeze3A_449, %dma_start3A_454] : memref<1000000x32xf32, #tpu.memory_space<hbm>> -> memref<1x32xf32, #tpu.memory_space<hbm>>
      %dma_start3A_456 = tpu.memref_squeeze %dma_start3A_455 : memref<1x32xf32, #tpu.memory_space<hbm>> -> memref<32xf32, #tpu.memory_space<hbm>>
      %dma_start3A_457 = arith.constant 0 : i32
      %dma_start3A_458 = tpu.memref_slice %arg6[%and3A_127, %dma_start3A_450, %dma_start3A_457] : memref<8x26x32xf32, #tpu.memory_space<vmem>> -> memref<1x1x32xf32, #tpu.memory_space<vmem>>
      %dma_start3A_459 = tpu.memref_squeeze %dma_start3A_458 : memref<1x1x32xf32, #tpu.memory_space<vmem>> -> memref<32xf32, #tpu.memory_space<vmem>>
      %dma_start3A_460 = arith.constant 0 : i32
      %dma_start3A_461 = tpu.memref_slice %arg3[%squeeze3A_449, %dma_start3A_460] : memref<1000000x32xf32, #tpu.memory_space<hbm>> -> memref<1x32xf32, #tpu.memory_space<hbm>>
      %dma_start3A_462 = tpu.memref_squeeze %dma_start3A_461 : memref<1x32xf32, #tpu.memory_space<hbm>> -> memref<32xf32, #tpu.memory_space<hbm>>
      tpu.enqueue_dma source(%dma_start3A_462 : memref<32xf32, #tpu.memory_space<hbm>>) target(%dma_start3A_459 : memref<32xf32, #tpu.memory_space<vmem>>) target_semaphore(%arg8 : memref<!tpu.dma_semaphore, #tpu.memory_space<semaphore_mem>>)
      %slice3A_463 = vector.extract_strided_slice %get3A_134 {offsets = [6], sizes = [1], strides = [1]} : vector<16xi32> to vector<1xi32>
      %squeeze3A_464 = vector.extract %slice3A_463[0] : i32 from vector<1xi32>
      %dma_start3A_465 = arith.constant 22 : i32
      %dma_start3A_466 = arith.constant 0 : i32
      %dma_start3A_467 = tpu.memref_slice %arg6[%and3A_127, %dma_start3A_465, %dma_start3A_466] : memref<8x26x32xf32, #tpu.memory_space<vmem>> -> memref<1x1x32xf32, #tpu.memory_space<vmem>>
      %dma_start3A_468 = tpu.memref_squeeze %dma_start3A_467 : memref<1x1x32xf32, #tpu.memory_space<vmem>> -> memref<32xf32, #tpu.memory_space<vmem>>
      %dma_start3A_469 = arith.constant 0 : i32
      %dma_start3A_470 = tpu.memref_slice %arg3[%squeeze3A_464, %dma_start3A_469] : memref<1000000x32xf32, #tpu.memory_space<hbm>> -> memref<1x32xf32, #tpu.memory_space<hbm>>
      %dma_start3A_471 = tpu.memref_squeeze %dma_start3A_470 : memref<1x32xf32, #tpu.memory_space<hbm>> -> memref<32xf32, #tpu.memory_space<hbm>>
      %dma_start3A_472 = arith.constant 0 : i32
      %dma_start3A_473 = tpu.memref_slice %arg6[%and3A_127, %dma_start3A_465, %dma_start3A_472] : memref<8x26x32xf32, #tpu.memory_space<vmem>> -> memref<1x1x32xf32, #tpu.memory_space<vmem>>
      %dma_start3A_474 = tpu.memref_squeeze %dma_start3A_473 : memref<1x1x32xf32, #tpu.memory_space<vmem>> -> memref<32xf32, #tpu.memory_space<vmem>>
      %dma_start3A_475 = arith.constant 0 : i32
      %dma_start3A_476 = tpu.memref_slice %arg3[%squeeze3A_464, %dma_start3A_475] : memref<1000000x32xf32, #tpu.memory_space<hbm>> -> memref<1x32xf32, #tpu.memory_space<hbm>>
      %dma_start3A_477 = tpu.memref_squeeze %dma_start3A_476 : memref<1x32xf32, #tpu.memory_space<hbm>> -> memref<32xf32, #tpu.memory_space<hbm>>
      tpu.enqueue_dma source(%dma_start3A_477 : memref<32xf32, #tpu.memory_space<hbm>>) target(%dma_start3A_474 : memref<32xf32, #tpu.memory_space<vmem>>) target_semaphore(%arg8 : memref<!tpu.dma_semaphore, #tpu.memory_space<semaphore_mem>>)
      %slice3A_478 = vector.extract_strided_slice %get3A_134 {offsets = [7], sizes = [1], strides = [1]} : vector<16xi32> to vector<1xi32>
      %squeeze3A_479 = vector.extract %slice3A_478[0] : i32 from vector<1xi32>
      %dma_start3A_480 = arith.constant 23 : i32
      %dma_start3A_481 = arith.constant 0 : i32
      %dma_start3A_482 = tpu.memref_slice %arg6[%and3A_127, %dma_start3A_480, %dma_start3A_481] : memref<8x26x32xf32, #tpu.memory_space<vmem>> -> memref<1x1x32xf32, #tpu.memory_space<vmem>>
      %dma_start3A_483 = tpu.memref_squeeze %dma_start3A_482 : memref<1x1x32xf32, #tpu.memory_space<vmem>> -> memref<32xf32, #tpu.memory_space<vmem>>
      %dma_start3A_484 = arith.constant 0 : i32
      %dma_start3A_485 = tpu.memref_slice %arg3[%squeeze3A_479, %dma_start3A_484] : memref<1000000x32xf32, #tpu.memory_space<hbm>> -> memref<1x32xf32, #tpu.memory_space<hbm>>
      %dma_start3A_486 = tpu.memref_squeeze %dma_start3A_485 : memref<1x32xf32, #tpu.memory_space<hbm>> -> memref<32xf32, #tpu.memory_space<hbm>>
      %dma_start3A_487 = arith.constant 0 : i32
      %dma_start3A_488 = tpu.memref_slice %arg6[%and3A_127, %dma_start3A_480, %dma_start3A_487] : memref<8x26x32xf32, #tpu.memory_space<vmem>> -> memref<1x1x32xf32, #tpu.memory_space<vmem>>
      %dma_start3A_489 = tpu.memref_squeeze %dma_start3A_488 : memref<1x1x32xf32, #tpu.memory_space<vmem>> -> memref<32xf32, #tpu.memory_space<vmem>>
      %dma_start3A_490 = arith.constant 0 : i32
      %dma_start3A_491 = tpu.memref_slice %arg3[%squeeze3A_479, %dma_start3A_490] : memref<1000000x32xf32, #tpu.memory_space<hbm>> -> memref<1x32xf32, #tpu.memory_space<hbm>>
      %dma_start3A_492 = tpu.memref_squeeze %dma_start3A_491 : memref<1x32xf32, #tpu.memory_space<hbm>> -> memref<32xf32, #tpu.memory_space<hbm>>
      tpu.enqueue_dma source(%dma_start3A_492 : memref<32xf32, #tpu.memory_space<hbm>>) target(%dma_start3A_489 : memref<32xf32, #tpu.memory_space<vmem>>) target_semaphore(%arg8 : memref<!tpu.dma_semaphore, #tpu.memory_space<semaphore_mem>>)
      %slice3A_493 = vector.extract_strided_slice %get3A_134 {offsets = [8], sizes = [1], strides = [1]} : vector<16xi32> to vector<1xi32>
      %squeeze3A_494 = vector.extract %slice3A_493[0] : i32 from vector<1xi32>
      %dma_start3A_495 = arith.constant 24 : i32
      %dma_start3A_496 = arith.constant 0 : i32
      %dma_start3A_497 = tpu.memref_slice %arg6[%and3A_127, %dma_start3A_495, %dma_start3A_496] : memref<8x26x32xf32, #tpu.memory_space<vmem>> -> memref<1x1x32xf32, #tpu.memory_space<vmem>>
      %dma_start3A_498 = tpu.memref_squeeze %dma_start3A_497 : memref<1x1x32xf32, #tpu.memory_space<vmem>> -> memref<32xf32, #tpu.memory_space<vmem>>
      %dma_start3A_499 = arith.constant 0 : i32
      %dma_start3A_500 = tpu.memref_slice %arg3[%squeeze3A_494, %dma_start3A_499] : memref<1000000x32xf32, #tpu.memory_space<hbm>> -> memref<1x32xf32, #tpu.memory_space<hbm>>
      %dma_start3A_501 = tpu.memref_squeeze %dma_start3A_500 : memref<1x32xf32, #tpu.memory_space<hbm>> -> memref<32xf32, #tpu.memory_space<hbm>>
      %dma_start3A_502 = arith.constant 0 : i32
      %dma_start3A_503 = tpu.memref_slice %arg6[%and3A_127, %dma_start3A_495, %dma_start3A_502] : memref<8x26x32xf32, #tpu.memory_space<vmem>> -> memref<1x1x32xf32, #tpu.memory_space<vmem>>
      %dma_start3A_504 = tpu.memref_squeeze %dma_start3A_503 : memref<1x1x32xf32, #tpu.memory_space<vmem>> -> memref<32xf32, #tpu.memory_space<vmem>>
      %dma_start3A_505 = arith.constant 0 : i32
      %dma_start3A_506 = tpu.memref_slice %arg3[%squeeze3A_494, %dma_start3A_505] : memref<1000000x32xf32, #tpu.memory_space<hbm>> -> memref<1x32xf32, #tpu.memory_space<hbm>>
      %dma_start3A_507 = tpu.memref_squeeze %dma_start3A_506 : memref<1x32xf32, #tpu.memory_space<hbm>> -> memref<32xf32, #tpu.memory_space<hbm>>
      tpu.enqueue_dma source(%dma_start3A_507 : memref<32xf32, #tpu.memory_space<hbm>>) target(%dma_start3A_504 : memref<32xf32, #tpu.memory_space<vmem>>) target_semaphore(%arg8 : memref<!tpu.dma_semaphore, #tpu.memory_space<semaphore_mem>>)
      %slice3A_508 = vector.extract_strided_slice %get3A_134 {offsets = [9], sizes = [1], strides = [1]} : vector<16xi32> to vector<1xi32>
      %squeeze3A_509 = vector.extract %slice3A_508[0] : i32 from vector<1xi32>
      %dma_start3A_510 = arith.constant 25 : i32
      %dma_start3A_511 = arith.constant 0 : i32
      %dma_start3A_512 = tpu.memref_slice %arg6[%and3A_127, %dma_start3A_510, %dma_start3A_511] : memref<8x26x32xf32, #tpu.memory_space<vmem>> -> memref<1x1x32xf32, #tpu.memory_space<vmem>>
      %dma_start3A_513 = tpu.memref_squeeze %dma_start3A_512 : memref<1x1x32xf32, #tpu.memory_space<vmem>> -> memref<32xf32, #tpu.memory_space<vmem>>
      %dma_start3A_514 = arith.constant 0 : i32
      %dma_start3A_515 = tpu.memref_slice %arg3[%squeeze3A_509, %dma_start3A_514] : memref<1000000x32xf32, #tpu.memory_space<hbm>> -> memref<1x32xf32, #tpu.memory_space<hbm>>
      %dma_start3A_516 = tpu.memref_squeeze %dma_start3A_515 : memref<1x32xf32, #tpu.memory_space<hbm>> -> memref<32xf32, #tpu.memory_space<hbm>>
      %dma_start3A_517 = arith.constant 0 : i32
      %dma_start3A_518 = tpu.memref_slice %arg6[%and3A_127, %dma_start3A_510, %dma_start3A_517] : memref<8x26x32xf32, #tpu.memory_space<vmem>> -> memref<1x1x32xf32, #tpu.memory_space<vmem>>
      %dma_start3A_519 = tpu.memref_squeeze %dma_start3A_518 : memref<1x1x32xf32, #tpu.memory_space<vmem>> -> memref<32xf32, #tpu.memory_space<vmem>>
      %dma_start3A_520 = arith.constant 0 : i32
      %dma_start3A_521 = tpu.memref_slice %arg3[%squeeze3A_509, %dma_start3A_520] : memref<1000000x32xf32, #tpu.memory_space<hbm>> -> memref<1x32xf32, #tpu.memory_space<hbm>>
      %dma_start3A_522 = tpu.memref_squeeze %dma_start3A_521 : memref<1x32xf32, #tpu.memory_space<hbm>> -> memref<32xf32, #tpu.memory_space<hbm>>
      tpu.enqueue_dma source(%dma_start3A_522 : memref<32xf32, #tpu.memory_space<hbm>>) target(%dma_start3A_519 : memref<32xf32, #tpu.memory_space<vmem>>) target_semaphore(%arg8 : memref<!tpu.dma_semaphore, #tpu.memory_space<semaphore_mem>>)
      %ge3A_523 = arith.constant 1 : i32
      %ge3A_524 = arith.cmpi sge, %scan3A_113, %ge3A_523 : i32
      %convert_element_type3A_525 = arith.extui %ge3A_524 : i1 to i32
      %cond3A_526 = arith.constant 0 : i32
      %cond3A_527 = arith.cmpi ne, %convert_element_type3A_525, %cond3A_526 : i32
      scf.if %cond3A_527 {
        %scan3A_1765 = arith.constant 0 : i32
        %scan3A_1766 = arith.constant 0 : i32
        %scan3A_1767 = arith.constant 26 : i32
        %scan3A_1768 = arith.addi %scan3A_1766, %scan3A_1767 : i32
        %scan3A_1769 = arith.constant 1 : i32
        scf.for %scan3A_1793 = %scan3A_1766 to %scan3A_1768 step %scan3A_1769  : i32 {
          %dma_wait3A = arith.constant 0 : i32
          %dma_wait3A_1794 = arith.constant 0 : i32
          %dma_wait3A_1795 = tpu.memref_slice %arg3[%dma_wait3A, %dma_wait3A_1794] : memref<1000000x32xf32, #tpu.memory_space<hbm>> -> memref<1x32xf32, #tpu.memory_space<hbm>>
          %dma_wait3A_1796 = tpu.memref_squeeze %dma_wait3A_1795 : memref<1x32xf32, #tpu.memory_space<hbm>> -> memref<32xf32, #tpu.memory_space<hbm>>
          %dma_wait3A_1797 = arith.constant 0 : i32
          %dma_wait3A_1798 = tpu.memref_slice %arg3[%dma_wait3A, %dma_wait3A_1797] : memref<1000000x32xf32, #tpu.memory_space<hbm>> -> memref<1x32xf32, #tpu.memory_space<hbm>>
          %dma_wait3A_1799 = tpu.memref_squeeze %dma_wait3A_1798 : memref<1x32xf32, #tpu.memory_space<hbm>> -> memref<32xf32, #tpu.memory_space<hbm>>
          tpu.wait_dma2 semaphore(%arg9 : memref<!tpu.dma_semaphore, #tpu.memory_space<semaphore_mem>>) src(%dma_wait3A_1799 : memref<32xf32, #tpu.memory_space<hbm>>) dst(%arg7 : memref<32xf32, #tpu.memory_space<vmem>>)
        }
        %scan3A_1770 = arith.constant 26 : i32
        %add3A_1771 = arith.constant 1 : i32
        %add3A_1772 = arith.addi %mul3A_115, %add3A_1771 : i32
        %sub3A = arith.constant 4 : i32
        %sub3A_1773 = arith.subi %add3A_1772, %sub3A : i32
        %and3A_1774 = arith.constant 7 : i32
        %and3A_1775 = arith.andi %sub3A_1773, %and3A_1774 : i32
        %add3A_1776 = arith.addi %mul3A_2, %sub3A_1773 : i32
        %dma_start3A_1777 = arith.constant 0 : i32
        %dma_start3A_1778 = arith.constant 0 : i32
        %dma_start3A_1779 = tpu.memref_slice %arg6[%and3A_1775, %dma_start3A_1777, %dma_start3A_1778] : memref<8x26x32xf32, #tpu.memory_space<vmem>> -> memref<1x26x32xf32, #tpu.memory_space<vmem>>
        %dma_start3A_1780 = tpu.memref_squeeze %dma_start3A_1779 : memref<1x26x32xf32, #tpu.memory_space<vmem>> -> memref<26x32xf32, #tpu.memory_space<vmem>>
        %dma_start3A_1781 = arith.constant 0 : i32
        %dma_start3A_1782 = arith.constant 0 : i32
        %dma_start3A_1783 = tpu.memref_slice %arg4[%add3A_1776, %dma_start3A_1781, %dma_start3A_1782] : memref<4096x26x32xf32, #tpu.memory_space<hbm>> -> memref<1x26x32xf32, #tpu.memory_space<hbm>>
        %dma_start3A_1784 = tpu.memref_squeeze %dma_start3A_1783 : memref<1x26x32xf32, #tpu.memory_space<hbm>> -> memref<26x32xf32, #tpu.memory_space<hbm>>
        %dma_start3A_1785 = arith.constant 0 : i32
        %dma_start3A_1786 = arith.constant 0 : i32
        %dma_start3A_1787 = tpu.memref_slice %arg4[%add3A_1776, %dma_start3A_1785, %dma_start3A_1786] : memref<4096x26x32xf32, #tpu.memory_space<hbm>> -> memref<1x26x32xf32, #tpu.memory_space<hbm>>
        %dma_start3A_1788 = tpu.memref_squeeze %dma_start3A_1787 : memref<1x26x32xf32, #tpu.memory_space<hbm>> -> memref<26x32xf32, #tpu.memory_space<hbm>>
        %dma_start3A_1789 = arith.constant 0 : i32
        %dma_start3A_1790 = arith.constant 0 : i32
        %dma_start3A_1791 = tpu.memref_slice %arg6[%and3A_1775, %dma_start3A_1789, %dma_start3A_1790] : memref<8x26x32xf32, #tpu.memory_space<vmem>> -> memref<1x26x32xf32, #tpu.memory_space<vmem>>
        %dma_start3A_1792 = tpu.memref_squeeze %dma_start3A_1791 : memref<1x26x32xf32, #tpu.memory_space<vmem>> -> memref<26x32xf32, #tpu.memory_space<vmem>>
        tpu.enqueue_dma source(%dma_start3A_1792 : memref<26x32xf32, #tpu.memory_space<vmem>>) target(%dma_start3A_1788 : memref<26x32xf32, #tpu.memory_space<hbm>>) target_semaphore(%arg12 : memref<!tpu.dma_semaphore, #tpu.memory_space<semaphore_mem>>)
      } else {
      }
      %add3A_528 = arith.constant 1 : i32
      %add3A_529 = arith.addi %mul3A_115, %add3A_528 : i32
      %ge3A_530 = arith.constant 8 : i32
      %ge3A_531 = arith.cmpi sge, %add3A_529, %ge3A_530 : i32
      %convert_element_type3A_532 = arith.extui %ge3A_531 : i1 to i32
      %cond3A_533 = arith.constant 0 : i32
      %cond3A_534 = arith.cmpi ne, %convert_element_type3A_532, %cond3A_533 : i32
      scf.if %cond3A_534 {
        %add3A_1765 = arith.constant 1 : i32
        %add3A_1766 = arith.addi %mul3A_115, %add3A_1765 : i32
        %sub3A = arith.constant 8 : i32
        %sub3A_1767 = arith.subi %add3A_1766, %sub3A : i32
        %and3A_1768 = arith.constant 7 : i32
        %and3A_1769 = arith.andi %sub3A_1767, %and3A_1768 : i32
        %add3A_1770 = arith.addi %mul3A_2, %sub3A_1767 : i32
        %dma_wait3A = arith.constant 0 : i32
        %dma_wait3A_1771 = arith.constant 0 : i32
        %dma_wait3A_1772 = tpu.memref_slice %arg6[%and3A_1769, %dma_wait3A, %dma_wait3A_1771] : memref<8x26x32xf32, #tpu.memory_space<vmem>> -> memref<1x26x32xf32, #tpu.memory_space<vmem>>
        %dma_wait3A_1773 = tpu.memref_squeeze %dma_wait3A_1772 : memref<1x26x32xf32, #tpu.memory_space<vmem>> -> memref<26x32xf32, #tpu.memory_space<vmem>>
        %dma_wait3A_1774 = arith.constant 0 : i32
        %dma_wait3A_1775 = arith.constant 0 : i32
        %dma_wait3A_1776 = tpu.memref_slice %arg4[%add3A_1770, %dma_wait3A_1774, %dma_wait3A_1775] : memref<4096x26x32xf32, #tpu.memory_space<hbm>> -> memref<1x26x32xf32, #tpu.memory_space<hbm>>
        %dma_wait3A_1777 = tpu.memref_squeeze %dma_wait3A_1776 : memref<1x26x32xf32, #tpu.memory_space<hbm>> -> memref<26x32xf32, #tpu.memory_space<hbm>>
        %dma_wait3A_1778 = arith.constant 0 : i32
        %dma_wait3A_1779 = arith.constant 0 : i32
        %dma_wait3A_1780 = tpu.memref_slice %arg4[%add3A_1770, %dma_wait3A_1778, %dma_wait3A_1779] : memref<4096x26x32xf32, #tpu.memory_space<hbm>> -> memref<1x26x32xf32, #tpu.memory_space<hbm>>
        %dma_wait3A_1781 = tpu.memref_squeeze %dma_wait3A_1780 : memref<1x26x32xf32, #tpu.memory_space<hbm>> -> memref<26x32xf32, #tpu.memory_space<hbm>>
        %dma_wait3A_1782 = arith.constant 0 : i32
        %dma_wait3A_1783 = arith.constant 0 : i32
        %dma_wait3A_1784 = tpu.memref_slice %arg6[%and3A_1769, %dma_wait3A_1782, %dma_wait3A_1783] : memref<8x26x32xf32, #tpu.memory_space<vmem>> -> memref<1x26x32xf32, #tpu.memory_space<vmem>>
        %dma_wait3A_1785 = tpu.memref_squeeze %dma_wait3A_1784 : memref<1x26x32xf32, #tpu.memory_space<vmem>> -> memref<26x32xf32, #tpu.memory_space<vmem>>
        tpu.wait_dma2 semaphore(%arg12 : memref<!tpu.dma_semaphore, #tpu.memory_space<semaphore_mem>>) src(%dma_wait3A_1785 : memref<26x32xf32, #tpu.memory_space<vmem>>) dst(%dma_wait3A_1781 : memref<26x32xf32, #tpu.memory_space<hbm>>)
      } else {
      }
      %add3A_535 = arith.constant 1 : i32
      %add3A_536 = arith.addi %mul3A_115, %add3A_535 : i32
      %and3A_537 = arith.constant 7 : i32
      %and3A_538 = arith.andi %add3A_536, %and3A_537 : i32
      %get3A_539 = arith.index_cast %add3A_536 : i32 to index
      %get3A_540 = arith.constant 0 : index
      %get3A_541 = tpu.vector_load %arg5[%get3A_539, %get3A_540] {strides = array<i32>} : memref<128x32xi32, #tpu.memory_space<vmem>>, vector<1x16xi32>,
      %get3A_542 = vector.shape_cast %get3A_541 : vector<1x16xi32> to vector<16xi32>
      %get3A_543 = arith.index_cast %add3A_536 : i32 to index
      %get3A_544 = arith.constant 16 : index
      %get3A_545 = tpu.vector_load %arg5[%get3A_543, %get3A_544] {strides = array<i32>} : memref<128x32xi32, #tpu.memory_space<vmem>>, vector<1x16xi32>,
      %get3A_546 = vector.shape_cast %get3A_545 : vector<1x16xi32> to vector<16xi32>
      %slice3A_547 = vector.extract_strided_slice %get3A_542 {offsets = [0], sizes = [1], strides = [1]} : vector<16xi32> to vector<1xi32>
      %squeeze3A_548 = vector.extract %slice3A_547[0] : i32 from vector<1xi32>
      %dma_start3A_549 = arith.constant 0 : i32
      %dma_start3A_550 = arith.constant 0 : i32
      %dma_start3A_551 = tpu.memref_slice %arg6[%and3A_538, %dma_start3A_549, %dma_start3A_550] : memref<8x26x32xf32, #tpu.memory_space<vmem>> -> memref<1x1x32xf32, #tpu.memory_space<vmem>>
      %dma_start3A_552 = tpu.memref_squeeze %dma_start3A_551 : memref<1x1x32xf32, #tpu.memory_space<vmem>> -> memref<32xf32, #tpu.memory_space<vmem>>
      %dma_start3A_553 = arith.constant 0 : i32
      %dma_start3A_554 = tpu.memref_slice %arg3[%squeeze3A_548, %dma_start3A_553] : memref<1000000x32xf32, #tpu.memory_space<hbm>> -> memref<1x32xf32, #tpu.memory_space<hbm>>
      %dma_start3A_555 = tpu.memref_squeeze %dma_start3A_554 : memref<1x32xf32, #tpu.memory_space<hbm>> -> memref<32xf32, #tpu.memory_space<hbm>>
      %dma_start3A_556 = arith.constant 0 : i32
      %dma_start3A_557 = tpu.memref_slice %arg6[%and3A_538, %dma_start3A_549, %dma_start3A_556] : memref<8x26x32xf32, #tpu.memory_space<vmem>> -> memref<1x1x32xf32, #tpu.memory_space<vmem>>
      %dma_start3A_558 = tpu.memref_squeeze %dma_start3A_557 : memref<1x1x32xf32, #tpu.memory_space<vmem>> -> memref<32xf32, #tpu.memory_space<vmem>>
      %dma_start3A_559 = arith.constant 0 : i32
      %dma_start3A_560 = tpu.memref_slice %arg3[%squeeze3A_548, %dma_start3A_559] : memref<1000000x32xf32, #tpu.memory_space<hbm>> -> memref<1x32xf32, #tpu.memory_space<hbm>>
      %dma_start3A_561 = tpu.memref_squeeze %dma_start3A_560 : memref<1x32xf32, #tpu.memory_space<hbm>> -> memref<32xf32, #tpu.memory_space<hbm>>
      tpu.enqueue_dma source(%dma_start3A_561 : memref<32xf32, #tpu.memory_space<hbm>>) target(%dma_start3A_558 : memref<32xf32, #tpu.memory_space<vmem>>) target_semaphore(%arg9 : memref<!tpu.dma_semaphore, #tpu.memory_space<semaphore_mem>>)
      %slice3A_562 = vector.extract_strided_slice %get3A_542 {offsets = [1], sizes = [1], strides = [1]} : vector<16xi32> to vector<1xi32>
      %squeeze3A_563 = vector.extract %slice3A_562[0] : i32 from vector<1xi32>
      %dma_start3A_564 = arith.constant 1 : i32
      %dma_start3A_565 = arith.constant 0 : i32
      %dma_start3A_566 = tpu.memref_slice %arg6[%and3A_538, %dma_start3A_564, %dma_start3A_565] : memref<8x26x32xf32, #tpu.memory_space<vmem>> -> memref<1x1x32xf32, #tpu.memory_space<vmem>>
      %dma_start3A_567 = tpu.memref_squeeze %dma_start3A_566 : memref<1x1x32xf32, #tpu.memory_space<vmem>> -> memref<32xf32, #tpu.memory_space<vmem>>
      %dma_start3A_568 = arith.constant 0 : i32
      %dma_start3A_569 = tpu.memref_slice %arg3[%squeeze3A_563, %dma_start3A_568] : memref<1000000x32xf32, #tpu.memory_space<hbm>> -> memref<1x32xf32, #tpu.memory_space<hbm>>
      %dma_start3A_570 = tpu.memref_squeeze %dma_start3A_569 : memref<1x32xf32, #tpu.memory_space<hbm>> -> memref<32xf32, #tpu.memory_space<hbm>>
      %dma_start3A_571 = arith.constant 0 : i32
      %dma_start3A_572 = tpu.memref_slice %arg6[%and3A_538, %dma_start3A_564, %dma_start3A_571] : memref<8x26x32xf32, #tpu.memory_space<vmem>> -> memref<1x1x32xf32, #tpu.memory_space<vmem>>
      %dma_start3A_573 = tpu.memref_squeeze %dma_start3A_572 : memref<1x1x32xf32, #tpu.memory_space<vmem>> -> memref<32xf32, #tpu.memory_space<vmem>>
      %dma_start3A_574 = arith.constant 0 : i32
      %dma_start3A_575 = tpu.memref_slice %arg3[%squeeze3A_563, %dma_start3A_574] : memref<1000000x32xf32, #tpu.memory_space<hbm>> -> memref<1x32xf32, #tpu.memory_space<hbm>>
      %dma_start3A_576 = tpu.memref_squeeze %dma_start3A_575 : memref<1x32xf32, #tpu.memory_space<hbm>> -> memref<32xf32, #tpu.memory_space<hbm>>
      tpu.enqueue_dma source(%dma_start3A_576 : memref<32xf32, #tpu.memory_space<hbm>>) target(%dma_start3A_573 : memref<32xf32, #tpu.memory_space<vmem>>) target_semaphore(%arg9 : memref<!tpu.dma_semaphore, #tpu.memory_space<semaphore_mem>>)
      %slice3A_577 = vector.extract_strided_slice %get3A_542 {offsets = [2], sizes = [1], strides = [1]} : vector<16xi32> to vector<1xi32>
      %squeeze3A_578 = vector.extract %slice3A_577[0] : i32 from vector<1xi32>
      %dma_start3A_579 = arith.constant 2 : i32
      %dma_start3A_580 = arith.constant 0 : i32
      %dma_start3A_581 = tpu.memref_slice %arg6[%and3A_538, %dma_start3A_579, %dma_start3A_580] : memref<8x26x32xf32, #tpu.memory_space<vmem>> -> memref<1x1x32xf32, #tpu.memory_space<vmem>>
      %dma_start3A_582 = tpu.memref_squeeze %dma_start3A_581 : memref<1x1x32xf32, #tpu.memory_space<vmem>> -> memref<32xf32, #tpu.memory_space<vmem>>
      %dma_start3A_583 = arith.constant 0 : i32
      %dma_start3A_584 = tpu.memref_slice %arg3[%squeeze3A_578, %dma_start3A_583] : memref<1000000x32xf32, #tpu.memory_space<hbm>> -> memref<1x32xf32, #tpu.memory_space<hbm>>
      %dma_start3A_585 = tpu.memref_squeeze %dma_start3A_584 : memref<1x32xf32, #tpu.memory_space<hbm>> -> memref<32xf32, #tpu.memory_space<hbm>>
      %dma_start3A_586 = arith.constant 0 : i32
      %dma_start3A_587 = tpu.memref_slice %arg6[%and3A_538, %dma_start3A_579, %dma_start3A_586] : memref<8x26x32xf32, #tpu.memory_space<vmem>> -> memref<1x1x32xf32, #tpu.memory_space<vmem>>
      %dma_start3A_588 = tpu.memref_squeeze %dma_start3A_587 : memref<1x1x32xf32, #tpu.memory_space<vmem>> -> memref<32xf32, #tpu.memory_space<vmem>>
      %dma_start3A_589 = arith.constant 0 : i32
      %dma_start3A_590 = tpu.memref_slice %arg3[%squeeze3A_578, %dma_start3A_589] : memref<1000000x32xf32, #tpu.memory_space<hbm>> -> memref<1x32xf32, #tpu.memory_space<hbm>>
      %dma_start3A_591 = tpu.memref_squeeze %dma_start3A_590 : memref<1x32xf32, #tpu.memory_space<hbm>> -> memref<32xf32, #tpu.memory_space<hbm>>
      tpu.enqueue_dma source(%dma_start3A_591 : memref<32xf32, #tpu.memory_space<hbm>>) target(%dma_start3A_588 : memref<32xf32, #tpu.memory_space<vmem>>) target_semaphore(%arg9 : memref<!tpu.dma_semaphore, #tpu.memory_space<semaphore_mem>>)
      %slice3A_592 = vector.extract_strided_slice %get3A_542 {offsets = [3], sizes = [1], strides = [1]} : vector<16xi32> to vector<1xi32>
      %squeeze3A_593 = vector.extract %slice3A_592[0] : i32 from vector<1xi32>
      %dma_start3A_594 = arith.constant 3 : i32
      %dma_start3A_595 = arith.constant 0 : i32
      %dma_start3A_596 = tpu.memref_slice %arg6[%and3A_538, %dma_start3A_594, %dma_start3A_595] : memref<8x26x32xf32, #tpu.memory_space<vmem>> -> memref<1x1x32xf32, #tpu.memory_space<vmem>>
      %dma_start3A_597 = tpu.memref_squeeze %dma_start3A_596 : memref<1x1x32xf32, #tpu.memory_space<vmem>> -> memref<32xf32, #tpu.memory_space<vmem>>
      %dma_start3A_598 = arith.constant 0 : i32
      %dma_start3A_599 = tpu.memref_slice %arg3[%squeeze3A_593, %dma_start3A_598] : memref<1000000x32xf32, #tpu.memory_space<hbm>> -> memref<1x32xf32, #tpu.memory_space<hbm>>
      %dma_start3A_600 = tpu.memref_squeeze %dma_start3A_599 : memref<1x32xf32, #tpu.memory_space<hbm>> -> memref<32xf32, #tpu.memory_space<hbm>>
      %dma_start3A_601 = arith.constant 0 : i32
      %dma_start3A_602 = tpu.memref_slice %arg6[%and3A_538, %dma_start3A_594, %dma_start3A_601] : memref<8x26x32xf32, #tpu.memory_space<vmem>> -> memref<1x1x32xf32, #tpu.memory_space<vmem>>
      %dma_start3A_603 = tpu.memref_squeeze %dma_start3A_602 : memref<1x1x32xf32, #tpu.memory_space<vmem>> -> memref<32xf32, #tpu.memory_space<vmem>>
      %dma_start3A_604 = arith.constant 0 : i32
      %dma_start3A_605 = tpu.memref_slice %arg3[%squeeze3A_593, %dma_start3A_604] : memref<1000000x32xf32, #tpu.memory_space<hbm>> -> memref<1x32xf32, #tpu.memory_space<hbm>>
      %dma_start3A_606 = tpu.memref_squeeze %dma_start3A_605 : memref<1x32xf32, #tpu.memory_space<hbm>> -> memref<32xf32, #tpu.memory_space<hbm>>
      tpu.enqueue_dma source(%dma_start3A_606 : memref<32xf32, #tpu.memory_space<hbm>>) target(%dma_start3A_603 : memref<32xf32, #tpu.memory_space<vmem>>) target_semaphore(%arg9 : memref<!tpu.dma_semaphore, #tpu.memory_space<semaphore_mem>>)
      %slice3A_607 = vector.extract_strided_slice %get3A_542 {offsets = [4], sizes = [1], strides = [1]} : vector<16xi32> to vector<1xi32>
      %squeeze3A_608 = vector.extract %slice3A_607[0] : i32 from vector<1xi32>
      %dma_start3A_609 = arith.constant 4 : i32
      %dma_start3A_610 = arith.constant 0 : i32
      %dma_start3A_611 = tpu.memref_slice %arg6[%and3A_538, %dma_start3A_609, %dma_start3A_610] : memref<8x26x32xf32, #tpu.memory_space<vmem>> -> memref<1x1x32xf32, #tpu.memory_space<vmem>>
      %dma_start3A_612 = tpu.memref_squeeze %dma_start3A_611 : memref<1x1x32xf32, #tpu.memory_space<vmem>> -> memref<32xf32, #tpu.memory_space<vmem>>
      %dma_start3A_613 = arith.constant 0 : i32
      %dma_start3A_614 = tpu.memref_slice %arg3[%squeeze3A_608, %dma_start3A_613] : memref<1000000x32xf32, #tpu.memory_space<hbm>> -> memref<1x32xf32, #tpu.memory_space<hbm>>
      %dma_start3A_615 = tpu.memref_squeeze %dma_start3A_614 : memref<1x32xf32, #tpu.memory_space<hbm>> -> memref<32xf32, #tpu.memory_space<hbm>>
      %dma_start3A_616 = arith.constant 0 : i32
      %dma_start3A_617 = tpu.memref_slice %arg6[%and3A_538, %dma_start3A_609, %dma_start3A_616] : memref<8x26x32xf32, #tpu.memory_space<vmem>> -> memref<1x1x32xf32, #tpu.memory_space<vmem>>
      %dma_start3A_618 = tpu.memref_squeeze %dma_start3A_617 : memref<1x1x32xf32, #tpu.memory_space<vmem>> -> memref<32xf32, #tpu.memory_space<vmem>>
      %dma_start3A_619 = arith.constant 0 : i32
      %dma_start3A_620 = tpu.memref_slice %arg3[%squeeze3A_608, %dma_start3A_619] : memref<1000000x32xf32, #tpu.memory_space<hbm>> -> memref<1x32xf32, #tpu.memory_space<hbm>>
      %dma_start3A_621 = tpu.memref_squeeze %dma_start3A_620 : memref<1x32xf32, #tpu.memory_space<hbm>> -> memref<32xf32, #tpu.memory_space<hbm>>
      tpu.enqueue_dma source(%dma_start3A_621 : memref<32xf32, #tpu.memory_space<hbm>>) target(%dma_start3A_618 : memref<32xf32, #tpu.memory_space<vmem>>) target_semaphore(%arg9 : memref<!tpu.dma_semaphore, #tpu.memory_space<semaphore_mem>>)
      %slice3A_622 = vector.extract_strided_slice %get3A_542 {offsets = [5], sizes = [1], strides = [1]} : vector<16xi32> to vector<1xi32>
      %squeeze3A_623 = vector.extract %slice3A_622[0] : i32 from vector<1xi32>
      %dma_start3A_624 = arith.constant 5 : i32
      %dma_start3A_625 = arith.constant 0 : i32
      %dma_start3A_626 = tpu.memref_slice %arg6[%and3A_538, %dma_start3A_624, %dma_start3A_625] : memref<8x26x32xf32, #tpu.memory_space<vmem>> -> memref<1x1x32xf32, #tpu.memory_space<vmem>>
      %dma_start3A_627 = tpu.memref_squeeze %dma_start3A_626 : memref<1x1x32xf32, #tpu.memory_space<vmem>> -> memref<32xf32, #tpu.memory_space<vmem>>
      %dma_start3A_628 = arith.constant 0 : i32
      %dma_start3A_629 = tpu.memref_slice %arg3[%squeeze3A_623, %dma_start3A_628] : memref<1000000x32xf32, #tpu.memory_space<hbm>> -> memref<1x32xf32, #tpu.memory_space<hbm>>
      %dma_start3A_630 = tpu.memref_squeeze %dma_start3A_629 : memref<1x32xf32, #tpu.memory_space<hbm>> -> memref<32xf32, #tpu.memory_space<hbm>>
      %dma_start3A_631 = arith.constant 0 : i32
      %dma_start3A_632 = tpu.memref_slice %arg6[%and3A_538, %dma_start3A_624, %dma_start3A_631] : memref<8x26x32xf32, #tpu.memory_space<vmem>> -> memref<1x1x32xf32, #tpu.memory_space<vmem>>
      %dma_start3A_633 = tpu.memref_squeeze %dma_start3A_632 : memref<1x1x32xf32, #tpu.memory_space<vmem>> -> memref<32xf32, #tpu.memory_space<vmem>>
      %dma_start3A_634 = arith.constant 0 : i32
      %dma_start3A_635 = tpu.memref_slice %arg3[%squeeze3A_623, %dma_start3A_634] : memref<1000000x32xf32, #tpu.memory_space<hbm>> -> memref<1x32xf32, #tpu.memory_space<hbm>>
      %dma_start3A_636 = tpu.memref_squeeze %dma_start3A_635 : memref<1x32xf32, #tpu.memory_space<hbm>> -> memref<32xf32, #tpu.memory_space<hbm>>
      tpu.enqueue_dma source(%dma_start3A_636 : memref<32xf32, #tpu.memory_space<hbm>>) target(%dma_start3A_633 : memref<32xf32, #tpu.memory_space<vmem>>) target_semaphore(%arg9 : memref<!tpu.dma_semaphore, #tpu.memory_space<semaphore_mem>>)
      %slice3A_637 = vector.extract_strided_slice %get3A_542 {offsets = [6], sizes = [1], strides = [1]} : vector<16xi32> to vector<1xi32>
      %squeeze3A_638 = vector.extract %slice3A_637[0] : i32 from vector<1xi32>
      %dma_start3A_639 = arith.constant 6 : i32
      %dma_start3A_640 = arith.constant 0 : i32
      %dma_start3A_641 = tpu.memref_slice %arg6[%and3A_538, %dma_start3A_639, %dma_start3A_640] : memref<8x26x32xf32, #tpu.memory_space<vmem>> -> memref<1x1x32xf32, #tpu.memory_space<vmem>>
      %dma_start3A_642 = tpu.memref_squeeze %dma_start3A_641 : memref<1x1x32xf32, #tpu.memory_space<vmem>> -> memref<32xf32, #tpu.memory_space<vmem>>
      %dma_start3A_643 = arith.constant 0 : i32
      %dma_start3A_644 = tpu.memref_slice %arg3[%squeeze3A_638, %dma_start3A_643] : memref<1000000x32xf32, #tpu.memory_space<hbm>> -> memref<1x32xf32, #tpu.memory_space<hbm>>
      %dma_start3A_645 = tpu.memref_squeeze %dma_start3A_644 : memref<1x32xf32, #tpu.memory_space<hbm>> -> memref<32xf32, #tpu.memory_space<hbm>>
      %dma_start3A_646 = arith.constant 0 : i32
      %dma_start3A_647 = tpu.memref_slice %arg6[%and3A_538, %dma_start3A_639, %dma_start3A_646] : memref<8x26x32xf32, #tpu.memory_space<vmem>> -> memref<1x1x32xf32, #tpu.memory_space<vmem>>
      %dma_start3A_648 = tpu.memref_squeeze %dma_start3A_647 : memref<1x1x32xf32, #tpu.memory_space<vmem>> -> memref<32xf32, #tpu.memory_space<vmem>>
      %dma_start3A_649 = arith.constant 0 : i32
      %dma_start3A_650 = tpu.memref_slice %arg3[%squeeze3A_638, %dma_start3A_649] : memref<1000000x32xf32, #tpu.memory_space<hbm>> -> memref<1x32xf32, #tpu.memory_space<hbm>>
      %dma_start3A_651 = tpu.memref_squeeze %dma_start3A_650 : memref<1x32xf32, #tpu.memory_space<hbm>> -> memref<32xf32, #tpu.memory_space<hbm>>
      tpu.enqueue_dma source(%dma_start3A_651 : memref<32xf32, #tpu.memory_space<hbm>>) target(%dma_start3A_648 : memref<32xf32, #tpu.memory_space<vmem>>) target_semaphore(%arg9 : memref<!tpu.dma_semaphore, #tpu.memory_space<semaphore_mem>>)
      %slice3A_652 = vector.extract_strided_slice %get3A_542 {offsets = [7], sizes = [1], strides = [1]} : vector<16xi32> to vector<1xi32>
      %squeeze3A_653 = vector.extract %slice3A_652[0] : i32 from vector<1xi32>
      %dma_start3A_654 = arith.constant 7 : i32
      %dma_start3A_655 = arith.constant 0 : i32
      %dma_start3A_656 = tpu.memref_slice %arg6[%and3A_538, %dma_start3A_654, %dma_start3A_655] : memref<8x26x32xf32, #tpu.memory_space<vmem>> -> memref<1x1x32xf32, #tpu.memory_space<vmem>>
      %dma_start3A_657 = tpu.memref_squeeze %dma_start3A_656 : memref<1x1x32xf32, #tpu.memory_space<vmem>> -> memref<32xf32, #tpu.memory_space<vmem>>
      %dma_start3A_658 = arith.constant 0 : i32
      %dma_start3A_659 = tpu.memref_slice %arg3[%squeeze3A_653, %dma_start3A_658] : memref<1000000x32xf32, #tpu.memory_space<hbm>> -> memref<1x32xf32, #tpu.memory_space<hbm>>
      %dma_start3A_660 = tpu.memref_squeeze %dma_start3A_659 : memref<1x32xf32, #tpu.memory_space<hbm>> -> memref<32xf32, #tpu.memory_space<hbm>>
      %dma_start3A_661 = arith.constant 0 : i32
      %dma_start3A_662 = tpu.memref_slice %arg6[%and3A_538, %dma_start3A_654, %dma_start3A_661] : memref<8x26x32xf32, #tpu.memory_space<vmem>> -> memref<1x1x32xf32, #tpu.memory_space<vmem>>
      %dma_start3A_663 = tpu.memref_squeeze %dma_start3A_662 : memref<1x1x32xf32, #tpu.memory_space<vmem>> -> memref<32xf32, #tpu.memory_space<vmem>>
      %dma_start3A_664 = arith.constant 0 : i32
      %dma_start3A_665 = tpu.memref_slice %arg3[%squeeze3A_653, %dma_start3A_664] : memref<1000000x32xf32, #tpu.memory_space<hbm>> -> memref<1x32xf32, #tpu.memory_space<hbm>>
      %dma_start3A_666 = tpu.memref_squeeze %dma_start3A_665 : memref<1x32xf32, #tpu.memory_space<hbm>> -> memref<32xf32, #tpu.memory_space<hbm>>
      tpu.enqueue_dma source(%dma_start3A_666 : memref<32xf32, #tpu.memory_space<hbm>>) target(%dma_start3A_663 : memref<32xf32, #tpu.memory_space<vmem>>) target_semaphore(%arg9 : memref<!tpu.dma_semaphore, #tpu.memory_space<semaphore_mem>>)
      %slice3A_667 = vector.extract_strided_slice %get3A_542 {offsets = [8], sizes = [1], strides = [1]} : vector<16xi32> to vector<1xi32>
      %squeeze3A_668 = vector.extract %slice3A_667[0] : i32 from vector<1xi32>
      %dma_start3A_669 = arith.constant 8 : i32
      %dma_start3A_670 = arith.constant 0 : i32
      %dma_start3A_671 = tpu.memref_slice %arg6[%and3A_538, %dma_start3A_669, %dma_start3A_670] : memref<8x26x32xf32, #tpu.memory_space<vmem>> -> memref<1x1x32xf32, #tpu.memory_space<vmem>>
      %dma_start3A_672 = tpu.memref_squeeze %dma_start3A_671 : memref<1x1x32xf32, #tpu.memory_space<vmem>> -> memref<32xf32, #tpu.memory_space<vmem>>
      %dma_start3A_673 = arith.constant 0 : i32
      %dma_start3A_674 = tpu.memref_slice %arg3[%squeeze3A_668, %dma_start3A_673] : memref<1000000x32xf32, #tpu.memory_space<hbm>> -> memref<1x32xf32, #tpu.memory_space<hbm>>
      %dma_start3A_675 = tpu.memref_squeeze %dma_start3A_674 : memref<1x32xf32, #tpu.memory_space<hbm>> -> memref<32xf32, #tpu.memory_space<hbm>>
      %dma_start3A_676 = arith.constant 0 : i32
      %dma_start3A_677 = tpu.memref_slice %arg6[%and3A_538, %dma_start3A_669, %dma_start3A_676] : memref<8x26x32xf32, #tpu.memory_space<vmem>> -> memref<1x1x32xf32, #tpu.memory_space<vmem>>
      %dma_start3A_678 = tpu.memref_squeeze %dma_start3A_677 : memref<1x1x32xf32, #tpu.memory_space<vmem>> -> memref<32xf32, #tpu.memory_space<vmem>>
      %dma_start3A_679 = arith.constant 0 : i32
      %dma_start3A_680 = tpu.memref_slice %arg3[%squeeze3A_668, %dma_start3A_679] : memref<1000000x32xf32, #tpu.memory_space<hbm>> -> memref<1x32xf32, #tpu.memory_space<hbm>>
      %dma_start3A_681 = tpu.memref_squeeze %dma_start3A_680 : memref<1x32xf32, #tpu.memory_space<hbm>> -> memref<32xf32, #tpu.memory_space<hbm>>
      tpu.enqueue_dma source(%dma_start3A_681 : memref<32xf32, #tpu.memory_space<hbm>>) target(%dma_start3A_678 : memref<32xf32, #tpu.memory_space<vmem>>) target_semaphore(%arg9 : memref<!tpu.dma_semaphore, #tpu.memory_space<semaphore_mem>>)
      %slice3A_682 = vector.extract_strided_slice %get3A_542 {offsets = [9], sizes = [1], strides = [1]} : vector<16xi32> to vector<1xi32>
      %squeeze3A_683 = vector.extract %slice3A_682[0] : i32 from vector<1xi32>
      %dma_start3A_684 = arith.constant 9 : i32
      %dma_start3A_685 = arith.constant 0 : i32
      %dma_start3A_686 = tpu.memref_slice %arg6[%and3A_538, %dma_start3A_684, %dma_start3A_685] : memref<8x26x32xf32, #tpu.memory_space<vmem>> -> memref<1x1x32xf32, #tpu.memory_space<vmem>>
      %dma_start3A_687 = tpu.memref_squeeze %dma_start3A_686 : memref<1x1x32xf32, #tpu.memory_space<vmem>> -> memref<32xf32, #tpu.memory_space<vmem>>
      %dma_start3A_688 = arith.constant 0 : i32
      %dma_start3A_689 = tpu.memref_slice %arg3[%squeeze3A_683, %dma_start3A_688] : memref<1000000x32xf32, #tpu.memory_space<hbm>> -> memref<1x32xf32, #tpu.memory_space<hbm>>
      %dma_start3A_690 = tpu.memref_squeeze %dma_start3A_689 : memref<1x32xf32, #tpu.memory_space<hbm>> -> memref<32xf32, #tpu.memory_space<hbm>>
      %dma_start3A_691 = arith.constant 0 : i32
      %dma_start3A_692 = tpu.memref_slice %arg6[%and3A_538, %dma_start3A_684, %dma_start3A_691] : memref<8x26x32xf32, #tpu.memory_space<vmem>> -> memref<1x1x32xf32, #tpu.memory_space<vmem>>
      %dma_start3A_693 = tpu.memref_squeeze %dma_start3A_692 : memref<1x1x32xf32, #tpu.memory_space<vmem>> -> memref<32xf32, #tpu.memory_space<vmem>>
      %dma_start3A_694 = arith.constant 0 : i32
      %dma_start3A_695 = tpu.memref_slice %arg3[%squeeze3A_683, %dma_start3A_694] : memref<1000000x32xf32, #tpu.memory_space<hbm>> -> memref<1x32xf32, #tpu.memory_space<hbm>>
      %dma_start3A_696 = tpu.memref_squeeze %dma_start3A_695 : memref<1x32xf32, #tpu.memory_space<hbm>> -> memref<32xf32, #tpu.memory_space<hbm>>
      tpu.enqueue_dma source(%dma_start3A_696 : memref<32xf32, #tpu.memory_space<hbm>>) target(%dma_start3A_693 : memref<32xf32, #tpu.memory_space<vmem>>) target_semaphore(%arg9 : memref<!tpu.dma_semaphore, #tpu.memory_space<semaphore_mem>>)
      %slice3A_697 = vector.extract_strided_slice %get3A_542 {offsets = [10], sizes = [1], strides = [1]} : vector<16xi32> to vector<1xi32>
      %squeeze3A_698 = vector.extract %slice3A_697[0] : i32 from vector<1xi32>
      %dma_start3A_699 = arith.constant 10 : i32
      %dma_start3A_700 = arith.constant 0 : i32
      %dma_start3A_701 = tpu.memref_slice %arg6[%and3A_538, %dma_start3A_699, %dma_start3A_700] : memref<8x26x32xf32, #tpu.memory_space<vmem>> -> memref<1x1x32xf32, #tpu.memory_space<vmem>>
      %dma_start3A_702 = tpu.memref_squeeze %dma_start3A_701 : memref<1x1x32xf32, #tpu.memory_space<vmem>> -> memref<32xf32, #tpu.memory_space<vmem>>
      %dma_start3A_703 = arith.constant 0 : i32
      %dma_start3A_704 = tpu.memref_slice %arg3[%squeeze3A_698, %dma_start3A_703] : memref<1000000x32xf32, #tpu.memory_space<hbm>> -> memref<1x32xf32, #tpu.memory_space<hbm>>
      %dma_start3A_705 = tpu.memref_squeeze %dma_start3A_704 : memref<1x32xf32, #tpu.memory_space<hbm>> -> memref<32xf32, #tpu.memory_space<hbm>>
      %dma_start3A_706 = arith.constant 0 : i32
      %dma_start3A_707 = tpu.memref_slice %arg6[%and3A_538, %dma_start3A_699, %dma_start3A_706] : memref<8x26x32xf32, #tpu.memory_space<vmem>> -> memref<1x1x32xf32, #tpu.memory_space<vmem>>
      %dma_start3A_708 = tpu.memref_squeeze %dma_start3A_707 : memref<1x1x32xf32, #tpu.memory_space<vmem>> -> memref<32xf32, #tpu.memory_space<vmem>>
      %dma_start3A_709 = arith.constant 0 : i32
      %dma_start3A_710 = tpu.memref_slice %arg3[%squeeze3A_698, %dma_start3A_709] : memref<1000000x32xf32, #tpu.memory_space<hbm>> -> memref<1x32xf32, #tpu.memory_space<hbm>>
      %dma_start3A_711 = tpu.memref_squeeze %dma_start3A_710 : memref<1x32xf32, #tpu.memory_space<hbm>> -> memref<32xf32, #tpu.memory_space<hbm>>
      tpu.enqueue_dma source(%dma_start3A_711 : memref<32xf32, #tpu.memory_space<hbm>>) target(%dma_start3A_708 : memref<32xf32, #tpu.memory_space<vmem>>) target_semaphore(%arg9 : memref<!tpu.dma_semaphore, #tpu.memory_space<semaphore_mem>>)
      %slice3A_712 = vector.extract_strided_slice %get3A_542 {offsets = [11], sizes = [1], strides = [1]} : vector<16xi32> to vector<1xi32>
      %squeeze3A_713 = vector.extract %slice3A_712[0] : i32 from vector<1xi32>
      %dma_start3A_714 = arith.constant 11 : i32
      %dma_start3A_715 = arith.constant 0 : i32
      %dma_start3A_716 = tpu.memref_slice %arg6[%and3A_538, %dma_start3A_714, %dma_start3A_715] : memref<8x26x32xf32, #tpu.memory_space<vmem>> -> memref<1x1x32xf32, #tpu.memory_space<vmem>>
      %dma_start3A_717 = tpu.memref_squeeze %dma_start3A_716 : memref<1x1x32xf32, #tpu.memory_space<vmem>> -> memref<32xf32, #tpu.memory_space<vmem>>
      %dma_start3A_718 = arith.constant 0 : i32
      %dma_start3A_719 = tpu.memref_slice %arg3[%squeeze3A_713, %dma_start3A_718] : memref<1000000x32xf32, #tpu.memory_space<hbm>> -> memref<1x32xf32, #tpu.memory_space<hbm>>
      %dma_start3A_720 = tpu.memref_squeeze %dma_start3A_719 : memref<1x32xf32, #tpu.memory_space<hbm>> -> memref<32xf32, #tpu.memory_space<hbm>>
      %dma_start3A_721 = arith.constant 0 : i32
      %dma_start3A_722 = tpu.memref_slice %arg6[%and3A_538, %dma_start3A_714, %dma_start3A_721] : memref<8x26x32xf32, #tpu.memory_space<vmem>> -> memref<1x1x32xf32, #tpu.memory_space<vmem>>
      %dma_start3A_723 = tpu.memref_squeeze %dma_start3A_722 : memref<1x1x32xf32, #tpu.memory_space<vmem>> -> memref<32xf32, #tpu.memory_space<vmem>>
      %dma_start3A_724 = arith.constant 0 : i32
      %dma_start3A_725 = tpu.memref_slice %arg3[%squeeze3A_713, %dma_start3A_724] : memref<1000000x32xf32, #tpu.memory_space<hbm>> -> memref<1x32xf32, #tpu.memory_space<hbm>>
      %dma_start3A_726 = tpu.memref_squeeze %dma_start3A_725 : memref<1x32xf32, #tpu.memory_space<hbm>> -> memref<32xf32, #tpu.memory_space<hbm>>
      tpu.enqueue_dma source(%dma_start3A_726 : memref<32xf32, #tpu.memory_space<hbm>>) target(%dma_start3A_723 : memref<32xf32, #tpu.memory_space<vmem>>) target_semaphore(%arg9 : memref<!tpu.dma_semaphore, #tpu.memory_space<semaphore_mem>>)
      %slice3A_727 = vector.extract_strided_slice %get3A_542 {offsets = [12], sizes = [1], strides = [1]} : vector<16xi32> to vector<1xi32>
      %squeeze3A_728 = vector.extract %slice3A_727[0] : i32 from vector<1xi32>
      %dma_start3A_729 = arith.constant 12 : i32
      %dma_start3A_730 = arith.constant 0 : i32
      %dma_start3A_731 = tpu.memref_slice %arg6[%and3A_538, %dma_start3A_729, %dma_start3A_730] : memref<8x26x32xf32, #tpu.memory_space<vmem>> -> memref<1x1x32xf32, #tpu.memory_space<vmem>>
      %dma_start3A_732 = tpu.memref_squeeze %dma_start3A_731 : memref<1x1x32xf32, #tpu.memory_space<vmem>> -> memref<32xf32, #tpu.memory_space<vmem>>
      %dma_start3A_733 = arith.constant 0 : i32
      %dma_start3A_734 = tpu.memref_slice %arg3[%squeeze3A_728, %dma_start3A_733] : memref<1000000x32xf32, #tpu.memory_space<hbm>> -> memref<1x32xf32, #tpu.memory_space<hbm>>
      %dma_start3A_735 = tpu.memref_squeeze %dma_start3A_734 : memref<1x32xf32, #tpu.memory_space<hbm>> -> memref<32xf32, #tpu.memory_space<hbm>>
      %dma_start3A_736 = arith.constant 0 : i32
      %dma_start3A_737 = tpu.memref_slice %arg6[%and3A_538, %dma_start3A_729, %dma_start3A_736] : memref<8x26x32xf32, #tpu.memory_space<vmem>> -> memref<1x1x32xf32, #tpu.memory_space<vmem>>
      %dma_start3A_738 = tpu.memref_squeeze %dma_start3A_737 : memref<1x1x32xf32, #tpu.memory_space<vmem>> -> memref<32xf32, #tpu.memory_space<vmem>>
      %dma_start3A_739 = arith.constant 0 : i32
      %dma_start3A_740 = tpu.memref_slice %arg3[%squeeze3A_728, %dma_start3A_739] : memref<1000000x32xf32, #tpu.memory_space<hbm>> -> memref<1x32xf32, #tpu.memory_space<hbm>>
      %dma_start3A_741 = tpu.memref_squeeze %dma_start3A_740 : memref<1x32xf32, #tpu.memory_space<hbm>> -> memref<32xf32, #tpu.memory_space<hbm>>
      tpu.enqueue_dma source(%dma_start3A_741 : memref<32xf32, #tpu.memory_space<hbm>>) target(%dma_start3A_738 : memref<32xf32, #tpu.memory_space<vmem>>) target_semaphore(%arg9 : memref<!tpu.dma_semaphore, #tpu.memory_space<semaphore_mem>>)
      %slice3A_742 = vector.extract_strided_slice %get3A_542 {offsets = [13], sizes = [1], strides = [1]} : vector<16xi32> to vector<1xi32>
      %squeeze3A_743 = vector.extract %slice3A_742[0] : i32 from vector<1xi32>
      %dma_start3A_744 = arith.constant 13 : i32
      %dma_start3A_745 = arith.constant 0 : i32
      %dma_start3A_746 = tpu.memref_slice %arg6[%and3A_538, %dma_start3A_744, %dma_start3A_745] : memref<8x26x32xf32, #tpu.memory_space<vmem>> -> memref<1x1x32xf32, #tpu.memory_space<vmem>>
      %dma_start3A_747 = tpu.memref_squeeze %dma_start3A_746 : memref<1x1x32xf32, #tpu.memory_space<vmem>> -> memref<32xf32, #tpu.memory_space<vmem>>
      %dma_start3A_748 = arith.constant 0 : i32
      %dma_start3A_749 = tpu.memref_slice %arg3[%squeeze3A_743, %dma_start3A_748] : memref<1000000x32xf32, #tpu.memory_space<hbm>> -> memref<1x32xf32, #tpu.memory_space<hbm>>
      %dma_start3A_750 = tpu.memref_squeeze %dma_start3A_749 : memref<1x32xf32, #tpu.memory_space<hbm>> -> memref<32xf32, #tpu.memory_space<hbm>>
      %dma_start3A_751 = arith.constant 0 : i32
      %dma_start3A_752 = tpu.memref_slice %arg6[%and3A_538, %dma_start3A_744, %dma_start3A_751] : memref<8x26x32xf32, #tpu.memory_space<vmem>> -> memref<1x1x32xf32, #tpu.memory_space<vmem>>
      %dma_start3A_753 = tpu.memref_squeeze %dma_start3A_752 : memref<1x1x32xf32, #tpu.memory_space<vmem>> -> memref<32xf32, #tpu.memory_space<vmem>>
      %dma_start3A_754 = arith.constant 0 : i32
      %dma_start3A_755 = tpu.memref_slice %arg3[%squeeze3A_743, %dma_start3A_754] : memref<1000000x32xf32, #tpu.memory_space<hbm>> -> memref<1x32xf32, #tpu.memory_space<hbm>>
      %dma_start3A_756 = tpu.memref_squeeze %dma_start3A_755 : memref<1x32xf32, #tpu.memory_space<hbm>> -> memref<32xf32, #tpu.memory_space<hbm>>
      tpu.enqueue_dma source(%dma_start3A_756 : memref<32xf32, #tpu.memory_space<hbm>>) target(%dma_start3A_753 : memref<32xf32, #tpu.memory_space<vmem>>) target_semaphore(%arg9 : memref<!tpu.dma_semaphore, #tpu.memory_space<semaphore_mem>>)
      %slice3A_757 = vector.extract_strided_slice %get3A_542 {offsets = [14], sizes = [1], strides = [1]} : vector<16xi32> to vector<1xi32>
      %squeeze3A_758 = vector.extract %slice3A_757[0] : i32 from vector<1xi32>
      %dma_start3A_759 = arith.constant 14 : i32
      %dma_start3A_760 = arith.constant 0 : i32
      %dma_start3A_761 = tpu.memref_slice %arg6[%and3A_538, %dma_start3A_759, %dma_start3A_760] : memref<8x26x32xf32, #tpu.memory_space<vmem>> -> memref<1x1x32xf32, #tpu.memory_space<vmem>>
      %dma_start3A_762 = tpu.memref_squeeze %dma_start3A_761 : memref<1x1x32xf32, #tpu.memory_space<vmem>> -> memref<32xf32, #tpu.memory_space<vmem>>
      %dma_start3A_763 = arith.constant 0 : i32
      %dma_start3A_764 = tpu.memref_slice %arg3[%squeeze3A_758, %dma_start3A_763] : memref<1000000x32xf32, #tpu.memory_space<hbm>> -> memref<1x32xf32, #tpu.memory_space<hbm>>
      %dma_start3A_765 = tpu.memref_squeeze %dma_start3A_764 : memref<1x32xf32, #tpu.memory_space<hbm>> -> memref<32xf32, #tpu.memory_space<hbm>>
      %dma_start3A_766 = arith.constant 0 : i32
      %dma_start3A_767 = tpu.memref_slice %arg6[%and3A_538, %dma_start3A_759, %dma_start3A_766] : memref<8x26x32xf32, #tpu.memory_space<vmem>> -> memref<1x1x32xf32, #tpu.memory_space<vmem>>
      %dma_start3A_768 = tpu.memref_squeeze %dma_start3A_767 : memref<1x1x32xf32, #tpu.memory_space<vmem>> -> memref<32xf32, #tpu.memory_space<vmem>>
      %dma_start3A_769 = arith.constant 0 : i32
      %dma_start3A_770 = tpu.memref_slice %arg3[%squeeze3A_758, %dma_start3A_769] : memref<1000000x32xf32, #tpu.memory_space<hbm>> -> memref<1x32xf32, #tpu.memory_space<hbm>>
      %dma_start3A_771 = tpu.memref_squeeze %dma_start3A_770 : memref<1x32xf32, #tpu.memory_space<hbm>> -> memref<32xf32, #tpu.memory_space<hbm>>
      tpu.enqueue_dma source(%dma_start3A_771 : memref<32xf32, #tpu.memory_space<hbm>>) target(%dma_start3A_768 : memref<32xf32, #tpu.memory_space<vmem>>) target_semaphore(%arg9 : memref<!tpu.dma_semaphore, #tpu.memory_space<semaphore_mem>>)
      %slice3A_772 = vector.extract_strided_slice %get3A_542 {offsets = [15], sizes = [1], strides = [1]} : vector<16xi32> to vector<1xi32>
      %squeeze3A_773 = vector.extract %slice3A_772[0] : i32 from vector<1xi32>
      %dma_start3A_774 = arith.constant 15 : i32
      %dma_start3A_775 = arith.constant 0 : i32
      %dma_start3A_776 = tpu.memref_slice %arg6[%and3A_538, %dma_start3A_774, %dma_start3A_775] : memref<8x26x32xf32, #tpu.memory_space<vmem>> -> memref<1x1x32xf32, #tpu.memory_space<vmem>>
      %dma_start3A_777 = tpu.memref_squeeze %dma_start3A_776 : memref<1x1x32xf32, #tpu.memory_space<vmem>> -> memref<32xf32, #tpu.memory_space<vmem>>
      %dma_start3A_778 = arith.constant 0 : i32
      %dma_start3A_779 = tpu.memref_slice %arg3[%squeeze3A_773, %dma_start3A_778] : memref<1000000x32xf32, #tpu.memory_space<hbm>> -> memref<1x32xf32, #tpu.memory_space<hbm>>
      %dma_start3A_780 = tpu.memref_squeeze %dma_start3A_779 : memref<1x32xf32, #tpu.memory_space<hbm>> -> memref<32xf32, #tpu.memory_space<hbm>>
      %dma_start3A_781 = arith.constant 0 : i32
      %dma_start3A_782 = tpu.memref_slice %arg6[%and3A_538, %dma_start3A_774, %dma_start3A_781] : memref<8x26x32xf32, #tpu.memory_space<vmem>> -> memref<1x1x32xf32, #tpu.memory_space<vmem>>
      %dma_start3A_783 = tpu.memref_squeeze %dma_start3A_782 : memref<1x1x32xf32, #tpu.memory_space<vmem>> -> memref<32xf32, #tpu.memory_space<vmem>>
      %dma_start3A_784 = arith.constant 0 : i32
      %dma_start3A_785 = tpu.memref_slice %arg3[%squeeze3A_773, %dma_start3A_784] : memref<1000000x32xf32, #tpu.memory_space<hbm>> -> memref<1x32xf32, #tpu.memory_space<hbm>>
      %dma_start3A_786 = tpu.memref_squeeze %dma_start3A_785 : memref<1x32xf32, #tpu.memory_space<hbm>> -> memref<32xf32, #tpu.memory_space<hbm>>
      tpu.enqueue_dma source(%dma_start3A_786 : memref<32xf32, #tpu.memory_space<hbm>>) target(%dma_start3A_783 : memref<32xf32, #tpu.memory_space<vmem>>) target_semaphore(%arg9 : memref<!tpu.dma_semaphore, #tpu.memory_space<semaphore_mem>>)
      %slice3A_787 = vector.extract_strided_slice %get3A_546 {offsets = [0], sizes = [1], strides = [1]} : vector<16xi32> to vector<1xi32>
      %squeeze3A_788 = vector.extract %slice3A_787[0] : i32 from vector<1xi32>
      %dma_start3A_789 = arith.constant 16 : i32
      %dma_start3A_790 = arith.constant 0 : i32
      %dma_start3A_791 = tpu.memref_slice %arg6[%and3A_538, %dma_start3A_789, %dma_start3A_790] : memref<8x26x32xf32, #tpu.memory_space<vmem>> -> memref<1x1x32xf32, #tpu.memory_space<vmem>>
      %dma_start3A_792 = tpu.memref_squeeze %dma_start3A_791 : memref<1x1x32xf32, #tpu.memory_space<vmem>> -> memref<32xf32, #tpu.memory_space<vmem>>
      %dma_start3A_793 = arith.constant 0 : i32
      %dma_start3A_794 = tpu.memref_slice %arg3[%squeeze3A_788, %dma_start3A_793] : memref<1000000x32xf32, #tpu.memory_space<hbm>> -> memref<1x32xf32, #tpu.memory_space<hbm>>
      %dma_start3A_795 = tpu.memref_squeeze %dma_start3A_794 : memref<1x32xf32, #tpu.memory_space<hbm>> -> memref<32xf32, #tpu.memory_space<hbm>>
      %dma_start3A_796 = arith.constant 0 : i32
      %dma_start3A_797 = tpu.memref_slice %arg6[%and3A_538, %dma_start3A_789, %dma_start3A_796] : memref<8x26x32xf32, #tpu.memory_space<vmem>> -> memref<1x1x32xf32, #tpu.memory_space<vmem>>
      %dma_start3A_798 = tpu.memref_squeeze %dma_start3A_797 : memref<1x1x32xf32, #tpu.memory_space<vmem>> -> memref<32xf32, #tpu.memory_space<vmem>>
      %dma_start3A_799 = arith.constant 0 : i32
      %dma_start3A_800 = tpu.memref_slice %arg3[%squeeze3A_788, %dma_start3A_799] : memref<1000000x32xf32, #tpu.memory_space<hbm>> -> memref<1x32xf32, #tpu.memory_space<hbm>>
      %dma_start3A_801 = tpu.memref_squeeze %dma_start3A_800 : memref<1x32xf32, #tpu.memory_space<hbm>> -> memref<32xf32, #tpu.memory_space<hbm>>
      tpu.enqueue_dma source(%dma_start3A_801 : memref<32xf32, #tpu.memory_space<hbm>>) target(%dma_start3A_798 : memref<32xf32, #tpu.memory_space<vmem>>) target_semaphore(%arg9 : memref<!tpu.dma_semaphore, #tpu.memory_space<semaphore_mem>>)
      %slice3A_802 = vector.extract_strided_slice %get3A_546 {offsets = [1], sizes = [1], strides = [1]} : vector<16xi32> to vector<1xi32>
      %squeeze3A_803 = vector.extract %slice3A_802[0] : i32 from vector<1xi32>
      %dma_start3A_804 = arith.constant 17 : i32
      %dma_start3A_805 = arith.constant 0 : i32
      %dma_start3A_806 = tpu.memref_slice %arg6[%and3A_538, %dma_start3A_804, %dma_start3A_805] : memref<8x26x32xf32, #tpu.memory_space<vmem>> -> memref<1x1x32xf32, #tpu.memory_space<vmem>>
      %dma_start3A_807 = tpu.memref_squeeze %dma_start3A_806 : memref<1x1x32xf32, #tpu.memory_space<vmem>> -> memref<32xf32, #tpu.memory_space<vmem>>
      %dma_start3A_808 = arith.constant 0 : i32
      %dma_start3A_809 = tpu.memref_slice %arg3[%squeeze3A_803, %dma_start3A_808] : memref<1000000x32xf32, #tpu.memory_space<hbm>> -> memref<1x32xf32, #tpu.memory_space<hbm>>
      %dma_start3A_810 = tpu.memref_squeeze %dma_start3A_809 : memref<1x32xf32, #tpu.memory_space<hbm>> -> memref<32xf32, #tpu.memory_space<hbm>>
      %dma_start3A_811 = arith.constant 0 : i32
      %dma_start3A_812 = tpu.memref_slice %arg6[%and3A_538, %dma_start3A_804, %dma_start3A_811] : memref<8x26x32xf32, #tpu.memory_space<vmem>> -> memref<1x1x32xf32, #tpu.memory_space<vmem>>
      %dma_start3A_813 = tpu.memref_squeeze %dma_start3A_812 : memref<1x1x32xf32, #tpu.memory_space<vmem>> -> memref<32xf32, #tpu.memory_space<vmem>>
      %dma_start3A_814 = arith.constant 0 : i32
      %dma_start3A_815 = tpu.memref_slice %arg3[%squeeze3A_803, %dma_start3A_814] : memref<1000000x32xf32, #tpu.memory_space<hbm>> -> memref<1x32xf32, #tpu.memory_space<hbm>>
      %dma_start3A_816 = tpu.memref_squeeze %dma_start3A_815 : memref<1x32xf32, #tpu.memory_space<hbm>> -> memref<32xf32, #tpu.memory_space<hbm>>
      tpu.enqueue_dma source(%dma_start3A_816 : memref<32xf32, #tpu.memory_space<hbm>>) target(%dma_start3A_813 : memref<32xf32, #tpu.memory_space<vmem>>) target_semaphore(%arg9 : memref<!tpu.dma_semaphore, #tpu.memory_space<semaphore_mem>>)
      %slice3A_817 = vector.extract_strided_slice %get3A_546 {offsets = [2], sizes = [1], strides = [1]} : vector<16xi32> to vector<1xi32>
      %squeeze3A_818 = vector.extract %slice3A_817[0] : i32 from vector<1xi32>
      %dma_start3A_819 = arith.constant 18 : i32
      %dma_start3A_820 = arith.constant 0 : i32
      %dma_start3A_821 = tpu.memref_slice %arg6[%and3A_538, %dma_start3A_819, %dma_start3A_820] : memref<8x26x32xf32, #tpu.memory_space<vmem>> -> memref<1x1x32xf32, #tpu.memory_space<vmem>>
      %dma_start3A_822 = tpu.memref_squeeze %dma_start3A_821 : memref<1x1x32xf32, #tpu.memory_space<vmem>> -> memref<32xf32, #tpu.memory_space<vmem>>
      %dma_start3A_823 = arith.constant 0 : i32
      %dma_start3A_824 = tpu.memref_slice %arg3[%squeeze3A_818, %dma_start3A_823] : memref<1000000x32xf32, #tpu.memory_space<hbm>> -> memref<1x32xf32, #tpu.memory_space<hbm>>
      %dma_start3A_825 = tpu.memref_squeeze %dma_start3A_824 : memref<1x32xf32, #tpu.memory_space<hbm>> -> memref<32xf32, #tpu.memory_space<hbm>>
      %dma_start3A_826 = arith.constant 0 : i32
      %dma_start3A_827 = tpu.memref_slice %arg6[%and3A_538, %dma_start3A_819, %dma_start3A_826] : memref<8x26x32xf32, #tpu.memory_space<vmem>> -> memref<1x1x32xf32, #tpu.memory_space<vmem>>
      %dma_start3A_828 = tpu.memref_squeeze %dma_start3A_827 : memref<1x1x32xf32, #tpu.memory_space<vmem>> -> memref<32xf32, #tpu.memory_space<vmem>>
      %dma_start3A_829 = arith.constant 0 : i32
      %dma_start3A_830 = tpu.memref_slice %arg3[%squeeze3A_818, %dma_start3A_829] : memref<1000000x32xf32, #tpu.memory_space<hbm>> -> memref<1x32xf32, #tpu.memory_space<hbm>>
      %dma_start3A_831 = tpu.memref_squeeze %dma_start3A_830 : memref<1x32xf32, #tpu.memory_space<hbm>> -> memref<32xf32, #tpu.memory_space<hbm>>
      tpu.enqueue_dma source(%dma_start3A_831 : memref<32xf32, #tpu.memory_space<hbm>>) target(%dma_start3A_828 : memref<32xf32, #tpu.memory_space<vmem>>) target_semaphore(%arg9 : memref<!tpu.dma_semaphore, #tpu.memory_space<semaphore_mem>>)
      %slice3A_832 = vector.extract_strided_slice %get3A_546 {offsets = [3], sizes = [1], strides = [1]} : vector<16xi32> to vector<1xi32>
      %squeeze3A_833 = vector.extract %slice3A_832[0] : i32 from vector<1xi32>
      %dma_start3A_834 = arith.constant 19 : i32
      %dma_start3A_835 = arith.constant 0 : i32
      %dma_start3A_836 = tpu.memref_slice %arg6[%and3A_538, %dma_start3A_834, %dma_start3A_835] : memref<8x26x32xf32, #tpu.memory_space<vmem>> -> memref<1x1x32xf32, #tpu.memory_space<vmem>>
      %dma_start3A_837 = tpu.memref_squeeze %dma_start3A_836 : memref<1x1x32xf32, #tpu.memory_space<vmem>> -> memref<32xf32, #tpu.memory_space<vmem>>
      %dma_start3A_838 = arith.constant 0 : i32
      %dma_start3A_839 = tpu.memref_slice %arg3[%squeeze3A_833, %dma_start3A_838] : memref<1000000x32xf32, #tpu.memory_space<hbm>> -> memref<1x32xf32, #tpu.memory_space<hbm>>
      %dma_start3A_840 = tpu.memref_squeeze %dma_start3A_839 : memref<1x32xf32, #tpu.memory_space<hbm>> -> memref<32xf32, #tpu.memory_space<hbm>>
      %dma_start3A_841 = arith.constant 0 : i32
      %dma_start3A_842 = tpu.memref_slice %arg6[%and3A_538, %dma_start3A_834, %dma_start3A_841] : memref<8x26x32xf32, #tpu.memory_space<vmem>> -> memref<1x1x32xf32, #tpu.memory_space<vmem>>
      %dma_start3A_843 = tpu.memref_squeeze %dma_start3A_842 : memref<1x1x32xf32, #tpu.memory_space<vmem>> -> memref<32xf32, #tpu.memory_space<vmem>>
      %dma_start3A_844 = arith.constant 0 : i32
      %dma_start3A_845 = tpu.memref_slice %arg3[%squeeze3A_833, %dma_start3A_844] : memref<1000000x32xf32, #tpu.memory_space<hbm>> -> memref<1x32xf32, #tpu.memory_space<hbm>>
      %dma_start3A_846 = tpu.memref_squeeze %dma_start3A_845 : memref<1x32xf32, #tpu.memory_space<hbm>> -> memref<32xf32, #tpu.memory_space<hbm>>
      tpu.enqueue_dma source(%dma_start3A_846 : memref<32xf32, #tpu.memory_space<hbm>>) target(%dma_start3A_843 : memref<32xf32, #tpu.memory_space<vmem>>) target_semaphore(%arg9 : memref<!tpu.dma_semaphore, #tpu.memory_space<semaphore_mem>>)
      %slice3A_847 = vector.extract_strided_slice %get3A_546 {offsets = [4], sizes = [1], strides = [1]} : vector<16xi32> to vector<1xi32>
      %squeeze3A_848 = vector.extract %slice3A_847[0] : i32 from vector<1xi32>
      %dma_start3A_849 = arith.constant 20 : i32
      %dma_start3A_850 = arith.constant 0 : i32
      %dma_start3A_851 = tpu.memref_slice %arg6[%and3A_538, %dma_start3A_849, %dma_start3A_850] : memref<8x26x32xf32, #tpu.memory_space<vmem>> -> memref<1x1x32xf32, #tpu.memory_space<vmem>>
      %dma_start3A_852 = tpu.memref_squeeze %dma_start3A_851 : memref<1x1x32xf32, #tpu.memory_space<vmem>> -> memref<32xf32, #tpu.memory_space<vmem>>
      %dma_start3A_853 = arith.constant 0 : i32
      %dma_start3A_854 = tpu.memref_slice %arg3[%squeeze3A_848, %dma_start3A_853] : memref<1000000x32xf32, #tpu.memory_space<hbm>> -> memref<1x32xf32, #tpu.memory_space<hbm>>
      %dma_start3A_855 = tpu.memref_squeeze %dma_start3A_854 : memref<1x32xf32, #tpu.memory_space<hbm>> -> memref<32xf32, #tpu.memory_space<hbm>>
      %dma_start3A_856 = arith.constant 0 : i32
      %dma_start3A_857 = tpu.memref_slice %arg6[%and3A_538, %dma_start3A_849, %dma_start3A_856] : memref<8x26x32xf32, #tpu.memory_space<vmem>> -> memref<1x1x32xf32, #tpu.memory_space<vmem>>
      %dma_start3A_858 = tpu.memref_squeeze %dma_start3A_857 : memref<1x1x32xf32, #tpu.memory_space<vmem>> -> memref<32xf32, #tpu.memory_space<vmem>>
      %dma_start3A_859 = arith.constant 0 : i32
      %dma_start3A_860 = tpu.memref_slice %arg3[%squeeze3A_848, %dma_start3A_859] : memref<1000000x32xf32, #tpu.memory_space<hbm>> -> memref<1x32xf32, #tpu.memory_space<hbm>>
      %dma_start3A_861 = tpu.memref_squeeze %dma_start3A_860 : memref<1x32xf32, #tpu.memory_space<hbm>> -> memref<32xf32, #tpu.memory_space<hbm>>
      tpu.enqueue_dma source(%dma_start3A_861 : memref<32xf32, #tpu.memory_space<hbm>>) target(%dma_start3A_858 : memref<32xf32, #tpu.memory_space<vmem>>) target_semaphore(%arg9 : memref<!tpu.dma_semaphore, #tpu.memory_space<semaphore_mem>>)
      %slice3A_862 = vector.extract_strided_slice %get3A_546 {offsets = [5], sizes = [1], strides = [1]} : vector<16xi32> to vector<1xi32>
      %squeeze3A_863 = vector.extract %slice3A_862[0] : i32 from vector<1xi32>
      %dma_start3A_864 = arith.constant 21 : i32
      %dma_start3A_865 = arith.constant 0 : i32
      %dma_start3A_866 = tpu.memref_slice %arg6[%and3A_538, %dma_start3A_864, %dma_start3A_865] : memref<8x26x32xf32, #tpu.memory_space<vmem>> -> memref<1x1x32xf32, #tpu.memory_space<vmem>>
      %dma_start3A_867 = tpu.memref_squeeze %dma_start3A_866 : memref<1x1x32xf32, #tpu.memory_space<vmem>> -> memref<32xf32, #tpu.memory_space<vmem>>
      %dma_start3A_868 = arith.constant 0 : i32
      %dma_start3A_869 = tpu.memref_slice %arg3[%squeeze3A_863, %dma_start3A_868] : memref<1000000x32xf32, #tpu.memory_space<hbm>> -> memref<1x32xf32, #tpu.memory_space<hbm>>
      %dma_start3A_870 = tpu.memref_squeeze %dma_start3A_869 : memref<1x32xf32, #tpu.memory_space<hbm>> -> memref<32xf32, #tpu.memory_space<hbm>>
      %dma_start3A_871 = arith.constant 0 : i32
      %dma_start3A_872 = tpu.memref_slice %arg6[%and3A_538, %dma_start3A_864, %dma_start3A_871] : memref<8x26x32xf32, #tpu.memory_space<vmem>> -> memref<1x1x32xf32, #tpu.memory_space<vmem>>
      %dma_start3A_873 = tpu.memref_squeeze %dma_start3A_872 : memref<1x1x32xf32, #tpu.memory_space<vmem>> -> memref<32xf32, #tpu.memory_space<vmem>>
      %dma_start3A_874 = arith.constant 0 : i32
      %dma_start3A_875 = tpu.memref_slice %arg3[%squeeze3A_863, %dma_start3A_874] : memref<1000000x32xf32, #tpu.memory_space<hbm>> -> memref<1x32xf32, #tpu.memory_space<hbm>>
      %dma_start3A_876 = tpu.memref_squeeze %dma_start3A_875 : memref<1x32xf32, #tpu.memory_space<hbm>> -> memref<32xf32, #tpu.memory_space<hbm>>
      tpu.enqueue_dma source(%dma_start3A_876 : memref<32xf32, #tpu.memory_space<hbm>>) target(%dma_start3A_873 : memref<32xf32, #tpu.memory_space<vmem>>) target_semaphore(%arg9 : memref<!tpu.dma_semaphore, #tpu.memory_space<semaphore_mem>>)
      %slice3A_877 = vector.extract_strided_slice %get3A_546 {offsets = [6], sizes = [1], strides = [1]} : vector<16xi32> to vector<1xi32>
      %squeeze3A_878 = vector.extract %slice3A_877[0] : i32 from vector<1xi32>
      %dma_start3A_879 = arith.constant 22 : i32
      %dma_start3A_880 = arith.constant 0 : i32
      %dma_start3A_881 = tpu.memref_slice %arg6[%and3A_538, %dma_start3A_879, %dma_start3A_880] : memref<8x26x32xf32, #tpu.memory_space<vmem>> -> memref<1x1x32xf32, #tpu.memory_space<vmem>>
      %dma_start3A_882 = tpu.memref_squeeze %dma_start3A_881 : memref<1x1x32xf32, #tpu.memory_space<vmem>> -> memref<32xf32, #tpu.memory_space<vmem>>
      %dma_start3A_883 = arith.constant 0 : i32
      %dma_start3A_884 = tpu.memref_slice %arg3[%squeeze3A_878, %dma_start3A_883] : memref<1000000x32xf32, #tpu.memory_space<hbm>> -> memref<1x32xf32, #tpu.memory_space<hbm>>
      %dma_start3A_885 = tpu.memref_squeeze %dma_start3A_884 : memref<1x32xf32, #tpu.memory_space<hbm>> -> memref<32xf32, #tpu.memory_space<hbm>>
      %dma_start3A_886 = arith.constant 0 : i32
      %dma_start3A_887 = tpu.memref_slice %arg6[%and3A_538, %dma_start3A_879, %dma_start3A_886] : memref<8x26x32xf32, #tpu.memory_space<vmem>> -> memref<1x1x32xf32, #tpu.memory_space<vmem>>
      %dma_start3A_888 = tpu.memref_squeeze %dma_start3A_887 : memref<1x1x32xf32, #tpu.memory_space<vmem>> -> memref<32xf32, #tpu.memory_space<vmem>>
      %dma_start3A_889 = arith.constant 0 : i32
      %dma_start3A_890 = tpu.memref_slice %arg3[%squeeze3A_878, %dma_start3A_889] : memref<1000000x32xf32, #tpu.memory_space<hbm>> -> memref<1x32xf32, #tpu.memory_space<hbm>>
      %dma_start3A_891 = tpu.memref_squeeze %dma_start3A_890 : memref<1x32xf32, #tpu.memory_space<hbm>> -> memref<32xf32, #tpu.memory_space<hbm>>
      tpu.enqueue_dma source(%dma_start3A_891 : memref<32xf32, #tpu.memory_space<hbm>>) target(%dma_start3A_888 : memref<32xf32, #tpu.memory_space<vmem>>) target_semaphore(%arg9 : memref<!tpu.dma_semaphore, #tpu.memory_space<semaphore_mem>>)
      %slice3A_892 = vector.extract_strided_slice %get3A_546 {offsets = [7], sizes = [1], strides = [1]} : vector<16xi32> to vector<1xi32>
      %squeeze3A_893 = vector.extract %slice3A_892[0] : i32 from vector<1xi32>
      %dma_start3A_894 = arith.constant 23 : i32
      %dma_start3A_895 = arith.constant 0 : i32
      %dma_start3A_896 = tpu.memref_slice %arg6[%and3A_538, %dma_start3A_894, %dma_start3A_895] : memref<8x26x32xf32, #tpu.memory_space<vmem>> -> memref<1x1x32xf32, #tpu.memory_space<vmem>>
      %dma_start3A_897 = tpu.memref_squeeze %dma_start3A_896 : memref<1x1x32xf32, #tpu.memory_space<vmem>> -> memref<32xf32, #tpu.memory_space<vmem>>
      %dma_start3A_898 = arith.constant 0 : i32
      %dma_start3A_899 = tpu.memref_slice %arg3[%squeeze3A_893, %dma_start3A_898] : memref<1000000x32xf32, #tpu.memory_space<hbm>> -> memref<1x32xf32, #tpu.memory_space<hbm>>
      %dma_start3A_900 = tpu.memref_squeeze %dma_start3A_899 : memref<1x32xf32, #tpu.memory_space<hbm>> -> memref<32xf32, #tpu.memory_space<hbm>>
      %dma_start3A_901 = arith.constant 0 : i32
      %dma_start3A_902 = tpu.memref_slice %arg6[%and3A_538, %dma_start3A_894, %dma_start3A_901] : memref<8x26x32xf32, #tpu.memory_space<vmem>> -> memref<1x1x32xf32, #tpu.memory_space<vmem>>
      %dma_start3A_903 = tpu.memref_squeeze %dma_start3A_902 : memref<1x1x32xf32, #tpu.memory_space<vmem>> -> memref<32xf32, #tpu.memory_space<vmem>>
      %dma_start3A_904 = arith.constant 0 : i32
      %dma_start3A_905 = tpu.memref_slice %arg3[%squeeze3A_893, %dma_start3A_904] : memref<1000000x32xf32, #tpu.memory_space<hbm>> -> memref<1x32xf32, #tpu.memory_space<hbm>>
      %dma_start3A_906 = tpu.memref_squeeze %dma_start3A_905 : memref<1x32xf32, #tpu.memory_space<hbm>> -> memref<32xf32, #tpu.memory_space<hbm>>
      tpu.enqueue_dma source(%dma_start3A_906 : memref<32xf32, #tpu.memory_space<hbm>>) target(%dma_start3A_903 : memref<32xf32, #tpu.memory_space<vmem>>) target_semaphore(%arg9 : memref<!tpu.dma_semaphore, #tpu.memory_space<semaphore_mem>>)
      %slice3A_907 = vector.extract_strided_slice %get3A_546 {offsets = [8], sizes = [1], strides = [1]} : vector<16xi32> to vector<1xi32>
      %squeeze3A_908 = vector.extract %slice3A_907[0] : i32 from vector<1xi32>
      %dma_start3A_909 = arith.constant 24 : i32
      %dma_start3A_910 = arith.constant 0 : i32
      %dma_start3A_911 = tpu.memref_slice %arg6[%and3A_538, %dma_start3A_909, %dma_start3A_910] : memref<8x26x32xf32, #tpu.memory_space<vmem>> -> memref<1x1x32xf32, #tpu.memory_space<vmem>>
      %dma_start3A_912 = tpu.memref_squeeze %dma_start3A_911 : memref<1x1x32xf32, #tpu.memory_space<vmem>> -> memref<32xf32, #tpu.memory_space<vmem>>
      %dma_start3A_913 = arith.constant 0 : i32
      %dma_start3A_914 = tpu.memref_slice %arg3[%squeeze3A_908, %dma_start3A_913] : memref<1000000x32xf32, #tpu.memory_space<hbm>> -> memref<1x32xf32, #tpu.memory_space<hbm>>
      %dma_start3A_915 = tpu.memref_squeeze %dma_start3A_914 : memref<1x32xf32, #tpu.memory_space<hbm>> -> memref<32xf32, #tpu.memory_space<hbm>>
      %dma_start3A_916 = arith.constant 0 : i32
      %dma_start3A_917 = tpu.memref_slice %arg6[%and3A_538, %dma_start3A_909, %dma_start3A_916] : memref<8x26x32xf32, #tpu.memory_space<vmem>> -> memref<1x1x32xf32, #tpu.memory_space<vmem>>
      %dma_start3A_918 = tpu.memref_squeeze %dma_start3A_917 : memref<1x1x32xf32, #tpu.memory_space<vmem>> -> memref<32xf32, #tpu.memory_space<vmem>>
      %dma_start3A_919 = arith.constant 0 : i32
      %dma_start3A_920 = tpu.memref_slice %arg3[%squeeze3A_908, %dma_start3A_919] : memref<1000000x32xf32, #tpu.memory_space<hbm>> -> memref<1x32xf32, #tpu.memory_space<hbm>>
      %dma_start3A_921 = tpu.memref_squeeze %dma_start3A_920 : memref<1x32xf32, #tpu.memory_space<hbm>> -> memref<32xf32, #tpu.memory_space<hbm>>
      tpu.enqueue_dma source(%dma_start3A_921 : memref<32xf32, #tpu.memory_space<hbm>>) target(%dma_start3A_918 : memref<32xf32, #tpu.memory_space<vmem>>) target_semaphore(%arg9 : memref<!tpu.dma_semaphore, #tpu.memory_space<semaphore_mem>>)
      %slice3A_922 = vector.extract_strided_slice %get3A_546 {offsets = [9], sizes = [1], strides = [1]} : vector<16xi32> to vector<1xi32>
      %squeeze3A_923 = vector.extract %slice3A_922[0] : i32 from vector<1xi32>
      %dma_start3A_924 = arith.constant 25 : i32
      %dma_start3A_925 = arith.constant 0 : i32
      %dma_start3A_926 = tpu.memref_slice %arg6[%and3A_538, %dma_start3A_924, %dma_start3A_925] : memref<8x26x32xf32, #tpu.memory_space<vmem>> -> memref<1x1x32xf32, #tpu.memory_space<vmem>>
      %dma_start3A_927 = tpu.memref_squeeze %dma_start3A_926 : memref<1x1x32xf32, #tpu.memory_space<vmem>> -> memref<32xf32, #tpu.memory_space<vmem>>
      %dma_start3A_928 = arith.constant 0 : i32
      %dma_start3A_929 = tpu.memref_slice %arg3[%squeeze3A_923, %dma_start3A_928] : memref<1000000x32xf32, #tpu.memory_space<hbm>> -> memref<1x32xf32, #tpu.memory_space<hbm>>
      %dma_start3A_930 = tpu.memref_squeeze %dma_start3A_929 : memref<1x32xf32, #tpu.memory_space<hbm>> -> memref<32xf32, #tpu.memory_space<hbm>>
      %dma_start3A_931 = arith.constant 0 : i32
      %dma_start3A_932 = tpu.memref_slice %arg6[%and3A_538, %dma_start3A_924, %dma_start3A_931] : memref<8x26x32xf32, #tpu.memory_space<vmem>> -> memref<1x1x32xf32, #tpu.memory_space<vmem>>
      %dma_start3A_933 = tpu.memref_squeeze %dma_start3A_932 : memref<1x1x32xf32, #tpu.memory_space<vmem>> -> memref<32xf32, #tpu.memory_space<vmem>>
      %dma_start3A_934 = arith.constant 0 : i32
      %dma_start3A_935 = tpu.memref_slice %arg3[%squeeze3A_923, %dma_start3A_934] : memref<1000000x32xf32, #tpu.memory_space<hbm>> -> memref<1x32xf32, #tpu.memory_space<hbm>>
      %dma_start3A_936 = tpu.memref_squeeze %dma_start3A_935 : memref<1x32xf32, #tpu.memory_space<hbm>> -> memref<32xf32, #tpu.memory_space<hbm>>
      tpu.enqueue_dma source(%dma_start3A_936 : memref<32xf32, #tpu.memory_space<hbm>>) target(%dma_start3A_933 : memref<32xf32, #tpu.memory_space<vmem>>) target_semaphore(%arg9 : memref<!tpu.dma_semaphore, #tpu.memory_space<semaphore_mem>>)
      %ge3A_937 = arith.constant 1 : i32
      %ge3A_938 = arith.cmpi sge, %scan3A_113, %ge3A_937 : i32
      %convert_element_type3A_939 = arith.extui %ge3A_938 : i1 to i32
      %cond3A_940 = arith.constant 0 : i32
      %cond3A_941 = arith.cmpi ne, %convert_element_type3A_939, %cond3A_940 : i32
      scf.if %cond3A_941 {
        %scan3A_1765 = arith.constant 0 : i32
        %scan3A_1766 = arith.constant 0 : i32
        %scan3A_1767 = arith.constant 26 : i32
        %scan3A_1768 = arith.addi %scan3A_1766, %scan3A_1767 : i32
        %scan3A_1769 = arith.constant 1 : i32
        scf.for %scan3A_1793 = %scan3A_1766 to %scan3A_1768 step %scan3A_1769  : i32 {
          %dma_wait3A = arith.constant 0 : i32
          %dma_wait3A_1794 = arith.constant 0 : i32
          %dma_wait3A_1795 = tpu.memref_slice %arg3[%dma_wait3A, %dma_wait3A_1794] : memref<1000000x32xf32, #tpu.memory_space<hbm>> -> memref<1x32xf32, #tpu.memory_space<hbm>>
          %dma_wait3A_1796 = tpu.memref_squeeze %dma_wait3A_1795 : memref<1x32xf32, #tpu.memory_space<hbm>> -> memref<32xf32, #tpu.memory_space<hbm>>
          %dma_wait3A_1797 = arith.constant 0 : i32
          %dma_wait3A_1798 = tpu.memref_slice %arg3[%dma_wait3A, %dma_wait3A_1797] : memref<1000000x32xf32, #tpu.memory_space<hbm>> -> memref<1x32xf32, #tpu.memory_space<hbm>>
          %dma_wait3A_1799 = tpu.memref_squeeze %dma_wait3A_1798 : memref<1x32xf32, #tpu.memory_space<hbm>> -> memref<32xf32, #tpu.memory_space<hbm>>
          tpu.wait_dma2 semaphore(%arg10 : memref<!tpu.dma_semaphore, #tpu.memory_space<semaphore_mem>>) src(%dma_wait3A_1799 : memref<32xf32, #tpu.memory_space<hbm>>) dst(%arg7 : memref<32xf32, #tpu.memory_space<vmem>>)
        }
        %scan3A_1770 = arith.constant 26 : i32
        %add3A_1771 = arith.constant 2 : i32
        %add3A_1772 = arith.addi %mul3A_115, %add3A_1771 : i32
        %sub3A = arith.constant 4 : i32
        %sub3A_1773 = arith.subi %add3A_1772, %sub3A : i32
        %and3A_1774 = arith.constant 7 : i32
        %and3A_1775 = arith.andi %sub3A_1773, %and3A_1774 : i32
        %add3A_1776 = arith.addi %mul3A_2, %sub3A_1773 : i32
        %dma_start3A_1777 = arith.constant 0 : i32
        %dma_start3A_1778 = arith.constant 0 : i32
        %dma_start3A_1779 = tpu.memref_slice %arg6[%and3A_1775, %dma_start3A_1777, %dma_start3A_1778] : memref<8x26x32xf32, #tpu.memory_space<vmem>> -> memref<1x26x32xf32, #tpu.memory_space<vmem>>
        %dma_start3A_1780 = tpu.memref_squeeze %dma_start3A_1779 : memref<1x26x32xf32, #tpu.memory_space<vmem>> -> memref<26x32xf32, #tpu.memory_space<vmem>>
        %dma_start3A_1781 = arith.constant 0 : i32
        %dma_start3A_1782 = arith.constant 0 : i32
        %dma_start3A_1783 = tpu.memref_slice %arg4[%add3A_1776, %dma_start3A_1781, %dma_start3A_1782] : memref<4096x26x32xf32, #tpu.memory_space<hbm>> -> memref<1x26x32xf32, #tpu.memory_space<hbm>>
        %dma_start3A_1784 = tpu.memref_squeeze %dma_start3A_1783 : memref<1x26x32xf32, #tpu.memory_space<hbm>> -> memref<26x32xf32, #tpu.memory_space<hbm>>
        %dma_start3A_1785 = arith.constant 0 : i32
        %dma_start3A_1786 = arith.constant 0 : i32
        %dma_start3A_1787 = tpu.memref_slice %arg4[%add3A_1776, %dma_start3A_1785, %dma_start3A_1786] : memref<4096x26x32xf32, #tpu.memory_space<hbm>> -> memref<1x26x32xf32, #tpu.memory_space<hbm>>
        %dma_start3A_1788 = tpu.memref_squeeze %dma_start3A_1787 : memref<1x26x32xf32, #tpu.memory_space<hbm>> -> memref<26x32xf32, #tpu.memory_space<hbm>>
        %dma_start3A_1789 = arith.constant 0 : i32
        %dma_start3A_1790 = arith.constant 0 : i32
        %dma_start3A_1791 = tpu.memref_slice %arg6[%and3A_1775, %dma_start3A_1789, %dma_start3A_1790] : memref<8x26x32xf32, #tpu.memory_space<vmem>> -> memref<1x26x32xf32, #tpu.memory_space<vmem>>
        %dma_start3A_1792 = tpu.memref_squeeze %dma_start3A_1791 : memref<1x26x32xf32, #tpu.memory_space<vmem>> -> memref<26x32xf32, #tpu.memory_space<vmem>>
        tpu.enqueue_dma source(%dma_start3A_1792 : memref<26x32xf32, #tpu.memory_space<vmem>>) target(%dma_start3A_1788 : memref<26x32xf32, #tpu.memory_space<hbm>>) target_semaphore(%arg12 : memref<!tpu.dma_semaphore, #tpu.memory_space<semaphore_mem>>)
      } else {
      }
      %add3A_942 = arith.constant 2 : i32
      %add3A_943 = arith.addi %mul3A_115, %add3A_942 : i32
      %ge3A_944 = arith.constant 8 : i32
      %ge3A_945 = arith.cmpi sge, %add3A_943, %ge3A_944 : i32
      %convert_element_type3A_946 = arith.extui %ge3A_945 : i1 to i32
      %cond3A_947 = arith.constant 0 : i32
      %cond3A_948 = arith.cmpi ne, %convert_element_type3A_946, %cond3A_947 : i32
      scf.if %cond3A_948 {
        %add3A_1765 = arith.constant 2 : i32
        %add3A_1766 = arith.addi %mul3A_115, %add3A_1765 : i32
        %sub3A = arith.constant 8 : i32
        %sub3A_1767 = arith.subi %add3A_1766, %sub3A : i32
        %and3A_1768 = arith.constant 7 : i32
        %and3A_1769 = arith.andi %sub3A_1767, %and3A_1768 : i32
        %add3A_1770 = arith.addi %mul3A_2, %sub3A_1767 : i32
        %dma_wait3A = arith.constant 0 : i32
        %dma_wait3A_1771 = arith.constant 0 : i32
        %dma_wait3A_1772 = tpu.memref_slice %arg6[%and3A_1769, %dma_wait3A, %dma_wait3A_1771] : memref<8x26x32xf32, #tpu.memory_space<vmem>> -> memref<1x26x32xf32, #tpu.memory_space<vmem>>
        %dma_wait3A_1773 = tpu.memref_squeeze %dma_wait3A_1772 : memref<1x26x32xf32, #tpu.memory_space<vmem>> -> memref<26x32xf32, #tpu.memory_space<vmem>>
        %dma_wait3A_1774 = arith.constant 0 : i32
        %dma_wait3A_1775 = arith.constant 0 : i32
        %dma_wait3A_1776 = tpu.memref_slice %arg4[%add3A_1770, %dma_wait3A_1774, %dma_wait3A_1775] : memref<4096x26x32xf32, #tpu.memory_space<hbm>> -> memref<1x26x32xf32, #tpu.memory_space<hbm>>
        %dma_wait3A_1777 = tpu.memref_squeeze %dma_wait3A_1776 : memref<1x26x32xf32, #tpu.memory_space<hbm>> -> memref<26x32xf32, #tpu.memory_space<hbm>>
        %dma_wait3A_1778 = arith.constant 0 : i32
        %dma_wait3A_1779 = arith.constant 0 : i32
        %dma_wait3A_1780 = tpu.memref_slice %arg4[%add3A_1770, %dma_wait3A_1778, %dma_wait3A_1779] : memref<4096x26x32xf32, #tpu.memory_space<hbm>> -> memref<1x26x32xf32, #tpu.memory_space<hbm>>
        %dma_wait3A_1781 = tpu.memref_squeeze %dma_wait3A_1780 : memref<1x26x32xf32, #tpu.memory_space<hbm>> -> memref<26x32xf32, #tpu.memory_space<hbm>>
        %dma_wait3A_1782 = arith.constant 0 : i32
        %dma_wait3A_1783 = arith.constant 0 : i32
        %dma_wait3A_1784 = tpu.memref_slice %arg6[%and3A_1769, %dma_wait3A_1782, %dma_wait3A_1783] : memref<8x26x32xf32, #tpu.memory_space<vmem>> -> memref<1x26x32xf32, #tpu.memory_space<vmem>>
        %dma_wait3A_1785 = tpu.memref_squeeze %dma_wait3A_1784 : memref<1x26x32xf32, #tpu.memory_space<vmem>> -> memref<26x32xf32, #tpu.memory_space<vmem>>
        tpu.wait_dma2 semaphore(%arg12 : memref<!tpu.dma_semaphore, #tpu.memory_space<semaphore_mem>>) src(%dma_wait3A_1785 : memref<26x32xf32, #tpu.memory_space<vmem>>) dst(%dma_wait3A_1781 : memref<26x32xf32, #tpu.memory_space<hbm>>)
      } else {
      }
      %add3A_949 = arith.constant 2 : i32
      %add3A_950 = arith.addi %mul3A_115, %add3A_949 : i32
      %and3A_951 = arith.constant 7 : i32
      %and3A_952 = arith.andi %add3A_950, %and3A_951 : i32
      %get3A_953 = arith.index_cast %add3A_950 : i32 to index
      %get3A_954 = arith.constant 0 : index
      %get3A_955 = tpu.vector_load %arg5[%get3A_953, %get3A_954] {strides = array<i32>} : memref<128x32xi32, #tpu.memory_space<vmem>>, vector<1x16xi32>,
      %get3A_956 = vector.shape_cast %get3A_955 : vector<1x16xi32> to vector<16xi32>
      %get3A_957 = arith.index_cast %add3A_950 : i32 to index
      %get3A_958 = arith.constant 16 : index
      %get3A_959 = tpu.vector_load %arg5[%get3A_957, %get3A_958] {strides = array<i32>} : memref<128x32xi32, #tpu.memory_space<vmem>>, vector<1x16xi32>,
      %get3A_960 = vector.shape_cast %get3A_959 : vector<1x16xi32> to vector<16xi32>
      %slice3A_961 = vector.extract_strided_slice %get3A_956 {offsets = [0], sizes = [1], strides = [1]} : vector<16xi32> to vector<1xi32>
      %squeeze3A_962 = vector.extract %slice3A_961[0] : i32 from vector<1xi32>
      %dma_start3A_963 = arith.constant 0 : i32
      %dma_start3A_964 = arith.constant 0 : i32
      %dma_start3A_965 = tpu.memref_slice %arg6[%and3A_952, %dma_start3A_963, %dma_start3A_964] : memref<8x26x32xf32, #tpu.memory_space<vmem>> -> memref<1x1x32xf32, #tpu.memory_space<vmem>>
      %dma_start3A_966 = tpu.memref_squeeze %dma_start3A_965 : memref<1x1x32xf32, #tpu.memory_space<vmem>> -> memref<32xf32, #tpu.memory_space<vmem>>
      %dma_start3A_967 = arith.constant 0 : i32
      %dma_start3A_968 = tpu.memref_slice %arg3[%squeeze3A_962, %dma_start3A_967] : memref<1000000x32xf32, #tpu.memory_space<hbm>> -> memref<1x32xf32, #tpu.memory_space<hbm>>
      %dma_start3A_969 = tpu.memref_squeeze %dma_start3A_968 : memref<1x32xf32, #tpu.memory_space<hbm>> -> memref<32xf32, #tpu.memory_space<hbm>>
      %dma_start3A_970 = arith.constant 0 : i32
      %dma_start3A_971 = tpu.memref_slice %arg6[%and3A_952, %dma_start3A_963, %dma_start3A_970] : memref<8x26x32xf32, #tpu.memory_space<vmem>> -> memref<1x1x32xf32, #tpu.memory_space<vmem>>
      %dma_start3A_972 = tpu.memref_squeeze %dma_start3A_971 : memref<1x1x32xf32, #tpu.memory_space<vmem>> -> memref<32xf32, #tpu.memory_space<vmem>>
      %dma_start3A_973 = arith.constant 0 : i32
      %dma_start3A_974 = tpu.memref_slice %arg3[%squeeze3A_962, %dma_start3A_973] : memref<1000000x32xf32, #tpu.memory_space<hbm>> -> memref<1x32xf32, #tpu.memory_space<hbm>>
      %dma_start3A_975 = tpu.memref_squeeze %dma_start3A_974 : memref<1x32xf32, #tpu.memory_space<hbm>> -> memref<32xf32, #tpu.memory_space<hbm>>
      tpu.enqueue_dma source(%dma_start3A_975 : memref<32xf32, #tpu.memory_space<hbm>>) target(%dma_start3A_972 : memref<32xf32, #tpu.memory_space<vmem>>) target_semaphore(%arg10 : memref<!tpu.dma_semaphore, #tpu.memory_space<semaphore_mem>>)
      %slice3A_976 = vector.extract_strided_slice %get3A_956 {offsets = [1], sizes = [1], strides = [1]} : vector<16xi32> to vector<1xi32>
      %squeeze3A_977 = vector.extract %slice3A_976[0] : i32 from vector<1xi32>
      %dma_start3A_978 = arith.constant 1 : i32
      %dma_start3A_979 = arith.constant 0 : i32
      %dma_start3A_980 = tpu.memref_slice %arg6[%and3A_952, %dma_start3A_978, %dma_start3A_979] : memref<8x26x32xf32, #tpu.memory_space<vmem>> -> memref<1x1x32xf32, #tpu.memory_space<vmem>>
      %dma_start3A_981 = tpu.memref_squeeze %dma_start3A_980 : memref<1x1x32xf32, #tpu.memory_space<vmem>> -> memref<32xf32, #tpu.memory_space<vmem>>
      %dma_start3A_982 = arith.constant 0 : i32
      %dma_start3A_983 = tpu.memref_slice %arg3[%squeeze3A_977, %dma_start3A_982] : memref<1000000x32xf32, #tpu.memory_space<hbm>> -> memref<1x32xf32, #tpu.memory_space<hbm>>
      %dma_start3A_984 = tpu.memref_squeeze %dma_start3A_983 : memref<1x32xf32, #tpu.memory_space<hbm>> -> memref<32xf32, #tpu.memory_space<hbm>>
      %dma_start3A_985 = arith.constant 0 : i32
      %dma_start3A_986 = tpu.memref_slice %arg6[%and3A_952, %dma_start3A_978, %dma_start3A_985] : memref<8x26x32xf32, #tpu.memory_space<vmem>> -> memref<1x1x32xf32, #tpu.memory_space<vmem>>
      %dma_start3A_987 = tpu.memref_squeeze %dma_start3A_986 : memref<1x1x32xf32, #tpu.memory_space<vmem>> -> memref<32xf32, #tpu.memory_space<vmem>>
      %dma_start3A_988 = arith.constant 0 : i32
      %dma_start3A_989 = tpu.memref_slice %arg3[%squeeze3A_977, %dma_start3A_988] : memref<1000000x32xf32, #tpu.memory_space<hbm>> -> memref<1x32xf32, #tpu.memory_space<hbm>>
      %dma_start3A_990 = tpu.memref_squeeze %dma_start3A_989 : memref<1x32xf32, #tpu.memory_space<hbm>> -> memref<32xf32, #tpu.memory_space<hbm>>
      tpu.enqueue_dma source(%dma_start3A_990 : memref<32xf32, #tpu.memory_space<hbm>>) target(%dma_start3A_987 : memref<32xf32, #tpu.memory_space<vmem>>) target_semaphore(%arg10 : memref<!tpu.dma_semaphore, #tpu.memory_space<semaphore_mem>>)
      %slice3A_991 = vector.extract_strided_slice %get3A_956 {offsets = [2], sizes = [1], strides = [1]} : vector<16xi32> to vector<1xi32>
      %squeeze3A_992 = vector.extract %slice3A_991[0] : i32 from vector<1xi32>
      %dma_start3A_993 = arith.constant 2 : i32
      %dma_start3A_994 = arith.constant 0 : i32
      %dma_start3A_995 = tpu.memref_slice %arg6[%and3A_952, %dma_start3A_993, %dma_start3A_994] : memref<8x26x32xf32, #tpu.memory_space<vmem>> -> memref<1x1x32xf32, #tpu.memory_space<vmem>>
      %dma_start3A_996 = tpu.memref_squeeze %dma_start3A_995 : memref<1x1x32xf32, #tpu.memory_space<vmem>> -> memref<32xf32, #tpu.memory_space<vmem>>
      %dma_start3A_997 = arith.constant 0 : i32
      %dma_start3A_998 = tpu.memref_slice %arg3[%squeeze3A_992, %dma_start3A_997] : memref<1000000x32xf32, #tpu.memory_space<hbm>> -> memref<1x32xf32, #tpu.memory_space<hbm>>
      %dma_start3A_999 = tpu.memref_squeeze %dma_start3A_998 : memref<1x32xf32, #tpu.memory_space<hbm>> -> memref<32xf32, #tpu.memory_space<hbm>>
      %dma_start3A_1000 = arith.constant 0 : i32
      %dma_start3A_1001 = tpu.memref_slice %arg6[%and3A_952, %dma_start3A_993, %dma_start3A_1000] : memref<8x26x32xf32, #tpu.memory_space<vmem>> -> memref<1x1x32xf32, #tpu.memory_space<vmem>>
      %dma_start3A_1002 = tpu.memref_squeeze %dma_start3A_1001 : memref<1x1x32xf32, #tpu.memory_space<vmem>> -> memref<32xf32, #tpu.memory_space<vmem>>
      %dma_start3A_1003 = arith.constant 0 : i32
      %dma_start3A_1004 = tpu.memref_slice %arg3[%squeeze3A_992, %dma_start3A_1003] : memref<1000000x32xf32, #tpu.memory_space<hbm>> -> memref<1x32xf32, #tpu.memory_space<hbm>>
      %dma_start3A_1005 = tpu.memref_squeeze %dma_start3A_1004 : memref<1x32xf32, #tpu.memory_space<hbm>> -> memref<32xf32, #tpu.memory_space<hbm>>
      tpu.enqueue_dma source(%dma_start3A_1005 : memref<32xf32, #tpu.memory_space<hbm>>) target(%dma_start3A_1002 : memref<32xf32, #tpu.memory_space<vmem>>) target_semaphore(%arg10 : memref<!tpu.dma_semaphore, #tpu.memory_space<semaphore_mem>>)
      %slice3A_1006 = vector.extract_strided_slice %get3A_956 {offsets = [3], sizes = [1], strides = [1]} : vector<16xi32> to vector<1xi32>
      %squeeze3A_1007 = vector.extract %slice3A_1006[0] : i32 from vector<1xi32>
      %dma_start3A_1008 = arith.constant 3 : i32
      %dma_start3A_1009 = arith.constant 0 : i32
      %dma_start3A_1010 = tpu.memref_slice %arg6[%and3A_952, %dma_start3A_1008, %dma_start3A_1009] : memref<8x26x32xf32, #tpu.memory_space<vmem>> -> memref<1x1x32xf32, #tpu.memory_space<vmem>>
      %dma_start3A_1011 = tpu.memref_squeeze %dma_start3A_1010 : memref<1x1x32xf32, #tpu.memory_space<vmem>> -> memref<32xf32, #tpu.memory_space<vmem>>
      %dma_start3A_1012 = arith.constant 0 : i32
      %dma_start3A_1013 = tpu.memref_slice %arg3[%squeeze3A_1007, %dma_start3A_1012] : memref<1000000x32xf32, #tpu.memory_space<hbm>> -> memref<1x32xf32, #tpu.memory_space<hbm>>
      %dma_start3A_1014 = tpu.memref_squeeze %dma_start3A_1013 : memref<1x32xf32, #tpu.memory_space<hbm>> -> memref<32xf32, #tpu.memory_space<hbm>>
      %dma_start3A_1015 = arith.constant 0 : i32
      %dma_start3A_1016 = tpu.memref_slice %arg6[%and3A_952, %dma_start3A_1008, %dma_start3A_1015] : memref<8x26x32xf32, #tpu.memory_space<vmem>> -> memref<1x1x32xf32, #tpu.memory_space<vmem>>
      %dma_start3A_1017 = tpu.memref_squeeze %dma_start3A_1016 : memref<1x1x32xf32, #tpu.memory_space<vmem>> -> memref<32xf32, #tpu.memory_space<vmem>>
      %dma_start3A_1018 = arith.constant 0 : i32
      %dma_start3A_1019 = tpu.memref_slice %arg3[%squeeze3A_1007, %dma_start3A_1018] : memref<1000000x32xf32, #tpu.memory_space<hbm>> -> memref<1x32xf32, #tpu.memory_space<hbm>>
      %dma_start3A_1020 = tpu.memref_squeeze %dma_start3A_1019 : memref<1x32xf32, #tpu.memory_space<hbm>> -> memref<32xf32, #tpu.memory_space<hbm>>
      tpu.enqueue_dma source(%dma_start3A_1020 : memref<32xf32, #tpu.memory_space<hbm>>) target(%dma_start3A_1017 : memref<32xf32, #tpu.memory_space<vmem>>) target_semaphore(%arg10 : memref<!tpu.dma_semaphore, #tpu.memory_space<semaphore_mem>>)
      %slice3A_1021 = vector.extract_strided_slice %get3A_956 {offsets = [4], sizes = [1], strides = [1]} : vector<16xi32> to vector<1xi32>
      %squeeze3A_1022 = vector.extract %slice3A_1021[0] : i32 from vector<1xi32>
      %dma_start3A_1023 = arith.constant 4 : i32
      %dma_start3A_1024 = arith.constant 0 : i32
      %dma_start3A_1025 = tpu.memref_slice %arg6[%and3A_952, %dma_start3A_1023, %dma_start3A_1024] : memref<8x26x32xf32, #tpu.memory_space<vmem>> -> memref<1x1x32xf32, #tpu.memory_space<vmem>>
      %dma_start3A_1026 = tpu.memref_squeeze %dma_start3A_1025 : memref<1x1x32xf32, #tpu.memory_space<vmem>> -> memref<32xf32, #tpu.memory_space<vmem>>
      %dma_start3A_1027 = arith.constant 0 : i32
      %dma_start3A_1028 = tpu.memref_slice %arg3[%squeeze3A_1022, %dma_start3A_1027] : memref<1000000x32xf32, #tpu.memory_space<hbm>> -> memref<1x32xf32, #tpu.memory_space<hbm>>
      %dma_start3A_1029 = tpu.memref_squeeze %dma_start3A_1028 : memref<1x32xf32, #tpu.memory_space<hbm>> -> memref<32xf32, #tpu.memory_space<hbm>>
      %dma_start3A_1030 = arith.constant 0 : i32
      %dma_start3A_1031 = tpu.memref_slice %arg6[%and3A_952, %dma_start3A_1023, %dma_start3A_1030] : memref<8x26x32xf32, #tpu.memory_space<vmem>> -> memref<1x1x32xf32, #tpu.memory_space<vmem>>
      %dma_start3A_1032 = tpu.memref_squeeze %dma_start3A_1031 : memref<1x1x32xf32, #tpu.memory_space<vmem>> -> memref<32xf32, #tpu.memory_space<vmem>>
      %dma_start3A_1033 = arith.constant 0 : i32
      %dma_start3A_1034 = tpu.memref_slice %arg3[%squeeze3A_1022, %dma_start3A_1033] : memref<1000000x32xf32, #tpu.memory_space<hbm>> -> memref<1x32xf32, #tpu.memory_space<hbm>>
      %dma_start3A_1035 = tpu.memref_squeeze %dma_start3A_1034 : memref<1x32xf32, #tpu.memory_space<hbm>> -> memref<32xf32, #tpu.memory_space<hbm>>
      tpu.enqueue_dma source(%dma_start3A_1035 : memref<32xf32, #tpu.memory_space<hbm>>) target(%dma_start3A_1032 : memref<32xf32, #tpu.memory_space<vmem>>) target_semaphore(%arg10 : memref<!tpu.dma_semaphore, #tpu.memory_space<semaphore_mem>>)
      %slice3A_1036 = vector.extract_strided_slice %get3A_956 {offsets = [5], sizes = [1], strides = [1]} : vector<16xi32> to vector<1xi32>
      %squeeze3A_1037 = vector.extract %slice3A_1036[0] : i32 from vector<1xi32>
      %dma_start3A_1038 = arith.constant 5 : i32
      %dma_start3A_1039 = arith.constant 0 : i32
      %dma_start3A_1040 = tpu.memref_slice %arg6[%and3A_952, %dma_start3A_1038, %dma_start3A_1039] : memref<8x26x32xf32, #tpu.memory_space<vmem>> -> memref<1x1x32xf32, #tpu.memory_space<vmem>>
      %dma_start3A_1041 = tpu.memref_squeeze %dma_start3A_1040 : memref<1x1x32xf32, #tpu.memory_space<vmem>> -> memref<32xf32, #tpu.memory_space<vmem>>
      %dma_start3A_1042 = arith.constant 0 : i32
      %dma_start3A_1043 = tpu.memref_slice %arg3[%squeeze3A_1037, %dma_start3A_1042] : memref<1000000x32xf32, #tpu.memory_space<hbm>> -> memref<1x32xf32, #tpu.memory_space<hbm>>
      %dma_start3A_1044 = tpu.memref_squeeze %dma_start3A_1043 : memref<1x32xf32, #tpu.memory_space<hbm>> -> memref<32xf32, #tpu.memory_space<hbm>>
      %dma_start3A_1045 = arith.constant 0 : i32
      %dma_start3A_1046 = tpu.memref_slice %arg6[%and3A_952, %dma_start3A_1038, %dma_start3A_1045] : memref<8x26x32xf32, #tpu.memory_space<vmem>> -> memref<1x1x32xf32, #tpu.memory_space<vmem>>
      %dma_start3A_1047 = tpu.memref_squeeze %dma_start3A_1046 : memref<1x1x32xf32, #tpu.memory_space<vmem>> -> memref<32xf32, #tpu.memory_space<vmem>>
      %dma_start3A_1048 = arith.constant 0 : i32
      %dma_start3A_1049 = tpu.memref_slice %arg3[%squeeze3A_1037, %dma_start3A_1048] : memref<1000000x32xf32, #tpu.memory_space<hbm>> -> memref<1x32xf32, #tpu.memory_space<hbm>>
      %dma_start3A_1050 = tpu.memref_squeeze %dma_start3A_1049 : memref<1x32xf32, #tpu.memory_space<hbm>> -> memref<32xf32, #tpu.memory_space<hbm>>
      tpu.enqueue_dma source(%dma_start3A_1050 : memref<32xf32, #tpu.memory_space<hbm>>) target(%dma_start3A_1047 : memref<32xf32, #tpu.memory_space<vmem>>) target_semaphore(%arg10 : memref<!tpu.dma_semaphore, #tpu.memory_space<semaphore_mem>>)
      %slice3A_1051 = vector.extract_strided_slice %get3A_956 {offsets = [6], sizes = [1], strides = [1]} : vector<16xi32> to vector<1xi32>
      %squeeze3A_1052 = vector.extract %slice3A_1051[0] : i32 from vector<1xi32>
      %dma_start3A_1053 = arith.constant 6 : i32
      %dma_start3A_1054 = arith.constant 0 : i32
      %dma_start3A_1055 = tpu.memref_slice %arg6[%and3A_952, %dma_start3A_1053, %dma_start3A_1054] : memref<8x26x32xf32, #tpu.memory_space<vmem>> -> memref<1x1x32xf32, #tpu.memory_space<vmem>>
      %dma_start3A_1056 = tpu.memref_squeeze %dma_start3A_1055 : memref<1x1x32xf32, #tpu.memory_space<vmem>> -> memref<32xf32, #tpu.memory_space<vmem>>
      %dma_start3A_1057 = arith.constant 0 : i32
      %dma_start3A_1058 = tpu.memref_slice %arg3[%squeeze3A_1052, %dma_start3A_1057] : memref<1000000x32xf32, #tpu.memory_space<hbm>> -> memref<1x32xf32, #tpu.memory_space<hbm>>
      %dma_start3A_1059 = tpu.memref_squeeze %dma_start3A_1058 : memref<1x32xf32, #tpu.memory_space<hbm>> -> memref<32xf32, #tpu.memory_space<hbm>>
      %dma_start3A_1060 = arith.constant 0 : i32
      %dma_start3A_1061 = tpu.memref_slice %arg6[%and3A_952, %dma_start3A_1053, %dma_start3A_1060] : memref<8x26x32xf32, #tpu.memory_space<vmem>> -> memref<1x1x32xf32, #tpu.memory_space<vmem>>
      %dma_start3A_1062 = tpu.memref_squeeze %dma_start3A_1061 : memref<1x1x32xf32, #tpu.memory_space<vmem>> -> memref<32xf32, #tpu.memory_space<vmem>>
      %dma_start3A_1063 = arith.constant 0 : i32
      %dma_start3A_1064 = tpu.memref_slice %arg3[%squeeze3A_1052, %dma_start3A_1063] : memref<1000000x32xf32, #tpu.memory_space<hbm>> -> memref<1x32xf32, #tpu.memory_space<hbm>>
      %dma_start3A_1065 = tpu.memref_squeeze %dma_start3A_1064 : memref<1x32xf32, #tpu.memory_space<hbm>> -> memref<32xf32, #tpu.memory_space<hbm>>
      tpu.enqueue_dma source(%dma_start3A_1065 : memref<32xf32, #tpu.memory_space<hbm>>) target(%dma_start3A_1062 : memref<32xf32, #tpu.memory_space<vmem>>) target_semaphore(%arg10 : memref<!tpu.dma_semaphore, #tpu.memory_space<semaphore_mem>>)
      %slice3A_1066 = vector.extract_strided_slice %get3A_956 {offsets = [7], sizes = [1], strides = [1]} : vector<16xi32> to vector<1xi32>
      %squeeze3A_1067 = vector.extract %slice3A_1066[0] : i32 from vector<1xi32>
      %dma_start3A_1068 = arith.constant 7 : i32
      %dma_start3A_1069 = arith.constant 0 : i32
      %dma_start3A_1070 = tpu.memref_slice %arg6[%and3A_952, %dma_start3A_1068, %dma_start3A_1069] : memref<8x26x32xf32, #tpu.memory_space<vmem>> -> memref<1x1x32xf32, #tpu.memory_space<vmem>>
      %dma_start3A_1071 = tpu.memref_squeeze %dma_start3A_1070 : memref<1x1x32xf32, #tpu.memory_space<vmem>> -> memref<32xf32, #tpu.memory_space<vmem>>
      %dma_start3A_1072 = arith.constant 0 : i32
      %dma_start3A_1073 = tpu.memref_slice %arg3[%squeeze3A_1067, %dma_start3A_1072] : memref<1000000x32xf32, #tpu.memory_space<hbm>> -> memref<1x32xf32, #tpu.memory_space<hbm>>
      %dma_start3A_1074 = tpu.memref_squeeze %dma_start3A_1073 : memref<1x32xf32, #tpu.memory_space<hbm>> -> memref<32xf32, #tpu.memory_space<hbm>>
      %dma_start3A_1075 = arith.constant 0 : i32
      %dma_start3A_1076 = tpu.memref_slice %arg6[%and3A_952, %dma_start3A_1068, %dma_start3A_1075] : memref<8x26x32xf32, #tpu.memory_space<vmem>> -> memref<1x1x32xf32, #tpu.memory_space<vmem>>
      %dma_start3A_1077 = tpu.memref_squeeze %dma_start3A_1076 : memref<1x1x32xf32, #tpu.memory_space<vmem>> -> memref<32xf32, #tpu.memory_space<vmem>>
      %dma_start3A_1078 = arith.constant 0 : i32
      %dma_start3A_1079 = tpu.memref_slice %arg3[%squeeze3A_1067, %dma_start3A_1078] : memref<1000000x32xf32, #tpu.memory_space<hbm>> -> memref<1x32xf32, #tpu.memory_space<hbm>>
      %dma_start3A_1080 = tpu.memref_squeeze %dma_start3A_1079 : memref<1x32xf32, #tpu.memory_space<hbm>> -> memref<32xf32, #tpu.memory_space<hbm>>
      tpu.enqueue_dma source(%dma_start3A_1080 : memref<32xf32, #tpu.memory_space<hbm>>) target(%dma_start3A_1077 : memref<32xf32, #tpu.memory_space<vmem>>) target_semaphore(%arg10 : memref<!tpu.dma_semaphore, #tpu.memory_space<semaphore_mem>>)
      %slice3A_1081 = vector.extract_strided_slice %get3A_956 {offsets = [8], sizes = [1], strides = [1]} : vector<16xi32> to vector<1xi32>
      %squeeze3A_1082 = vector.extract %slice3A_1081[0] : i32 from vector<1xi32>
      %dma_start3A_1083 = arith.constant 8 : i32
      %dma_start3A_1084 = arith.constant 0 : i32
      %dma_start3A_1085 = tpu.memref_slice %arg6[%and3A_952, %dma_start3A_1083, %dma_start3A_1084] : memref<8x26x32xf32, #tpu.memory_space<vmem>> -> memref<1x1x32xf32, #tpu.memory_space<vmem>>
      %dma_start3A_1086 = tpu.memref_squeeze %dma_start3A_1085 : memref<1x1x32xf32, #tpu.memory_space<vmem>> -> memref<32xf32, #tpu.memory_space<vmem>>
      %dma_start3A_1087 = arith.constant 0 : i32
      %dma_start3A_1088 = tpu.memref_slice %arg3[%squeeze3A_1082, %dma_start3A_1087] : memref<1000000x32xf32, #tpu.memory_space<hbm>> -> memref<1x32xf32, #tpu.memory_space<hbm>>
      %dma_start3A_1089 = tpu.memref_squeeze %dma_start3A_1088 : memref<1x32xf32, #tpu.memory_space<hbm>> -> memref<32xf32, #tpu.memory_space<hbm>>
      %dma_start3A_1090 = arith.constant 0 : i32
      %dma_start3A_1091 = tpu.memref_slice %arg6[%and3A_952, %dma_start3A_1083, %dma_start3A_1090] : memref<8x26x32xf32, #tpu.memory_space<vmem>> -> memref<1x1x32xf32, #tpu.memory_space<vmem>>
      %dma_start3A_1092 = tpu.memref_squeeze %dma_start3A_1091 : memref<1x1x32xf32, #tpu.memory_space<vmem>> -> memref<32xf32, #tpu.memory_space<vmem>>
      %dma_start3A_1093 = arith.constant 0 : i32
      %dma_start3A_1094 = tpu.memref_slice %arg3[%squeeze3A_1082, %dma_start3A_1093] : memref<1000000x32xf32, #tpu.memory_space<hbm>> -> memref<1x32xf32, #tpu.memory_space<hbm>>
      %dma_start3A_1095 = tpu.memref_squeeze %dma_start3A_1094 : memref<1x32xf32, #tpu.memory_space<hbm>> -> memref<32xf32, #tpu.memory_space<hbm>>
      tpu.enqueue_dma source(%dma_start3A_1095 : memref<32xf32, #tpu.memory_space<hbm>>) target(%dma_start3A_1092 : memref<32xf32, #tpu.memory_space<vmem>>) target_semaphore(%arg10 : memref<!tpu.dma_semaphore, #tpu.memory_space<semaphore_mem>>)
      %slice3A_1096 = vector.extract_strided_slice %get3A_956 {offsets = [9], sizes = [1], strides = [1]} : vector<16xi32> to vector<1xi32>
      %squeeze3A_1097 = vector.extract %slice3A_1096[0] : i32 from vector<1xi32>
      %dma_start3A_1098 = arith.constant 9 : i32
      %dma_start3A_1099 = arith.constant 0 : i32
      %dma_start3A_1100 = tpu.memref_slice %arg6[%and3A_952, %dma_start3A_1098, %dma_start3A_1099] : memref<8x26x32xf32, #tpu.memory_space<vmem>> -> memref<1x1x32xf32, #tpu.memory_space<vmem>>
      %dma_start3A_1101 = tpu.memref_squeeze %dma_start3A_1100 : memref<1x1x32xf32, #tpu.memory_space<vmem>> -> memref<32xf32, #tpu.memory_space<vmem>>
      %dma_start3A_1102 = arith.constant 0 : i32
      %dma_start3A_1103 = tpu.memref_slice %arg3[%squeeze3A_1097, %dma_start3A_1102] : memref<1000000x32xf32, #tpu.memory_space<hbm>> -> memref<1x32xf32, #tpu.memory_space<hbm>>
      %dma_start3A_1104 = tpu.memref_squeeze %dma_start3A_1103 : memref<1x32xf32, #tpu.memory_space<hbm>> -> memref<32xf32, #tpu.memory_space<hbm>>
      %dma_start3A_1105 = arith.constant 0 : i32
      %dma_start3A_1106 = tpu.memref_slice %arg6[%and3A_952, %dma_start3A_1098, %dma_start3A_1105] : memref<8x26x32xf32, #tpu.memory_space<vmem>> -> memref<1x1x32xf32, #tpu.memory_space<vmem>>
      %dma_start3A_1107 = tpu.memref_squeeze %dma_start3A_1106 : memref<1x1x32xf32, #tpu.memory_space<vmem>> -> memref<32xf32, #tpu.memory_space<vmem>>
      %dma_start3A_1108 = arith.constant 0 : i32
      %dma_start3A_1109 = tpu.memref_slice %arg3[%squeeze3A_1097, %dma_start3A_1108] : memref<1000000x32xf32, #tpu.memory_space<hbm>> -> memref<1x32xf32, #tpu.memory_space<hbm>>
      %dma_start3A_1110 = tpu.memref_squeeze %dma_start3A_1109 : memref<1x32xf32, #tpu.memory_space<hbm>> -> memref<32xf32, #tpu.memory_space<hbm>>
      tpu.enqueue_dma source(%dma_start3A_1110 : memref<32xf32, #tpu.memory_space<hbm>>) target(%dma_start3A_1107 : memref<32xf32, #tpu.memory_space<vmem>>) target_semaphore(%arg10 : memref<!tpu.dma_semaphore, #tpu.memory_space<semaphore_mem>>)
      %slice3A_1111 = vector.extract_strided_slice %get3A_956 {offsets = [10], sizes = [1], strides = [1]} : vector<16xi32> to vector<1xi32>
      %squeeze3A_1112 = vector.extract %slice3A_1111[0] : i32 from vector<1xi32>
      %dma_start3A_1113 = arith.constant 10 : i32
      %dma_start3A_1114 = arith.constant 0 : i32
      %dma_start3A_1115 = tpu.memref_slice %arg6[%and3A_952, %dma_start3A_1113, %dma_start3A_1114] : memref<8x26x32xf32, #tpu.memory_space<vmem>> -> memref<1x1x32xf32, #tpu.memory_space<vmem>>
      %dma_start3A_1116 = tpu.memref_squeeze %dma_start3A_1115 : memref<1x1x32xf32, #tpu.memory_space<vmem>> -> memref<32xf32, #tpu.memory_space<vmem>>
      %dma_start3A_1117 = arith.constant 0 : i32
      %dma_start3A_1118 = tpu.memref_slice %arg3[%squeeze3A_1112, %dma_start3A_1117] : memref<1000000x32xf32, #tpu.memory_space<hbm>> -> memref<1x32xf32, #tpu.memory_space<hbm>>
      %dma_start3A_1119 = tpu.memref_squeeze %dma_start3A_1118 : memref<1x32xf32, #tpu.memory_space<hbm>> -> memref<32xf32, #tpu.memory_space<hbm>>
      %dma_start3A_1120 = arith.constant 0 : i32
      %dma_start3A_1121 = tpu.memref_slice %arg6[%and3A_952, %dma_start3A_1113, %dma_start3A_1120] : memref<8x26x32xf32, #tpu.memory_space<vmem>> -> memref<1x1x32xf32, #tpu.memory_space<vmem>>
      %dma_start3A_1122 = tpu.memref_squeeze %dma_start3A_1121 : memref<1x1x32xf32, #tpu.memory_space<vmem>> -> memref<32xf32, #tpu.memory_space<vmem>>
      %dma_start3A_1123 = arith.constant 0 : i32
      %dma_start3A_1124 = tpu.memref_slice %arg3[%squeeze3A_1112, %dma_start3A_1123] : memref<1000000x32xf32, #tpu.memory_space<hbm>> -> memref<1x32xf32, #tpu.memory_space<hbm>>
      %dma_start3A_1125 = tpu.memref_squeeze %dma_start3A_1124 : memref<1x32xf32, #tpu.memory_space<hbm>> -> memref<32xf32, #tpu.memory_space<hbm>>
      tpu.enqueue_dma source(%dma_start3A_1125 : memref<32xf32, #tpu.memory_space<hbm>>) target(%dma_start3A_1122 : memref<32xf32, #tpu.memory_space<vmem>>) target_semaphore(%arg10 : memref<!tpu.dma_semaphore, #tpu.memory_space<semaphore_mem>>)
      %slice3A_1126 = vector.extract_strided_slice %get3A_956 {offsets = [11], sizes = [1], strides = [1]} : vector<16xi32> to vector<1xi32>
      %squeeze3A_1127 = vector.extract %slice3A_1126[0] : i32 from vector<1xi32>
      %dma_start3A_1128 = arith.constant 11 : i32
      %dma_start3A_1129 = arith.constant 0 : i32
      %dma_start3A_1130 = tpu.memref_slice %arg6[%and3A_952, %dma_start3A_1128, %dma_start3A_1129] : memref<8x26x32xf32, #tpu.memory_space<vmem>> -> memref<1x1x32xf32, #tpu.memory_space<vmem>>
      %dma_start3A_1131 = tpu.memref_squeeze %dma_start3A_1130 : memref<1x1x32xf32, #tpu.memory_space<vmem>> -> memref<32xf32, #tpu.memory_space<vmem>>
      %dma_start3A_1132 = arith.constant 0 : i32
      %dma_start3A_1133 = tpu.memref_slice %arg3[%squeeze3A_1127, %dma_start3A_1132] : memref<1000000x32xf32, #tpu.memory_space<hbm>> -> memref<1x32xf32, #tpu.memory_space<hbm>>
      %dma_start3A_1134 = tpu.memref_squeeze %dma_start3A_1133 : memref<1x32xf32, #tpu.memory_space<hbm>> -> memref<32xf32, #tpu.memory_space<hbm>>
      %dma_start3A_1135 = arith.constant 0 : i32
      %dma_start3A_1136 = tpu.memref_slice %arg6[%and3A_952, %dma_start3A_1128, %dma_start3A_1135] : memref<8x26x32xf32, #tpu.memory_space<vmem>> -> memref<1x1x32xf32, #tpu.memory_space<vmem>>
      %dma_start3A_1137 = tpu.memref_squeeze %dma_start3A_1136 : memref<1x1x32xf32, #tpu.memory_space<vmem>> -> memref<32xf32, #tpu.memory_space<vmem>>
      %dma_start3A_1138 = arith.constant 0 : i32
      %dma_start3A_1139 = tpu.memref_slice %arg3[%squeeze3A_1127, %dma_start3A_1138] : memref<1000000x32xf32, #tpu.memory_space<hbm>> -> memref<1x32xf32, #tpu.memory_space<hbm>>
      %dma_start3A_1140 = tpu.memref_squeeze %dma_start3A_1139 : memref<1x32xf32, #tpu.memory_space<hbm>> -> memref<32xf32, #tpu.memory_space<hbm>>
      tpu.enqueue_dma source(%dma_start3A_1140 : memref<32xf32, #tpu.memory_space<hbm>>) target(%dma_start3A_1137 : memref<32xf32, #tpu.memory_space<vmem>>) target_semaphore(%arg10 : memref<!tpu.dma_semaphore, #tpu.memory_space<semaphore_mem>>)
      %slice3A_1141 = vector.extract_strided_slice %get3A_956 {offsets = [12], sizes = [1], strides = [1]} : vector<16xi32> to vector<1xi32>
      %squeeze3A_1142 = vector.extract %slice3A_1141[0] : i32 from vector<1xi32>
      %dma_start3A_1143 = arith.constant 12 : i32
      %dma_start3A_1144 = arith.constant 0 : i32
      %dma_start3A_1145 = tpu.memref_slice %arg6[%and3A_952, %dma_start3A_1143, %dma_start3A_1144] : memref<8x26x32xf32, #tpu.memory_space<vmem>> -> memref<1x1x32xf32, #tpu.memory_space<vmem>>
      %dma_start3A_1146 = tpu.memref_squeeze %dma_start3A_1145 : memref<1x1x32xf32, #tpu.memory_space<vmem>> -> memref<32xf32, #tpu.memory_space<vmem>>
      %dma_start3A_1147 = arith.constant 0 : i32
      %dma_start3A_1148 = tpu.memref_slice %arg3[%squeeze3A_1142, %dma_start3A_1147] : memref<1000000x32xf32, #tpu.memory_space<hbm>> -> memref<1x32xf32, #tpu.memory_space<hbm>>
      %dma_start3A_1149 = tpu.memref_squeeze %dma_start3A_1148 : memref<1x32xf32, #tpu.memory_space<hbm>> -> memref<32xf32, #tpu.memory_space<hbm>>
      %dma_start3A_1150 = arith.constant 0 : i32
      %dma_start3A_1151 = tpu.memref_slice %arg6[%and3A_952, %dma_start3A_1143, %dma_start3A_1150] : memref<8x26x32xf32, #tpu.memory_space<vmem>> -> memref<1x1x32xf32, #tpu.memory_space<vmem>>
      %dma_start3A_1152 = tpu.memref_squeeze %dma_start3A_1151 : memref<1x1x32xf32, #tpu.memory_space<vmem>> -> memref<32xf32, #tpu.memory_space<vmem>>
      %dma_start3A_1153 = arith.constant 0 : i32
      %dma_start3A_1154 = tpu.memref_slice %arg3[%squeeze3A_1142, %dma_start3A_1153] : memref<1000000x32xf32, #tpu.memory_space<hbm>> -> memref<1x32xf32, #tpu.memory_space<hbm>>
      %dma_start3A_1155 = tpu.memref_squeeze %dma_start3A_1154 : memref<1x32xf32, #tpu.memory_space<hbm>> -> memref<32xf32, #tpu.memory_space<hbm>>
      tpu.enqueue_dma source(%dma_start3A_1155 : memref<32xf32, #tpu.memory_space<hbm>>) target(%dma_start3A_1152 : memref<32xf32, #tpu.memory_space<vmem>>) target_semaphore(%arg10 : memref<!tpu.dma_semaphore, #tpu.memory_space<semaphore_mem>>)
      %slice3A_1156 = vector.extract_strided_slice %get3A_956 {offsets = [13], sizes = [1], strides = [1]} : vector<16xi32> to vector<1xi32>
      %squeeze3A_1157 = vector.extract %slice3A_1156[0] : i32 from vector<1xi32>
      %dma_start3A_1158 = arith.constant 13 : i32
      %dma_start3A_1159 = arith.constant 0 : i32
      %dma_start3A_1160 = tpu.memref_slice %arg6[%and3A_952, %dma_start3A_1158, %dma_start3A_1159] : memref<8x26x32xf32, #tpu.memory_space<vmem>> -> memref<1x1x32xf32, #tpu.memory_space<vmem>>
      %dma_start3A_1161 = tpu.memref_squeeze %dma_start3A_1160 : memref<1x1x32xf32, #tpu.memory_space<vmem>> -> memref<32xf32, #tpu.memory_space<vmem>>
      %dma_start3A_1162 = arith.constant 0 : i32
      %dma_start3A_1163 = tpu.memref_slice %arg3[%squeeze3A_1157, %dma_start3A_1162] : memref<1000000x32xf32, #tpu.memory_space<hbm>> -> memref<1x32xf32, #tpu.memory_space<hbm>>
      %dma_start3A_1164 = tpu.memref_squeeze %dma_start3A_1163 : memref<1x32xf32, #tpu.memory_space<hbm>> -> memref<32xf32, #tpu.memory_space<hbm>>
      %dma_start3A_1165 = arith.constant 0 : i32
      %dma_start3A_1166 = tpu.memref_slice %arg6[%and3A_952, %dma_start3A_1158, %dma_start3A_1165] : memref<8x26x32xf32, #tpu.memory_space<vmem>> -> memref<1x1x32xf32, #tpu.memory_space<vmem>>
      %dma_start3A_1167 = tpu.memref_squeeze %dma_start3A_1166 : memref<1x1x32xf32, #tpu.memory_space<vmem>> -> memref<32xf32, #tpu.memory_space<vmem>>
      %dma_start3A_1168 = arith.constant 0 : i32
      %dma_start3A_1169 = tpu.memref_slice %arg3[%squeeze3A_1157, %dma_start3A_1168] : memref<1000000x32xf32, #tpu.memory_space<hbm>> -> memref<1x32xf32, #tpu.memory_space<hbm>>
      %dma_start3A_1170 = tpu.memref_squeeze %dma_start3A_1169 : memref<1x32xf32, #tpu.memory_space<hbm>> -> memref<32xf32, #tpu.memory_space<hbm>>
      tpu.enqueue_dma source(%dma_start3A_1170 : memref<32xf32, #tpu.memory_space<hbm>>) target(%dma_start3A_1167 : memref<32xf32, #tpu.memory_space<vmem>>) target_semaphore(%arg10 : memref<!tpu.dma_semaphore, #tpu.memory_space<semaphore_mem>>)
      %slice3A_1171 = vector.extract_strided_slice %get3A_956 {offsets = [14], sizes = [1], strides = [1]} : vector<16xi32> to vector<1xi32>
      %squeeze3A_1172 = vector.extract %slice3A_1171[0] : i32 from vector<1xi32>
      %dma_start3A_1173 = arith.constant 14 : i32
      %dma_start3A_1174 = arith.constant 0 : i32
      %dma_start3A_1175 = tpu.memref_slice %arg6[%and3A_952, %dma_start3A_1173, %dma_start3A_1174] : memref<8x26x32xf32, #tpu.memory_space<vmem>> -> memref<1x1x32xf32, #tpu.memory_space<vmem>>
      %dma_start3A_1176 = tpu.memref_squeeze %dma_start3A_1175 : memref<1x1x32xf32, #tpu.memory_space<vmem>> -> memref<32xf32, #tpu.memory_space<vmem>>
      %dma_start3A_1177 = arith.constant 0 : i32
      %dma_start3A_1178 = tpu.memref_slice %arg3[%squeeze3A_1172, %dma_start3A_1177] : memref<1000000x32xf32, #tpu.memory_space<hbm>> -> memref<1x32xf32, #tpu.memory_space<hbm>>
      %dma_start3A_1179 = tpu.memref_squeeze %dma_start3A_1178 : memref<1x32xf32, #tpu.memory_space<hbm>> -> memref<32xf32, #tpu.memory_space<hbm>>
      %dma_start3A_1180 = arith.constant 0 : i32
      %dma_start3A_1181 = tpu.memref_slice %arg6[%and3A_952, %dma_start3A_1173, %dma_start3A_1180] : memref<8x26x32xf32, #tpu.memory_space<vmem>> -> memref<1x1x32xf32, #tpu.memory_space<vmem>>
      %dma_start3A_1182 = tpu.memref_squeeze %dma_start3A_1181 : memref<1x1x32xf32, #tpu.memory_space<vmem>> -> memref<32xf32, #tpu.memory_space<vmem>>
      %dma_start3A_1183 = arith.constant 0 : i32
      %dma_start3A_1184 = tpu.memref_slice %arg3[%squeeze3A_1172, %dma_start3A_1183] : memref<1000000x32xf32, #tpu.memory_space<hbm>> -> memref<1x32xf32, #tpu.memory_space<hbm>>
      %dma_start3A_1185 = tpu.memref_squeeze %dma_start3A_1184 : memref<1x32xf32, #tpu.memory_space<hbm>> -> memref<32xf32, #tpu.memory_space<hbm>>
      tpu.enqueue_dma source(%dma_start3A_1185 : memref<32xf32, #tpu.memory_space<hbm>>) target(%dma_start3A_1182 : memref<32xf32, #tpu.memory_space<vmem>>) target_semaphore(%arg10 : memref<!tpu.dma_semaphore, #tpu.memory_space<semaphore_mem>>)
      %slice3A_1186 = vector.extract_strided_slice %get3A_956 {offsets = [15], sizes = [1], strides = [1]} : vector<16xi32> to vector<1xi32>
      %squeeze3A_1187 = vector.extract %slice3A_1186[0] : i32 from vector<1xi32>
      %dma_start3A_1188 = arith.constant 15 : i32
      %dma_start3A_1189 = arith.constant 0 : i32
      %dma_start3A_1190 = tpu.memref_slice %arg6[%and3A_952, %dma_start3A_1188, %dma_start3A_1189] : memref<8x26x32xf32, #tpu.memory_space<vmem>> -> memref<1x1x32xf32, #tpu.memory_space<vmem>>
      %dma_start3A_1191 = tpu.memref_squeeze %dma_start3A_1190 : memref<1x1x32xf32, #tpu.memory_space<vmem>> -> memref<32xf32, #tpu.memory_space<vmem>>
      %dma_start3A_1192 = arith.constant 0 : i32
      %dma_start3A_1193 = tpu.memref_slice %arg3[%squeeze3A_1187, %dma_start3A_1192] : memref<1000000x32xf32, #tpu.memory_space<hbm>> -> memref<1x32xf32, #tpu.memory_space<hbm>>
      %dma_start3A_1194 = tpu.memref_squeeze %dma_start3A_1193 : memref<1x32xf32, #tpu.memory_space<hbm>> -> memref<32xf32, #tpu.memory_space<hbm>>
      %dma_start3A_1195 = arith.constant 0 : i32
      %dma_start3A_1196 = tpu.memref_slice %arg6[%and3A_952, %dma_start3A_1188, %dma_start3A_1195] : memref<8x26x32xf32, #tpu.memory_space<vmem>> -> memref<1x1x32xf32, #tpu.memory_space<vmem>>
      %dma_start3A_1197 = tpu.memref_squeeze %dma_start3A_1196 : memref<1x1x32xf32, #tpu.memory_space<vmem>> -> memref<32xf32, #tpu.memory_space<vmem>>
      %dma_start3A_1198 = arith.constant 0 : i32
      %dma_start3A_1199 = tpu.memref_slice %arg3[%squeeze3A_1187, %dma_start3A_1198] : memref<1000000x32xf32, #tpu.memory_space<hbm>> -> memref<1x32xf32, #tpu.memory_space<hbm>>
      %dma_start3A_1200 = tpu.memref_squeeze %dma_start3A_1199 : memref<1x32xf32, #tpu.memory_space<hbm>> -> memref<32xf32, #tpu.memory_space<hbm>>
      tpu.enqueue_dma source(%dma_start3A_1200 : memref<32xf32, #tpu.memory_space<hbm>>) target(%dma_start3A_1197 : memref<32xf32, #tpu.memory_space<vmem>>) target_semaphore(%arg10 : memref<!tpu.dma_semaphore, #tpu.memory_space<semaphore_mem>>)
      %slice3A_1201 = vector.extract_strided_slice %get3A_960 {offsets = [0], sizes = [1], strides = [1]} : vector<16xi32> to vector<1xi32>
      %squeeze3A_1202 = vector.extract %slice3A_1201[0] : i32 from vector<1xi32>
      %dma_start3A_1203 = arith.constant 16 : i32
      %dma_start3A_1204 = arith.constant 0 : i32
      %dma_start3A_1205 = tpu.memref_slice %arg6[%and3A_952, %dma_start3A_1203, %dma_start3A_1204] : memref<8x26x32xf32, #tpu.memory_space<vmem>> -> memref<1x1x32xf32, #tpu.memory_space<vmem>>
      %dma_start3A_1206 = tpu.memref_squeeze %dma_start3A_1205 : memref<1x1x32xf32, #tpu.memory_space<vmem>> -> memref<32xf32, #tpu.memory_space<vmem>>
      %dma_start3A_1207 = arith.constant 0 : i32
      %dma_start3A_1208 = tpu.memref_slice %arg3[%squeeze3A_1202, %dma_start3A_1207] : memref<1000000x32xf32, #tpu.memory_space<hbm>> -> memref<1x32xf32, #tpu.memory_space<hbm>>
      %dma_start3A_1209 = tpu.memref_squeeze %dma_start3A_1208 : memref<1x32xf32, #tpu.memory_space<hbm>> -> memref<32xf32, #tpu.memory_space<hbm>>
      %dma_start3A_1210 = arith.constant 0 : i32
      %dma_start3A_1211 = tpu.memref_slice %arg6[%and3A_952, %dma_start3A_1203, %dma_start3A_1210] : memref<8x26x32xf32, #tpu.memory_space<vmem>> -> memref<1x1x32xf32, #tpu.memory_space<vmem>>
      %dma_start3A_1212 = tpu.memref_squeeze %dma_start3A_1211 : memref<1x1x32xf32, #tpu.memory_space<vmem>> -> memref<32xf32, #tpu.memory_space<vmem>>
      %dma_start3A_1213 = arith.constant 0 : i32
      %dma_start3A_1214 = tpu.memref_slice %arg3[%squeeze3A_1202, %dma_start3A_1213] : memref<1000000x32xf32, #tpu.memory_space<hbm>> -> memref<1x32xf32, #tpu.memory_space<hbm>>
      %dma_start3A_1215 = tpu.memref_squeeze %dma_start3A_1214 : memref<1x32xf32, #tpu.memory_space<hbm>> -> memref<32xf32, #tpu.memory_space<hbm>>
      tpu.enqueue_dma source(%dma_start3A_1215 : memref<32xf32, #tpu.memory_space<hbm>>) target(%dma_start3A_1212 : memref<32xf32, #tpu.memory_space<vmem>>) target_semaphore(%arg10 : memref<!tpu.dma_semaphore, #tpu.memory_space<semaphore_mem>>)
      %slice3A_1216 = vector.extract_strided_slice %get3A_960 {offsets = [1], sizes = [1], strides = [1]} : vector<16xi32> to vector<1xi32>
      %squeeze3A_1217 = vector.extract %slice3A_1216[0] : i32 from vector<1xi32>
      %dma_start3A_1218 = arith.constant 17 : i32
      %dma_start3A_1219 = arith.constant 0 : i32
      %dma_start3A_1220 = tpu.memref_slice %arg6[%and3A_952, %dma_start3A_1218, %dma_start3A_1219] : memref<8x26x32xf32, #tpu.memory_space<vmem>> -> memref<1x1x32xf32, #tpu.memory_space<vmem>>
      %dma_start3A_1221 = tpu.memref_squeeze %dma_start3A_1220 : memref<1x1x32xf32, #tpu.memory_space<vmem>> -> memref<32xf32, #tpu.memory_space<vmem>>
      %dma_start3A_1222 = arith.constant 0 : i32
      %dma_start3A_1223 = tpu.memref_slice %arg3[%squeeze3A_1217, %dma_start3A_1222] : memref<1000000x32xf32, #tpu.memory_space<hbm>> -> memref<1x32xf32, #tpu.memory_space<hbm>>
      %dma_start3A_1224 = tpu.memref_squeeze %dma_start3A_1223 : memref<1x32xf32, #tpu.memory_space<hbm>> -> memref<32xf32, #tpu.memory_space<hbm>>
      %dma_start3A_1225 = arith.constant 0 : i32
      %dma_start3A_1226 = tpu.memref_slice %arg6[%and3A_952, %dma_start3A_1218, %dma_start3A_1225] : memref<8x26x32xf32, #tpu.memory_space<vmem>> -> memref<1x1x32xf32, #tpu.memory_space<vmem>>
      %dma_start3A_1227 = tpu.memref_squeeze %dma_start3A_1226 : memref<1x1x32xf32, #tpu.memory_space<vmem>> -> memref<32xf32, #tpu.memory_space<vmem>>
      %dma_start3A_1228 = arith.constant 0 : i32
      %dma_start3A_1229 = tpu.memref_slice %arg3[%squeeze3A_1217, %dma_start3A_1228] : memref<1000000x32xf32, #tpu.memory_space<hbm>> -> memref<1x32xf32, #tpu.memory_space<hbm>>
      %dma_start3A_1230 = tpu.memref_squeeze %dma_start3A_1229 : memref<1x32xf32, #tpu.memory_space<hbm>> -> memref<32xf32, #tpu.memory_space<hbm>>
      tpu.enqueue_dma source(%dma_start3A_1230 : memref<32xf32, #tpu.memory_space<hbm>>) target(%dma_start3A_1227 : memref<32xf32, #tpu.memory_space<vmem>>) target_semaphore(%arg10 : memref<!tpu.dma_semaphore, #tpu.memory_space<semaphore_mem>>)
      %slice3A_1231 = vector.extract_strided_slice %get3A_960 {offsets = [2], sizes = [1], strides = [1]} : vector<16xi32> to vector<1xi32>
      %squeeze3A_1232 = vector.extract %slice3A_1231[0] : i32 from vector<1xi32>
      %dma_start3A_1233 = arith.constant 18 : i32
      %dma_start3A_1234 = arith.constant 0 : i32
      %dma_start3A_1235 = tpu.memref_slice %arg6[%and3A_952, %dma_start3A_1233, %dma_start3A_1234] : memref<8x26x32xf32, #tpu.memory_space<vmem>> -> memref<1x1x32xf32, #tpu.memory_space<vmem>>
      %dma_start3A_1236 = tpu.memref_squeeze %dma_start3A_1235 : memref<1x1x32xf32, #tpu.memory_space<vmem>> -> memref<32xf32, #tpu.memory_space<vmem>>
      %dma_start3A_1237 = arith.constant 0 : i32
      %dma_start3A_1238 = tpu.memref_slice %arg3[%squeeze3A_1232, %dma_start3A_1237] : memref<1000000x32xf32, #tpu.memory_space<hbm>> -> memref<1x32xf32, #tpu.memory_space<hbm>>
      %dma_start3A_1239 = tpu.memref_squeeze %dma_start3A_1238 : memref<1x32xf32, #tpu.memory_space<hbm>> -> memref<32xf32, #tpu.memory_space<hbm>>
      %dma_start3A_1240 = arith.constant 0 : i32
      %dma_start3A_1241 = tpu.memref_slice %arg6[%and3A_952, %dma_start3A_1233, %dma_start3A_1240] : memref<8x26x32xf32, #tpu.memory_space<vmem>> -> memref<1x1x32xf32, #tpu.memory_space<vmem>>
      %dma_start3A_1242 = tpu.memref_squeeze %dma_start3A_1241 : memref<1x1x32xf32, #tpu.memory_space<vmem>> -> memref<32xf32, #tpu.memory_space<vmem>>
      %dma_start3A_1243 = arith.constant 0 : i32
      %dma_start3A_1244 = tpu.memref_slice %arg3[%squeeze3A_1232, %dma_start3A_1243] : memref<1000000x32xf32, #tpu.memory_space<hbm>> -> memref<1x32xf32, #tpu.memory_space<hbm>>
      %dma_start3A_1245 = tpu.memref_squeeze %dma_start3A_1244 : memref<1x32xf32, #tpu.memory_space<hbm>> -> memref<32xf32, #tpu.memory_space<hbm>>
      tpu.enqueue_dma source(%dma_start3A_1245 : memref<32xf32, #tpu.memory_space<hbm>>) target(%dma_start3A_1242 : memref<32xf32, #tpu.memory_space<vmem>>) target_semaphore(%arg10 : memref<!tpu.dma_semaphore, #tpu.memory_space<semaphore_mem>>)
      %slice3A_1246 = vector.extract_strided_slice %get3A_960 {offsets = [3], sizes = [1], strides = [1]} : vector<16xi32> to vector<1xi32>
      %squeeze3A_1247 = vector.extract %slice3A_1246[0] : i32 from vector<1xi32>
      %dma_start3A_1248 = arith.constant 19 : i32
      %dma_start3A_1249 = arith.constant 0 : i32
      %dma_start3A_1250 = tpu.memref_slice %arg6[%and3A_952, %dma_start3A_1248, %dma_start3A_1249] : memref<8x26x32xf32, #tpu.memory_space<vmem>> -> memref<1x1x32xf32, #tpu.memory_space<vmem>>
      %dma_start3A_1251 = tpu.memref_squeeze %dma_start3A_1250 : memref<1x1x32xf32, #tpu.memory_space<vmem>> -> memref<32xf32, #tpu.memory_space<vmem>>
      %dma_start3A_1252 = arith.constant 0 : i32
      %dma_start3A_1253 = tpu.memref_slice %arg3[%squeeze3A_1247, %dma_start3A_1252] : memref<1000000x32xf32, #tpu.memory_space<hbm>> -> memref<1x32xf32, #tpu.memory_space<hbm>>
      %dma_start3A_1254 = tpu.memref_squeeze %dma_start3A_1253 : memref<1x32xf32, #tpu.memory_space<hbm>> -> memref<32xf32, #tpu.memory_space<hbm>>
      %dma_start3A_1255 = arith.constant 0 : i32
      %dma_start3A_1256 = tpu.memref_slice %arg6[%and3A_952, %dma_start3A_1248, %dma_start3A_1255] : memref<8x26x32xf32, #tpu.memory_space<vmem>> -> memref<1x1x32xf32, #tpu.memory_space<vmem>>
      %dma_start3A_1257 = tpu.memref_squeeze %dma_start3A_1256 : memref<1x1x32xf32, #tpu.memory_space<vmem>> -> memref<32xf32, #tpu.memory_space<vmem>>
      %dma_start3A_1258 = arith.constant 0 : i32
      %dma_start3A_1259 = tpu.memref_slice %arg3[%squeeze3A_1247, %dma_start3A_1258] : memref<1000000x32xf32, #tpu.memory_space<hbm>> -> memref<1x32xf32, #tpu.memory_space<hbm>>
      %dma_start3A_1260 = tpu.memref_squeeze %dma_start3A_1259 : memref<1x32xf32, #tpu.memory_space<hbm>> -> memref<32xf32, #tpu.memory_space<hbm>>
      tpu.enqueue_dma source(%dma_start3A_1260 : memref<32xf32, #tpu.memory_space<hbm>>) target(%dma_start3A_1257 : memref<32xf32, #tpu.memory_space<vmem>>) target_semaphore(%arg10 : memref<!tpu.dma_semaphore, #tpu.memory_space<semaphore_mem>>)
      %slice3A_1261 = vector.extract_strided_slice %get3A_960 {offsets = [4], sizes = [1], strides = [1]} : vector<16xi32> to vector<1xi32>
      %squeeze3A_1262 = vector.extract %slice3A_1261[0] : i32 from vector<1xi32>
      %dma_start3A_1263 = arith.constant 20 : i32
      %dma_start3A_1264 = arith.constant 0 : i32
      %dma_start3A_1265 = tpu.memref_slice %arg6[%and3A_952, %dma_start3A_1263, %dma_start3A_1264] : memref<8x26x32xf32, #tpu.memory_space<vmem>> -> memref<1x1x32xf32, #tpu.memory_space<vmem>>
      %dma_start3A_1266 = tpu.memref_squeeze %dma_start3A_1265 : memref<1x1x32xf32, #tpu.memory_space<vmem>> -> memref<32xf32, #tpu.memory_space<vmem>>
      %dma_start3A_1267 = arith.constant 0 : i32
      %dma_start3A_1268 = tpu.memref_slice %arg3[%squeeze3A_1262, %dma_start3A_1267] : memref<1000000x32xf32, #tpu.memory_space<hbm>> -> memref<1x32xf32, #tpu.memory_space<hbm>>
      %dma_start3A_1269 = tpu.memref_squeeze %dma_start3A_1268 : memref<1x32xf32, #tpu.memory_space<hbm>> -> memref<32xf32, #tpu.memory_space<hbm>>
      %dma_start3A_1270 = arith.constant 0 : i32
      %dma_start3A_1271 = tpu.memref_slice %arg6[%and3A_952, %dma_start3A_1263, %dma_start3A_1270] : memref<8x26x32xf32, #tpu.memory_space<vmem>> -> memref<1x1x32xf32, #tpu.memory_space<vmem>>
      %dma_start3A_1272 = tpu.memref_squeeze %dma_start3A_1271 : memref<1x1x32xf32, #tpu.memory_space<vmem>> -> memref<32xf32, #tpu.memory_space<vmem>>
      %dma_start3A_1273 = arith.constant 0 : i32
      %dma_start3A_1274 = tpu.memref_slice %arg3[%squeeze3A_1262, %dma_start3A_1273] : memref<1000000x32xf32, #tpu.memory_space<hbm>> -> memref<1x32xf32, #tpu.memory_space<hbm>>
      %dma_start3A_1275 = tpu.memref_squeeze %dma_start3A_1274 : memref<1x32xf32, #tpu.memory_space<hbm>> -> memref<32xf32, #tpu.memory_space<hbm>>
      tpu.enqueue_dma source(%dma_start3A_1275 : memref<32xf32, #tpu.memory_space<hbm>>) target(%dma_start3A_1272 : memref<32xf32, #tpu.memory_space<vmem>>) target_semaphore(%arg10 : memref<!tpu.dma_semaphore, #tpu.memory_space<semaphore_mem>>)
      %slice3A_1276 = vector.extract_strided_slice %get3A_960 {offsets = [5], sizes = [1], strides = [1]} : vector<16xi32> to vector<1xi32>
      %squeeze3A_1277 = vector.extract %slice3A_1276[0] : i32 from vector<1xi32>
      %dma_start3A_1278 = arith.constant 21 : i32
      %dma_start3A_1279 = arith.constant 0 : i32
      %dma_start3A_1280 = tpu.memref_slice %arg6[%and3A_952, %dma_start3A_1278, %dma_start3A_1279] : memref<8x26x32xf32, #tpu.memory_space<vmem>> -> memref<1x1x32xf32, #tpu.memory_space<vmem>>
      %dma_start3A_1281 = tpu.memref_squeeze %dma_start3A_1280 : memref<1x1x32xf32, #tpu.memory_space<vmem>> -> memref<32xf32, #tpu.memory_space<vmem>>
      %dma_start3A_1282 = arith.constant 0 : i32
      %dma_start3A_1283 = tpu.memref_slice %arg3[%squeeze3A_1277, %dma_start3A_1282] : memref<1000000x32xf32, #tpu.memory_space<hbm>> -> memref<1x32xf32, #tpu.memory_space<hbm>>
      %dma_start3A_1284 = tpu.memref_squeeze %dma_start3A_1283 : memref<1x32xf32, #tpu.memory_space<hbm>> -> memref<32xf32, #tpu.memory_space<hbm>>
      %dma_start3A_1285 = arith.constant 0 : i32
      %dma_start3A_1286 = tpu.memref_slice %arg6[%and3A_952, %dma_start3A_1278, %dma_start3A_1285] : memref<8x26x32xf32, #tpu.memory_space<vmem>> -> memref<1x1x32xf32, #tpu.memory_space<vmem>>
      %dma_start3A_1287 = tpu.memref_squeeze %dma_start3A_1286 : memref<1x1x32xf32, #tpu.memory_space<vmem>> -> memref<32xf32, #tpu.memory_space<vmem>>
      %dma_start3A_1288 = arith.constant 0 : i32
      %dma_start3A_1289 = tpu.memref_slice %arg3[%squeeze3A_1277, %dma_start3A_1288] : memref<1000000x32xf32, #tpu.memory_space<hbm>> -> memref<1x32xf32, #tpu.memory_space<hbm>>
      %dma_start3A_1290 = tpu.memref_squeeze %dma_start3A_1289 : memref<1x32xf32, #tpu.memory_space<hbm>> -> memref<32xf32, #tpu.memory_space<hbm>>
      tpu.enqueue_dma source(%dma_start3A_1290 : memref<32xf32, #tpu.memory_space<hbm>>) target(%dma_start3A_1287 : memref<32xf32, #tpu.memory_space<vmem>>) target_semaphore(%arg10 : memref<!tpu.dma_semaphore, #tpu.memory_space<semaphore_mem>>)
      %slice3A_1291 = vector.extract_strided_slice %get3A_960 {offsets = [6], sizes = [1], strides = [1]} : vector<16xi32> to vector<1xi32>
      %squeeze3A_1292 = vector.extract %slice3A_1291[0] : i32 from vector<1xi32>
      %dma_start3A_1293 = arith.constant 22 : i32
      %dma_start3A_1294 = arith.constant 0 : i32
      %dma_start3A_1295 = tpu.memref_slice %arg6[%and3A_952, %dma_start3A_1293, %dma_start3A_1294] : memref<8x26x32xf32, #tpu.memory_space<vmem>> -> memref<1x1x32xf32, #tpu.memory_space<vmem>>
      %dma_start3A_1296 = tpu.memref_squeeze %dma_start3A_1295 : memref<1x1x32xf32, #tpu.memory_space<vmem>> -> memref<32xf32, #tpu.memory_space<vmem>>
      %dma_start3A_1297 = arith.constant 0 : i32
      %dma_start3A_1298 = tpu.memref_slice %arg3[%squeeze3A_1292, %dma_start3A_1297] : memref<1000000x32xf32, #tpu.memory_space<hbm>> -> memref<1x32xf32, #tpu.memory_space<hbm>>
      %dma_start3A_1299 = tpu.memref_squeeze %dma_start3A_1298 : memref<1x32xf32, #tpu.memory_space<hbm>> -> memref<32xf32, #tpu.memory_space<hbm>>
      %dma_start3A_1300 = arith.constant 0 : i32
      %dma_start3A_1301 = tpu.memref_slice %arg6[%and3A_952, %dma_start3A_1293, %dma_start3A_1300] : memref<8x26x32xf32, #tpu.memory_space<vmem>> -> memref<1x1x32xf32, #tpu.memory_space<vmem>>
      %dma_start3A_1302 = tpu.memref_squeeze %dma_start3A_1301 : memref<1x1x32xf32, #tpu.memory_space<vmem>> -> memref<32xf32, #tpu.memory_space<vmem>>
      %dma_start3A_1303 = arith.constant 0 : i32
      %dma_start3A_1304 = tpu.memref_slice %arg3[%squeeze3A_1292, %dma_start3A_1303] : memref<1000000x32xf32, #tpu.memory_space<hbm>> -> memref<1x32xf32, #tpu.memory_space<hbm>>
      %dma_start3A_1305 = tpu.memref_squeeze %dma_start3A_1304 : memref<1x32xf32, #tpu.memory_space<hbm>> -> memref<32xf32, #tpu.memory_space<hbm>>
      tpu.enqueue_dma source(%dma_start3A_1305 : memref<32xf32, #tpu.memory_space<hbm>>) target(%dma_start3A_1302 : memref<32xf32, #tpu.memory_space<vmem>>) target_semaphore(%arg10 : memref<!tpu.dma_semaphore, #tpu.memory_space<semaphore_mem>>)
      %slice3A_1306 = vector.extract_strided_slice %get3A_960 {offsets = [7], sizes = [1], strides = [1]} : vector<16xi32> to vector<1xi32>
      %squeeze3A_1307 = vector.extract %slice3A_1306[0] : i32 from vector<1xi32>
      %dma_start3A_1308 = arith.constant 23 : i32
      %dma_start3A_1309 = arith.constant 0 : i32
      %dma_start3A_1310 = tpu.memref_slice %arg6[%and3A_952, %dma_start3A_1308, %dma_start3A_1309] : memref<8x26x32xf32, #tpu.memory_space<vmem>> -> memref<1x1x32xf32, #tpu.memory_space<vmem>>
      %dma_start3A_1311 = tpu.memref_squeeze %dma_start3A_1310 : memref<1x1x32xf32, #tpu.memory_space<vmem>> -> memref<32xf32, #tpu.memory_space<vmem>>
      %dma_start3A_1312 = arith.constant 0 : i32
      %dma_start3A_1313 = tpu.memref_slice %arg3[%squeeze3A_1307, %dma_start3A_1312] : memref<1000000x32xf32, #tpu.memory_space<hbm>> -> memref<1x32xf32, #tpu.memory_space<hbm>>
      %dma_start3A_1314 = tpu.memref_squeeze %dma_start3A_1313 : memref<1x32xf32, #tpu.memory_space<hbm>> -> memref<32xf32, #tpu.memory_space<hbm>>
      %dma_start3A_1315 = arith.constant 0 : i32
      %dma_start3A_1316 = tpu.memref_slice %arg6[%and3A_952, %dma_start3A_1308, %dma_start3A_1315] : memref<8x26x32xf32, #tpu.memory_space<vmem>> -> memref<1x1x32xf32, #tpu.memory_space<vmem>>
      %dma_start3A_1317 = tpu.memref_squeeze %dma_start3A_1316 : memref<1x1x32xf32, #tpu.memory_space<vmem>> -> memref<32xf32, #tpu.memory_space<vmem>>
      %dma_start3A_1318 = arith.constant 0 : i32
      %dma_start3A_1319 = tpu.memref_slice %arg3[%squeeze3A_1307, %dma_start3A_1318] : memref<1000000x32xf32, #tpu.memory_space<hbm>> -> memref<1x32xf32, #tpu.memory_space<hbm>>
      %dma_start3A_1320 = tpu.memref_squeeze %dma_start3A_1319 : memref<1x32xf32, #tpu.memory_space<hbm>> -> memref<32xf32, #tpu.memory_space<hbm>>
      tpu.enqueue_dma source(%dma_start3A_1320 : memref<32xf32, #tpu.memory_space<hbm>>) target(%dma_start3A_1317 : memref<32xf32, #tpu.memory_space<vmem>>) target_semaphore(%arg10 : memref<!tpu.dma_semaphore, #tpu.memory_space<semaphore_mem>>)
      %slice3A_1321 = vector.extract_strided_slice %get3A_960 {offsets = [8], sizes = [1], strides = [1]} : vector<16xi32> to vector<1xi32>
      %squeeze3A_1322 = vector.extract %slice3A_1321[0] : i32 from vector<1xi32>
      %dma_start3A_1323 = arith.constant 24 : i32
      %dma_start3A_1324 = arith.constant 0 : i32
      %dma_start3A_1325 = tpu.memref_slice %arg6[%and3A_952, %dma_start3A_1323, %dma_start3A_1324] : memref<8x26x32xf32, #tpu.memory_space<vmem>> -> memref<1x1x32xf32, #tpu.memory_space<vmem>>
      %dma_start3A_1326 = tpu.memref_squeeze %dma_start3A_1325 : memref<1x1x32xf32, #tpu.memory_space<vmem>> -> memref<32xf32, #tpu.memory_space<vmem>>
      %dma_start3A_1327 = arith.constant 0 : i32
      %dma_start3A_1328 = tpu.memref_slice %arg3[%squeeze3A_1322, %dma_start3A_1327] : memref<1000000x32xf32, #tpu.memory_space<hbm>> -> memref<1x32xf32, #tpu.memory_space<hbm>>
      %dma_start3A_1329 = tpu.memref_squeeze %dma_start3A_1328 : memref<1x32xf32, #tpu.memory_space<hbm>> -> memref<32xf32, #tpu.memory_space<hbm>>
      %dma_start3A_1330 = arith.constant 0 : i32
      %dma_start3A_1331 = tpu.memref_slice %arg6[%and3A_952, %dma_start3A_1323, %dma_start3A_1330] : memref<8x26x32xf32, #tpu.memory_space<vmem>> -> memref<1x1x32xf32, #tpu.memory_space<vmem>>
      %dma_start3A_1332 = tpu.memref_squeeze %dma_start3A_1331 : memref<1x1x32xf32, #tpu.memory_space<vmem>> -> memref<32xf32, #tpu.memory_space<vmem>>
      %dma_start3A_1333 = arith.constant 0 : i32
      %dma_start3A_1334 = tpu.memref_slice %arg3[%squeeze3A_1322, %dma_start3A_1333] : memref<1000000x32xf32, #tpu.memory_space<hbm>> -> memref<1x32xf32, #tpu.memory_space<hbm>>
      %dma_start3A_1335 = tpu.memref_squeeze %dma_start3A_1334 : memref<1x32xf32, #tpu.memory_space<hbm>> -> memref<32xf32, #tpu.memory_space<hbm>>
      tpu.enqueue_dma source(%dma_start3A_1335 : memref<32xf32, #tpu.memory_space<hbm>>) target(%dma_start3A_1332 : memref<32xf32, #tpu.memory_space<vmem>>) target_semaphore(%arg10 : memref<!tpu.dma_semaphore, #tpu.memory_space<semaphore_mem>>)
      %slice3A_1336 = vector.extract_strided_slice %get3A_960 {offsets = [9], sizes = [1], strides = [1]} : vector<16xi32> to vector<1xi32>
      %squeeze3A_1337 = vector.extract %slice3A_1336[0] : i32 from vector<1xi32>
      %dma_start3A_1338 = arith.constant 25 : i32
      %dma_start3A_1339 = arith.constant 0 : i32
      %dma_start3A_1340 = tpu.memref_slice %arg6[%and3A_952, %dma_start3A_1338, %dma_start3A_1339] : memref<8x26x32xf32, #tpu.memory_space<vmem>> -> memref<1x1x32xf32, #tpu.memory_space<vmem>>
      %dma_start3A_1341 = tpu.memref_squeeze %dma_start3A_1340 : memref<1x1x32xf32, #tpu.memory_space<vmem>> -> memref<32xf32, #tpu.memory_space<vmem>>
      %dma_start3A_1342 = arith.constant 0 : i32
      %dma_start3A_1343 = tpu.memref_slice %arg3[%squeeze3A_1337, %dma_start3A_1342] : memref<1000000x32xf32, #tpu.memory_space<hbm>> -> memref<1x32xf32, #tpu.memory_space<hbm>>
      %dma_start3A_1344 = tpu.memref_squeeze %dma_start3A_1343 : memref<1x32xf32, #tpu.memory_space<hbm>> -> memref<32xf32, #tpu.memory_space<hbm>>
      %dma_start3A_1345 = arith.constant 0 : i32
      %dma_start3A_1346 = tpu.memref_slice %arg6[%and3A_952, %dma_start3A_1338, %dma_start3A_1345] : memref<8x26x32xf32, #tpu.memory_space<vmem>> -> memref<1x1x32xf32, #tpu.memory_space<vmem>>
      %dma_start3A_1347 = tpu.memref_squeeze %dma_start3A_1346 : memref<1x1x32xf32, #tpu.memory_space<vmem>> -> memref<32xf32, #tpu.memory_space<vmem>>
      %dma_start3A_1348 = arith.constant 0 : i32
      %dma_start3A_1349 = tpu.memref_slice %arg3[%squeeze3A_1337, %dma_start3A_1348] : memref<1000000x32xf32, #tpu.memory_space<hbm>> -> memref<1x32xf32, #tpu.memory_space<hbm>>
      %dma_start3A_1350 = tpu.memref_squeeze %dma_start3A_1349 : memref<1x32xf32, #tpu.memory_space<hbm>> -> memref<32xf32, #tpu.memory_space<hbm>>
      tpu.enqueue_dma source(%dma_start3A_1350 : memref<32xf32, #tpu.memory_space<hbm>>) target(%dma_start3A_1347 : memref<32xf32, #tpu.memory_space<vmem>>) target_semaphore(%arg10 : memref<!tpu.dma_semaphore, #tpu.memory_space<semaphore_mem>>)
      %ge3A_1351 = arith.constant 1 : i32
      %ge3A_1352 = arith.cmpi sge, %scan3A_113, %ge3A_1351 : i32
      %convert_element_type3A_1353 = arith.extui %ge3A_1352 : i1 to i32
      %cond3A_1354 = arith.constant 0 : i32
      %cond3A_1355 = arith.cmpi ne, %convert_element_type3A_1353, %cond3A_1354 : i32
      scf.if %cond3A_1355 {
        %scan3A_1765 = arith.constant 0 : i32
        %scan3A_1766 = arith.constant 0 : i32
        %scan3A_1767 = arith.constant 26 : i32
        %scan3A_1768 = arith.addi %scan3A_1766, %scan3A_1767 : i32
        %scan3A_1769 = arith.constant 1 : i32
        scf.for %scan3A_1793 = %scan3A_1766 to %scan3A_1768 step %scan3A_1769  : i32 {
          %dma_wait3A = arith.constant 0 : i32
          %dma_wait3A_1794 = arith.constant 0 : i32
          %dma_wait3A_1795 = tpu.memref_slice %arg3[%dma_wait3A, %dma_wait3A_1794] : memref<1000000x32xf32, #tpu.memory_space<hbm>> -> memref<1x32xf32, #tpu.memory_space<hbm>>
          %dma_wait3A_1796 = tpu.memref_squeeze %dma_wait3A_1795 : memref<1x32xf32, #tpu.memory_space<hbm>> -> memref<32xf32, #tpu.memory_space<hbm>>
          %dma_wait3A_1797 = arith.constant 0 : i32
          %dma_wait3A_1798 = tpu.memref_slice %arg3[%dma_wait3A, %dma_wait3A_1797] : memref<1000000x32xf32, #tpu.memory_space<hbm>> -> memref<1x32xf32, #tpu.memory_space<hbm>>
          %dma_wait3A_1799 = tpu.memref_squeeze %dma_wait3A_1798 : memref<1x32xf32, #tpu.memory_space<hbm>> -> memref<32xf32, #tpu.memory_space<hbm>>
          tpu.wait_dma2 semaphore(%arg11 : memref<!tpu.dma_semaphore, #tpu.memory_space<semaphore_mem>>) src(%dma_wait3A_1799 : memref<32xf32, #tpu.memory_space<hbm>>) dst(%arg7 : memref<32xf32, #tpu.memory_space<vmem>>)
        }
        %scan3A_1770 = arith.constant 26 : i32
        %add3A_1771 = arith.constant 3 : i32
        %add3A_1772 = arith.addi %mul3A_115, %add3A_1771 : i32
        %sub3A = arith.constant 4 : i32
        %sub3A_1773 = arith.subi %add3A_1772, %sub3A : i32
        %and3A_1774 = arith.constant 7 : i32
        %and3A_1775 = arith.andi %sub3A_1773, %and3A_1774 : i32
        %add3A_1776 = arith.addi %mul3A_2, %sub3A_1773 : i32
        %dma_start3A_1777 = arith.constant 0 : i32
        %dma_start3A_1778 = arith.constant 0 : i32
        %dma_start3A_1779 = tpu.memref_slice %arg6[%and3A_1775, %dma_start3A_1777, %dma_start3A_1778] : memref<8x26x32xf32, #tpu.memory_space<vmem>> -> memref<1x26x32xf32, #tpu.memory_space<vmem>>
        %dma_start3A_1780 = tpu.memref_squeeze %dma_start3A_1779 : memref<1x26x32xf32, #tpu.memory_space<vmem>> -> memref<26x32xf32, #tpu.memory_space<vmem>>
        %dma_start3A_1781 = arith.constant 0 : i32
        %dma_start3A_1782 = arith.constant 0 : i32
        %dma_start3A_1783 = tpu.memref_slice %arg4[%add3A_1776, %dma_start3A_1781, %dma_start3A_1782] : memref<4096x26x32xf32, #tpu.memory_space<hbm>> -> memref<1x26x32xf32, #tpu.memory_space<hbm>>
        %dma_start3A_1784 = tpu.memref_squeeze %dma_start3A_1783 : memref<1x26x32xf32, #tpu.memory_space<hbm>> -> memref<26x32xf32, #tpu.memory_space<hbm>>
        %dma_start3A_1785 = arith.constant 0 : i32
        %dma_start3A_1786 = arith.constant 0 : i32
        %dma_start3A_1787 = tpu.memref_slice %arg4[%add3A_1776, %dma_start3A_1785, %dma_start3A_1786] : memref<4096x26x32xf32, #tpu.memory_space<hbm>> -> memref<1x26x32xf32, #tpu.memory_space<hbm>>
        %dma_start3A_1788 = tpu.memref_squeeze %dma_start3A_1787 : memref<1x26x32xf32, #tpu.memory_space<hbm>> -> memref<26x32xf32, #tpu.memory_space<hbm>>
        %dma_start3A_1789 = arith.constant 0 : i32
        %dma_start3A_1790 = arith.constant 0 : i32
        %dma_start3A_1791 = tpu.memref_slice %arg6[%and3A_1775, %dma_start3A_1789, %dma_start3A_1790] : memref<8x26x32xf32, #tpu.memory_space<vmem>> -> memref<1x26x32xf32, #tpu.memory_space<vmem>>
        %dma_start3A_1792 = tpu.memref_squeeze %dma_start3A_1791 : memref<1x26x32xf32, #tpu.memory_space<vmem>> -> memref<26x32xf32, #tpu.memory_space<vmem>>
        tpu.enqueue_dma source(%dma_start3A_1792 : memref<26x32xf32, #tpu.memory_space<vmem>>) target(%dma_start3A_1788 : memref<26x32xf32, #tpu.memory_space<hbm>>) target_semaphore(%arg12 : memref<!tpu.dma_semaphore, #tpu.memory_space<semaphore_mem>>)
      } else {
      }
      %add3A_1356 = arith.constant 3 : i32
      %add3A_1357 = arith.addi %mul3A_115, %add3A_1356 : i32
      %ge3A_1358 = arith.constant 8 : i32
      %ge3A_1359 = arith.cmpi sge, %add3A_1357, %ge3A_1358 : i32
      %convert_element_type3A_1360 = arith.extui %ge3A_1359 : i1 to i32
      %cond3A_1361 = arith.constant 0 : i32
      %cond3A_1362 = arith.cmpi ne, %convert_element_type3A_1360, %cond3A_1361 : i32
      scf.if %cond3A_1362 {
        %add3A_1765 = arith.constant 3 : i32
        %add3A_1766 = arith.addi %mul3A_115, %add3A_1765 : i32
        %sub3A = arith.constant 8 : i32
        %sub3A_1767 = arith.subi %add3A_1766, %sub3A : i32
        %and3A_1768 = arith.constant 7 : i32
        %and3A_1769 = arith.andi %sub3A_1767, %and3A_1768 : i32
        %add3A_1770 = arith.addi %mul3A_2, %sub3A_1767 : i32
        %dma_wait3A = arith.constant 0 : i32
        %dma_wait3A_1771 = arith.constant 0 : i32
        %dma_wait3A_1772 = tpu.memref_slice %arg6[%and3A_1769, %dma_wait3A, %dma_wait3A_1771] : memref<8x26x32xf32, #tpu.memory_space<vmem>> -> memref<1x26x32xf32, #tpu.memory_space<vmem>>
        %dma_wait3A_1773 = tpu.memref_squeeze %dma_wait3A_1772 : memref<1x26x32xf32, #tpu.memory_space<vmem>> -> memref<26x32xf32, #tpu.memory_space<vmem>>
        %dma_wait3A_1774 = arith.constant 0 : i32
        %dma_wait3A_1775 = arith.constant 0 : i32
        %dma_wait3A_1776 = tpu.memref_slice %arg4[%add3A_1770, %dma_wait3A_1774, %dma_wait3A_1775] : memref<4096x26x32xf32, #tpu.memory_space<hbm>> -> memref<1x26x32xf32, #tpu.memory_space<hbm>>
        %dma_wait3A_1777 = tpu.memref_squeeze %dma_wait3A_1776 : memref<1x26x32xf32, #tpu.memory_space<hbm>> -> memref<26x32xf32, #tpu.memory_space<hbm>>
        %dma_wait3A_1778 = arith.constant 0 : i32
        %dma_wait3A_1779 = arith.constant 0 : i32
        %dma_wait3A_1780 = tpu.memref_slice %arg4[%add3A_1770, %dma_wait3A_1778, %dma_wait3A_1779] : memref<4096x26x32xf32, #tpu.memory_space<hbm>> -> memref<1x26x32xf32, #tpu.memory_space<hbm>>
        %dma_wait3A_1781 = tpu.memref_squeeze %dma_wait3A_1780 : memref<1x26x32xf32, #tpu.memory_space<hbm>> -> memref<26x32xf32, #tpu.memory_space<hbm>>
        %dma_wait3A_1782 = arith.constant 0 : i32
        %dma_wait3A_1783 = arith.constant 0 : i32
        %dma_wait3A_1784 = tpu.memref_slice %arg6[%and3A_1769, %dma_wait3A_1782, %dma_wait3A_1783] : memref<8x26x32xf32, #tpu.memory_space<vmem>> -> memref<1x26x32xf32, #tpu.memory_space<vmem>>
        %dma_wait3A_1785 = tpu.memref_squeeze %dma_wait3A_1784 : memref<1x26x32xf32, #tpu.memory_space<vmem>> -> memref<26x32xf32, #tpu.memory_space<vmem>>
        tpu.wait_dma2 semaphore(%arg12 : memref<!tpu.dma_semaphore, #tpu.memory_space<semaphore_mem>>) src(%dma_wait3A_1785 : memref<26x32xf32, #tpu.memory_space<vmem>>) dst(%dma_wait3A_1781 : memref<26x32xf32, #tpu.memory_space<hbm>>)
      } else {
      }
      %add3A_1363 = arith.constant 3 : i32
      %add3A_1364 = arith.addi %mul3A_115, %add3A_1363 : i32
      %and3A_1365 = arith.constant 7 : i32
      %and3A_1366 = arith.andi %add3A_1364, %and3A_1365 : i32
      %get3A_1367 = arith.index_cast %add3A_1364 : i32 to index
      %get3A_1368 = arith.constant 0 : index
      %get3A_1369 = tpu.vector_load %arg5[%get3A_1367, %get3A_1368] {strides = array<i32>} : memref<128x32xi32, #tpu.memory_space<vmem>>, vector<1x16xi32>,
      %get3A_1370 = vector.shape_cast %get3A_1369 : vector<1x16xi32> to vector<16xi32>
      %get3A_1371 = arith.index_cast %add3A_1364 : i32 to index
      %get3A_1372 = arith.constant 16 : index
      %get3A_1373 = tpu.vector_load %arg5[%get3A_1371, %get3A_1372] {strides = array<i32>} : memref<128x32xi32, #tpu.memory_space<vmem>>, vector<1x16xi32>,
      %get3A_1374 = vector.shape_cast %get3A_1373 : vector<1x16xi32> to vector<16xi32>
      %slice3A_1375 = vector.extract_strided_slice %get3A_1370 {offsets = [0], sizes = [1], strides = [1]} : vector<16xi32> to vector<1xi32>
      %squeeze3A_1376 = vector.extract %slice3A_1375[0] : i32 from vector<1xi32>
      %dma_start3A_1377 = arith.constant 0 : i32
      %dma_start3A_1378 = arith.constant 0 : i32
      %dma_start3A_1379 = tpu.memref_slice %arg6[%and3A_1366, %dma_start3A_1377, %dma_start3A_1378] : memref<8x26x32xf32, #tpu.memory_space<vmem>> -> memref<1x1x32xf32, #tpu.memory_space<vmem>>
      %dma_start3A_1380 = tpu.memref_squeeze %dma_start3A_1379 : memref<1x1x32xf32, #tpu.memory_space<vmem>> -> memref<32xf32, #tpu.memory_space<vmem>>
      %dma_start3A_1381 = arith.constant 0 : i32
      %dma_start3A_1382 = tpu.memref_slice %arg3[%squeeze3A_1376, %dma_start3A_1381] : memref<1000000x32xf32, #tpu.memory_space<hbm>> -> memref<1x32xf32, #tpu.memory_space<hbm>>
      %dma_start3A_1383 = tpu.memref_squeeze %dma_start3A_1382 : memref<1x32xf32, #tpu.memory_space<hbm>> -> memref<32xf32, #tpu.memory_space<hbm>>
      %dma_start3A_1384 = arith.constant 0 : i32
      %dma_start3A_1385 = tpu.memref_slice %arg6[%and3A_1366, %dma_start3A_1377, %dma_start3A_1384] : memref<8x26x32xf32, #tpu.memory_space<vmem>> -> memref<1x1x32xf32, #tpu.memory_space<vmem>>
      %dma_start3A_1386 = tpu.memref_squeeze %dma_start3A_1385 : memref<1x1x32xf32, #tpu.memory_space<vmem>> -> memref<32xf32, #tpu.memory_space<vmem>>
      %dma_start3A_1387 = arith.constant 0 : i32
      %dma_start3A_1388 = tpu.memref_slice %arg3[%squeeze3A_1376, %dma_start3A_1387] : memref<1000000x32xf32, #tpu.memory_space<hbm>> -> memref<1x32xf32, #tpu.memory_space<hbm>>
      %dma_start3A_1389 = tpu.memref_squeeze %dma_start3A_1388 : memref<1x32xf32, #tpu.memory_space<hbm>> -> memref<32xf32, #tpu.memory_space<hbm>>
      tpu.enqueue_dma source(%dma_start3A_1389 : memref<32xf32, #tpu.memory_space<hbm>>) target(%dma_start3A_1386 : memref<32xf32, #tpu.memory_space<vmem>>) target_semaphore(%arg11 : memref<!tpu.dma_semaphore, #tpu.memory_space<semaphore_mem>>)
      %slice3A_1390 = vector.extract_strided_slice %get3A_1370 {offsets = [1], sizes = [1], strides = [1]} : vector<16xi32> to vector<1xi32>
      %squeeze3A_1391 = vector.extract %slice3A_1390[0] : i32 from vector<1xi32>
      %dma_start3A_1392 = arith.constant 1 : i32
      %dma_start3A_1393 = arith.constant 0 : i32
      %dma_start3A_1394 = tpu.memref_slice %arg6[%and3A_1366, %dma_start3A_1392, %dma_start3A_1393] : memref<8x26x32xf32, #tpu.memory_space<vmem>> -> memref<1x1x32xf32, #tpu.memory_space<vmem>>
      %dma_start3A_1395 = tpu.memref_squeeze %dma_start3A_1394 : memref<1x1x32xf32, #tpu.memory_space<vmem>> -> memref<32xf32, #tpu.memory_space<vmem>>
      %dma_start3A_1396 = arith.constant 0 : i32
      %dma_start3A_1397 = tpu.memref_slice %arg3[%squeeze3A_1391, %dma_start3A_1396] : memref<1000000x32xf32, #tpu.memory_space<hbm>> -> memref<1x32xf32, #tpu.memory_space<hbm>>
      %dma_start3A_1398 = tpu.memref_squeeze %dma_start3A_1397 : memref<1x32xf32, #tpu.memory_space<hbm>> -> memref<32xf32, #tpu.memory_space<hbm>>
      %dma_start3A_1399 = arith.constant 0 : i32
      %dma_start3A_1400 = tpu.memref_slice %arg6[%and3A_1366, %dma_start3A_1392, %dma_start3A_1399] : memref<8x26x32xf32, #tpu.memory_space<vmem>> -> memref<1x1x32xf32, #tpu.memory_space<vmem>>
      %dma_start3A_1401 = tpu.memref_squeeze %dma_start3A_1400 : memref<1x1x32xf32, #tpu.memory_space<vmem>> -> memref<32xf32, #tpu.memory_space<vmem>>
      %dma_start3A_1402 = arith.constant 0 : i32
      %dma_start3A_1403 = tpu.memref_slice %arg3[%squeeze3A_1391, %dma_start3A_1402] : memref<1000000x32xf32, #tpu.memory_space<hbm>> -> memref<1x32xf32, #tpu.memory_space<hbm>>
      %dma_start3A_1404 = tpu.memref_squeeze %dma_start3A_1403 : memref<1x32xf32, #tpu.memory_space<hbm>> -> memref<32xf32, #tpu.memory_space<hbm>>
      tpu.enqueue_dma source(%dma_start3A_1404 : memref<32xf32, #tpu.memory_space<hbm>>) target(%dma_start3A_1401 : memref<32xf32, #tpu.memory_space<vmem>>) target_semaphore(%arg11 : memref<!tpu.dma_semaphore, #tpu.memory_space<semaphore_mem>>)
      %slice3A_1405 = vector.extract_strided_slice %get3A_1370 {offsets = [2], sizes = [1], strides = [1]} : vector<16xi32> to vector<1xi32>
      %squeeze3A_1406 = vector.extract %slice3A_1405[0] : i32 from vector<1xi32>
      %dma_start3A_1407 = arith.constant 2 : i32
      %dma_start3A_1408 = arith.constant 0 : i32
      %dma_start3A_1409 = tpu.memref_slice %arg6[%and3A_1366, %dma_start3A_1407, %dma_start3A_1408] : memref<8x26x32xf32, #tpu.memory_space<vmem>> -> memref<1x1x32xf32, #tpu.memory_space<vmem>>
      %dma_start3A_1410 = tpu.memref_squeeze %dma_start3A_1409 : memref<1x1x32xf32, #tpu.memory_space<vmem>> -> memref<32xf32, #tpu.memory_space<vmem>>
      %dma_start3A_1411 = arith.constant 0 : i32
      %dma_start3A_1412 = tpu.memref_slice %arg3[%squeeze3A_1406, %dma_start3A_1411] : memref<1000000x32xf32, #tpu.memory_space<hbm>> -> memref<1x32xf32, #tpu.memory_space<hbm>>
      %dma_start3A_1413 = tpu.memref_squeeze %dma_start3A_1412 : memref<1x32xf32, #tpu.memory_space<hbm>> -> memref<32xf32, #tpu.memory_space<hbm>>
      %dma_start3A_1414 = arith.constant 0 : i32
      %dma_start3A_1415 = tpu.memref_slice %arg6[%and3A_1366, %dma_start3A_1407, %dma_start3A_1414] : memref<8x26x32xf32, #tpu.memory_space<vmem>> -> memref<1x1x32xf32, #tpu.memory_space<vmem>>
      %dma_start3A_1416 = tpu.memref_squeeze %dma_start3A_1415 : memref<1x1x32xf32, #tpu.memory_space<vmem>> -> memref<32xf32, #tpu.memory_space<vmem>>
      %dma_start3A_1417 = arith.constant 0 : i32
      %dma_start3A_1418 = tpu.memref_slice %arg3[%squeeze3A_1406, %dma_start3A_1417] : memref<1000000x32xf32, #tpu.memory_space<hbm>> -> memref<1x32xf32, #tpu.memory_space<hbm>>
      %dma_start3A_1419 = tpu.memref_squeeze %dma_start3A_1418 : memref<1x32xf32, #tpu.memory_space<hbm>> -> memref<32xf32, #tpu.memory_space<hbm>>
      tpu.enqueue_dma source(%dma_start3A_1419 : memref<32xf32, #tpu.memory_space<hbm>>) target(%dma_start3A_1416 : memref<32xf32, #tpu.memory_space<vmem>>) target_semaphore(%arg11 : memref<!tpu.dma_semaphore, #tpu.memory_space<semaphore_mem>>)
      %slice3A_1420 = vector.extract_strided_slice %get3A_1370 {offsets = [3], sizes = [1], strides = [1]} : vector<16xi32> to vector<1xi32>
      %squeeze3A_1421 = vector.extract %slice3A_1420[0] : i32 from vector<1xi32>
      %dma_start3A_1422 = arith.constant 3 : i32
      %dma_start3A_1423 = arith.constant 0 : i32
      %dma_start3A_1424 = tpu.memref_slice %arg6[%and3A_1366, %dma_start3A_1422, %dma_start3A_1423] : memref<8x26x32xf32, #tpu.memory_space<vmem>> -> memref<1x1x32xf32, #tpu.memory_space<vmem>>
      %dma_start3A_1425 = tpu.memref_squeeze %dma_start3A_1424 : memref<1x1x32xf32, #tpu.memory_space<vmem>> -> memref<32xf32, #tpu.memory_space<vmem>>
      %dma_start3A_1426 = arith.constant 0 : i32
      %dma_start3A_1427 = tpu.memref_slice %arg3[%squeeze3A_1421, %dma_start3A_1426] : memref<1000000x32xf32, #tpu.memory_space<hbm>> -> memref<1x32xf32, #tpu.memory_space<hbm>>
      %dma_start3A_1428 = tpu.memref_squeeze %dma_start3A_1427 : memref<1x32xf32, #tpu.memory_space<hbm>> -> memref<32xf32, #tpu.memory_space<hbm>>
      %dma_start3A_1429 = arith.constant 0 : i32
      %dma_start3A_1430 = tpu.memref_slice %arg6[%and3A_1366, %dma_start3A_1422, %dma_start3A_1429] : memref<8x26x32xf32, #tpu.memory_space<vmem>> -> memref<1x1x32xf32, #tpu.memory_space<vmem>>
      %dma_start3A_1431 = tpu.memref_squeeze %dma_start3A_1430 : memref<1x1x32xf32, #tpu.memory_space<vmem>> -> memref<32xf32, #tpu.memory_space<vmem>>
      %dma_start3A_1432 = arith.constant 0 : i32
      %dma_start3A_1433 = tpu.memref_slice %arg3[%squeeze3A_1421, %dma_start3A_1432] : memref<1000000x32xf32, #tpu.memory_space<hbm>> -> memref<1x32xf32, #tpu.memory_space<hbm>>
      %dma_start3A_1434 = tpu.memref_squeeze %dma_start3A_1433 : memref<1x32xf32, #tpu.memory_space<hbm>> -> memref<32xf32, #tpu.memory_space<hbm>>
      tpu.enqueue_dma source(%dma_start3A_1434 : memref<32xf32, #tpu.memory_space<hbm>>) target(%dma_start3A_1431 : memref<32xf32, #tpu.memory_space<vmem>>) target_semaphore(%arg11 : memref<!tpu.dma_semaphore, #tpu.memory_space<semaphore_mem>>)
      %slice3A_1435 = vector.extract_strided_slice %get3A_1370 {offsets = [4], sizes = [1], strides = [1]} : vector<16xi32> to vector<1xi32>
      %squeeze3A_1436 = vector.extract %slice3A_1435[0] : i32 from vector<1xi32>
      %dma_start3A_1437 = arith.constant 4 : i32
      %dma_start3A_1438 = arith.constant 0 : i32
      %dma_start3A_1439 = tpu.memref_slice %arg6[%and3A_1366, %dma_start3A_1437, %dma_start3A_1438] : memref<8x26x32xf32, #tpu.memory_space<vmem>> -> memref<1x1x32xf32, #tpu.memory_space<vmem>>
      %dma_start3A_1440 = tpu.memref_squeeze %dma_start3A_1439 : memref<1x1x32xf32, #tpu.memory_space<vmem>> -> memref<32xf32, #tpu.memory_space<vmem>>
      %dma_start3A_1441 = arith.constant 0 : i32
      %dma_start3A_1442 = tpu.memref_slice %arg3[%squeeze3A_1436, %dma_start3A_1441] : memref<1000000x32xf32, #tpu.memory_space<hbm>> -> memref<1x32xf32, #tpu.memory_space<hbm>>
      %dma_start3A_1443 = tpu.memref_squeeze %dma_start3A_1442 : memref<1x32xf32, #tpu.memory_space<hbm>> -> memref<32xf32, #tpu.memory_space<hbm>>
      %dma_start3A_1444 = arith.constant 0 : i32
      %dma_start3A_1445 = tpu.memref_slice %arg6[%and3A_1366, %dma_start3A_1437, %dma_start3A_1444] : memref<8x26x32xf32, #tpu.memory_space<vmem>> -> memref<1x1x32xf32, #tpu.memory_space<vmem>>
      %dma_start3A_1446 = tpu.memref_squeeze %dma_start3A_1445 : memref<1x1x32xf32, #tpu.memory_space<vmem>> -> memref<32xf32, #tpu.memory_space<vmem>>
      %dma_start3A_1447 = arith.constant 0 : i32
      %dma_start3A_1448 = tpu.memref_slice %arg3[%squeeze3A_1436, %dma_start3A_1447] : memref<1000000x32xf32, #tpu.memory_space<hbm>> -> memref<1x32xf32, #tpu.memory_space<hbm>>
      %dma_start3A_1449 = tpu.memref_squeeze %dma_start3A_1448 : memref<1x32xf32, #tpu.memory_space<hbm>> -> memref<32xf32, #tpu.memory_space<hbm>>
      tpu.enqueue_dma source(%dma_start3A_1449 : memref<32xf32, #tpu.memory_space<hbm>>) target(%dma_start3A_1446 : memref<32xf32, #tpu.memory_space<vmem>>) target_semaphore(%arg11 : memref<!tpu.dma_semaphore, #tpu.memory_space<semaphore_mem>>)
      %slice3A_1450 = vector.extract_strided_slice %get3A_1370 {offsets = [5], sizes = [1], strides = [1]} : vector<16xi32> to vector<1xi32>
      %squeeze3A_1451 = vector.extract %slice3A_1450[0] : i32 from vector<1xi32>
      %dma_start3A_1452 = arith.constant 5 : i32
      %dma_start3A_1453 = arith.constant 0 : i32
      %dma_start3A_1454 = tpu.memref_slice %arg6[%and3A_1366, %dma_start3A_1452, %dma_start3A_1453] : memref<8x26x32xf32, #tpu.memory_space<vmem>> -> memref<1x1x32xf32, #tpu.memory_space<vmem>>
      %dma_start3A_1455 = tpu.memref_squeeze %dma_start3A_1454 : memref<1x1x32xf32, #tpu.memory_space<vmem>> -> memref<32xf32, #tpu.memory_space<vmem>>
      %dma_start3A_1456 = arith.constant 0 : i32
      %dma_start3A_1457 = tpu.memref_slice %arg3[%squeeze3A_1451, %dma_start3A_1456] : memref<1000000x32xf32, #tpu.memory_space<hbm>> -> memref<1x32xf32, #tpu.memory_space<hbm>>
      %dma_start3A_1458 = tpu.memref_squeeze %dma_start3A_1457 : memref<1x32xf32, #tpu.memory_space<hbm>> -> memref<32xf32, #tpu.memory_space<hbm>>
      %dma_start3A_1459 = arith.constant 0 : i32
      %dma_start3A_1460 = tpu.memref_slice %arg6[%and3A_1366, %dma_start3A_1452, %dma_start3A_1459] : memref<8x26x32xf32, #tpu.memory_space<vmem>> -> memref<1x1x32xf32, #tpu.memory_space<vmem>>
      %dma_start3A_1461 = tpu.memref_squeeze %dma_start3A_1460 : memref<1x1x32xf32, #tpu.memory_space<vmem>> -> memref<32xf32, #tpu.memory_space<vmem>>
      %dma_start3A_1462 = arith.constant 0 : i32
      %dma_start3A_1463 = tpu.memref_slice %arg3[%squeeze3A_1451, %dma_start3A_1462] : memref<1000000x32xf32, #tpu.memory_space<hbm>> -> memref<1x32xf32, #tpu.memory_space<hbm>>
      %dma_start3A_1464 = tpu.memref_squeeze %dma_start3A_1463 : memref<1x32xf32, #tpu.memory_space<hbm>> -> memref<32xf32, #tpu.memory_space<hbm>>
      tpu.enqueue_dma source(%dma_start3A_1464 : memref<32xf32, #tpu.memory_space<hbm>>) target(%dma_start3A_1461 : memref<32xf32, #tpu.memory_space<vmem>>) target_semaphore(%arg11 : memref<!tpu.dma_semaphore, #tpu.memory_space<semaphore_mem>>)
      %slice3A_1465 = vector.extract_strided_slice %get3A_1370 {offsets = [6], sizes = [1], strides = [1]} : vector<16xi32> to vector<1xi32>
      %squeeze3A_1466 = vector.extract %slice3A_1465[0] : i32 from vector<1xi32>
      %dma_start3A_1467 = arith.constant 6 : i32
      %dma_start3A_1468 = arith.constant 0 : i32
      %dma_start3A_1469 = tpu.memref_slice %arg6[%and3A_1366, %dma_start3A_1467, %dma_start3A_1468] : memref<8x26x32xf32, #tpu.memory_space<vmem>> -> memref<1x1x32xf32, #tpu.memory_space<vmem>>
      %dma_start3A_1470 = tpu.memref_squeeze %dma_start3A_1469 : memref<1x1x32xf32, #tpu.memory_space<vmem>> -> memref<32xf32, #tpu.memory_space<vmem>>
      %dma_start3A_1471 = arith.constant 0 : i32
      %dma_start3A_1472 = tpu.memref_slice %arg3[%squeeze3A_1466, %dma_start3A_1471] : memref<1000000x32xf32, #tpu.memory_space<hbm>> -> memref<1x32xf32, #tpu.memory_space<hbm>>
      %dma_start3A_1473 = tpu.memref_squeeze %dma_start3A_1472 : memref<1x32xf32, #tpu.memory_space<hbm>> -> memref<32xf32, #tpu.memory_space<hbm>>
      %dma_start3A_1474 = arith.constant 0 : i32
      %dma_start3A_1475 = tpu.memref_slice %arg6[%and3A_1366, %dma_start3A_1467, %dma_start3A_1474] : memref<8x26x32xf32, #tpu.memory_space<vmem>> -> memref<1x1x32xf32, #tpu.memory_space<vmem>>
      %dma_start3A_1476 = tpu.memref_squeeze %dma_start3A_1475 : memref<1x1x32xf32, #tpu.memory_space<vmem>> -> memref<32xf32, #tpu.memory_space<vmem>>
      %dma_start3A_1477 = arith.constant 0 : i32
      %dma_start3A_1478 = tpu.memref_slice %arg3[%squeeze3A_1466, %dma_start3A_1477] : memref<1000000x32xf32, #tpu.memory_space<hbm>> -> memref<1x32xf32, #tpu.memory_space<hbm>>
      %dma_start3A_1479 = tpu.memref_squeeze %dma_start3A_1478 : memref<1x32xf32, #tpu.memory_space<hbm>> -> memref<32xf32, #tpu.memory_space<hbm>>
      tpu.enqueue_dma source(%dma_start3A_1479 : memref<32xf32, #tpu.memory_space<hbm>>) target(%dma_start3A_1476 : memref<32xf32, #tpu.memory_space<vmem>>) target_semaphore(%arg11 : memref<!tpu.dma_semaphore, #tpu.memory_space<semaphore_mem>>)
      %slice3A_1480 = vector.extract_strided_slice %get3A_1370 {offsets = [7], sizes = [1], strides = [1]} : vector<16xi32> to vector<1xi32>
      %squeeze3A_1481 = vector.extract %slice3A_1480[0] : i32 from vector<1xi32>
      %dma_start3A_1482 = arith.constant 7 : i32
      %dma_start3A_1483 = arith.constant 0 : i32
      %dma_start3A_1484 = tpu.memref_slice %arg6[%and3A_1366, %dma_start3A_1482, %dma_start3A_1483] : memref<8x26x32xf32, #tpu.memory_space<vmem>> -> memref<1x1x32xf32, #tpu.memory_space<vmem>>
      %dma_start3A_1485 = tpu.memref_squeeze %dma_start3A_1484 : memref<1x1x32xf32, #tpu.memory_space<vmem>> -> memref<32xf32, #tpu.memory_space<vmem>>
      %dma_start3A_1486 = arith.constant 0 : i32
      %dma_start3A_1487 = tpu.memref_slice %arg3[%squeeze3A_1481, %dma_start3A_1486] : memref<1000000x32xf32, #tpu.memory_space<hbm>> -> memref<1x32xf32, #tpu.memory_space<hbm>>
      %dma_start3A_1488 = tpu.memref_squeeze %dma_start3A_1487 : memref<1x32xf32, #tpu.memory_space<hbm>> -> memref<32xf32, #tpu.memory_space<hbm>>
      %dma_start3A_1489 = arith.constant 0 : i32
      %dma_start3A_1490 = tpu.memref_slice %arg6[%and3A_1366, %dma_start3A_1482, %dma_start3A_1489] : memref<8x26x32xf32, #tpu.memory_space<vmem>> -> memref<1x1x32xf32, #tpu.memory_space<vmem>>
      %dma_start3A_1491 = tpu.memref_squeeze %dma_start3A_1490 : memref<1x1x32xf32, #tpu.memory_space<vmem>> -> memref<32xf32, #tpu.memory_space<vmem>>
      %dma_start3A_1492 = arith.constant 0 : i32
      %dma_start3A_1493 = tpu.memref_slice %arg3[%squeeze3A_1481, %dma_start3A_1492] : memref<1000000x32xf32, #tpu.memory_space<hbm>> -> memref<1x32xf32, #tpu.memory_space<hbm>>
      %dma_start3A_1494 = tpu.memref_squeeze %dma_start3A_1493 : memref<1x32xf32, #tpu.memory_space<hbm>> -> memref<32xf32, #tpu.memory_space<hbm>>
      tpu.enqueue_dma source(%dma_start3A_1494 : memref<32xf32, #tpu.memory_space<hbm>>) target(%dma_start3A_1491 : memref<32xf32, #tpu.memory_space<vmem>>) target_semaphore(%arg11 : memref<!tpu.dma_semaphore, #tpu.memory_space<semaphore_mem>>)
      %slice3A_1495 = vector.extract_strided_slice %get3A_1370 {offsets = [8], sizes = [1], strides = [1]} : vector<16xi32> to vector<1xi32>
      %squeeze3A_1496 = vector.extract %slice3A_1495[0] : i32 from vector<1xi32>
      %dma_start3A_1497 = arith.constant 8 : i32
      %dma_start3A_1498 = arith.constant 0 : i32
      %dma_start3A_1499 = tpu.memref_slice %arg6[%and3A_1366, %dma_start3A_1497, %dma_start3A_1498] : memref<8x26x32xf32, #tpu.memory_space<vmem>> -> memref<1x1x32xf32, #tpu.memory_space<vmem>>
      %dma_start3A_1500 = tpu.memref_squeeze %dma_start3A_1499 : memref<1x1x32xf32, #tpu.memory_space<vmem>> -> memref<32xf32, #tpu.memory_space<vmem>>
      %dma_start3A_1501 = arith.constant 0 : i32
      %dma_start3A_1502 = tpu.memref_slice %arg3[%squeeze3A_1496, %dma_start3A_1501] : memref<1000000x32xf32, #tpu.memory_space<hbm>> -> memref<1x32xf32, #tpu.memory_space<hbm>>
      %dma_start3A_1503 = tpu.memref_squeeze %dma_start3A_1502 : memref<1x32xf32, #tpu.memory_space<hbm>> -> memref<32xf32, #tpu.memory_space<hbm>>
      %dma_start3A_1504 = arith.constant 0 : i32
      %dma_start3A_1505 = tpu.memref_slice %arg6[%and3A_1366, %dma_start3A_1497, %dma_start3A_1504] : memref<8x26x32xf32, #tpu.memory_space<vmem>> -> memref<1x1x32xf32, #tpu.memory_space<vmem>>
      %dma_start3A_1506 = tpu.memref_squeeze %dma_start3A_1505 : memref<1x1x32xf32, #tpu.memory_space<vmem>> -> memref<32xf32, #tpu.memory_space<vmem>>
      %dma_start3A_1507 = arith.constant 0 : i32
      %dma_start3A_1508 = tpu.memref_slice %arg3[%squeeze3A_1496, %dma_start3A_1507] : memref<1000000x32xf32, #tpu.memory_space<hbm>> -> memref<1x32xf32, #tpu.memory_space<hbm>>
      %dma_start3A_1509 = tpu.memref_squeeze %dma_start3A_1508 : memref<1x32xf32, #tpu.memory_space<hbm>> -> memref<32xf32, #tpu.memory_space<hbm>>
      tpu.enqueue_dma source(%dma_start3A_1509 : memref<32xf32, #tpu.memory_space<hbm>>) target(%dma_start3A_1506 : memref<32xf32, #tpu.memory_space<vmem>>) target_semaphore(%arg11 : memref<!tpu.dma_semaphore, #tpu.memory_space<semaphore_mem>>)
      %slice3A_1510 = vector.extract_strided_slice %get3A_1370 {offsets = [9], sizes = [1], strides = [1]} : vector<16xi32> to vector<1xi32>
      %squeeze3A_1511 = vector.extract %slice3A_1510[0] : i32 from vector<1xi32>
      %dma_start3A_1512 = arith.constant 9 : i32
      %dma_start3A_1513 = arith.constant 0 : i32
      %dma_start3A_1514 = tpu.memref_slice %arg6[%and3A_1366, %dma_start3A_1512, %dma_start3A_1513] : memref<8x26x32xf32, #tpu.memory_space<vmem>> -> memref<1x1x32xf32, #tpu.memory_space<vmem>>
      %dma_start3A_1515 = tpu.memref_squeeze %dma_start3A_1514 : memref<1x1x32xf32, #tpu.memory_space<vmem>> -> memref<32xf32, #tpu.memory_space<vmem>>
      %dma_start3A_1516 = arith.constant 0 : i32
      %dma_start3A_1517 = tpu.memref_slice %arg3[%squeeze3A_1511, %dma_start3A_1516] : memref<1000000x32xf32, #tpu.memory_space<hbm>> -> memref<1x32xf32, #tpu.memory_space<hbm>>
      %dma_start3A_1518 = tpu.memref_squeeze %dma_start3A_1517 : memref<1x32xf32, #tpu.memory_space<hbm>> -> memref<32xf32, #tpu.memory_space<hbm>>
      %dma_start3A_1519 = arith.constant 0 : i32
      %dma_start3A_1520 = tpu.memref_slice %arg6[%and3A_1366, %dma_start3A_1512, %dma_start3A_1519] : memref<8x26x32xf32, #tpu.memory_space<vmem>> -> memref<1x1x32xf32, #tpu.memory_space<vmem>>
      %dma_start3A_1521 = tpu.memref_squeeze %dma_start3A_1520 : memref<1x1x32xf32, #tpu.memory_space<vmem>> -> memref<32xf32, #tpu.memory_space<vmem>>
      %dma_start3A_1522 = arith.constant 0 : i32
      %dma_start3A_1523 = tpu.memref_slice %arg3[%squeeze3A_1511, %dma_start3A_1522] : memref<1000000x32xf32, #tpu.memory_space<hbm>> -> memref<1x32xf32, #tpu.memory_space<hbm>>
      %dma_start3A_1524 = tpu.memref_squeeze %dma_start3A_1523 : memref<1x32xf32, #tpu.memory_space<hbm>> -> memref<32xf32, #tpu.memory_space<hbm>>
      tpu.enqueue_dma source(%dma_start3A_1524 : memref<32xf32, #tpu.memory_space<hbm>>) target(%dma_start3A_1521 : memref<32xf32, #tpu.memory_space<vmem>>) target_semaphore(%arg11 : memref<!tpu.dma_semaphore, #tpu.memory_space<semaphore_mem>>)
      %slice3A_1525 = vector.extract_strided_slice %get3A_1370 {offsets = [10], sizes = [1], strides = [1]} : vector<16xi32> to vector<1xi32>
      %squeeze3A_1526 = vector.extract %slice3A_1525[0] : i32 from vector<1xi32>
      %dma_start3A_1527 = arith.constant 10 : i32
      %dma_start3A_1528 = arith.constant 0 : i32
      %dma_start3A_1529 = tpu.memref_slice %arg6[%and3A_1366, %dma_start3A_1527, %dma_start3A_1528] : memref<8x26x32xf32, #tpu.memory_space<vmem>> -> memref<1x1x32xf32, #tpu.memory_space<vmem>>
      %dma_start3A_1530 = tpu.memref_squeeze %dma_start3A_1529 : memref<1x1x32xf32, #tpu.memory_space<vmem>> -> memref<32xf32, #tpu.memory_space<vmem>>
      %dma_start3A_1531 = arith.constant 0 : i32
      %dma_start3A_1532 = tpu.memref_slice %arg3[%squeeze3A_1526, %dma_start3A_1531] : memref<1000000x32xf32, #tpu.memory_space<hbm>> -> memref<1x32xf32, #tpu.memory_space<hbm>>
      %dma_start3A_1533 = tpu.memref_squeeze %dma_start3A_1532 : memref<1x32xf32, #tpu.memory_space<hbm>> -> memref<32xf32, #tpu.memory_space<hbm>>
      %dma_start3A_1534 = arith.constant 0 : i32
      %dma_start3A_1535 = tpu.memref_slice %arg6[%and3A_1366, %dma_start3A_1527, %dma_start3A_1534] : memref<8x26x32xf32, #tpu.memory_space<vmem>> -> memref<1x1x32xf32, #tpu.memory_space<vmem>>
      %dma_start3A_1536 = tpu.memref_squeeze %dma_start3A_1535 : memref<1x1x32xf32, #tpu.memory_space<vmem>> -> memref<32xf32, #tpu.memory_space<vmem>>
      %dma_start3A_1537 = arith.constant 0 : i32
      %dma_start3A_1538 = tpu.memref_slice %arg3[%squeeze3A_1526, %dma_start3A_1537] : memref<1000000x32xf32, #tpu.memory_space<hbm>> -> memref<1x32xf32, #tpu.memory_space<hbm>>
      %dma_start3A_1539 = tpu.memref_squeeze %dma_start3A_1538 : memref<1x32xf32, #tpu.memory_space<hbm>> -> memref<32xf32, #tpu.memory_space<hbm>>
      tpu.enqueue_dma source(%dma_start3A_1539 : memref<32xf32, #tpu.memory_space<hbm>>) target(%dma_start3A_1536 : memref<32xf32, #tpu.memory_space<vmem>>) target_semaphore(%arg11 : memref<!tpu.dma_semaphore, #tpu.memory_space<semaphore_mem>>)
      %slice3A_1540 = vector.extract_strided_slice %get3A_1370 {offsets = [11], sizes = [1], strides = [1]} : vector<16xi32> to vector<1xi32>
      %squeeze3A_1541 = vector.extract %slice3A_1540[0] : i32 from vector<1xi32>
      %dma_start3A_1542 = arith.constant 11 : i32
      %dma_start3A_1543 = arith.constant 0 : i32
      %dma_start3A_1544 = tpu.memref_slice %arg6[%and3A_1366, %dma_start3A_1542, %dma_start3A_1543] : memref<8x26x32xf32, #tpu.memory_space<vmem>> -> memref<1x1x32xf32, #tpu.memory_space<vmem>>
      %dma_start3A_1545 = tpu.memref_squeeze %dma_start3A_1544 : memref<1x1x32xf32, #tpu.memory_space<vmem>> -> memref<32xf32, #tpu.memory_space<vmem>>
      %dma_start3A_1546 = arith.constant 0 : i32
      %dma_start3A_1547 = tpu.memref_slice %arg3[%squeeze3A_1541, %dma_start3A_1546] : memref<1000000x32xf32, #tpu.memory_space<hbm>> -> memref<1x32xf32, #tpu.memory_space<hbm>>
      %dma_start3A_1548 = tpu.memref_squeeze %dma_start3A_1547 : memref<1x32xf32, #tpu.memory_space<hbm>> -> memref<32xf32, #tpu.memory_space<hbm>>
      %dma_start3A_1549 = arith.constant 0 : i32
      %dma_start3A_1550 = tpu.memref_slice %arg6[%and3A_1366, %dma_start3A_1542, %dma_start3A_1549] : memref<8x26x32xf32, #tpu.memory_space<vmem>> -> memref<1x1x32xf32, #tpu.memory_space<vmem>>
      %dma_start3A_1551 = tpu.memref_squeeze %dma_start3A_1550 : memref<1x1x32xf32, #tpu.memory_space<vmem>> -> memref<32xf32, #tpu.memory_space<vmem>>
      %dma_start3A_1552 = arith.constant 0 : i32
      %dma_start3A_1553 = tpu.memref_slice %arg3[%squeeze3A_1541, %dma_start3A_1552] : memref<1000000x32xf32, #tpu.memory_space<hbm>> -> memref<1x32xf32, #tpu.memory_space<hbm>>
      %dma_start3A_1554 = tpu.memref_squeeze %dma_start3A_1553 : memref<1x32xf32, #tpu.memory_space<hbm>> -> memref<32xf32, #tpu.memory_space<hbm>>
      tpu.enqueue_dma source(%dma_start3A_1554 : memref<32xf32, #tpu.memory_space<hbm>>) target(%dma_start3A_1551 : memref<32xf32, #tpu.memory_space<vmem>>) target_semaphore(%arg11 : memref<!tpu.dma_semaphore, #tpu.memory_space<semaphore_mem>>)
      %slice3A_1555 = vector.extract_strided_slice %get3A_1370 {offsets = [12], sizes = [1], strides = [1]} : vector<16xi32> to vector<1xi32>
      %squeeze3A_1556 = vector.extract %slice3A_1555[0] : i32 from vector<1xi32>
      %dma_start3A_1557 = arith.constant 12 : i32
      %dma_start3A_1558 = arith.constant 0 : i32
      %dma_start3A_1559 = tpu.memref_slice %arg6[%and3A_1366, %dma_start3A_1557, %dma_start3A_1558] : memref<8x26x32xf32, #tpu.memory_space<vmem>> -> memref<1x1x32xf32, #tpu.memory_space<vmem>>
      %dma_start3A_1560 = tpu.memref_squeeze %dma_start3A_1559 : memref<1x1x32xf32, #tpu.memory_space<vmem>> -> memref<32xf32, #tpu.memory_space<vmem>>
      %dma_start3A_1561 = arith.constant 0 : i32
      %dma_start3A_1562 = tpu.memref_slice %arg3[%squeeze3A_1556, %dma_start3A_1561] : memref<1000000x32xf32, #tpu.memory_space<hbm>> -> memref<1x32xf32, #tpu.memory_space<hbm>>
      %dma_start3A_1563 = tpu.memref_squeeze %dma_start3A_1562 : memref<1x32xf32, #tpu.memory_space<hbm>> -> memref<32xf32, #tpu.memory_space<hbm>>
      %dma_start3A_1564 = arith.constant 0 : i32
      %dma_start3A_1565 = tpu.memref_slice %arg6[%and3A_1366, %dma_start3A_1557, %dma_start3A_1564] : memref<8x26x32xf32, #tpu.memory_space<vmem>> -> memref<1x1x32xf32, #tpu.memory_space<vmem>>
      %dma_start3A_1566 = tpu.memref_squeeze %dma_start3A_1565 : memref<1x1x32xf32, #tpu.memory_space<vmem>> -> memref<32xf32, #tpu.memory_space<vmem>>
      %dma_start3A_1567 = arith.constant 0 : i32
      %dma_start3A_1568 = tpu.memref_slice %arg3[%squeeze3A_1556, %dma_start3A_1567] : memref<1000000x32xf32, #tpu.memory_space<hbm>> -> memref<1x32xf32, #tpu.memory_space<hbm>>
      %dma_start3A_1569 = tpu.memref_squeeze %dma_start3A_1568 : memref<1x32xf32, #tpu.memory_space<hbm>> -> memref<32xf32, #tpu.memory_space<hbm>>
      tpu.enqueue_dma source(%dma_start3A_1569 : memref<32xf32, #tpu.memory_space<hbm>>) target(%dma_start3A_1566 : memref<32xf32, #tpu.memory_space<vmem>>) target_semaphore(%arg11 : memref<!tpu.dma_semaphore, #tpu.memory_space<semaphore_mem>>)
      %slice3A_1570 = vector.extract_strided_slice %get3A_1370 {offsets = [13], sizes = [1], strides = [1]} : vector<16xi32> to vector<1xi32>
      %squeeze3A_1571 = vector.extract %slice3A_1570[0] : i32 from vector<1xi32>
      %dma_start3A_1572 = arith.constant 13 : i32
      %dma_start3A_1573 = arith.constant 0 : i32
      %dma_start3A_1574 = tpu.memref_slice %arg6[%and3A_1366, %dma_start3A_1572, %dma_start3A_1573] : memref<8x26x32xf32, #tpu.memory_space<vmem>> -> memref<1x1x32xf32, #tpu.memory_space<vmem>>
      %dma_start3A_1575 = tpu.memref_squeeze %dma_start3A_1574 : memref<1x1x32xf32, #tpu.memory_space<vmem>> -> memref<32xf32, #tpu.memory_space<vmem>>
      %dma_start3A_1576 = arith.constant 0 : i32
      %dma_start3A_1577 = tpu.memref_slice %arg3[%squeeze3A_1571, %dma_start3A_1576] : memref<1000000x32xf32, #tpu.memory_space<hbm>> -> memref<1x32xf32, #tpu.memory_space<hbm>>
      %dma_start3A_1578 = tpu.memref_squeeze %dma_start3A_1577 : memref<1x32xf32, #tpu.memory_space<hbm>> -> memref<32xf32, #tpu.memory_space<hbm>>
      %dma_start3A_1579 = arith.constant 0 : i32
      %dma_start3A_1580 = tpu.memref_slice %arg6[%and3A_1366, %dma_start3A_1572, %dma_start3A_1579] : memref<8x26x32xf32, #tpu.memory_space<vmem>> -> memref<1x1x32xf32, #tpu.memory_space<vmem>>
      %dma_start3A_1581 = tpu.memref_squeeze %dma_start3A_1580 : memref<1x1x32xf32, #tpu.memory_space<vmem>> -> memref<32xf32, #tpu.memory_space<vmem>>
      %dma_start3A_1582 = arith.constant 0 : i32
      %dma_start3A_1583 = tpu.memref_slice %arg3[%squeeze3A_1571, %dma_start3A_1582] : memref<1000000x32xf32, #tpu.memory_space<hbm>> -> memref<1x32xf32, #tpu.memory_space<hbm>>
      %dma_start3A_1584 = tpu.memref_squeeze %dma_start3A_1583 : memref<1x32xf32, #tpu.memory_space<hbm>> -> memref<32xf32, #tpu.memory_space<hbm>>
      tpu.enqueue_dma source(%dma_start3A_1584 : memref<32xf32, #tpu.memory_space<hbm>>) target(%dma_start3A_1581 : memref<32xf32, #tpu.memory_space<vmem>>) target_semaphore(%arg11 : memref<!tpu.dma_semaphore, #tpu.memory_space<semaphore_mem>>)
      %slice3A_1585 = vector.extract_strided_slice %get3A_1370 {offsets = [14], sizes = [1], strides = [1]} : vector<16xi32> to vector<1xi32>
      %squeeze3A_1586 = vector.extract %slice3A_1585[0] : i32 from vector<1xi32>
      %dma_start3A_1587 = arith.constant 14 : i32
      %dma_start3A_1588 = arith.constant 0 : i32
      %dma_start3A_1589 = tpu.memref_slice %arg6[%and3A_1366, %dma_start3A_1587, %dma_start3A_1588] : memref<8x26x32xf32, #tpu.memory_space<vmem>> -> memref<1x1x32xf32, #tpu.memory_space<vmem>>
      %dma_start3A_1590 = tpu.memref_squeeze %dma_start3A_1589 : memref<1x1x32xf32, #tpu.memory_space<vmem>> -> memref<32xf32, #tpu.memory_space<vmem>>
      %dma_start3A_1591 = arith.constant 0 : i32
      %dma_start3A_1592 = tpu.memref_slice %arg3[%squeeze3A_1586, %dma_start3A_1591] : memref<1000000x32xf32, #tpu.memory_space<hbm>> -> memref<1x32xf32, #tpu.memory_space<hbm>>
      %dma_start3A_1593 = tpu.memref_squeeze %dma_start3A_1592 : memref<1x32xf32, #tpu.memory_space<hbm>> -> memref<32xf32, #tpu.memory_space<hbm>>
      %dma_start3A_1594 = arith.constant 0 : i32
      %dma_start3A_1595 = tpu.memref_slice %arg6[%and3A_1366, %dma_start3A_1587, %dma_start3A_1594] : memref<8x26x32xf32, #tpu.memory_space<vmem>> -> memref<1x1x32xf32, #tpu.memory_space<vmem>>
      %dma_start3A_1596 = tpu.memref_squeeze %dma_start3A_1595 : memref<1x1x32xf32, #tpu.memory_space<vmem>> -> memref<32xf32, #tpu.memory_space<vmem>>
      %dma_start3A_1597 = arith.constant 0 : i32
      %dma_start3A_1598 = tpu.memref_slice %arg3[%squeeze3A_1586, %dma_start3A_1597] : memref<1000000x32xf32, #tpu.memory_space<hbm>> -> memref<1x32xf32, #tpu.memory_space<hbm>>
      %dma_start3A_1599 = tpu.memref_squeeze %dma_start3A_1598 : memref<1x32xf32, #tpu.memory_space<hbm>> -> memref<32xf32, #tpu.memory_space<hbm>>
      tpu.enqueue_dma source(%dma_start3A_1599 : memref<32xf32, #tpu.memory_space<hbm>>) target(%dma_start3A_1596 : memref<32xf32, #tpu.memory_space<vmem>>) target_semaphore(%arg11 : memref<!tpu.dma_semaphore, #tpu.memory_space<semaphore_mem>>)
      %slice3A_1600 = vector.extract_strided_slice %get3A_1370 {offsets = [15], sizes = [1], strides = [1]} : vector<16xi32> to vector<1xi32>
      %squeeze3A_1601 = vector.extract %slice3A_1600[0] : i32 from vector<1xi32>
      %dma_start3A_1602 = arith.constant 15 : i32
      %dma_start3A_1603 = arith.constant 0 : i32
      %dma_start3A_1604 = tpu.memref_slice %arg6[%and3A_1366, %dma_start3A_1602, %dma_start3A_1603] : memref<8x26x32xf32, #tpu.memory_space<vmem>> -> memref<1x1x32xf32, #tpu.memory_space<vmem>>
      %dma_start3A_1605 = tpu.memref_squeeze %dma_start3A_1604 : memref<1x1x32xf32, #tpu.memory_space<vmem>> -> memref<32xf32, #tpu.memory_space<vmem>>
      %dma_start3A_1606 = arith.constant 0 : i32
      %dma_start3A_1607 = tpu.memref_slice %arg3[%squeeze3A_1601, %dma_start3A_1606] : memref<1000000x32xf32, #tpu.memory_space<hbm>> -> memref<1x32xf32, #tpu.memory_space<hbm>>
      %dma_start3A_1608 = tpu.memref_squeeze %dma_start3A_1607 : memref<1x32xf32, #tpu.memory_space<hbm>> -> memref<32xf32, #tpu.memory_space<hbm>>
      %dma_start3A_1609 = arith.constant 0 : i32
      %dma_start3A_1610 = tpu.memref_slice %arg6[%and3A_1366, %dma_start3A_1602, %dma_start3A_1609] : memref<8x26x32xf32, #tpu.memory_space<vmem>> -> memref<1x1x32xf32, #tpu.memory_space<vmem>>
      %dma_start3A_1611 = tpu.memref_squeeze %dma_start3A_1610 : memref<1x1x32xf32, #tpu.memory_space<vmem>> -> memref<32xf32, #tpu.memory_space<vmem>>
      %dma_start3A_1612 = arith.constant 0 : i32
      %dma_start3A_1613 = tpu.memref_slice %arg3[%squeeze3A_1601, %dma_start3A_1612] : memref<1000000x32xf32, #tpu.memory_space<hbm>> -> memref<1x32xf32, #tpu.memory_space<hbm>>
      %dma_start3A_1614 = tpu.memref_squeeze %dma_start3A_1613 : memref<1x32xf32, #tpu.memory_space<hbm>> -> memref<32xf32, #tpu.memory_space<hbm>>
      tpu.enqueue_dma source(%dma_start3A_1614 : memref<32xf32, #tpu.memory_space<hbm>>) target(%dma_start3A_1611 : memref<32xf32, #tpu.memory_space<vmem>>) target_semaphore(%arg11 : memref<!tpu.dma_semaphore, #tpu.memory_space<semaphore_mem>>)
      %slice3A_1615 = vector.extract_strided_slice %get3A_1374 {offsets = [0], sizes = [1], strides = [1]} : vector<16xi32> to vector<1xi32>
      %squeeze3A_1616 = vector.extract %slice3A_1615[0] : i32 from vector<1xi32>
      %dma_start3A_1617 = arith.constant 16 : i32
      %dma_start3A_1618 = arith.constant 0 : i32
      %dma_start3A_1619 = tpu.memref_slice %arg6[%and3A_1366, %dma_start3A_1617, %dma_start3A_1618] : memref<8x26x32xf32, #tpu.memory_space<vmem>> -> memref<1x1x32xf32, #tpu.memory_space<vmem>>
      %dma_start3A_1620 = tpu.memref_squeeze %dma_start3A_1619 : memref<1x1x32xf32, #tpu.memory_space<vmem>> -> memref<32xf32, #tpu.memory_space<vmem>>
      %dma_start3A_1621 = arith.constant 0 : i32
      %dma_start3A_1622 = tpu.memref_slice %arg3[%squeeze3A_1616, %dma_start3A_1621] : memref<1000000x32xf32, #tpu.memory_space<hbm>> -> memref<1x32xf32, #tpu.memory_space<hbm>>
      %dma_start3A_1623 = tpu.memref_squeeze %dma_start3A_1622 : memref<1x32xf32, #tpu.memory_space<hbm>> -> memref<32xf32, #tpu.memory_space<hbm>>
      %dma_start3A_1624 = arith.constant 0 : i32
      %dma_start3A_1625 = tpu.memref_slice %arg6[%and3A_1366, %dma_start3A_1617, %dma_start3A_1624] : memref<8x26x32xf32, #tpu.memory_space<vmem>> -> memref<1x1x32xf32, #tpu.memory_space<vmem>>
      %dma_start3A_1626 = tpu.memref_squeeze %dma_start3A_1625 : memref<1x1x32xf32, #tpu.memory_space<vmem>> -> memref<32xf32, #tpu.memory_space<vmem>>
      %dma_start3A_1627 = arith.constant 0 : i32
      %dma_start3A_1628 = tpu.memref_slice %arg3[%squeeze3A_1616, %dma_start3A_1627] : memref<1000000x32xf32, #tpu.memory_space<hbm>> -> memref<1x32xf32, #tpu.memory_space<hbm>>
      %dma_start3A_1629 = tpu.memref_squeeze %dma_start3A_1628 : memref<1x32xf32, #tpu.memory_space<hbm>> -> memref<32xf32, #tpu.memory_space<hbm>>
      tpu.enqueue_dma source(%dma_start3A_1629 : memref<32xf32, #tpu.memory_space<hbm>>) target(%dma_start3A_1626 : memref<32xf32, #tpu.memory_space<vmem>>) target_semaphore(%arg11 : memref<!tpu.dma_semaphore, #tpu.memory_space<semaphore_mem>>)
      %slice3A_1630 = vector.extract_strided_slice %get3A_1374 {offsets = [1], sizes = [1], strides = [1]} : vector<16xi32> to vector<1xi32>
      %squeeze3A_1631 = vector.extract %slice3A_1630[0] : i32 from vector<1xi32>
      %dma_start3A_1632 = arith.constant 17 : i32
      %dma_start3A_1633 = arith.constant 0 : i32
      %dma_start3A_1634 = tpu.memref_slice %arg6[%and3A_1366, %dma_start3A_1632, %dma_start3A_1633] : memref<8x26x32xf32, #tpu.memory_space<vmem>> -> memref<1x1x32xf32, #tpu.memory_space<vmem>>
      %dma_start3A_1635 = tpu.memref_squeeze %dma_start3A_1634 : memref<1x1x32xf32, #tpu.memory_space<vmem>> -> memref<32xf32, #tpu.memory_space<vmem>>
      %dma_start3A_1636 = arith.constant 0 : i32
      %dma_start3A_1637 = tpu.memref_slice %arg3[%squeeze3A_1631, %dma_start3A_1636] : memref<1000000x32xf32, #tpu.memory_space<hbm>> -> memref<1x32xf32, #tpu.memory_space<hbm>>
      %dma_start3A_1638 = tpu.memref_squeeze %dma_start3A_1637 : memref<1x32xf32, #tpu.memory_space<hbm>> -> memref<32xf32, #tpu.memory_space<hbm>>
      %dma_start3A_1639 = arith.constant 0 : i32
      %dma_start3A_1640 = tpu.memref_slice %arg6[%and3A_1366, %dma_start3A_1632, %dma_start3A_1639] : memref<8x26x32xf32, #tpu.memory_space<vmem>> -> memref<1x1x32xf32, #tpu.memory_space<vmem>>
      %dma_start3A_1641 = tpu.memref_squeeze %dma_start3A_1640 : memref<1x1x32xf32, #tpu.memory_space<vmem>> -> memref<32xf32, #tpu.memory_space<vmem>>
      %dma_start3A_1642 = arith.constant 0 : i32
      %dma_start3A_1643 = tpu.memref_slice %arg3[%squeeze3A_1631, %dma_start3A_1642] : memref<1000000x32xf32, #tpu.memory_space<hbm>> -> memref<1x32xf32, #tpu.memory_space<hbm>>
      %dma_start3A_1644 = tpu.memref_squeeze %dma_start3A_1643 : memref<1x32xf32, #tpu.memory_space<hbm>> -> memref<32xf32, #tpu.memory_space<hbm>>
      tpu.enqueue_dma source(%dma_start3A_1644 : memref<32xf32, #tpu.memory_space<hbm>>) target(%dma_start3A_1641 : memref<32xf32, #tpu.memory_space<vmem>>) target_semaphore(%arg11 : memref<!tpu.dma_semaphore, #tpu.memory_space<semaphore_mem>>)
      %slice3A_1645 = vector.extract_strided_slice %get3A_1374 {offsets = [2], sizes = [1], strides = [1]} : vector<16xi32> to vector<1xi32>
      %squeeze3A_1646 = vector.extract %slice3A_1645[0] : i32 from vector<1xi32>
      %dma_start3A_1647 = arith.constant 18 : i32
      %dma_start3A_1648 = arith.constant 0 : i32
      %dma_start3A_1649 = tpu.memref_slice %arg6[%and3A_1366, %dma_start3A_1647, %dma_start3A_1648] : memref<8x26x32xf32, #tpu.memory_space<vmem>> -> memref<1x1x32xf32, #tpu.memory_space<vmem>>
      %dma_start3A_1650 = tpu.memref_squeeze %dma_start3A_1649 : memref<1x1x32xf32, #tpu.memory_space<vmem>> -> memref<32xf32, #tpu.memory_space<vmem>>
      %dma_start3A_1651 = arith.constant 0 : i32
      %dma_start3A_1652 = tpu.memref_slice %arg3[%squeeze3A_1646, %dma_start3A_1651] : memref<1000000x32xf32, #tpu.memory_space<hbm>> -> memref<1x32xf32, #tpu.memory_space<hbm>>
      %dma_start3A_1653 = tpu.memref_squeeze %dma_start3A_1652 : memref<1x32xf32, #tpu.memory_space<hbm>> -> memref<32xf32, #tpu.memory_space<hbm>>
      %dma_start3A_1654 = arith.constant 0 : i32
      %dma_start3A_1655 = tpu.memref_slice %arg6[%and3A_1366, %dma_start3A_1647, %dma_start3A_1654] : memref<8x26x32xf32, #tpu.memory_space<vmem>> -> memref<1x1x32xf32, #tpu.memory_space<vmem>>
      %dma_start3A_1656 = tpu.memref_squeeze %dma_start3A_1655 : memref<1x1x32xf32, #tpu.memory_space<vmem>> -> memref<32xf32, #tpu.memory_space<vmem>>
      %dma_start3A_1657 = arith.constant 0 : i32
      %dma_start3A_1658 = tpu.memref_slice %arg3[%squeeze3A_1646, %dma_start3A_1657] : memref<1000000x32xf32, #tpu.memory_space<hbm>> -> memref<1x32xf32, #tpu.memory_space<hbm>>
      %dma_start3A_1659 = tpu.memref_squeeze %dma_start3A_1658 : memref<1x32xf32, #tpu.memory_space<hbm>> -> memref<32xf32, #tpu.memory_space<hbm>>
      tpu.enqueue_dma source(%dma_start3A_1659 : memref<32xf32, #tpu.memory_space<hbm>>) target(%dma_start3A_1656 : memref<32xf32, #tpu.memory_space<vmem>>) target_semaphore(%arg11 : memref<!tpu.dma_semaphore, #tpu.memory_space<semaphore_mem>>)
      %slice3A_1660 = vector.extract_strided_slice %get3A_1374 {offsets = [3], sizes = [1], strides = [1]} : vector<16xi32> to vector<1xi32>
      %squeeze3A_1661 = vector.extract %slice3A_1660[0] : i32 from vector<1xi32>
      %dma_start3A_1662 = arith.constant 19 : i32
      %dma_start3A_1663 = arith.constant 0 : i32
      %dma_start3A_1664 = tpu.memref_slice %arg6[%and3A_1366, %dma_start3A_1662, %dma_start3A_1663] : memref<8x26x32xf32, #tpu.memory_space<vmem>> -> memref<1x1x32xf32, #tpu.memory_space<vmem>>
      %dma_start3A_1665 = tpu.memref_squeeze %dma_start3A_1664 : memref<1x1x32xf32, #tpu.memory_space<vmem>> -> memref<32xf32, #tpu.memory_space<vmem>>
      %dma_start3A_1666 = arith.constant 0 : i32
      %dma_start3A_1667 = tpu.memref_slice %arg3[%squeeze3A_1661, %dma_start3A_1666] : memref<1000000x32xf32, #tpu.memory_space<hbm>> -> memref<1x32xf32, #tpu.memory_space<hbm>>
      %dma_start3A_1668 = tpu.memref_squeeze %dma_start3A_1667 : memref<1x32xf32, #tpu.memory_space<hbm>> -> memref<32xf32, #tpu.memory_space<hbm>>
      %dma_start3A_1669 = arith.constant 0 : i32
      %dma_start3A_1670 = tpu.memref_slice %arg6[%and3A_1366, %dma_start3A_1662, %dma_start3A_1669] : memref<8x26x32xf32, #tpu.memory_space<vmem>> -> memref<1x1x32xf32, #tpu.memory_space<vmem>>
      %dma_start3A_1671 = tpu.memref_squeeze %dma_start3A_1670 : memref<1x1x32xf32, #tpu.memory_space<vmem>> -> memref<32xf32, #tpu.memory_space<vmem>>
      %dma_start3A_1672 = arith.constant 0 : i32
      %dma_start3A_1673 = tpu.memref_slice %arg3[%squeeze3A_1661, %dma_start3A_1672] : memref<1000000x32xf32, #tpu.memory_space<hbm>> -> memref<1x32xf32, #tpu.memory_space<hbm>>
      %dma_start3A_1674 = tpu.memref_squeeze %dma_start3A_1673 : memref<1x32xf32, #tpu.memory_space<hbm>> -> memref<32xf32, #tpu.memory_space<hbm>>
      tpu.enqueue_dma source(%dma_start3A_1674 : memref<32xf32, #tpu.memory_space<hbm>>) target(%dma_start3A_1671 : memref<32xf32, #tpu.memory_space<vmem>>) target_semaphore(%arg11 : memref<!tpu.dma_semaphore, #tpu.memory_space<semaphore_mem>>)
      %slice3A_1675 = vector.extract_strided_slice %get3A_1374 {offsets = [4], sizes = [1], strides = [1]} : vector<16xi32> to vector<1xi32>
      %squeeze3A_1676 = vector.extract %slice3A_1675[0] : i32 from vector<1xi32>
      %dma_start3A_1677 = arith.constant 20 : i32
      %dma_start3A_1678 = arith.constant 0 : i32
      %dma_start3A_1679 = tpu.memref_slice %arg6[%and3A_1366, %dma_start3A_1677, %dma_start3A_1678] : memref<8x26x32xf32, #tpu.memory_space<vmem>> -> memref<1x1x32xf32, #tpu.memory_space<vmem>>
      %dma_start3A_1680 = tpu.memref_squeeze %dma_start3A_1679 : memref<1x1x32xf32, #tpu.memory_space<vmem>> -> memref<32xf32, #tpu.memory_space<vmem>>
      %dma_start3A_1681 = arith.constant 0 : i32
      %dma_start3A_1682 = tpu.memref_slice %arg3[%squeeze3A_1676, %dma_start3A_1681] : memref<1000000x32xf32, #tpu.memory_space<hbm>> -> memref<1x32xf32, #tpu.memory_space<hbm>>
      %dma_start3A_1683 = tpu.memref_squeeze %dma_start3A_1682 : memref<1x32xf32, #tpu.memory_space<hbm>> -> memref<32xf32, #tpu.memory_space<hbm>>
      %dma_start3A_1684 = arith.constant 0 : i32
      %dma_start3A_1685 = tpu.memref_slice %arg6[%and3A_1366, %dma_start3A_1677, %dma_start3A_1684] : memref<8x26x32xf32, #tpu.memory_space<vmem>> -> memref<1x1x32xf32, #tpu.memory_space<vmem>>
      %dma_start3A_1686 = tpu.memref_squeeze %dma_start3A_1685 : memref<1x1x32xf32, #tpu.memory_space<vmem>> -> memref<32xf32, #tpu.memory_space<vmem>>
      %dma_start3A_1687 = arith.constant 0 : i32
      %dma_start3A_1688 = tpu.memref_slice %arg3[%squeeze3A_1676, %dma_start3A_1687] : memref<1000000x32xf32, #tpu.memory_space<hbm>> -> memref<1x32xf32, #tpu.memory_space<hbm>>
      %dma_start3A_1689 = tpu.memref_squeeze %dma_start3A_1688 : memref<1x32xf32, #tpu.memory_space<hbm>> -> memref<32xf32, #tpu.memory_space<hbm>>
      tpu.enqueue_dma source(%dma_start3A_1689 : memref<32xf32, #tpu.memory_space<hbm>>) target(%dma_start3A_1686 : memref<32xf32, #tpu.memory_space<vmem>>) target_semaphore(%arg11 : memref<!tpu.dma_semaphore, #tpu.memory_space<semaphore_mem>>)
      %slice3A_1690 = vector.extract_strided_slice %get3A_1374 {offsets = [5], sizes = [1], strides = [1]} : vector<16xi32> to vector<1xi32>
      %squeeze3A_1691 = vector.extract %slice3A_1690[0] : i32 from vector<1xi32>
      %dma_start3A_1692 = arith.constant 21 : i32
      %dma_start3A_1693 = arith.constant 0 : i32
      %dma_start3A_1694 = tpu.memref_slice %arg6[%and3A_1366, %dma_start3A_1692, %dma_start3A_1693] : memref<8x26x32xf32, #tpu.memory_space<vmem>> -> memref<1x1x32xf32, #tpu.memory_space<vmem>>
      %dma_start3A_1695 = tpu.memref_squeeze %dma_start3A_1694 : memref<1x1x32xf32, #tpu.memory_space<vmem>> -> memref<32xf32, #tpu.memory_space<vmem>>
      %dma_start3A_1696 = arith.constant 0 : i32
      %dma_start3A_1697 = tpu.memref_slice %arg3[%squeeze3A_1691, %dma_start3A_1696] : memref<1000000x32xf32, #tpu.memory_space<hbm>> -> memref<1x32xf32, #tpu.memory_space<hbm>>
      %dma_start3A_1698 = tpu.memref_squeeze %dma_start3A_1697 : memref<1x32xf32, #tpu.memory_space<hbm>> -> memref<32xf32, #tpu.memory_space<hbm>>
      %dma_start3A_1699 = arith.constant 0 : i32
      %dma_start3A_1700 = tpu.memref_slice %arg6[%and3A_1366, %dma_start3A_1692, %dma_start3A_1699] : memref<8x26x32xf32, #tpu.memory_space<vmem>> -> memref<1x1x32xf32, #tpu.memory_space<vmem>>
      %dma_start3A_1701 = tpu.memref_squeeze %dma_start3A_1700 : memref<1x1x32xf32, #tpu.memory_space<vmem>> -> memref<32xf32, #tpu.memory_space<vmem>>
      %dma_start3A_1702 = arith.constant 0 : i32
      %dma_start3A_1703 = tpu.memref_slice %arg3[%squeeze3A_1691, %dma_start3A_1702] : memref<1000000x32xf32, #tpu.memory_space<hbm>> -> memref<1x32xf32, #tpu.memory_space<hbm>>
      %dma_start3A_1704 = tpu.memref_squeeze %dma_start3A_1703 : memref<1x32xf32, #tpu.memory_space<hbm>> -> memref<32xf32, #tpu.memory_space<hbm>>
      tpu.enqueue_dma source(%dma_start3A_1704 : memref<32xf32, #tpu.memory_space<hbm>>) target(%dma_start3A_1701 : memref<32xf32, #tpu.memory_space<vmem>>) target_semaphore(%arg11 : memref<!tpu.dma_semaphore, #tpu.memory_space<semaphore_mem>>)
      %slice3A_1705 = vector.extract_strided_slice %get3A_1374 {offsets = [6], sizes = [1], strides = [1]} : vector<16xi32> to vector<1xi32>
      %squeeze3A_1706 = vector.extract %slice3A_1705[0] : i32 from vector<1xi32>
      %dma_start3A_1707 = arith.constant 22 : i32
      %dma_start3A_1708 = arith.constant 0 : i32
      %dma_start3A_1709 = tpu.memref_slice %arg6[%and3A_1366, %dma_start3A_1707, %dma_start3A_1708] : memref<8x26x32xf32, #tpu.memory_space<vmem>> -> memref<1x1x32xf32, #tpu.memory_space<vmem>>
      %dma_start3A_1710 = tpu.memref_squeeze %dma_start3A_1709 : memref<1x1x32xf32, #tpu.memory_space<vmem>> -> memref<32xf32, #tpu.memory_space<vmem>>
      %dma_start3A_1711 = arith.constant 0 : i32
      %dma_start3A_1712 = tpu.memref_slice %arg3[%squeeze3A_1706, %dma_start3A_1711] : memref<1000000x32xf32, #tpu.memory_space<hbm>> -> memref<1x32xf32, #tpu.memory_space<hbm>>
      %dma_start3A_1713 = tpu.memref_squeeze %dma_start3A_1712 : memref<1x32xf32, #tpu.memory_space<hbm>> -> memref<32xf32, #tpu.memory_space<hbm>>
      %dma_start3A_1714 = arith.constant 0 : i32
      %dma_start3A_1715 = tpu.memref_slice %arg6[%and3A_1366, %dma_start3A_1707, %dma_start3A_1714] : memref<8x26x32xf32, #tpu.memory_space<vmem>> -> memref<1x1x32xf32, #tpu.memory_space<vmem>>
      %dma_start3A_1716 = tpu.memref_squeeze %dma_start3A_1715 : memref<1x1x32xf32, #tpu.memory_space<vmem>> -> memref<32xf32, #tpu.memory_space<vmem>>
      %dma_start3A_1717 = arith.constant 0 : i32
      %dma_start3A_1718 = tpu.memref_slice %arg3[%squeeze3A_1706, %dma_start3A_1717] : memref<1000000x32xf32, #tpu.memory_space<hbm>> -> memref<1x32xf32, #tpu.memory_space<hbm>>
      %dma_start3A_1719 = tpu.memref_squeeze %dma_start3A_1718 : memref<1x32xf32, #tpu.memory_space<hbm>> -> memref<32xf32, #tpu.memory_space<hbm>>
      tpu.enqueue_dma source(%dma_start3A_1719 : memref<32xf32, #tpu.memory_space<hbm>>) target(%dma_start3A_1716 : memref<32xf32, #tpu.memory_space<vmem>>) target_semaphore(%arg11 : memref<!tpu.dma_semaphore, #tpu.memory_space<semaphore_mem>>)
      %slice3A_1720 = vector.extract_strided_slice %get3A_1374 {offsets = [7], sizes = [1], strides = [1]} : vector<16xi32> to vector<1xi32>
      %squeeze3A_1721 = vector.extract %slice3A_1720[0] : i32 from vector<1xi32>
      %dma_start3A_1722 = arith.constant 23 : i32
      %dma_start3A_1723 = arith.constant 0 : i32
      %dma_start3A_1724 = tpu.memref_slice %arg6[%and3A_1366, %dma_start3A_1722, %dma_start3A_1723] : memref<8x26x32xf32, #tpu.memory_space<vmem>> -> memref<1x1x32xf32, #tpu.memory_space<vmem>>
      %dma_start3A_1725 = tpu.memref_squeeze %dma_start3A_1724 : memref<1x1x32xf32, #tpu.memory_space<vmem>> -> memref<32xf32, #tpu.memory_space<vmem>>
      %dma_start3A_1726 = arith.constant 0 : i32
      %dma_start3A_1727 = tpu.memref_slice %arg3[%squeeze3A_1721, %dma_start3A_1726] : memref<1000000x32xf32, #tpu.memory_space<hbm>> -> memref<1x32xf32, #tpu.memory_space<hbm>>
      %dma_start3A_1728 = tpu.memref_squeeze %dma_start3A_1727 : memref<1x32xf32, #tpu.memory_space<hbm>> -> memref<32xf32, #tpu.memory_space<hbm>>
      %dma_start3A_1729 = arith.constant 0 : i32
      %dma_start3A_1730 = tpu.memref_slice %arg6[%and3A_1366, %dma_start3A_1722, %dma_start3A_1729] : memref<8x26x32xf32, #tpu.memory_space<vmem>> -> memref<1x1x32xf32, #tpu.memory_space<vmem>>
      %dma_start3A_1731 = tpu.memref_squeeze %dma_start3A_1730 : memref<1x1x32xf32, #tpu.memory_space<vmem>> -> memref<32xf32, #tpu.memory_space<vmem>>
      %dma_start3A_1732 = arith.constant 0 : i32
      %dma_start3A_1733 = tpu.memref_slice %arg3[%squeeze3A_1721, %dma_start3A_1732] : memref<1000000x32xf32, #tpu.memory_space<hbm>> -> memref<1x32xf32, #tpu.memory_space<hbm>>
      %dma_start3A_1734 = tpu.memref_squeeze %dma_start3A_1733 : memref<1x32xf32, #tpu.memory_space<hbm>> -> memref<32xf32, #tpu.memory_space<hbm>>
      tpu.enqueue_dma source(%dma_start3A_1734 : memref<32xf32, #tpu.memory_space<hbm>>) target(%dma_start3A_1731 : memref<32xf32, #tpu.memory_space<vmem>>) target_semaphore(%arg11 : memref<!tpu.dma_semaphore, #tpu.memory_space<semaphore_mem>>)
      %slice3A_1735 = vector.extract_strided_slice %get3A_1374 {offsets = [8], sizes = [1], strides = [1]} : vector<16xi32> to vector<1xi32>
      %squeeze3A_1736 = vector.extract %slice3A_1735[0] : i32 from vector<1xi32>
      %dma_start3A_1737 = arith.constant 24 : i32
      %dma_start3A_1738 = arith.constant 0 : i32
      %dma_start3A_1739 = tpu.memref_slice %arg6[%and3A_1366, %dma_start3A_1737, %dma_start3A_1738] : memref<8x26x32xf32, #tpu.memory_space<vmem>> -> memref<1x1x32xf32, #tpu.memory_space<vmem>>
      %dma_start3A_1740 = tpu.memref_squeeze %dma_start3A_1739 : memref<1x1x32xf32, #tpu.memory_space<vmem>> -> memref<32xf32, #tpu.memory_space<vmem>>
      %dma_start3A_1741 = arith.constant 0 : i32
      %dma_start3A_1742 = tpu.memref_slice %arg3[%squeeze3A_1736, %dma_start3A_1741] : memref<1000000x32xf32, #tpu.memory_space<hbm>> -> memref<1x32xf32, #tpu.memory_space<hbm>>
      %dma_start3A_1743 = tpu.memref_squeeze %dma_start3A_1742 : memref<1x32xf32, #tpu.memory_space<hbm>> -> memref<32xf32, #tpu.memory_space<hbm>>
      %dma_start3A_1744 = arith.constant 0 : i32
      %dma_start3A_1745 = tpu.memref_slice %arg6[%and3A_1366, %dma_start3A_1737, %dma_start3A_1744] : memref<8x26x32xf32, #tpu.memory_space<vmem>> -> memref<1x1x32xf32, #tpu.memory_space<vmem>>
      %dma_start3A_1746 = tpu.memref_squeeze %dma_start3A_1745 : memref<1x1x32xf32, #tpu.memory_space<vmem>> -> memref<32xf32, #tpu.memory_space<vmem>>
      %dma_start3A_1747 = arith.constant 0 : i32
      %dma_start3A_1748 = tpu.memref_slice %arg3[%squeeze3A_1736, %dma_start3A_1747] : memref<1000000x32xf32, #tpu.memory_space<hbm>> -> memref<1x32xf32, #tpu.memory_space<hbm>>
      %dma_start3A_1749 = tpu.memref_squeeze %dma_start3A_1748 : memref<1x32xf32, #tpu.memory_space<hbm>> -> memref<32xf32, #tpu.memory_space<hbm>>
      tpu.enqueue_dma source(%dma_start3A_1749 : memref<32xf32, #tpu.memory_space<hbm>>) target(%dma_start3A_1746 : memref<32xf32, #tpu.memory_space<vmem>>) target_semaphore(%arg11 : memref<!tpu.dma_semaphore, #tpu.memory_space<semaphore_mem>>)
      %slice3A_1750 = vector.extract_strided_slice %get3A_1374 {offsets = [9], sizes = [1], strides = [1]} : vector<16xi32> to vector<1xi32>
      %squeeze3A_1751 = vector.extract %slice3A_1750[0] : i32 from vector<1xi32>
      %dma_start3A_1752 = arith.constant 25 : i32
      %dma_start3A_1753 = arith.constant 0 : i32
      %dma_start3A_1754 = tpu.memref_slice %arg6[%and3A_1366, %dma_start3A_1752, %dma_start3A_1753] : memref<8x26x32xf32, #tpu.memory_space<vmem>> -> memref<1x1x32xf32, #tpu.memory_space<vmem>>
      %dma_start3A_1755 = tpu.memref_squeeze %dma_start3A_1754 : memref<1x1x32xf32, #tpu.memory_space<vmem>> -> memref<32xf32, #tpu.memory_space<vmem>>
      %dma_start3A_1756 = arith.constant 0 : i32
      %dma_start3A_1757 = tpu.memref_slice %arg3[%squeeze3A_1751, %dma_start3A_1756] : memref<1000000x32xf32, #tpu.memory_space<hbm>> -> memref<1x32xf32, #tpu.memory_space<hbm>>
      %dma_start3A_1758 = tpu.memref_squeeze %dma_start3A_1757 : memref<1x32xf32, #tpu.memory_space<hbm>> -> memref<32xf32, #tpu.memory_space<hbm>>
      %dma_start3A_1759 = arith.constant 0 : i32
      %dma_start3A_1760 = tpu.memref_slice %arg6[%and3A_1366, %dma_start3A_1752, %dma_start3A_1759] : memref<8x26x32xf32, #tpu.memory_space<vmem>> -> memref<1x1x32xf32, #tpu.memory_space<vmem>>
      %dma_start3A_1761 = tpu.memref_squeeze %dma_start3A_1760 : memref<1x1x32xf32, #tpu.memory_space<vmem>> -> memref<32xf32, #tpu.memory_space<vmem>>
      %dma_start3A_1762 = arith.constant 0 : i32
      %dma_start3A_1763 = tpu.memref_slice %arg3[%squeeze3A_1751, %dma_start3A_1762] : memref<1000000x32xf32, #tpu.memory_space<hbm>> -> memref<1x32xf32, #tpu.memory_space<hbm>>
      %dma_start3A_1764 = tpu.memref_squeeze %dma_start3A_1763 : memref<1x32xf32, #tpu.memory_space<hbm>> -> memref<32xf32, #tpu.memory_space<hbm>>
      tpu.enqueue_dma source(%dma_start3A_1764 : memref<32xf32, #tpu.memory_space<hbm>>) target(%dma_start3A_1761 : memref<32xf32, #tpu.memory_space<vmem>>) target_semaphore(%arg11 : memref<!tpu.dma_semaphore, #tpu.memory_space<semaphore_mem>>)
    }
    %scan3A_7 = arith.constant 32 : i32
    %scan3A_8 = arith.constant 0 : i32
    %scan3A_9 = arith.constant 0 : i32
    %scan3A_10 = arith.constant 26 : i32
    %scan3A_11 = arith.addi %scan3A_9, %scan3A_10 : i32
    %scan3A_12 = arith.constant 1 : i32
    scf.for %scan3A_113 = %scan3A_9 to %scan3A_11 step %scan3A_12  : i32 {
      %dma_wait3A = arith.constant 0 : i32
      %dma_wait3A_114 = arith.constant 0 : i32
      %dma_wait3A_115 = tpu.memref_slice %arg3[%dma_wait3A, %dma_wait3A_114] : memref<1000000x32xf32, #tpu.memory_space<hbm>> -> memref<1x32xf32, #tpu.memory_space<hbm>>
      %dma_wait3A_116 = tpu.memref_squeeze %dma_wait3A_115 : memref<1x32xf32, #tpu.memory_space<hbm>> -> memref<32xf32, #tpu.memory_space<hbm>>
      %dma_wait3A_117 = arith.constant 0 : i32
      %dma_wait3A_118 = tpu.memref_slice %arg3[%dma_wait3A, %dma_wait3A_117] : memref<1000000x32xf32, #tpu.memory_space<hbm>> -> memref<1x32xf32, #tpu.memory_space<hbm>>
      %dma_wait3A_119 = tpu.memref_squeeze %dma_wait3A_118 : memref<1x32xf32, #tpu.memory_space<hbm>> -> memref<32xf32, #tpu.memory_space<hbm>>
      tpu.wait_dma2 semaphore(%arg8 : memref<!tpu.dma_semaphore, #tpu.memory_space<semaphore_mem>>) src(%dma_wait3A_119 : memref<32xf32, #tpu.memory_space<hbm>>) dst(%arg7 : memref<32xf32, #tpu.memory_space<vmem>>)
    }
    %scan3A_13 = arith.constant 26 : i32
    %add3A_14 = arith.constant 124 : i32
    %add3A_15 = arith.addi %mul3A_2, %add3A_14 : i32
    %dma_start3A = arith.constant 4 : i32
    %dma_start3A_16 = arith.constant 0 : i32
    %dma_start3A_17 = arith.constant 0 : i32
    %dma_start3A_18 = tpu.memref_slice %arg6[%dma_start3A, %dma_start3A_16, %dma_start3A_17] : memref<8x26x32xf32, #tpu.memory_space<vmem>> -> memref<1x26x32xf32, #tpu.memory_space<vmem>>
    %dma_start3A_19 = tpu.memref_squeeze %dma_start3A_18 : memref<1x26x32xf32, #tpu.memory_space<vmem>> -> memref<26x32xf32, #tpu.memory_space<vmem>>
    %dma_start3A_20 = arith.constant 0 : i32
    %dma_start3A_21 = arith.constant 0 : i32
    %dma_start3A_22 = tpu.memref_slice %arg4[%add3A_15, %dma_start3A_20, %dma_start3A_21] : memref<4096x26x32xf32, #tpu.memory_space<hbm>> -> memref<1x26x32xf32, #tpu.memory_space<hbm>>
    %dma_start3A_23 = tpu.memref_squeeze %dma_start3A_22 : memref<1x26x32xf32, #tpu.memory_space<hbm>> -> memref<26x32xf32, #tpu.memory_space<hbm>>
    %dma_start3A_24 = arith.constant 0 : i32
    %dma_start3A_25 = arith.constant 0 : i32
    %dma_start3A_26 = tpu.memref_slice %arg4[%add3A_15, %dma_start3A_24, %dma_start3A_25] : memref<4096x26x32xf32, #tpu.memory_space<hbm>> -> memref<1x26x32xf32, #tpu.memory_space<hbm>>
    %dma_start3A_27 = tpu.memref_squeeze %dma_start3A_26 : memref<1x26x32xf32, #tpu.memory_space<hbm>> -> memref<26x32xf32, #tpu.memory_space<hbm>>
    %dma_start3A_28 = arith.constant 0 : i32
    %dma_start3A_29 = arith.constant 0 : i32
    %dma_start3A_30 = tpu.memref_slice %arg6[%dma_start3A, %dma_start3A_28, %dma_start3A_29] : memref<8x26x32xf32, #tpu.memory_space<vmem>> -> memref<1x26x32xf32, #tpu.memory_space<vmem>>
    %dma_start3A_31 = tpu.memref_squeeze %dma_start3A_30 : memref<1x26x32xf32, #tpu.memory_space<vmem>> -> memref<26x32xf32, #tpu.memory_space<vmem>>
    tpu.enqueue_dma source(%dma_start3A_31 : memref<26x32xf32, #tpu.memory_space<vmem>>) target(%dma_start3A_27 : memref<26x32xf32, #tpu.memory_space<hbm>>) target_semaphore(%arg12 : memref<!tpu.dma_semaphore, #tpu.memory_space<semaphore_mem>>)
    %scan3A_32 = arith.constant 0 : i32
    %scan3A_33 = arith.constant 0 : i32
    %scan3A_34 = arith.constant 26 : i32
    %scan3A_35 = arith.addi %scan3A_33, %scan3A_34 : i32
    %scan3A_36 = arith.constant 1 : i32
    scf.for %scan3A_113 = %scan3A_33 to %scan3A_35 step %scan3A_36  : i32 {
      %dma_wait3A = arith.constant 0 : i32
      %dma_wait3A_114 = arith.constant 0 : i32
      %dma_wait3A_115 = tpu.memref_slice %arg3[%dma_wait3A, %dma_wait3A_114] : memref<1000000x32xf32, #tpu.memory_space<hbm>> -> memref<1x32xf32, #tpu.memory_space<hbm>>
      %dma_wait3A_116 = tpu.memref_squeeze %dma_wait3A_115 : memref<1x32xf32, #tpu.memory_space<hbm>> -> memref<32xf32, #tpu.memory_space<hbm>>
      %dma_wait3A_117 = arith.constant 0 : i32
      %dma_wait3A_118 = tpu.memref_slice %arg3[%dma_wait3A, %dma_wait3A_117] : memref<1000000x32xf32, #tpu.memory_space<hbm>> -> memref<1x32xf32, #tpu.memory_space<hbm>>
      %dma_wait3A_119 = tpu.memref_squeeze %dma_wait3A_118 : memref<1x32xf32, #tpu.memory_space<hbm>> -> memref<32xf32, #tpu.memory_space<hbm>>
      tpu.wait_dma2 semaphore(%arg9 : memref<!tpu.dma_semaphore, #tpu.memory_space<semaphore_mem>>) src(%dma_wait3A_119 : memref<32xf32, #tpu.memory_space<hbm>>) dst(%arg7 : memref<32xf32, #tpu.memory_space<vmem>>)
    }
    %scan3A_37 = arith.constant 26 : i32
    %add3A_38 = arith.constant 125 : i32
    %add3A_39 = arith.addi %mul3A_2, %add3A_38 : i32
    %dma_start3A_40 = arith.constant 5 : i32
    %dma_start3A_41 = arith.constant 0 : i32
    %dma_start3A_42 = arith.constant 0 : i32
    %dma_start3A_43 = tpu.memref_slice %arg6[%dma_start3A_40, %dma_start3A_41, %dma_start3A_42] : memref<8x26x32xf32, #tpu.memory_space<vmem>> -> memref<1x26x32xf32, #tpu.memory_space<vmem>>
    %dma_start3A_44 = tpu.memref_squeeze %dma_start3A_43 : memref<1x26x32xf32, #tpu.memory_space<vmem>> -> memref<26x32xf32, #tpu.memory_space<vmem>>
    %dma_start3A_45 = arith.constant 0 : i32
    %dma_start3A_46 = arith.constant 0 : i32
    %dma_start3A_47 = tpu.memref_slice %arg4[%add3A_39, %dma_start3A_45, %dma_start3A_46] : memref<4096x26x32xf32, #tpu.memory_space<hbm>> -> memref<1x26x32xf32, #tpu.memory_space<hbm>>
    %dma_start3A_48 = tpu.memref_squeeze %dma_start3A_47 : memref<1x26x32xf32, #tpu.memory_space<hbm>> -> memref<26x32xf32, #tpu.memory_space<hbm>>
    %dma_start3A_49 = arith.constant 0 : i32
    %dma_start3A_50 = arith.constant 0 : i32
    %dma_start3A_51 = tpu.memref_slice %arg4[%add3A_39, %dma_start3A_49, %dma_start3A_50] : memref<4096x26x32xf32, #tpu.memory_space<hbm>> -> memref<1x26x32xf32, #tpu.memory_space<hbm>>
    %dma_start3A_52 = tpu.memref_squeeze %dma_start3A_51 : memref<1x26x32xf32, #tpu.memory_space<hbm>> -> memref<26x32xf32, #tpu.memory_space<hbm>>
    %dma_start3A_53 = arith.constant 0 : i32
    %dma_start3A_54 = arith.constant 0 : i32
    %dma_start3A_55 = tpu.memref_slice %arg6[%dma_start3A_40, %dma_start3A_53, %dma_start3A_54] : memref<8x26x32xf32, #tpu.memory_space<vmem>> -> memref<1x26x32xf32, #tpu.memory_space<vmem>>
    %dma_start3A_56 = tpu.memref_squeeze %dma_start3A_55 : memref<1x26x32xf32, #tpu.memory_space<vmem>> -> memref<26x32xf32, #tpu.memory_space<vmem>>
    tpu.enqueue_dma source(%dma_start3A_56 : memref<26x32xf32, #tpu.memory_space<vmem>>) target(%dma_start3A_52 : memref<26x32xf32, #tpu.memory_space<hbm>>) target_semaphore(%arg12 : memref<!tpu.dma_semaphore, #tpu.memory_space<semaphore_mem>>)
    %scan3A_57 = arith.constant 0 : i32
    %scan3A_58 = arith.constant 0 : i32
    %scan3A_59 = arith.constant 26 : i32
    %scan3A_60 = arith.addi %scan3A_58, %scan3A_59 : i32
    %scan3A_61 = arith.constant 1 : i32
    scf.for %scan3A_113 = %scan3A_58 to %scan3A_60 step %scan3A_61  : i32 {
      %dma_wait3A = arith.constant 0 : i32
      %dma_wait3A_114 = arith.constant 0 : i32
      %dma_wait3A_115 = tpu.memref_slice %arg3[%dma_wait3A, %dma_wait3A_114] : memref<1000000x32xf32, #tpu.memory_space<hbm>> -> memref<1x32xf32, #tpu.memory_space<hbm>>
      %dma_wait3A_116 = tpu.memref_squeeze %dma_wait3A_115 : memref<1x32xf32, #tpu.memory_space<hbm>> -> memref<32xf32, #tpu.memory_space<hbm>>
      %dma_wait3A_117 = arith.constant 0 : i32
      %dma_wait3A_118 = tpu.memref_slice %arg3[%dma_wait3A, %dma_wait3A_117] : memref<1000000x32xf32, #tpu.memory_space<hbm>> -> memref<1x32xf32, #tpu.memory_space<hbm>>
      %dma_wait3A_119 = tpu.memref_squeeze %dma_wait3A_118 : memref<1x32xf32, #tpu.memory_space<hbm>> -> memref<32xf32, #tpu.memory_space<hbm>>
      tpu.wait_dma2 semaphore(%arg10 : memref<!tpu.dma_semaphore, #tpu.memory_space<semaphore_mem>>) src(%dma_wait3A_119 : memref<32xf32, #tpu.memory_space<hbm>>) dst(%arg7 : memref<32xf32, #tpu.memory_space<vmem>>)
    }
    %scan3A_62 = arith.constant 26 : i32
    %add3A_63 = arith.constant 126 : i32
    %add3A_64 = arith.addi %mul3A_2, %add3A_63 : i32
    %dma_start3A_65 = arith.constant 6 : i32
    %dma_start3A_66 = arith.constant 0 : i32
    %dma_start3A_67 = arith.constant 0 : i32
    %dma_start3A_68 = tpu.memref_slice %arg6[%dma_start3A_65, %dma_start3A_66, %dma_start3A_67] : memref<8x26x32xf32, #tpu.memory_space<vmem>> -> memref<1x26x32xf32, #tpu.memory_space<vmem>>
    %dma_start3A_69 = tpu.memref_squeeze %dma_start3A_68 : memref<1x26x32xf32, #tpu.memory_space<vmem>> -> memref<26x32xf32, #tpu.memory_space<vmem>>
    %dma_start3A_70 = arith.constant 0 : i32
    %dma_start3A_71 = arith.constant 0 : i32
    %dma_start3A_72 = tpu.memref_slice %arg4[%add3A_64, %dma_start3A_70, %dma_start3A_71] : memref<4096x26x32xf32, #tpu.memory_space<hbm>> -> memref<1x26x32xf32, #tpu.memory_space<hbm>>
    %dma_start3A_73 = tpu.memref_squeeze %dma_start3A_72 : memref<1x26x32xf32, #tpu.memory_space<hbm>> -> memref<26x32xf32, #tpu.memory_space<hbm>>
    %dma_start3A_74 = arith.constant 0 : i32
    %dma_start3A_75 = arith.constant 0 : i32
    %dma_start3A_76 = tpu.memref_slice %arg4[%add3A_64, %dma_start3A_74, %dma_start3A_75] : memref<4096x26x32xf32, #tpu.memory_space<hbm>> -> memref<1x26x32xf32, #tpu.memory_space<hbm>>
    %dma_start3A_77 = tpu.memref_squeeze %dma_start3A_76 : memref<1x26x32xf32, #tpu.memory_space<hbm>> -> memref<26x32xf32, #tpu.memory_space<hbm>>
    %dma_start3A_78 = arith.constant 0 : i32
    %dma_start3A_79 = arith.constant 0 : i32
    %dma_start3A_80 = tpu.memref_slice %arg6[%dma_start3A_65, %dma_start3A_78, %dma_start3A_79] : memref<8x26x32xf32, #tpu.memory_space<vmem>> -> memref<1x26x32xf32, #tpu.memory_space<vmem>>
    %dma_start3A_81 = tpu.memref_squeeze %dma_start3A_80 : memref<1x26x32xf32, #tpu.memory_space<vmem>> -> memref<26x32xf32, #tpu.memory_space<vmem>>
    tpu.enqueue_dma source(%dma_start3A_81 : memref<26x32xf32, #tpu.memory_space<vmem>>) target(%dma_start3A_77 : memref<26x32xf32, #tpu.memory_space<hbm>>) target_semaphore(%arg12 : memref<!tpu.dma_semaphore, #tpu.memory_space<semaphore_mem>>)
    %scan3A_82 = arith.constant 0 : i32
    %scan3A_83 = arith.constant 0 : i32
    %scan3A_84 = arith.constant 26 : i32
    %scan3A_85 = arith.addi %scan3A_83, %scan3A_84 : i32
    %scan3A_86 = arith.constant 1 : i32
    scf.for %scan3A_113 = %scan3A_83 to %scan3A_85 step %scan3A_86  : i32 {
      %dma_wait3A = arith.constant 0 : i32
      %dma_wait3A_114 = arith.constant 0 : i32
      %dma_wait3A_115 = tpu.memref_slice %arg3[%dma_wait3A, %dma_wait3A_114] : memref<1000000x32xf32, #tpu.memory_space<hbm>> -> memref<1x32xf32, #tpu.memory_space<hbm>>
      %dma_wait3A_116 = tpu.memref_squeeze %dma_wait3A_115 : memref<1x32xf32, #tpu.memory_space<hbm>> -> memref<32xf32, #tpu.memory_space<hbm>>
      %dma_wait3A_117 = arith.constant 0 : i32
      %dma_wait3A_118 = tpu.memref_slice %arg3[%dma_wait3A, %dma_wait3A_117] : memref<1000000x32xf32, #tpu.memory_space<hbm>> -> memref<1x32xf32, #tpu.memory_space<hbm>>
      %dma_wait3A_119 = tpu.memref_squeeze %dma_wait3A_118 : memref<1x32xf32, #tpu.memory_space<hbm>> -> memref<32xf32, #tpu.memory_space<hbm>>
      tpu.wait_dma2 semaphore(%arg11 : memref<!tpu.dma_semaphore, #tpu.memory_space<semaphore_mem>>) src(%dma_wait3A_119 : memref<32xf32, #tpu.memory_space<hbm>>) dst(%arg7 : memref<32xf32, #tpu.memory_space<vmem>>)
    }
    %scan3A_87 = arith.constant 26 : i32
    %add3A_88 = arith.constant 127 : i32
    %add3A_89 = arith.addi %mul3A_2, %add3A_88 : i32
    %dma_start3A_90 = arith.constant 7 : i32
    %dma_start3A_91 = arith.constant 0 : i32
    %dma_start3A_92 = arith.constant 0 : i32
    %dma_start3A_93 = tpu.memref_slice %arg6[%dma_start3A_90, %dma_start3A_91, %dma_start3A_92] : memref<8x26x32xf32, #tpu.memory_space<vmem>> -> memref<1x26x32xf32, #tpu.memory_space<vmem>>
    %dma_start3A_94 = tpu.memref_squeeze %dma_start3A_93 : memref<1x26x32xf32, #tpu.memory_space<vmem>> -> memref<26x32xf32, #tpu.memory_space<vmem>>
    %dma_start3A_95 = arith.constant 0 : i32
    %dma_start3A_96 = arith.constant 0 : i32
    %dma_start3A_97 = tpu.memref_slice %arg4[%add3A_89, %dma_start3A_95, %dma_start3A_96] : memref<4096x26x32xf32, #tpu.memory_space<hbm>> -> memref<1x26x32xf32, #tpu.memory_space<hbm>>
    %dma_start3A_98 = tpu.memref_squeeze %dma_start3A_97 : memref<1x26x32xf32, #tpu.memory_space<hbm>> -> memref<26x32xf32, #tpu.memory_space<hbm>>
    %dma_start3A_99 = arith.constant 0 : i32
    %dma_start3A_100 = arith.constant 0 : i32
    %dma_start3A_101 = tpu.memref_slice %arg4[%add3A_89, %dma_start3A_99, %dma_start3A_100] : memref<4096x26x32xf32, #tpu.memory_space<hbm>> -> memref<1x26x32xf32, #tpu.memory_space<hbm>>
    %dma_start3A_102 = tpu.memref_squeeze %dma_start3A_101 : memref<1x26x32xf32, #tpu.memory_space<hbm>> -> memref<26x32xf32, #tpu.memory_space<hbm>>
    %dma_start3A_103 = arith.constant 0 : i32
    %dma_start3A_104 = arith.constant 0 : i32
    %dma_start3A_105 = tpu.memref_slice %arg6[%dma_start3A_90, %dma_start3A_103, %dma_start3A_104] : memref<8x26x32xf32, #tpu.memory_space<vmem>> -> memref<1x26x32xf32, #tpu.memory_space<vmem>>
    %dma_start3A_106 = tpu.memref_squeeze %dma_start3A_105 : memref<1x26x32xf32, #tpu.memory_space<vmem>> -> memref<26x32xf32, #tpu.memory_space<vmem>>
    tpu.enqueue_dma source(%dma_start3A_106 : memref<26x32xf32, #tpu.memory_space<vmem>>) target(%dma_start3A_102 : memref<26x32xf32, #tpu.memory_space<hbm>>) target_semaphore(%arg12 : memref<!tpu.dma_semaphore, #tpu.memory_space<semaphore_mem>>)
    %scan3A_107 = arith.constant 0 : i32
    %scan3A_108 = arith.constant 0 : i32
    %scan3A_109 = arith.constant 8 : i32
    %scan3A_110 = arith.addi %scan3A_108, %scan3A_109 : i32
    %scan3A_111 = arith.constant 1 : i32
    scf.for %scan3A_113 = %scan3A_108 to %scan3A_110 step %scan3A_111  : i32 {
      %add3A_114 = arith.constant 120 : i32
      %add3A_115 = arith.addi %add3A_114, %scan3A_113 : i32
      %and3A = arith.constant 7 : i32
      %and3A_116 = arith.andi %add3A_115, %and3A : i32
      %add3A_117 = arith.addi %mul3A_2, %add3A_115 : i32
      %dma_wait3A = arith.constant 0 : i32
      %dma_wait3A_118 = arith.constant 0 : i32
      %dma_wait3A_119 = tpu.memref_slice %arg6[%and3A_116, %dma_wait3A, %dma_wait3A_118] : memref<8x26x32xf32, #tpu.memory_space<vmem>> -> memref<1x26x32xf32, #tpu.memory_space<vmem>>
      %dma_wait3A_120 = tpu.memref_squeeze %dma_wait3A_119 : memref<1x26x32xf32, #tpu.memory_space<vmem>> -> memref<26x32xf32, #tpu.memory_space<vmem>>
      %dma_wait3A_121 = arith.constant 0 : i32
      %dma_wait3A_122 = arith.constant 0 : i32
      %dma_wait3A_123 = tpu.memref_slice %arg4[%add3A_117, %dma_wait3A_121, %dma_wait3A_122] : memref<4096x26x32xf32, #tpu.memory_space<hbm>> -> memref<1x26x32xf32, #tpu.memory_space<hbm>>
      %dma_wait3A_124 = tpu.memref_squeeze %dma_wait3A_123 : memref<1x26x32xf32, #tpu.memory_space<hbm>> -> memref<26x32xf32, #tpu.memory_space<hbm>>
      %dma_wait3A_125 = arith.constant 0 : i32
      %dma_wait3A_126 = arith.constant 0 : i32
      %dma_wait3A_127 = tpu.memref_slice %arg4[%add3A_117, %dma_wait3A_125, %dma_wait3A_126] : memref<4096x26x32xf32, #tpu.memory_space<hbm>> -> memref<1x26x32xf32, #tpu.memory_space<hbm>>
      %dma_wait3A_128 = tpu.memref_squeeze %dma_wait3A_127 : memref<1x26x32xf32, #tpu.memory_space<hbm>> -> memref<26x32xf32, #tpu.memory_space<hbm>>
      %dma_wait3A_129 = arith.constant 0 : i32
      %dma_wait3A_130 = arith.constant 0 : i32
      %dma_wait3A_131 = tpu.memref_slice %arg6[%and3A_116, %dma_wait3A_129, %dma_wait3A_130] : memref<8x26x32xf32, #tpu.memory_space<vmem>> -> memref<1x26x32xf32, #tpu.memory_space<vmem>>
      %dma_wait3A_132 = tpu.memref_squeeze %dma_wait3A_131 : memref<1x26x32xf32, #tpu.memory_space<vmem>> -> memref<26x32xf32, #tpu.memory_space<vmem>>
      tpu.wait_dma2 semaphore(%arg12 : memref<!tpu.dma_semaphore, #tpu.memory_space<semaphore_mem>>) src(%dma_wait3A_132 : memref<26x32xf32, #tpu.memory_space<vmem>>) dst(%dma_wait3A_128 : memref<26x32xf32, #tpu.memory_space<hbm>>)
    }
    %scan3A_112 = arith.constant 8 : i32
    return
  }
}

</mosaic_0001>

<sc_bundles>
// kernel: kernel.3.cloned.1.call-start
scs
__scs_entry_jumppad:
0x0: {  	(pc) =	sbr.rel $0x88, $3  }
0x1: {  	(tag) =	ssettag $0x0;
	lr =	simm.s32 $0x1  }
0x2: {  	[smem:$0x3F9F] =	sst lr;
	_ =	strace $0xD0000000  }
0x3: {  	_ = 	snop  }
0x4: {  	_ = 	snop  }
0x5: {  	_ = 	snop  }
0x6: {  	_ = 	snop  }
0x7: {  	_ = 	snop  }
__scs_overlays_trampoline_lowered:
0x8: {  	[smem:$0x3FAE] =	sst s0  }
0x9: {  	[smem:$0x3FAF] =	sst s1  }
0xa: {  	[smem:$0x3FB0] =	sst s2  }
0xb: {  	[smem:$0x3FB1] =	sst s3  }
0xc: {  	[smem:$0x3FB2] =	sst s4  }
0xd: {  	[smem:$0x3FB3] =	sst s5  }
0xe: {  	[smem:$0x3FB4] =	sst s6  }
0xf: {  	[smem:$0x3FB5] =	sst s7  }
0x10: {  	[smem:$0x3FB6] =	sst s8  }
0x11: {  	[smem:$0x3FB7] =	sst s9;
	s0 =	simm.s32 @!p0 $0x0  }
0x12: {  	s1 =	sld [smem:$0x3F9D];
	s0 =	simm.s32 @p0 $0x1  }
0x13: {  	[smem:$0x3FB8] =	sst s0;
	s0 =	simm.s32 @!p1 $0x0  }
0x14: {  	s2 =	sld [smem:$0x3F9C];
	s0 =	simm.s32 @p1 $0x1  }
0x15: {  	[smem:$0x3FB9] =	sst s0;
	s0 =	simm.s32 @!p2 $0x0  }
0x16: {  	s3 =	sld [smem:$0x3FDB];
	s0 =	simm.s32 @p2 $0x1  }
0x17: {  	s4 =	simm.s32 $0x1BF5;
	[smem:$0x3FBB] =	sst s0  }
0x18: {  	s0 =	sld [smem:$0x3F9E];
	_ =	swait.ge [sflag:s4], $0x0  }
0x19: {  	s7 =	sld [smem:$0x3F9F]  }
0x1a: {  	s8 =	sadd.s32 $0xFFFFE003, lr  }
0x1b: {  	s9 =	sadd.s32 $0xFFFFFEF7, lr;
	s5 =	simm.s32 $0xFFFFFFFF;
	p2 =	slt.u32 s8, $0xFFFFF086  }
0x1c: {  	p1 =	slt.u32 s9, $0xF7A;
	s5 =	simm.s32 @!p2 $0x0  }
0x1d: {  	s5 =	simm.s32 @p1 $0x1;
	p0 =	seq.s32 s7, s2  }
0x1e: {  	s7 =	smul.u32 @!p0 $0xF7A, s2;
	p2 =	seq.s32 @!p0 s5, $0x0  }
0x1f: {  	s9 =	smul.u32 $0xF7A, s1;
	s8 =	simm.s32 @!p0 $0x1BF5;
	p2 =	por !p2, p0  }
0x20: {  	[sflag:s8] =	ssyncset.s32 @!p0 $0xFFFFF086;
	s6 =	sadd.s32 @!p0 s3, s7;
	s7 =	simm.s32 @!p0 $0x108  }
0x21: {  	s3 =	sadd.s32 s3, s9;
	s6 =	sadd.s32 @!p0 $0x88, s6;
	s7 =	simm.s32 @p2 $0x1082  }
0x22: {  	[simem:s7], [sflag:s8] =	dma.local @!p0 [hbm:s6], $0xF7A  }
0x23: {  	s9 =	sor.u32 $0xD0000000, s2;
	s6 =	simm.s32 $0x108;
	_ =	swait.ge @!p0 [sflag:s8], $0x0  }
0x24: {  	s3 =	sadd.s32 $0x88, s3;
	s6 =	simm.s32 @!p1 $0x1082;
	[sflag:s4] =	ssyncset.s32 $0xFFFFF086  }
0x25: {  	[simem:s6], [sflag:s4] =	dma.local [hbm:s3], $0xF7A  }
0x26: {  	[smem:$0x3F9F] =	sst s1;
	(tag) =	ssettag s2;
	_ =	strace s9  }
0x27: {  	s1 =	sld [smem:$0x3FAF]  }
0x28: {  	s2 =	sld [smem:$0x3FB0]  }
0x29: {  	s4 =	sld [smem:$0x3FB2]  }
0x2a: {  	p0 =	seq.s32 s5, $0x0;
	s5 =	sld [smem:$0x3FB3]  }
0x2b: {  	s6 =	sld [smem:$0x3FB4]  }
0x2c: {  	s7 =	sld [smem:$0x3FB5]  }
0x2d: {  	s3 =	simm.s32 $0x108;
	s8 =	sld [smem:$0x3FB6]  }
0x2e: {  	s3 =	simm.s32 @!p0 $0x1082;
	s9 =	sld [smem:$0x3FB7]  }
0x2f: {  	lr =	sadd.s32 s0, s3;
	s0 =	sld [smem:$0x3FAE]  }
0x30: {  	s3 =	sld [smem:$0x3FB1]  }
0x31: {  	[smem:$0x3FBA] =	sst s10  }
0x32: {  	s10 =	sld [smem:$0x3FB8];
	_ =	sdelay $0x3  }
0x33: {  	p0 =	seq.s32 s10, $0x1;
	s10 =	sld [smem:$0x3FBA];
	_ =	sdelay $0x3  }
0x34: {  	[smem:$0x3FBA] =	sst s10  }
0x35: {  	s10 =	sld [smem:$0x3FB9];
	_ =	sdelay $0x3  }
0x36: {  	p1 =	seq.s32 s10, $0x1;
	s10 =	sld [smem:$0x3FBA];
	_ =	sdelay $0x3  }
0x37: {  	[smem:$0x3FBA] =	sst s10  }
0x38: {  	s10 =	sld [smem:$0x3FBB]  }
0x39: {  	_ = 	snop;
	(pc) =	sbr.ind lr, $3  }
0x3a: {  	_ = 	snop  }
0x3b: {  	_ = 	snop  }
0x3c: {  	p2 =	seq.s32 s10, $0x1;
	s10 =	sld [smem:$0x3FBA]  }
0x3d: {  	_ =	shalt  }
0x3e: {  	_ =	shalt  }
0x3f: {  	_ =	shalt  }
0x40: {  	_ =	shalt  }
0x41: {  	_ =	shalt  }
0x42: {  	_ =	shalt  }
0x43: {  	_ =	shalt  }
0x44: {  	_ =	shalt  }
0x45: {  	_ =	shalt  }
0x46: {  	_ =	shalt  }
0x47: {  	_ =	shalt  }
0x48: {  	_ =	shalt  }
0x49: {  	_ =	shalt  }
0x4a: {  	_ =	shalt  }
0x4b: {  	_ =	shalt  }
0x4c: {  	_ =	shalt  }
0x4d: {  	_ =	shalt  }
0x4e: {  	_ =	shalt  }
0x4f: {  	_ =	shalt  }
0x50: {  	_ =	shalt  }
0x51: {  	_ =	shalt  }
0x52: {  	_ =	shalt  }
0x53: {  	_ =	shalt  }
0x54: {  	_ =	shalt  }
0x55: {  	_ =	shalt  }
0x56: {  	_ =	shalt  }
0x57: {  	_ =	shalt  }
0x58: {  	_ =	shalt  }
0x59: {  	_ =	shalt  }
0x5a: {  	_ =	shalt  }
0x5b: {  	_ =	shalt  }
0x5c: {  	_ =	shalt  }
0x5d: {  	_ =	shalt  }
0x5e: {  	_ =	shalt  }
0x5f: {  	_ =	shalt  }
0x60: {  	_ =	shalt  }
0x61: {  	_ =	shalt  }
0x62: {  	_ =	shalt  }
0x63: {  	_ =	shalt  }
0x64: {  	_ =	shalt  }
0x65: {  	_ =	shalt  }
0x66: {  	_ =	shalt  }
0x67: {  	_ =	shalt  }
0x68: {  	_ =	shalt  }
0x69: {  	_ =	shalt  }
0x6a: {  	_ =	shalt  }
0x6b: {  	_ =	shalt  }
0x6c: {  	_ =	shalt  }
0x6d: {  	_ =	shalt  }
0x6e: {  	_ =	shalt  }
0x6f: {  	_ =	shalt  }
0x70: {  	_ =	shalt  }
0x71: {  	_ =	shalt  }
0x72: {  	_ =	shalt  }
0x73: {  	_ =	shalt  }
0x74: {  	_ =	shalt  }
0x75: {  	_ =	shalt  }
0x76: {  	_ =	shalt  }
0x77: {  	_ =	shalt  }
0x78: {  	_ =	shalt  }
0x79: {  	_ =	shalt  }
0x7a: {  	_ =	shalt  }
0x7b: {  	_ =	shalt  }
0x7c: {  	_ =	shalt  }
0x7d: {  	_ =	shalt  }
0x7e: {  	_ =	shalt  }
0x7f: {  	_ =	shalt  }
0x80: {  	_ =	shalt  }
0x81: {  	_ =	shalt  }
0x82: {  	_ =	shalt  }
0x83: {  	_ =	shalt  }
0x84: {  	_ =	shalt  }
0x85: {  	_ =	shalt  }
0x86: {  	_ =	shalt  }
0x87: {  	_ =	shalt  }
.Lfunc_end0:
.L_simem_size_0:
called_computation_lowered:
.L_overlay_start_0:
0x88: {  	s2 =	sld [smem:$0x3FD9]  }
0x89: {  	s3 =	sld [smem:$0x3FFE];
	_ =	sdelay $0x1  }
0x8a: {  	s1 =	srdreg.scid  }
0x8b: {  	s0 =	sand.u32 $0x1, s1  }
0x8c: {  	s17 =	sshll.u32 s0, $0xA;
	s2 =	sadd.s32 s3, s2  }
0x8d: {  	s2 =	sadd.s32 s2, s17  }
0x8e: {  	[smem:$0x3FC6] =	sst s2  }
0x8f: {  	_ = 	snop  }
0x90: {  	s2 =	sld [smem:$0x3FD0];
	(tm) =	ssettm $0x1  }
0x91: {  	s18 =	sld [smem:$0x3FFB];
	_ =	sdelay $0x3  }
0x92: {  	_ =	strace s18  }
0x93: {  	s3 =	sld [smem:$0x3FFC];
	_ =	sdelay $0x3  }
0x94: {  	_ =	strace s3  }
0x95: {  	s3 =	sld [smem:$0x3FFD];
	_ =	sdelay $0x3  }
0x96: {  	_ =	strace s3  }
0x97: {  	_ =	strace $0x8FFFFFFF  }
0x98: {  	s19 =	sld [smem:$0x3FDB];
	_ =	sdelay $0x1  }
0x99: {  	s4 =	simm.s32 $_scs_section_size  }
0x9a: {  	s5 =	simm.s32 $_size__tile_overlayer_lowered;
	s6 =	simm.s32 $_tile_overlayer_lowered  }
0x9b: {  	s22 =	simm.s32 $0x1BFF;
	s21 =	sshll.u32 s6, $0x1;
	s3 =	sadd.s32 s4, s19  }
0x9c: {  	s7 =	simm.s32 $0x0;
	s20 =	sshll.u32 s5, $0x1;
	s5 =	sadd.s32 s21, s3  }
0x9d: {  	[timem:s7], [sflag:s22] =	dma.local [hbm:s5], s20  }
0x9e: {  	_ =	swait.ge [sflag:s22], s20  }
0x9f: {  	s4 =	ssub.s32 $0x0, s20;
	[sflag:s22] =	ssyncset.done $0x0  }
0xa0: {  	[sflag:s22] =	ssyncadd.s32 s4;
	_ =	sdelay $0x1  }
0xa1: {  	s23 =	simm.s32 $0x1B8B  }
0xa2: {  	_ =	swait.ge [sflag:s23], $0x1  }
0xa3: {  	[sflag:s23] =	ssyncset.done $0x0  }
0xa4: {  	s25 =	simm.s32 $0x1B8E;
	s24 =	sld [smem:$0x3FFE];
	[sflag:s23] =	ssyncadd.s32 $0xFFFFFFFF  }
0xa5: {  	s26 =	simm.s32 $execute0_lowered;
	[smem:$0x3FD2] =	sst s25  }
0xa6: {  	s5 =	sshll.u32 s26, $0x1;
	_ =	strace $0x80000046;
	[dreg:$0x1] =	wrdreg $0xFFFFFFFF  }
0xa7: {  	s28 =	simm.s32 $_size_execute0_lowered;
	s3 =	sadd.s32 s3, s5;
	[dreg:$0x0] =	wrdreg $0x0  }
0xa8: {  	s5 =	sshll.u32 s28, $0x1;
	[dreg:$0x2] =	wrdreg s3  }
0xa9: {  	[dreg:$0x3] =	wrdreg s5  }
0xaa: {  	[dreg:$0x4] =	wrdreg $0xC0  }
0xab: {  	_ =	task [dreg:s7], $0x5FFFF  }
0xac: {  	[dreg:$0x1] =	wrdreg $0xFFFFFFFF  }
0xad: {  	[dreg:$0x0] =	wrdreg $0x60  }
0xae: {  	[dreg:$0x2] =	wrdreg s2  }
0xaf: {  	[dreg:$0x3] =	wrdreg s24  }
0xb0: {  	[dreg:$0x4] =	wrdreg $0x9  }
0xb1: {  	_ =	task.clear_ibuf [dreg:s7], $0x5FFFF;
	_ =	strace $0x90000046  }
0xb2: {  	s29 =	simm.s32 $0x9;
	_ =	strace $0x80000048  }
0xb3: {  	_ =	swait.ge [sflag:s29], $0x1  }
0xb4: {  	[sflag:s29] =	ssyncadd.s32 $0xFFFFFFFF  }
0xb5: {  	_ =	strace $0x90000048  }
0xb6: {  	_ =	sfence  }
0xb7: {  	s30 =	sld [smem:$0x0];
	_ =	sdelay $0x2  }
0xb8: {  	s31 =	sshll.u32 s1, $0xD;
	s1 =	sshrl.u32 s1, $0x2  }
0xb9: {  	s3 =	sand.u32 $0x4000, s31;
	s1 =	sadd.s32 s1, s30  }
0xba: {  	s0 =	sor.u32 s3, s0;
	s1 =	sshll.u32 s1, $0x11  }
0xbb: {  	s0 =	sor.u32 s1, s0  }
0xbc: {  	s0 =	sadd.s32 $0x8F2B, s0  }
0xbd: {  	[sflag:s0] =	ssyncadd.remote.s32 $0x1  }
0xbe: {  	_ =	sfence.sel $0xFFFF  }
0xbf: {  	[dreg:$0x0] =	wrdreg $0xFFFFFFFF;
	(pc) =	sbr.abs _section_cstart, $3  }
0xc0: {  	[dreg:$0x1] =	wrdreg $0xFFFFFFFF  }
0xc1: {  	_ =	task.clear_ibuf [dreg:s7], $0x2FFFF;
	_ =	strace $0x9FFFFFFF  }
0xc2: {  	(tm) =	ssettm $0x7FFFFFFF  }
0xc3: {  	_ =	shalt  }
tec
execute0_lowered:
.L_overlay_start_1:
0x0: {  	(tag) =	ssettag $0x1  }
0x1: {  	s5 =	rddreg [dreg:$0x0]  }
0x2: {  	s4 =	rddreg [dreg:$0x1]  }
0x3: {  	s0 =	rddreg [dreg:$0x2];
	s2 =	simm.s32 $0x0  }
0x4: {  	s3 =	srdreg.scid;
	s1 =	stileid.u32;
	s13 =	simm.s32 $0x1  }
0x5: {  	s14 =	simm.s32 $0x8000;
	s15 =	simm.s32 $0x2;
	s16 =	simm.s32 $0x9000  }
0x6: {  	s17 =	simm.s32 $0x3;
	s18 =	simm.s32 $0xA000;
	s19 =	simm.s32 $0x4  }
0x7: {  	s20 =	simm.s32 $0xB000;
	s21 =	simm.s32 $0x5;
	s22 =	simm.s32 $0x0  }
0x8: {  	[smem:$0x7FF] =	sst s2;
	s11 =	sand.u32 $0x1, s3;
	s6 =	sshll.u32 s1, $0x1  }
0x9: {  	s3 =	sadd.s32 $0x600, s4;
	s4 =	sadd.s32 $0xF42A00, s4;
	s31 =	sshll.u32 s1, $0x11  }
0xa: {  	_ =	strace $0x80000047;
	s6 =	sor.u32 s11, s6;
	s7 =	ssub.s32 $0x2, s11  }
.Ltmp0:
0xb: {  	s11 =	sshll.u32 s11, $0x10;
	s8 =	sshll.u32 s6, $0x10;
	(pc) =	sbr.rel .LBB2_1-.Ltmp0, $4  }
0xc: {  	s9 =	sshrl.u32 s7, $0x1;
	s6 =	sshll.u32 s6, $0xB;
	s11 =	sor.u32 s11, s31  }
0xd: {  	s10 =	sadd.s32 s8, s4;
	s12 =	ssub.s32 s7, s9;
	s5 =	sadd.s32 s5, s6  }
0xe: {  	s6 =	sadd.s32 $0xF800, s10;
	s7 =	sadd.s32 $0xFA00, s10;
	s8 =	sadd.s32 $0xFC00, s10  }
0xf: {  	s9 =	sadd.s32 $0xFE00, s10;
	s10 =	smax.u32 s12, $0x1;
	s12 =	simm.s32 $0x6  }
.LBB2_12:
0x10: {  	_ =	swait.ge [sflag:s13], $0x80  }
0x11: {  	[sflag:s13] =	ssyncset.done $0x0  }
0x12: {  	[sflag:s13] =	ssyncadd.s32 $0xFFFFFF80  }
0x13: {  	_ =	swait.ge [sflag:s13], $0x80  }
0x14: {  	[sflag:s13] =	ssyncset.done $0x0  }
0x15: {  	[sflag:s13] =	ssyncadd.s32 $0xFFFFFF80  }
0x16: {  	_ =	swait.ge [sflag:s13], $0x80  }
0x17: {  	[sflag:s13] =	ssyncset.done $0x0  }
0x18: {  	[sflag:s13] =	ssyncadd.s32 $0xFFFFFF80  }
0x19: {  	_ =	swait.ge [sflag:s13], $0x80  }
0x1a: {  	[sflag:s13] =	ssyncset.done $0x0  }
0x1b: {  	[sflag:s13] =	ssyncadd.s32 $0xFFFFFF80  }
0x1c: {  	_ =	swait.ge [sflag:s13], $0x80  }
0x1d: {  	[sflag:s13] =	ssyncset.done $0x0  }
0x1e: {  	[sflag:s13] =	ssyncadd.s32 $0xFFFFFF80  }
0x1f: {  	_ =	swait.ge [sflag:s13], $0x80  }
0x20: {  	[sflag:s13] =	ssyncset.done $0x0  }
0x21: {  	[sflag:s13] =	ssyncadd.s32 $0xFFFFFF80  }
0x22: {  	_ =	swait.ge [sflag:s13], $0x80  }
0x23: {  	[sflag:s13] =	ssyncset.done $0x0  }
0x24: {  	[sflag:s13] =	ssyncadd.s32 $0xFFFFFF80  }
0x25: {  	_ =	swait.ge [sflag:s13], $0x80  }
0x26: {  	[sflag:s13] =	ssyncset.done $0x0  }
0x27: {  	[sflag:s13] =	ssyncadd.s32 $0xFFFFFF80  }
0x28: {  	_ =	swait.ge [sflag:s13], $0x80  }
0x29: {  	[sflag:s13] =	ssyncset.done $0x0  }
0x2a: {  	[sflag:s13] =	ssyncadd.s32 $0xFFFFFF80  }
0x2b: {  	_ =	swait.ge [sflag:s13], $0x80  }
0x2c: {  	[sflag:s13] =	ssyncset.done $0x0  }
0x2d: {  	[sflag:s13] =	ssyncadd.s32 $0xFFFFFF80  }
0x2e: {  	_ =	swait.ge [sflag:s13], $0x80  }
0x2f: {  	[sflag:s13] =	ssyncset.done $0x0  }
0x30: {  	[sflag:s13] =	ssyncadd.s32 $0xFFFFFF80  }
0x31: {  	_ =	swait.ge [sflag:s13], $0x80  }
0x32: {  	[sflag:s13] =	ssyncset.done $0x0  }
0x33: {  	[sflag:s13] =	ssyncadd.s32 $0xFFFFFF80  }
0x34: {  	_ =	swait.ge [sflag:s13], $0x80  }
0x35: {  	[sflag:s13] =	ssyncset.done $0x0  }
0x36: {  	[sflag:s13] =	ssyncadd.s32 $0xFFFFFF80  }
0x37: {  	_ =	swait.ge [sflag:s13], $0x80  }
0x38: {  	[sflag:s13] =	ssyncset.done $0x0  }
0x39: {  	[sflag:s13] =	ssyncadd.s32 $0xFFFFFF80  }
0x3a: {  	_ =	swait.ge [sflag:s13], $0x80  }
0x3b: {  	[sflag:s13] =	ssyncset.done $0x0  }
0x3c: {  	[sflag:s13] =	ssyncadd.s32 $0xFFFFFF80  }
0x3d: {  	_ =	swait.ge [sflag:s13], $0x80  }
0x3e: {  	[sflag:s13] =	ssyncset.done $0x0  }
0x3f: {  	[sflag:s13] =	ssyncadd.s32 $0xFFFFFF80  }
0x40: {  	_ =	swait.ge [sflag:s13], $0x80  }
0x41: {  	[sflag:s13] =	ssyncset.done $0x0  }
0x42: {  	[sflag:s13] =	ssyncadd.s32 $0xFFFFFF80  }
0x43: {  	_ =	swait.ge [sflag:s13], $0x80  }
0x44: {  	[sflag:s13] =	ssyncset.done $0x0  }
0x45: {  	[sflag:s13] =	ssyncadd.s32 $0xFFFFFF80  }
0x46: {  	_ =	swait.ge [sflag:s13], $0x80  }
0x47: {  	[sflag:s13] =	ssyncset.done $0x0  }
0x48: {  	[sflag:s13] =	ssyncadd.s32 $0xFFFFFF80  }
0x49: {  	_ =	swait.ge [sflag:s13], $0x80  }
0x4a: {  	[sflag:s13] =	ssyncset.done $0x0  }
0x4b: {  	[sflag:s13] =	ssyncadd.s32 $0xFFFFFF80  }
0x4c: {  	_ =	swait.ge [sflag:s13], $0x80  }
0x4d: {  	[sflag:s13] =	ssyncset.done $0x0  }
0x4e: {  	[sflag:s13] =	ssyncadd.s32 $0xFFFFFF80  }
0x4f: {  	_ =	swait.ge [sflag:s13], $0x80  }
0x50: {  	[sflag:s13] =	ssyncset.done $0x0  }
0x51: {  	[sflag:s13] =	ssyncadd.s32 $0xFFFFFF80  }
0x52: {  	_ =	swait.ge [sflag:s13], $0x80  }
0x53: {  	[sflag:s13] =	ssyncset.done $0x0  }
0x54: {  	[sflag:s13] =	ssyncadd.s32 $0xFFFFFF80  }
0x55: {  	_ =	swait.ge [sflag:s13], $0x80  }
0x56: {  	[sflag:s13] =	ssyncset.done $0x0  }
0x57: {  	[sflag:s13] =	ssyncadd.s32 $0xFFFFFF80  }
0x58: {  	_ =	swait.ge [sflag:s13], $0x80  }
0x59: {  	[sflag:s13] =	ssyncset.done $0x0  }
0x5a: {  	[sflag:s13] =	ssyncadd.s32 $0xFFFFFF80  }
0x5b: {  	_ =	swait.ge [sflag:s13], $0x80  }
0x5c: {  	[sflag:s13] =	ssyncset.done $0x0  }
0x5d: {  	[sflag:s13] =	ssyncadd.s32 $0xFFFFFF80  }
0x5e: {  	[hbm4b:s6+s2] =	stream.linear.scatter [tilespmem:s14], [sflag:$0x5], $0xD00, $0x38;
	[tilespmem:$0xC000] =	vst v63  }
0x5f: {  	_ =	swait.ge [sflag:s15], $0x80  }
0x60: {  	[sflag:s15] =	ssyncset.done $0x0  }
0x61: {  	[sflag:s15] =	ssyncadd.s32 $0xFFFFFF80  }
0x62: {  	_ =	swait.ge [sflag:s15], $0x80  }
0x63: {  	[sflag:s15] =	ssyncset.done $0x0  }
0x64: {  	[sflag:s15] =	ssyncadd.s32 $0xFFFFFF80  }
0x65: {  	_ =	swait.ge [sflag:s15], $0x80  }
0x66: {  	[sflag:s15] =	ssyncset.done $0x0  }
0x67: {  	[sflag:s15] =	ssyncadd.s32 $0xFFFFFF80  }
0x68: {  	_ =	swait.ge [sflag:s15], $0x80  }
0x69: {  	[sflag:s15] =	ssyncset.done $0x0  }
0x6a: {  	[sflag:s15] =	ssyncadd.s32 $0xFFFFFF80  }
0x6b: {  	_ =	swait.ge [sflag:s15], $0x80  }
0x6c: {  	[sflag:s15] =	ssyncset.done $0x0  }
0x6d: {  	[sflag:s15] =	ssyncadd.s32 $0xFFFFFF80  }
0x6e: {  	_ =	swait.ge [sflag:s15], $0x80  }
0x6f: {  	[sflag:s15] =	ssyncset.done $0x0  }
0x70: {  	[sflag:s15] =	ssyncadd.s32 $0xFFFFFF80  }
0x71: {  	_ =	swait.ge [sflag:s15], $0x80  }
0x72: {  	[sflag:s15] =	ssyncset.done $0x0  }
0x73: {  	[sflag:s15] =	ssyncadd.s32 $0xFFFFFF80  }
0x74: {  	_ =	swait.ge [sflag:s15], $0x80  }
0x75: {  	[sflag:s15] =	ssyncset.done $0x0  }
0x76: {  	[sflag:s15] =	ssyncadd.s32 $0xFFFFFF80  }
0x77: {  	_ =	swait.ge [sflag:s15], $0x80  }
0x78: {  	[sflag:s15] =	ssyncset.done $0x0  }
0x79: {  	[sflag:s15] =	ssyncadd.s32 $0xFFFFFF80  }
0x7a: {  	_ =	swait.ge [sflag:s15], $0x80  }
0x7b: {  	[sflag:s15] =	ssyncset.done $0x0  }
0x7c: {  	[sflag:s15] =	ssyncadd.s32 $0xFFFFFF80  }
0x7d: {  	_ =	swait.ge [sflag:s15], $0x80  }
0x7e: {  	[sflag:s15] =	ssyncset.done $0x0  }
0x7f: {  	[sflag:s15] =	ssyncadd.s32 $0xFFFFFF80  }
0x80: {  	_ =	swait.ge [sflag:s15], $0x80  }
0x81: {  	[sflag:s15] =	ssyncset.done $0x0  }
0x82: {  	[sflag:s15] =	ssyncadd.s32 $0xFFFFFF80  }
0x83: {  	_ =	swait.ge [sflag:s15], $0x80  }
0x84: {  	[sflag:s15] =	ssyncset.done $0x0  }
0x85: {  	[sflag:s15] =	ssyncadd.s32 $0xFFFFFF80  }
0x86: {  	_ =	swait.ge [sflag:s15], $0x80  }
0x87: {  	[sflag:s15] =	ssyncset.done $0x0  }
0x88: {  	[sflag:s15] =	ssyncadd.s32 $0xFFFFFF80  }
0x89: {  	_ =	swait.ge [sflag:s15], $0x80  }
0x8a: {  	[sflag:s15] =	ssyncset.done $0x0  }
0x8b: {  	[sflag:s15] =	ssyncadd.s32 $0xFFFFFF80  }
0x8c: {  	_ =	swait.ge [sflag:s15], $0x80  }
0x8d: {  	[sflag:s15] =	ssyncset.done $0x0  }
0x8e: {  	[sflag:s15] =	ssyncadd.s32 $0xFFFFFF80  }
0x8f: {  	_ =	swait.ge [sflag:s15], $0x80  }
0x90: {  	[sflag:s15] =	ssyncset.done $0x0  }
0x91: {  	[sflag:s15] =	ssyncadd.s32 $0xFFFFFF80  }
0x92: {  	_ =	swait.ge [sflag:s15], $0x80  }
0x93: {  	[sflag:s15] =	ssyncset.done $0x0  }
0x94: {  	[sflag:s15] =	ssyncadd.s32 $0xFFFFFF80  }
0x95: {  	_ =	swait.ge [sflag:s15], $0x80  }
0x96: {  	[sflag:s15] =	ssyncset.done $0x0  }
0x97: {  	[sflag:s15] =	ssyncadd.s32 $0xFFFFFF80  }
0x98: {  	_ =	swait.ge [sflag:s15], $0x80  }
0x99: {  	[sflag:s15] =	ssyncset.done $0x0  }
0x9a: {  	[sflag:s15] =	ssyncadd.s32 $0xFFFFFF80  }
0x9b: {  	_ =	swait.ge [sflag:s15], $0x80  }
0x9c: {  	[sflag:s15] =	ssyncset.done $0x0  }
0x9d: {  	[sflag:s15] =	ssyncadd.s32 $0xFFFFFF80  }
0x9e: {  	_ =	swait.ge [sflag:s15], $0x80  }
0x9f: {  	[sflag:s15] =	ssyncset.done $0x0  }
0xa0: {  	[sflag:s15] =	ssyncadd.s32 $0xFFFFFF80  }
0xa1: {  	_ =	swait.ge [sflag:s15], $0x80  }
0xa2: {  	[sflag:s15] =	ssyncset.done $0x0  }
0xa3: {  	[sflag:s15] =	ssyncadd.s32 $0xFFFFFF80  }
0xa4: {  	_ =	swait.ge [sflag:s15], $0x80  }
0xa5: {  	[sflag:s15] =	ssyncset.done $0x0  }
0xa6: {  	[sflag:s15] =	ssyncadd.s32 $0xFFFFFF80  }
0xa7: {  	_ =	swait.ge [sflag:s15], $0x80  }
0xa8: {  	[sflag:s15] =	ssyncset.done $0x0  }
0xa9: {  	[sflag:s15] =	ssyncadd.s32 $0xFFFFFF80  }
0xaa: {  	_ =	swait.ge [sflag:s15], $0x80  }
0xab: {  	[sflag:s15] =	ssyncset.done $0x0  }
0xac: {  	[sflag:s15] =	ssyncadd.s32 $0xFFFFFF80  }
0xad: {  	[hbm4b:s7+s2] =	stream.linear.scatter [tilespmem:s16], [sflag:$0x5], $0xD00, $0x38;
	[tilespmem:$0xC000] =	vst v63  }
0xae: {  	_ =	swait.ge [sflag:s17], $0x80  }
0xaf: {  	[sflag:s17] =	ssyncset.done $0x0  }
0xb0: {  	[sflag:s17] =	ssyncadd.s32 $0xFFFFFF80  }
0xb1: {  	_ =	swait.ge [sflag:s17], $0x80  }
0xb2: {  	[sflag:s17] =	ssyncset.done $0x0  }
0xb3: {  	[sflag:s17] =	ssyncadd.s32 $0xFFFFFF80  }
0xb4: {  	_ =	swait.ge [sflag:s17], $0x80  }
0xb5: {  	[sflag:s17] =	ssyncset.done $0x0  }
0xb6: {  	[sflag:s17] =	ssyncadd.s32 $0xFFFFFF80  }
0xb7: {  	_ =	swait.ge [sflag:s17], $0x80  }
0xb8: {  	[sflag:s17] =	ssyncset.done $0x0  }
0xb9: {  	[sflag:s17] =	ssyncadd.s32 $0xFFFFFF80  }
0xba: {  	_ =	swait.ge [sflag:s17], $0x80  }
0xbb: {  	[sflag:s17] =	ssyncset.done $0x0  }
0xbc: {  	[sflag:s17] =	ssyncadd.s32 $0xFFFFFF80  }
0xbd: {  	_ =	swait.ge [sflag:s17], $0x80  }
0xbe: {  	[sflag:s17] =	ssyncset.done $0x0  }
0xbf: {  	[sflag:s17] =	ssyncadd.s32 $0xFFFFFF80  }
0xc0: {  	_ =	swait.ge [sflag:s17], $0x80  }
0xc1: {  	[sflag:s17] =	ssyncset.done $0x0  }
0xc2: {  	[sflag:s17] =	ssyncadd.s32 $0xFFFFFF80  }
0xc3: {  	_ =	swait.ge [sflag:s17], $0x80  }
0xc4: {  	[sflag:s17] =	ssyncset.done $0x0  }
0xc5: {  	[sflag:s17] =	ssyncadd.s32 $0xFFFFFF80  }
0xc6: {  	_ =	swait.ge [sflag:s17], $0x80  }
0xc7: {  	[sflag:s17] =	ssyncset.done $0x0  }
0xc8: {  	[sflag:s17] =	ssyncadd.s32 $0xFFFFFF80  }
0xc9: {  	_ =	swait.ge [sflag:s17], $0x80  }
0xca: {  	[sflag:s17] =	ssyncset.done $0x0  }
0xcb: {  	[sflag:s17] =	ssyncadd.s32 $0xFFFFFF80  }
0xcc: {  	_ =	swait.ge [sflag:s17], $0x80  }
0xcd: {  	[sflag:s17] =	ssyncset.done $0x0  }
0xce: {  	[sflag:s17] =	ssyncadd.s32 $0xFFFFFF80  }
0xcf: {  	_ =	swait.ge [sflag:s17], $0x80  }
0xd0: {  	[sflag:s17] =	ssyncset.done $0x0  }
0xd1: {  	[sflag:s17] =	ssyncadd.s32 $0xFFFFFF80  }
0xd2: {  	_ =	swait.ge [sflag:s17], $0x80  }
0xd3: {  	[sflag:s17] =	ssyncset.done $0x0  }
0xd4: {  	[sflag:s17] =	ssyncadd.s32 $0xFFFFFF80  }
0xd5: {  	_ =	swait.ge [sflag:s17], $0x80  }
0xd6: {  	[sflag:s17] =	ssyncset.done $0x0  }
0xd7: {  	[sflag:s17] =	ssyncadd.s32 $0xFFFFFF80  }
0xd8: {  	_ =	swait.ge [sflag:s17], $0x80  }
0xd9: {  	[sflag:s17] =	ssyncset.done $0x0  }
0xda: {  	[sflag:s17] =	ssyncadd.s32 $0xFFFFFF80  }
0xdb: {  	_ =	swait.ge [sflag:s17], $0x80  }
0xdc: {  	[sflag:s17] =	ssyncset.done $0x0  }
0xdd: {  	[sflag:s17] =	ssyncadd.s32 $0xFFFFFF80  }
0xde: {  	_ =	swait.ge [sflag:s17], $0x80  }
0xdf: {  	[sflag:s17] =	ssyncset.done $0x0  }
0xe0: {  	[sflag:s17] =	ssyncadd.s32 $0xFFFFFF80  }
0xe1: {  	_ =	swait.ge [sflag:s17], $0x80  }
0xe2: {  	[sflag:s17] =	ssyncset.done $0x0  }
0xe3: {  	[sflag:s17] =	ssyncadd.s32 $0xFFFFFF80  }
0xe4: {  	_ =	swait.ge [sflag:s17], $0x80  }
0xe5: {  	[sflag:s17] =	ssyncset.done $0x0  }
0xe6: {  	[sflag:s17] =	ssyncadd.s32 $0xFFFFFF80  }
0xe7: {  	_ =	swait.ge [sflag:s17], $0x80  }
0xe8: {  	[sflag:s17] =	ssyncset.done $0x0  }
0xe9: {  	[sflag:s17] =	ssyncadd.s32 $0xFFFFFF80  }
0xea: {  	_ =	swait.ge [sflag:s17], $0x80  }
0xeb: {  	[sflag:s17] =	ssyncset.done $0x0  }
0xec: {  	[sflag:s17] =	ssyncadd.s32 $0xFFFFFF80  }
0xed: {  	_ =	swait.ge [sflag:s17], $0x80  }
0xee: {  	[sflag:s17] =	ssyncset.done $0x0  }
0xef: {  	[sflag:s17] =	ssyncadd.s32 $0xFFFFFF80  }
0xf0: {  	_ =	swait.ge [sflag:s17], $0x80  }
0xf1: {  	[sflag:s17] =	ssyncset.done $0x0  }
0xf2: {  	[sflag:s17] =	ssyncadd.s32 $0xFFFFFF80  }
0xf3: {  	_ =	swait.ge [sflag:s17], $0x80  }
0xf4: {  	[sflag:s17] =	ssyncset.done $0x0  }
0xf5: {  	[sflag:s17] =	ssyncadd.s32 $0xFFFFFF80  }
0xf6: {  	_ =	swait.ge [sflag:s17], $0x80  }
0xf7: {  	[sflag:s17] =	ssyncset.done $0x0  }
0xf8: {  	[sflag:s17] =	ssyncadd.s32 $0xFFFFFF80  }
0xf9: {  	_ =	swait.ge [sflag:s17], $0x80  }
0xfa: {  	[sflag:s17] =	ssyncset.done $0x0  }
0xfb: {  	[sflag:s17] =	ssyncadd.s32 $0xFFFFFF80  }
0xfc: {  	[hbm4b:s8+s2] =	stream.linear.scatter [tilespmem:s18], [sflag:$0x5], $0xD00, $0x38;
	[tilespmem:$0xC000] =	vst v63  }
0xfd: {  	_ =	swait.ge [sflag:s19], $0x80  }
0xfe: {  	[sflag:s19] =	ssyncset.done $0x0  }
0xff: {  	[sflag:s19] =	ssyncadd.s32 $0xFFFFFF80  }
0x100: {  	_ =	swait.ge [sflag:s19], $0x80  }
0x101: {  	[sflag:s19] =	ssyncset.done $0x0  }
0x102: {  	[sflag:s19] =	ssyncadd.s32 $0xFFFFFF80  }
0x103: {  	_ =	swait.ge [sflag:s19], $0x80  }
0x104: {  	[sflag:s19] =	ssyncset.done $0x0  }
0x105: {  	[sflag:s19] =	ssyncadd.s32 $0xFFFFFF80  }
0x106: {  	_ =	swait.ge [sflag:s19], $0x80  }
0x107: {  	[sflag:s19] =	ssyncset.done $0x0  }
0x108: {  	[sflag:s19] =	ssyncadd.s32 $0xFFFFFF80  }
0x109: {  	_ =	swait.ge [sflag:s19], $0x80  }
0x10a: {  	[sflag:s19] =	ssyncset.done $0x0  }
0x10b: {  	[sflag:s19] =	ssyncadd.s32 $0xFFFFFF80  }
0x10c: {  	_ =	swait.ge [sflag:s19], $0x80  }
0x10d: {  	[sflag:s19] =	ssyncset.done $0x0  }
0x10e: {  	[sflag:s19] =	ssyncadd.s32 $0xFFFFFF80  }
0x10f: {  	_ =	swait.ge [sflag:s19], $0x80  }
0x110: {  	[sflag:s19] =	ssyncset.done $0x0  }
0x111: {  	[sflag:s19] =	ssyncadd.s32 $0xFFFFFF80  }
0x112: {  	_ =	swait.ge [sflag:s19], $0x80  }
0x113: {  	[sflag:s19] =	ssyncset.done $0x0  }
0x114: {  	[sflag:s19] =	ssyncadd.s32 $0xFFFFFF80  }
0x115: {  	_ =	swait.ge [sflag:s19], $0x80  }
0x116: {  	[sflag:s19] =	ssyncset.done $0x0  }
0x117: {  	[sflag:s19] =	ssyncadd.s32 $0xFFFFFF80  }
0x118: {  	_ =	swait.ge [sflag:s19], $0x80  }
0x119: {  	[sflag:s19] =	ssyncset.done $0x0  }
0x11a: {  	[sflag:s19] =	ssyncadd.s32 $0xFFFFFF80  }
0x11b: {  	_ =	swait.ge [sflag:s19], $0x80  }
0x11c: {  	[sflag:s19] =	ssyncset.done $0x0  }
0x11d: {  	[sflag:s19] =	ssyncadd.s32 $0xFFFFFF80  }
0x11e: {  	_ =	swait.ge [sflag:s19], $0x80  }
0x11f: {  	[sflag:s19] =	ssyncset.done $0x0  }
0x120: {  	[sflag:s19] =	ssyncadd.s32 $0xFFFFFF80  }
0x121: {  	_ =	swait.ge [sflag:s19], $0x80  }
0x122: {  	[sflag:s19] =	ssyncset.done $0x0  }
0x123: {  	[sflag:s19] =	ssyncadd.s32 $0xFFFFFF80  }
0x124: {  	_ =	swait.ge [sflag:s19], $0x80  }
0x125: {  	[sflag:s19] =	ssyncset.done $0x0  }
0x126: {  	[sflag:s19] =	ssyncadd.s32 $0xFFFFFF80  }
0x127: {  	_ =	swait.ge [sflag:s19], $0x80  }
0x128: {  	[sflag:s19] =	ssyncset.done $0x0  }
0x129: {  	[sflag:s19] =	ssyncadd.s32 $0xFFFFFF80  }
0x12a: {  	_ =	swait.ge [sflag:s19], $0x80  }
0x12b: {  	[sflag:s19] =	ssyncset.done $0x0  }
0x12c: {  	[sflag:s19] =	ssyncadd.s32 $0xFFFFFF80  }
0x12d: {  	_ =	swait.ge [sflag:s19], $0x80  }
0x12e: {  	[sflag:s19] =	ssyncset.done $0x0  }
0x12f: {  	[sflag:s19] =	ssyncadd.s32 $0xFFFFFF80  }
0x130: {  	_ =	swait.ge [sflag:s19], $0x80  }
0x131: {  	[sflag:s19] =	ssyncset.done $0x0  }
0x132: {  	[sflag:s19] =	ssyncadd.s32 $0xFFFFFF80  }
0x133: {  	_ =	swait.ge [sflag:s19], $0x80  }
0x134: {  	[sflag:s19] =	ssyncset.done $0x0  }
0x135: {  	[sflag:s19] =	ssyncadd.s32 $0xFFFFFF80  }
0x136: {  	_ =	swait.ge [sflag:s19], $0x80  }
0x137: {  	[sflag:s19] =	ssyncset.done $0x0  }
0x138: {  	[sflag:s19] =	ssyncadd.s32 $0xFFFFFF80  }
0x139: {  	_ =	swait.ge [sflag:s19], $0x80  }
0x13a: {  	[sflag:s19] =	ssyncset.done $0x0  }
0x13b: {  	[sflag:s19] =	ssyncadd.s32 $0xFFFFFF80  }
0x13c: {  	_ =	swait.ge [sflag:s19], $0x80  }
0x13d: {  	[sflag:s19] =	ssyncset.done $0x0  }
0x13e: {  	[sflag:s19] =	ssyncadd.s32 $0xFFFFFF80  }
0x13f: {  	_ =	swait.ge [sflag:s19], $0x80  }
0x140: {  	[sflag:s19] =	ssyncset.done $0x0  }
0x141: {  	[sflag:s19] =	ssyncadd.s32 $0xFFFFFF80  }
0x142: {  	_ =	swait.ge [sflag:s19], $0x80  }
0x143: {  	[sflag:s19] =	ssyncset.done $0x0  }
0x144: {  	[sflag:s19] =	ssyncadd.s32 $0xFFFFFF80  }
0x145: {  	_ =	swait.ge [sflag:s19], $0x80  }
0x146: {  	[sflag:s19] =	ssyncset.done $0x0  }
0x147: {  	[sflag:s19] =	ssyncadd.s32 $0xFFFFFF80  }
0x148: {  	_ =	swait.ge [sflag:s19], $0x80  }
0x149: {  	[sflag:s19] =	ssyncset.done $0x0  }
0x14a: {  	[sflag:s19] =	ssyncadd.s32 $0xFFFFFF80  }
0x14b: {  	[hbm4b:s9+s2] =	stream.linear.scatter [tilespmem:s20], [sflag:$0x5], $0xD00, $0x38;
	[tilespmem:$0xC000] =	vst v63  }
0x14c: {  	_ =	swait.ge [sflag:s21], $0xD00  }
0x14d: {  	[sflag:s21] =	ssyncset.done $0x0  }
0x14e: {  	[sflag:s21] =	ssyncadd.s32 $0xFFFFF300  }
0x14f: {  	_ =	swait.ge [sflag:s21], $0xD00  }
0x150: {  	[sflag:s21] =	ssyncset.done $0x0  }
0x151: {  	[sflag:s21] =	ssyncadd.s32 $0xFFFFF300  }
0x152: {  	_ =	swait.ge [sflag:s21], $0xD00  }
0x153: {  	[sflag:s21] =	ssyncset.done $0x0  }
0x154: {  	[sflag:s21] =	ssyncadd.s32 $0xFFFFF300  }
0x155: {  	_ =	swait.ge [sflag:s21], $0xD00  }
0x156: {  	[sflag:s21] =	ssyncset.done $0x0  }
0x157: {  	[sflag:s21] =	ssyncadd.s32 $0xFFFFF300  }
0x158: {  	_ =	swait.ge [sflag:s21], $0xD00  }
0x159: {  	[sflag:s21] =	ssyncset.done $0x0  }
0x15a: {  	[sflag:s21] =	ssyncadd.s32 $0xFFFFF300  }
0x15b: {  	_ =	swait.ge [sflag:s21], $0xD00  }
0x15c: {  	[sflag:s21] =	ssyncset.done $0x0  }
0x15d: {  	s22 =	sadd.s32 $0x1, s22;
	[sflag:s21] =	ssyncadd.s32 $0xFFFFF300  }
0x15e: {  	p0 =	sne.s32 s22, s10;
	_ =	swait.ge [sflag:s21], $0xD00  }
.Ltmp1:
0x15f: {  	[sflag:s21] =	ssyncset.done $0x0;
	(pc) =	sbr.rel @!p0 .LBB2_13-.Ltmp1, $4  }
0x160: {  	[sflag:s21] =	ssyncadd.s32 $0xFFFFF300  }
0x161: {  	_ =	swait.ge [sflag:s21], $0xD00  }
0x162: {  	[sflag:s21] =	ssyncset.done $0x0  }
0x163: {  	[sflag:s21] =	ssyncadd.s32 $0xFFFFF300  }
.LBB2_1:
.Ltmp2:
0x164: {  	(pc) =	sbr.rel .LBB2_2-.Ltmp2, $4  }
0x165: {  	[tilespmem:s2], [sflag:$0x6] =	stream.linear.gather [hbm4b:s5+s2], $0x4000, $0x38;
	[tilespmem:$0xC000] =	vst v63  }
0x166: {  	_ =	swait.ge [sflag:s12], $0x4000  }
0x167: {  	[sflag:s12] =	ssyncset.done $0x0  }
0x168: {  	s23 =	simm.s32 $0x0;
	s24 =	simm.s32 $0x0;
	[sflag:s12] =	ssyncadd.s32 $0xFFFFC000  }
.LBB2_11:
0x169: {  	s26 =	simm.s32 @p1 $0x5  }
0x16a: {  	_ =	swait.ge @p1 [sflag:s26], $0xD00  }
0x16b: {  	[sflag:s26] =	ssyncset.done @p1 $0x0  }
0x16c: {  	[sflag:s26] =	ssyncadd.s32 @p1 $0xFFFFF300  }
0x16d: {  	v0 =	vld [tilespmem:s25+$0x180];
	_ =	sdelay $0x4  }
0x16e: {  	v0 =	vshll.u32 v0, $0x4  }
0x16f: {  	(v2sf) =	vpush v0, $0x0;
	_ =	sdelay $0x1  }
0x170: {  	(v2sf) =	vpush v0, $0x1;
	_ =	sdelay $0x4  }
0x171: {  	(v2sf) =	vpush v0, $0x2;
	_ =	sdelay $0x1  }
0x172: {  	(v2sf) =	vpush v0, $0x3;
	_ =	sdelay $0x5  }
0x173: {  	s28 =	spop (v2sf);
	(v2sf) =	vpush v0, $0x4;
	_ =	sdelay $0x1  }
0x174: {  	s30 =	spop (v2sf);
	(v2sf) =	vpush v0, $0x5  }
0x175: {  	s31 =	sadd.s32 $0x3000, s24  }
0x176: {  	s26 =	sand.u32 $0x7000, s31;
	s28 =	sand.u32 $0x1FFFFFF0, s28  }
0x177: {  	s29 =	sadd.s32 $0x4000, s26;
	s28 =	sadd.s32 s3, s28  }
0x178: {  	v1 =	vld [tilespmem:s25+$0x190];
	[tilespmem:s29], [sflag:$0x4] =	stream.linear.gather [hbm4b:s28+s2], $0x80, $0x38  }
0x179: {  	s28 =	spop (v2sf);
	(v2sf) =	vpush v0, $0x6;
	_ =	sdelay $0x1  }
0x17a: {  	s25 =	sand.u32 $0x1FFFFFF0, s30;
	s30 =	spop (v2sf);
	(v2sf) =	vpush v0, $0x7;
	_ =	sdelay $0x2  }
0x17b: {  	s31 =	sadd.s32 $0x4080, s26;
	s25 =	sadd.s32 s3, s25  }
0x17c: {  	[tilespmem:s31], [sflag:$0x4] =	stream.linear.gather [hbm4b:s25+s2], $0x80, $0x38;
	[tilespmem:$0xC000] =	vst v63  }
0x17d: {  	s25 =	sand.u32 $0x1FFFFFF0, s28  }
0x17e: {  	s29 =	sadd.s32 $0x4100, s26;
	s25 =	sadd.s32 s3, s25;
	s28 =	spop (v2sf);
	(v2sf) =	vpush v0, $0x8  }
0x17f: {  	[tilespmem:s29], [sflag:$0x4] =	stream.linear.gather [hbm4b:s25+s2], $0x80, $0x38;
	[tilespmem:$0xC000] =	vst v63  }
0x180: {  	s25 =	sand.u32 $0x1FFFFFF0, s30;
	s30 =	spop (v2sf);
	(v2sf) =	vpush v0, $0x9;
	_ =	sdelay $0x1  }
0x181: {  	s31 =	sadd.s32 $0x4180, s26;
	s25 =	sadd.s32 s3, s25  }
0x182: {  	[tilespmem:s31], [sflag:$0x4] =	stream.linear.gather [hbm4b:s25+s2], $0x80, $0x38;
	[tilespmem:$0xC000] =	vst v63  }
0x183: {  	s25 =	sand.u32 $0x1FFFFFF0, s28  }
0x184: {  	s29 =	sadd.s32 $0x4200, s26;
	s25 =	sadd.s32 s3, s25;
	s28 =	spop (v2sf);
	(v2sf) =	vpush v0, $0xA  }
0x185: {  	[tilespmem:s29], [sflag:$0x4] =	stream.linear.gather [hbm4b:s25+s2], $0x80, $0x38;
	[tilespmem:$0xC000] =	vst v63  }
0x186: {  	s25 =	sand.u32 $0x1FFFFFF0, s30;
	s30 =	spop (v2sf);
	(v2sf) =	vpush v0, $0xB;
	_ =	sdelay $0x2  }
0x187: {  	s31 =	sadd.s32 $0x4280, s26;
	s25 =	sadd.s32 s3, s25  }
0x188: {  	[tilespmem:s31], [sflag:$0x4] =	stream.linear.gather [hbm4b:s25+s2], $0x80, $0x38;
	[tilespmem:$0xC000] =	vst v63  }
0x189: {  	s25 =	sand.u32 $0x1FFFFFF0, s28  }
0x18a: {  	s29 =	sadd.s32 $0x4300, s26;
	s25 =	sadd.s32 s3, s25;
	s28 =	spop (v2sf);
	(v2sf) =	vpush v0, $0xC  }
0x18b: {  	[tilespmem:s29], [sflag:$0x4] =	stream.linear.gather [hbm4b:s25+s2], $0x80, $0x38;
	[tilespmem:$0xC000] =	vst v63  }
0x18c: {  	s25 =	sand.u32 $0x1FFFFFF0, s30;
	s30 =	spop (v2sf);
	(v2sf) =	vpush v0, $0xD;
	_ =	sdelay $0x1  }
0x18d: {  	s31 =	sadd.s32 $0x4380, s26;
	s25 =	sadd.s32 s3, s25  }
0x18e: {  	[tilespmem:s31], [sflag:$0x4] =	stream.linear.gather [hbm4b:s25+s2], $0x80, $0x38;
	[tilespmem:$0xC000] =	vst v63  }
0x18f: {  	s25 =	sand.u32 $0x1FFFFFF0, s28  }
0x190: {  	s29 =	sadd.s32 $0x4400, s26;
	s25 =	sadd.s32 s3, s25;
	s28 =	spop (v2sf);
	(v2sf) =	vpush v0, $0xE  }
0x191: {  	[tilespmem:s29], [sflag:$0x4] =	stream.linear.gather [hbm4b:s25+s2], $0x80, $0x38;
	[tilespmem:$0xC000] =	vst v63  }
0x192: {  	s25 =	sand.u32 $0x1FFFFFF0, s30;
	s30 =	spop (v2sf);
	(v2sf) =	vpush v0, $0xF;
	_ =	sdelay $0x2  }
0x193: {  	s31 =	sadd.s32 $0x4480, s26;
	s25 =	sadd.s32 s3, s25  }
0x194: {  	[tilespmem:s31], [sflag:$0x4] =	stream.linear.gather [hbm4b:s25+s2], $0x80, $0x38;
	[tilespmem:$0xC000] =	vst v63  }
0x195: {  	v63 =	vshll.u32 v1, $0x4;
	s25 =	sand.u32 $0x1FFFFFF0, s28  }
0x196: {  	s29 =	sadd.s32 $0x4500, s26;
	s25 =	sadd.s32 s3, s25;
	s28 =	spop (v2sf);
	(v2sf) =	vpush v63, $0x0  }
0x197: {  	[tilespmem:s29], [sflag:$0x4] =	stream.linear.gather [hbm4b:s25+s2], $0x80, $0x38;
	[tilespmem:$0xC000] =	vst v63  }
0x198: {  	s25 =	sand.u32 $0x1FFFFFF0, s30;
	s30 =	spop (v2sf);
	(v2sf) =	vpush v63, $0x1;
	_ =	sdelay $0x1  }
0x199: {  	s31 =	sadd.s32 $0x4580, s26;
	s25 =	sadd.s32 s3, s25  }
0x19a: {  	[tilespmem:s31], [sflag:$0x4] =	stream.linear.gather [hbm4b:s25+s2], $0x80, $0x38;
	[tilespmem:$0xC000] =	vst v63  }
0x19b: {  	s25 =	sand.u32 $0x1FFFFFF0, s28  }
0x19c: {  	s29 =	sadd.s32 $0x4600, s26;
	s25 =	sadd.s32 s3, s25;
	s28 =	spop (v2sf);
	(v2sf) =	vpush v63, $0x2  }
0x19d: {  	[tilespmem:s29], [sflag:$0x4] =	stream.linear.gather [hbm4b:s25+s2], $0x80, $0x38;
	[tilespmem:$0xC000] =	vst v63  }
0x19e: {  	s25 =	sand.u32 $0x1FFFFFF0, s30;
	s30 =	spop (v2sf);
	(v2sf) =	vpush v63, $0x3  }
0x19f: {  	s31 =	sadd.s32 $0x4680, s26;
	s25 =	sadd.s32 s3, s25  }
0x1a0: {  	[tilespmem:s31], [sflag:$0x4] =	stream.linear.gather [hbm4b:s25+s2], $0x80, $0x38;
	[tilespmem:$0xC000] =	vst v63  }
0x1a1: {  	s25 =	sand.u32 $0x1FFFFFF0, s28  }
0x1a2: {  	s29 =	sadd.s32 $0x4700, s26;
	s25 =	sadd.s32 s3, s25  }
0x1a3: {  	[tilespmem:s29], [sflag:$0x4] =	stream.linear.gather [hbm4b:s25+s2], $0x80, $0x38;
	[tilespmem:$0xC000] =	vst v63  }
0x1a4: {  	s28 =	spop (v2sf);
	(v2sf) =	vpush v63, $0x4  }
0x1a5: {  	s25 =	sand.u32 $0x1FFFFFF0, s30  }
0x1a6: {  	s31 =	sadd.s32 $0x4780, s26;
	s25 =	sadd.s32 s3, s25;
	s30 =	spop (v2sf);
	(v2sf) =	vpush v63, $0x5  }
0x1a7: {  	[tilespmem:s31], [sflag:$0x4] =	stream.linear.gather [hbm4b:s25+s2], $0x80, $0x38;
	[tilespmem:$0xC000] =	vst v63  }
0x1a8: {  	s25 =	sand.u32 $0x1FFFFFF0, s28  }
0x1a9: {  	s29 =	sadd.s32 $0x4800, s26;
	s25 =	sadd.s32 s3, s25  }
0x1aa: {  	[tilespmem:s29], [sflag:$0x4] =	stream.linear.gather [hbm4b:s25+s2], $0x80, $0x38;
	[tilespmem:$0xC000] =	vst v63  }
0x1ab: {  	s28 =	spop (v2sf);
	(v2sf) =	vpush v63, $0x6  }
0x1ac: {  	s25 =	sand.u32 $0x1FFFFFF0, s30  }
0x1ad: {  	s31 =	sadd.s32 $0x4880, s26;
	s25 =	sadd.s32 s3, s25;
	s30 =	spop (v2sf)  }
0x1ae: {  	(v2sf) =	vpush v63, $0x7;
	[tilespmem:s31], [sflag:$0x4] =	stream.linear.gather [hbm4b:s25+s2], $0x80, $0x38;
	[tilespmem:$0xC000] =	vst v63  }
0x1af: {  	s25 =	sand.u32 $0x1FFFFFF0, s28  }
0x1b0: {  	s29 =	sadd.s32 $0x4900, s26;
	s25 =	sadd.s32 s3, s25  }
0x1b1: {  	[tilespmem:s29], [sflag:$0x4] =	stream.linear.gather [hbm4b:s25+s2], $0x80, $0x38;
	[tilespmem:$0xC000] =	vst v63  }
0x1b2: {  	s25 =	sand.u32 $0x1FFFFFF0, s30  }
0x1b3: {  	s31 =	sadd.s32 $0x4980, s26;
	s25 =	sadd.s32 s3, s25;
	s28 =	spop (v2sf);
	(v2sf) =	vpush v63, $0x8  }
0x1b4: {  	[tilespmem:s31], [sflag:$0x4] =	stream.linear.gather [hbm4b:s25+s2], $0x80, $0x38;
	[tilespmem:$0xC000] =	vst v63  }
0x1b5: {  	s30 =	spop (v2sf);
	(v2sf) =	vpush v63, $0x9  }
0x1b6: {  	s25 =	sand.u32 $0x1FFFFFF0, s28  }
0x1b7: {  	s29 =	sadd.s32 $0x4A00, s26;
	s25 =	sadd.s32 s3, s25  }
0x1b8: {  	[tilespmem:s29], [sflag:$0x4] =	stream.linear.gather [hbm4b:s25+s2], $0x80, $0x38;
	[tilespmem:$0xC000] =	vst v63  }
0x1b9: {  	s25 =	sand.u32 $0x1FFFFFF0, s30  }
0x1ba: {  	s31 =	sadd.s32 $0x4A80, s26;
	s28 =	spop (v2sf);
	s25 =	sadd.s32 s3, s25  }
0x1bb: {  	[tilespmem:s31], [sflag:$0x4] =	stream.linear.gather [hbm4b:s25+s2], $0x80, $0x38;
	[tilespmem:$0xC000] =	vst v63  }
0x1bc: {  	s25 =	sand.u32 $0x1FFFFFF0, s28  }
0x1bd: {  	s29 =	sadd.s32 $0x4B00, s26;
	s30 =	spop (v2sf);
	s25 =	sadd.s32 s3, s25  }
0x1be: {  	[tilespmem:s29], [sflag:$0x4] =	stream.linear.gather [hbm4b:s25+s2], $0x80, $0x38;
	[tilespmem:$0xC000] =	vst v63  }
0x1bf: {  	s25 =	sand.u32 $0x1FFFFFF0, s30  }
0x1c0: {  	s31 =	sadd.s32 $0x4B80, s26;
	s25 =	sadd.s32 s3, s25  }
0x1c1: {  	[tilespmem:s31], [sflag:$0x4] =	stream.linear.gather [hbm4b:s25+s2], $0x80, $0x38;
	[tilespmem:$0xC000] =	vst v63  }
0x1c2: {  	s24 =	sadd.s32 $0x4000, s24;
	s29 =	spop (v2sf)  }
0x1c3: {  	p0 =	sne.s32 s24, $0x80000;
	s30 =	sadd.s32 $0x4C00, s26;
	s25 =	sand.u32 $0x1FFFFFF0, s29  }
.Ltmp3:
0x1c4: {  	s31 =	spop (v2sf);
	s25 =	sadd.s32 s3, s25;
	(pc) =	sbr.rel @!p0 .LBB2_12-.Ltmp3, $4  }
0x1c5: {  	[tilespmem:s30], [sflag:$0x4] =	stream.linear.gather [hbm4b:s25+s2], $0x80, $0x38;
	[tilespmem:$0xC000] =	vst v63  }
0x1c6: {  	s25 =	sand.u32 $0x1FFFFFF0, s31  }
0x1c7: {  	s23 =	sadd.s32 $0x800, s23;
	s26 =	sadd.s32 $0x4C80, s26;
	s25 =	sadd.s32 s3, s25  }
0x1c8: {  	[tilespmem:s26], [sflag:$0x4] =	stream.linear.gather [hbm4b:s25+s2], $0x80, $0x38;
	[tilespmem:$0xC000] =	vst v63  }
.LBB2_2:
0x1c9: {  	p0 =	seq.s32 s24, $0x0  }
.Ltmp4:
0x1ca: {  	_ = 	snop;
	(pc) =	sbr.rel @p0 .LBB2_3-.Ltmp4, $1  }
0x1cb: {  	_ =	sdelay $0x3  }
0x1cc: {  	_ =	swait.ge [sflag:s13], $0x80  }
0x1cd: {  	[sflag:s13] =	ssyncset.done $0x0  }
0x1ce: {  	[sflag:s13] =	ssyncadd.s32 $0xFFFFFF80  }
0x1cf: {  	_ =	swait.ge [sflag:s13], $0x80  }
0x1d0: {  	[sflag:s13] =	ssyncset.done $0x0  }
0x1d1: {  	[sflag:s13] =	ssyncadd.s32 $0xFFFFFF80  }
0x1d2: {  	_ =	swait.ge [sflag:s13], $0x80  }
0x1d3: {  	[sflag:s13] =	ssyncset.done $0x0  }
0x1d4: {  	[sflag:s13] =	ssyncadd.s32 $0xFFFFFF80  }
0x1d5: {  	_ =	swait.ge [sflag:s13], $0x80  }
0x1d6: {  	[sflag:s13] =	ssyncset.done $0x0  }
0x1d7: {  	[sflag:s13] =	ssyncadd.s32 $0xFFFFFF80  }
0x1d8: {  	_ =	swait.ge [sflag:s13], $0x80  }
0x1d9: {  	[sflag:s13] =	ssyncset.done $0x0  }
0x1da: {  	[sflag:s13] =	ssyncadd.s32 $0xFFFFFF80  }
0x1db: {  	_ =	swait.ge [sflag:s13], $0x80  }
0x1dc: {  	[sflag:s13] =	ssyncset.done $0x0  }
0x1dd: {  	[sflag:s13] =	ssyncadd.s32 $0xFFFFFF80  }
0x1de: {  	_ =	swait.ge [sflag:s13], $0x80  }
0x1df: {  	[sflag:s13] =	ssyncset.done $0x0  }
0x1e0: {  	[sflag:s13] =	ssyncadd.s32 $0xFFFFFF80  }
0x1e1: {  	_ =	swait.ge [sflag:s13], $0x80  }
0x1e2: {  	[sflag:s13] =	ssyncset.done $0x0  }
0x1e3: {  	[sflag:s13] =	ssyncadd.s32 $0xFFFFFF80  }
0x1e4: {  	_ =	swait.ge [sflag:s13], $0x80  }
0x1e5: {  	[sflag:s13] =	ssyncset.done $0x0  }
0x1e6: {  	[sflag:s13] =	ssyncadd.s32 $0xFFFFFF80  }
0x1e7: {  	_ =	swait.ge [sflag:s13], $0x80  }
0x1e8: {  	[sflag:s13] =	ssyncset.done $0x0  }
0x1e9: {  	[sflag:s13] =	ssyncadd.s32 $0xFFFFFF80  }
0x1ea: {  	_ =	swait.ge [sflag:s13], $0x80  }
0x1eb: {  	[sflag:s13] =	ssyncset.done $0x0  }
0x1ec: {  	[sflag:s13] =	ssyncadd.s32 $0xFFFFFF80  }
0x1ed: {  	_ =	swait.ge [sflag:s13], $0x80  }
0x1ee: {  	[sflag:s13] =	ssyncset.done $0x0  }
0x1ef: {  	[sflag:s13] =	ssyncadd.s32 $0xFFFFFF80  }
0x1f0: {  	_ =	swait.ge [sflag:s13], $0x80  }
0x1f1: {  	[sflag:s13] =	ssyncset.done $0x0  }
0x1f2: {  	[sflag:s13] =	ssyncadd.s32 $0xFFFFFF80  }
0x1f3: {  	_ =	swait.ge [sflag:s13], $0x80  }
0x1f4: {  	[sflag:s13] =	ssyncset.done $0x0  }
0x1f5: {  	[sflag:s13] =	ssyncadd.s32 $0xFFFFFF80  }
0x1f6: {  	_ =	swait.ge [sflag:s13], $0x80  }
0x1f7: {  	[sflag:s13] =	ssyncset.done $0x0  }
0x1f8: {  	[sflag:s13] =	ssyncadd.s32 $0xFFFFFF80  }
0x1f9: {  	_ =	swait.ge [sflag:s13], $0x80  }
0x1fa: {  	[sflag:s13] =	ssyncset.done $0x0  }
0x1fb: {  	[sflag:s13] =	ssyncadd.s32 $0xFFFFFF80  }
0x1fc: {  	_ =	swait.ge [sflag:s13], $0x80  }
0x1fd: {  	[sflag:s13] =	ssyncset.done $0x0  }
0x1fe: {  	[sflag:s13] =	ssyncadd.s32 $0xFFFFFF80  }
0x1ff: {  	_ =	swait.ge [sflag:s13], $0x80  }
0x200: {  	[sflag:s13] =	ssyncset.done $0x0  }
0x201: {  	[sflag:s13] =	ssyncadd.s32 $0xFFFFFF80  }
0x202: {  	_ =	swait.ge [sflag:s13], $0x80  }
0x203: {  	[sflag:s13] =	ssyncset.done $0x0  }
0x204: {  	[sflag:s13] =	ssyncadd.s32 $0xFFFFFF80  }
0x205: {  	_ =	swait.ge [sflag:s13], $0x80  }
0x206: {  	[sflag:s13] =	ssyncset.done $0x0  }
0x207: {  	[sflag:s13] =	ssyncadd.s32 $0xFFFFFF80  }
0x208: {  	_ =	swait.ge [sflag:s13], $0x80  }
0x209: {  	[sflag:s13] =	ssyncset.done $0x0  }
0x20a: {  	[sflag:s13] =	ssyncadd.s32 $0xFFFFFF80  }
0x20b: {  	_ =	swait.ge [sflag:s13], $0x80  }
0x20c: {  	[sflag:s13] =	ssyncset.done $0x0  }
0x20d: {  	[sflag:s13] =	ssyncadd.s32 $0xFFFFFF80  }
0x20e: {  	_ =	swait.ge [sflag:s13], $0x80  }
0x20f: {  	[sflag:s13] =	ssyncset.done $0x0  }
0x210: {  	[sflag:s13] =	ssyncadd.s32 $0xFFFFFF80  }
0x211: {  	_ =	swait.ge [sflag:s13], $0x80  }
0x212: {  	[sflag:s13] =	ssyncset.done $0x0  }
0x213: {  	[sflag:s13] =	ssyncadd.s32 $0xFFFFFF80  }
0x214: {  	_ =	swait.ge [sflag:s13], $0x80  }
0x215: {  	[sflag:s13] =	ssyncset.done $0x0  }
0x216: {  	s25 =	sadd.s32 s23, s11;
	[sflag:s13] =	ssyncadd.s32 $0xFFFFFF80  }
0x217: {  	s26 =	sadd.s32 $0xFFFFC000, s24;
	s25 =	sadd.s32 $0xFFFFF800, s25;
	_ =	swait.ge [sflag:s13], $0x80  }
0x218: {  	s26 =	sand.u32 $0x4000, s26;
	s25 =	sand.u32 $0x1FFFF800, s25;
	[sflag:s13] =	ssyncset.done $0x0  }
0x219: {  	s26 =	sadd.s32 $0x4000, s26;
	s25 =	sadd.s32 s4, s25;
	[sflag:s13] =	ssyncadd.s32 $0xFFFFFF80  }
0x21a: {  	[hbm4b:s25+s2] =	stream.linear.scatter [tilespmem:s26], [sflag:$0x5], $0xD00, $0x38;
	[tilespmem:$0xC000] =	vst v63  }
.Ltmp5:
0x21b: {  	p2 =	seq.s32 s24, $0x4000;
	(pc) =	sbr.rel .LBB2_5-.Ltmp5, $4  }
0x21c: {  	s25 =	simm.s32 @!p2 $0x5  }
0x21d: {  	_ =	swait.ge @!p2 [sflag:s25], $0xD00  }
0x21e: {  	p1 =	por $0x0, $0x0;
	p3 =	por @!p2 $0x1, $0x1;
	[sflag:s25] =	ssyncset.done @!p2 $0x0  }
0x21f: {  	p1 =	por @!p2 p3, p3;
	[sflag:s25] =	ssyncadd.s32 @!p2 $0xFFFFF300  }
.LBB2_3:
0x220: {  	p1 =	por $0x0, $0x0  }
.LBB2_5:
0x221: {  	s25 =	sshra.s32 s23, $0x2  }
0x222: {  	v0 =	vld [tilespmem:s25+$0x0];
	_ =	sdelay $0x4  }
0x223: {  	v0 =	vshll.u32 v0, $0x4  }
0x224: {  	(v2sf) =	vpush v0, $0x0;
	_ =	sdelay $0x1  }
0x225: {  	(v2sf) =	vpush v0, $0x1;
	_ =	sdelay $0x4  }
0x226: {  	(v2sf) =	vpush v0, $0x2;
	_ =	sdelay $0x2  }
0x227: {  	(v2sf) =	vpush v0, $0x3;
	_ =	sdelay $0x4  }
0x228: {  	s28 =	spop (v2sf);
	(v2sf) =	vpush v0, $0x4;
	_ =	sdelay $0x1  }
0x229: {  	s30 =	spop (v2sf);
	(v2sf) =	vpush v0, $0x5;
	_ =	sdelay $0x1  }
0x22a: {  	s26 =	sand.u32 $0x4000, s24;
	s28 =	sand.u32 $0x1FFFFFF0, s28  }
0x22b: {  	s29 =	sadd.s32 $0x4000, s26;
	s28 =	sadd.s32 s3, s28  }
0x22c: {  	v1 =	vld [tilespmem:s25+$0x10];
	[tilespmem:s29], [sflag:$0x1] =	stream.linear.gather [hbm4b:s28+s2], $0x80, $0x38  }
0x22d: {  	s28 =	sand.u32 $0x1FFFFFF0, s30;
	s30 =	spop (v2sf);
	(v2sf) =	vpush v0, $0x6  }
0x22e: {  	s31 =	sadd.s32 $0x4080, s26;
	s28 =	sadd.s32 s3, s28  }
0x22f: {  	[tilespmem:s31], [sflag:$0x1] =	stream.linear.gather [hbm4b:s28+s2], $0x80, $0x38;
	[tilespmem:$0xC000] =	vst v63  }
0x230: {  	s28 =	sand.u32 $0x1FFFFFF0, s30;
	s30 =	spop (v2sf);
	(v2sf) =	vpush v0, $0x7;
	_ =	sdelay $0x1  }
0x231: {  	s31 =	sadd.s32 $0x4100, s26;
	s28 =	sadd.s32 s3, s28  }
0x232: {  	[tilespmem:s31], [sflag:$0x1] =	stream.linear.gather [hbm4b:s28+s2], $0x80, $0x38;
	[tilespmem:$0xC000] =	vst v63  }
0x233: {  	s28 =	sand.u32 $0x1FFFFFF0, s30  }
0x234: {  	s31 =	sadd.s32 $0x4180, s26;
	s28 =	sadd.s32 s3, s28;
	s30 =	spop (v2sf);
	(v2sf) =	vpush v0, $0x8  }
0x235: {  	[tilespmem:s31], [sflag:$0x1] =	stream.linear.gather [hbm4b:s28+s2], $0x80, $0x38;
	[tilespmem:$0xC000] =	vst v63  }
0x236: {  	s28 =	sand.u32 $0x1FFFFFF0, s30;
	s30 =	spop (v2sf);
	(v2sf) =	vpush v0, $0x9;
	_ =	sdelay $0x2  }
0x237: {  	s31 =	sadd.s32 $0x4200, s26;
	s28 =	sadd.s32 s3, s28  }
0x238: {  	[tilespmem:s31], [sflag:$0x1] =	stream.linear.gather [hbm4b:s28+s2], $0x80, $0x38;
	[tilespmem:$0xC000] =	vst v63  }
0x239: {  	s28 =	sand.u32 $0x1FFFFFF0, s30;
	s30 =	spop (v2sf);
	(v2sf) =	vpush v0, $0xA  }
0x23a: {  	s31 =	sadd.s32 $0x4280, s26;
	s28 =	sadd.s32 s3, s28  }
0x23b: {  	[tilespmem:s31], [sflag:$0x1] =	stream.linear.gather [hbm4b:s28+s2], $0x80, $0x38;
	[tilespmem:$0xC000] =	vst v63  }
0x23c: {  	s28 =	sand.u32 $0x1FFFFFF0, s30;
	s30 =	spop (v2sf);
	(v2sf) =	vpush v0, $0xB;
	_ =	sdelay $0x1  }
0x23d: {  	s31 =	sadd.s32 $0x4300, s26;
	s28 =	sadd.s32 s3, s28  }
0x23e: {  	[tilespmem:s31], [sflag:$0x1] =	stream.linear.gather [hbm4b:s28+s2], $0x80, $0x38;
	[tilespmem:$0xC000] =	vst v63  }
0x23f: {  	s28 =	sand.u32 $0x1FFFFFF0, s30  }
0x240: {  	s31 =	sadd.s32 $0x4380, s26;
	s28 =	sadd.s32 s3, s28;
	s30 =	spop (v2sf);
	(v2sf) =	vpush v0, $0xC  }
0x241: {  	[tilespmem:s31], [sflag:$0x1] =	stream.linear.gather [hbm4b:s28+s2], $0x80, $0x38;
	[tilespmem:$0xC000] =	vst v63  }
0x242: {  	s28 =	sand.u32 $0x1FFFFFF0, s30;
	s30 =	spop (v2sf);
	(v2sf) =	vpush v0, $0xD;
	_ =	sdelay $0x2  }
0x243: {  	s31 =	sadd.s32 $0x4400, s26;
	s28 =	sadd.s32 s3, s28  }
0x244: {  	[tilespmem:s31], [sflag:$0x1] =	stream.linear.gather [hbm4b:s28+s2], $0x80, $0x38;
	[tilespmem:$0xC000] =	vst v63  }
0x245: {  	s28 =	sand.u32 $0x1FFFFFF0, s30;
	s30 =	spop (v2sf);
	(v2sf) =	vpush v0, $0xE  }
0x246: {  	s31 =	sadd.s32 $0x4480, s26;
	s28 =	sadd.s32 s3, s28  }
0x247: {  	[tilespmem:s31], [sflag:$0x1] =	stream.linear.gather [hbm4b:s28+s2], $0x80, $0x38;
	[tilespmem:$0xC000] =	vst v63  }
0x248: {  	s28 =	sand.u32 $0x1FFFFFF0, s30;
	s30 =	spop (v2sf);
	(v2sf) =	vpush v0, $0xF;
	_ =	sdelay $0x1  }
0x249: {  	s31 =	sadd.s32 $0x4500, s26;
	s28 =	sadd.s32 s3, s28  }
0x24a: {  	[tilespmem:s31], [sflag:$0x1] =	stream.linear.gather [hbm4b:s28+s2], $0x80, $0x38;
	[tilespmem:$0xC000] =	vst v63  }
0x24b: {  	v63 =	vshll.u32 v1, $0x4;
	s28 =	sand.u32 $0x1FFFFFF0, s30  }
0x24c: {  	s31 =	sadd.s32 $0x4580, s26;
	s28 =	sadd.s32 s3, s28;
	s30 =	spop (v2sf);
	(v2sf) =	vpush v63, $0x0  }
0x24d: {  	[tilespmem:s31], [sflag:$0x1] =	stream.linear.gather [hbm4b:s28+s2], $0x80, $0x38;
	[tilespmem:$0xC000] =	vst v63  }
0x24e: {  	s28 =	sand.u32 $0x1FFFFFF0, s30;
	s30 =	spop (v2sf);
	(v2sf) =	vpush v63, $0x1;
	_ =	sdelay $0x2  }
0x24f: {  	s31 =	sadd.s32 $0x4600, s26;
	s28 =	sadd.s32 s3, s28  }
0x250: {  	[tilespmem:s31], [sflag:$0x1] =	stream.linear.gather [hbm4b:s28+s2], $0x80, $0x38;
	[tilespmem:$0xC000] =	vst v63  }
0x251: {  	s28 =	sand.u32 $0x1FFFFFF0, s30;
	s30 =	spop (v2sf);
	(v2sf) =	vpush v63, $0x2  }
0x252: {  	s31 =	sadd.s32 $0x4680, s26;
	s28 =	sadd.s32 s3, s28  }
0x253: {  	[tilespmem:s31], [sflag:$0x1] =	stream.linear.gather [hbm4b:s28+s2], $0x80, $0x38;
	[tilespmem:$0xC000] =	vst v63  }
0x254: {  	s28 =	sand.u32 $0x1FFFFFF0, s30;
	s30 =	spop (v2sf);
	(v2sf) =	vpush v63, $0x3;
	_ =	sdelay $0x1  }
0x255: {  	s31 =	sadd.s32 $0x4700, s26;
	s28 =	sadd.s32 s3, s28  }
0x256: {  	[tilespmem:s31], [sflag:$0x1] =	stream.linear.gather [hbm4b:s28+s2], $0x80, $0x38;
	[tilespmem:$0xC000] =	vst v63  }
0x257: {  	s28 =	sand.u32 $0x1FFFFFF0, s30  }
0x258: {  	s31 =	sadd.s32 $0x4780, s26;
	s28 =	sadd.s32 s3, s28;
	s30 =	spop (v2sf);
	(v2sf) =	vpush v63, $0x4  }
0x259: {  	[tilespmem:s31], [sflag:$0x1] =	stream.linear.gather [hbm4b:s28+s2], $0x80, $0x38;
	[tilespmem:$0xC000] =	vst v63  }
0x25a: {  	s28 =	sand.u32 $0x1FFFFFF0, s30;
	s30 =	spop (v2sf);
	(v2sf) =	vpush v63, $0x5;
	_ =	sdelay $0x2  }
0x25b: {  	s31 =	sadd.s32 $0x4800, s26;
	s28 =	sadd.s32 s3, s28  }
0x25c: {  	[tilespmem:s31], [sflag:$0x1] =	stream.linear.gather [hbm4b:s28+s2], $0x80, $0x38;
	[tilespmem:$0xC000] =	vst v63  }
0x25d: {  	s28 =	sand.u32 $0x1FFFFFF0, s30;
	s30 =	spop (v2sf);
	(v2sf) =	vpush v63, $0x6  }
0x25e: {  	s31 =	sadd.s32 $0x4880, s26;
	s28 =	sadd.s32 s3, s28  }
0x25f: {  	[tilespmem:s31], [sflag:$0x1] =	stream.linear.gather [hbm4b:s28+s2], $0x80, $0x38;
	[tilespmem:$0xC000] =	vst v63  }
0x260: {  	s28 =	sand.u32 $0x1FFFFFF0, s30;
	s30 =	spop (v2sf);
	(v2sf) =	vpush v63, $0x7;
	_ =	sdelay $0x1  }
0x261: {  	s31 =	sadd.s32 $0x4900, s26;
	s28 =	sadd.s32 s3, s28  }
0x262: {  	[tilespmem:s31], [sflag:$0x1] =	stream.linear.gather [hbm4b:s28+s2], $0x80, $0x38;
	[tilespmem:$0xC000] =	vst v63  }
0x263: {  	s28 =	sand.u32 $0x1FFFFFF0, s30  }
0x264: {  	s31 =	sadd.s32 $0x4980, s26;
	s28 =	sadd.s32 s3, s28;
	s30 =	spop (v2sf);
	(v2sf) =	vpush v63, $0x8  }
0x265: {  	[tilespmem:s31], [sflag:$0x1] =	stream.linear.gather [hbm4b:s28+s2], $0x80, $0x38;
	[tilespmem:$0xC000] =	vst v63  }
0x266: {  	s28 =	sand.u32 $0x1FFFFFF0, s30;
	s30 =	spop (v2sf);
	(v2sf) =	vpush v63, $0x9;
	_ =	sdelay $0x1  }
0x267: {  	s31 =	sadd.s32 $0x4A00, s26;
	s28 =	sadd.s32 s3, s28  }
0x268: {  	[tilespmem:s31], [sflag:$0x1] =	stream.linear.gather [hbm4b:s28+s2], $0x80, $0x38;
	[tilespmem:$0xC000] =	vst v63  }
0x269: {  	s28 =	sand.u32 $0x1FFFFFF0, s30  }
0x26a: {  	s31 =	sadd.s32 $0x4A80, s26;
	s30 =	spop (v2sf);
	s28 =	sadd.s32 s3, s28  }
0x26b: {  	[tilespmem:s31], [sflag:$0x1] =	stream.linear.gather [hbm4b:s28+s2], $0x80, $0x38;
	[tilespmem:$0xC000] =	vst v63  }
0x26c: {  	s28 =	sand.u32 $0x1FFFFFF0, s30  }
0x26d: {  	s31 =	sadd.s32 $0x4B00, s26;
	s30 =	spop (v2sf);
	s28 =	sadd.s32 s3, s28  }
0x26e: {  	[tilespmem:s31], [sflag:$0x1] =	stream.linear.gather [hbm4b:s28+s2], $0x80, $0x38;
	[tilespmem:$0xC000] =	vst v63  }
0x26f: {  	s28 =	sand.u32 $0x1FFFFFF0, s30  }
0x270: {  	s31 =	sadd.s32 $0x4B80, s26;
	s28 =	sadd.s32 s3, s28  }
0x271: {  	[tilespmem:s31], [sflag:$0x1] =	stream.linear.gather [hbm4b:s28+s2], $0x80, $0x38;
	[tilespmem:$0xC000] =	vst v63  }
0x272: {  	s29 =	spop (v2sf)  }
0x273: {  	s30 =	sadd.s32 $0x4C00, s26;
	s28 =	sand.u32 $0x1FFFFFF0, s29  }
.Ltmp6:
0x274: {  	s31 =	spop (v2sf);
	s28 =	sadd.s32 s3, s28;
	(pc) =	sbr.rel @p0 .LBB2_7-.Ltmp6, $4  }
0x275: {  	[tilespmem:s30], [sflag:$0x1] =	stream.linear.gather [hbm4b:s28+s2], $0x80, $0x38;
	[tilespmem:$0xC000] =	vst v63  }
0x276: {  	s28 =	sand.u32 $0x1FFFFFF0, s31  }
0x277: {  	s26 =	sadd.s32 $0x4C80, s26;
	s28 =	sadd.s32 s3, s28  }
0x278: {  	[tilespmem:s26], [sflag:$0x1] =	stream.linear.gather [hbm4b:s28+s2], $0x80, $0x38;
	[tilespmem:$0xC000] =	vst v63  }
0x279: {  	_ =	swait.ge [sflag:s15], $0x80  }
0x27a: {  	[sflag:s15] =	ssyncset.done $0x0  }
0x27b: {  	[sflag:s15] =	ssyncadd.s32 $0xFFFFFF80  }
0x27c: {  	_ =	swait.ge [sflag:s15], $0x80  }
0x27d: {  	[sflag:s15] =	ssyncset.done $0x0  }
0x27e: {  	[sflag:s15] =	ssyncadd.s32 $0xFFFFFF80  }
0x27f: {  	_ =	swait.ge [sflag:s15], $0x80  }
0x280: {  	[sflag:s15] =	ssyncset.done $0x0  }
0x281: {  	[sflag:s15] =	ssyncadd.s32 $0xFFFFFF80  }
0x282: {  	_ =	swait.ge [sflag:s15], $0x80  }
0x283: {  	[sflag:s15] =	ssyncset.done $0x0  }
0x284: {  	[sflag:s15] =	ssyncadd.s32 $0xFFFFFF80  }
0x285: {  	_ =	swait.ge [sflag:s15], $0x80  }
0x286: {  	[sflag:s15] =	ssyncset.done $0x0  }
0x287: {  	[sflag:s15] =	ssyncadd.s32 $0xFFFFFF80  }
0x288: {  	_ =	swait.ge [sflag:s15], $0x80  }
0x289: {  	[sflag:s15] =	ssyncset.done $0x0  }
0x28a: {  	[sflag:s15] =	ssyncadd.s32 $0xFFFFFF80  }
0x28b: {  	_ =	swait.ge [sflag:s15], $0x80  }
0x28c: {  	[sflag:s15] =	ssyncset.done $0x0  }
0x28d: {  	[sflag:s15] =	ssyncadd.s32 $0xFFFFFF80  }
0x28e: {  	_ =	swait.ge [sflag:s15], $0x80  }
0x28f: {  	[sflag:s15] =	ssyncset.done $0x0  }
0x290: {  	[sflag:s15] =	ssyncadd.s32 $0xFFFFFF80  }
0x291: {  	_ =	swait.ge [sflag:s15], $0x80  }
0x292: {  	[sflag:s15] =	ssyncset.done $0x0  }
0x293: {  	[sflag:s15] =	ssyncadd.s32 $0xFFFFFF80  }
0x294: {  	_ =	swait.ge [sflag:s15], $0x80  }
0x295: {  	[sflag:s15] =	ssyncset.done $0x0  }
0x296: {  	[sflag:s15] =	ssyncadd.s32 $0xFFFFFF80  }
0x297: {  	_ =	swait.ge [sflag:s15], $0x80  }
0x298: {  	[sflag:s15] =	ssyncset.done $0x0  }
0x299: {  	[sflag:s15] =	ssyncadd.s32 $0xFFFFFF80  }
0x29a: {  	_ =	swait.ge [sflag:s15], $0x80  }
0x29b: {  	[sflag:s15] =	ssyncset.done $0x0  }
0x29c: {  	[sflag:s15] =	ssyncadd.s32 $0xFFFFFF80  }
0x29d: {  	_ =	swait.ge [sflag:s15], $0x80  }
0x29e: {  	[sflag:s15] =	ssyncset.done $0x0  }
0x29f: {  	[sflag:s15] =	ssyncadd.s32 $0xFFFFFF80  }
0x2a0: {  	_ =	swait.ge [sflag:s15], $0x80  }
0x2a1: {  	[sflag:s15] =	ssyncset.done $0x0  }
0x2a2: {  	[sflag:s15] =	ssyncadd.s32 $0xFFFFFF80  }
0x2a3: {  	_ =	swait.ge [sflag:s15], $0x80  }
0x2a4: {  	[sflag:s15] =	ssyncset.done $0x0  }
0x2a5: {  	[sflag:s15] =	ssyncadd.s32 $0xFFFFFF80  }
0x2a6: {  	_ =	swait.ge [sflag:s15], $0x80  }
0x2a7: {  	[sflag:s15] =	ssyncset.done $0x0  }
0x2a8: {  	[sflag:s15] =	ssyncadd.s32 $0xFFFFFF80  }
0x2a9: {  	_ =	swait.ge [sflag:s15], $0x80  }
0x2aa: {  	[sflag:s15] =	ssyncset.done $0x0  }
0x2ab: {  	[sflag:s15] =	ssyncadd.s32 $0xFFFFFF80  }
0x2ac: {  	_ =	swait.ge [sflag:s15], $0x80  }
0x2ad: {  	[sflag:s15] =	ssyncset.done $0x0  }
0x2ae: {  	[sflag:s15] =	ssyncadd.s32 $0xFFFFFF80  }
0x2af: {  	_ =	swait.ge [sflag:s15], $0x80  }
0x2b0: {  	[sflag:s15] =	ssyncset.done $0x0  }
0x2b1: {  	[sflag:s15] =	ssyncadd.s32 $0xFFFFFF80  }
0x2b2: {  	_ =	swait.ge [sflag:s15], $0x80  }
0x2b3: {  	[sflag:s15] =	ssyncset.done $0x0  }
0x2b4: {  	[sflag:s15] =	ssyncadd.s32 $0xFFFFFF80  }
0x2b5: {  	_ =	swait.ge [sflag:s15], $0x80  }
0x2b6: {  	[sflag:s15] =	ssyncset.done $0x0  }
0x2b7: {  	[sflag:s15] =	ssyncadd.s32 $0xFFFFFF80  }
0x2b8: {  	_ =	swait.ge [sflag:s15], $0x80  }
0x2b9: {  	[sflag:s15] =	ssyncset.done $0x0  }
0x2ba: {  	[sflag:s15] =	ssyncadd.s32 $0xFFFFFF80  }
0x2bb: {  	_ =	swait.ge [sflag:s15], $0x80  }
0x2bc: {  	[sflag:s15] =	ssyncset.done $0x0  }
0x2bd: {  	[sflag:s15] =	ssyncadd.s32 $0xFFFFFF80  }
0x2be: {  	_ =	swait.ge [sflag:s15], $0x80  }
0x2bf: {  	[sflag:s15] =	ssyncset.done $0x0  }
0x2c0: {  	[sflag:s15] =	ssyncadd.s32 $0xFFFFFF80  }
0x2c1: {  	_ =	swait.ge [sflag:s15], $0x80  }
0x2c2: {  	[sflag:s15] =	ssyncset.done $0x0  }
0x2c3: {  	s26 =	sadd.s32 s23, s11;
	[sflag:s15] =	ssyncadd.s32 $0xFFFFFF80  }
0x2c4: {  	s28 =	sadd.s32 $0xFFFFD000, s24;
	s26 =	sadd.s32 $0xFFFFFA00, s26;
	_ =	swait.ge [sflag:s15], $0x80  }
0x2c5: {  	s28 =	sand.u32 $0x5000, s28;
	s26 =	sand.u32 $0x1FFFFA00, s26;
	[sflag:s15] =	ssyncset.done $0x0  }
0x2c6: {  	s28 =	sadd.s32 $0x4000, s28;
	s26 =	sadd.s32 s4, s26;
	[sflag:s15] =	ssyncadd.s32 $0xFFFFFF80  }
0x2c7: {  	[hbm4b:s26+s2] =	stream.linear.scatter [tilespmem:s28], [sflag:$0x5], $0xD00, $0x38;
	[tilespmem:$0xC000] =	vst v63  }
.LBB2_7:
0x2c8: {  	s26 =	simm.s32 @p1 $0x5  }
0x2c9: {  	_ =	swait.ge @p1 [sflag:s26], $0xD00  }
0x2ca: {  	[sflag:s26] =	ssyncset.done @p1 $0x0  }
0x2cb: {  	[sflag:s26] =	ssyncadd.s32 @p1 $0xFFFFF300  }
0x2cc: {  	v0 =	vld [tilespmem:s25+$0x80];
	_ =	sdelay $0x4  }
0x2cd: {  	v0 =	vshll.u32 v0, $0x4  }
0x2ce: {  	(v2sf) =	vpush v0, $0x0;
	_ =	sdelay $0x4  }
0x2cf: {  	(v2sf) =	vpush v0, $0x1;
	_ =	sdelay $0x1  }
0x2d0: {  	(v2sf) =	vpush v0, $0x2;
	_ =	sdelay $0x2  }
0x2d1: {  	(v2sf) =	vpush v0, $0x3;
	_ =	sdelay $0x4  }
0x2d2: {  	s29 =	spop (v2sf);
	(v2sf) =	vpush v0, $0x4  }
0x2d3: {  	s28 =	sadd.s32 $0x1000, s24  }
0x2d4: {  	s28 =	sand.u32 $0x5000, s28;
	s29 =	sand.u32 $0x1FFFFFF0, s29  }
0x2d5: {  	s30 =	sadd.s32 $0x4000, s28;
	s29 =	sadd.s32 s3, s29  }
0x2d6: {  	v1 =	vld [tilespmem:s25+$0x90];
	[tilespmem:s30], [sflag:$0x2] =	stream.linear.gather [hbm4b:s29+s2], $0x80, $0x38  }
0x2d7: {  	s30 =	spop (v2sf);
	(v2sf) =	vpush v0, $0x5;
	_ =	sdelay $0x1  }
0x2d8: {  	s29 =	sand.u32 $0x1FFFFFF0, s30;
	s30 =	spop (v2sf);
	(v2sf) =	vpush v0, $0x6  }
0x2d9: {  	s31 =	sadd.s32 $0x4080, s28;
	s29 =	sadd.s32 s3, s29  }
0x2da: {  	[tilespmem:s31], [sflag:$0x2] =	stream.linear.gather [hbm4b:s29+s2], $0x80, $0x38;
	[tilespmem:$0xC000] =	vst v63  }
0x2db: {  	s29 =	sand.u32 $0x1FFFFFF0, s30;
	s30 =	spop (v2sf);
	(v2sf) =	vpush v0, $0x7;
	_ =	sdelay $0x2  }
0x2dc: {  	s31 =	sadd.s32 $0x4100, s28;
	s29 =	sadd.s32 s3, s29  }
0x2dd: {  	[tilespmem:s31], [sflag:$0x2] =	stream.linear.gather [hbm4b:s29+s2], $0x80, $0x38;
	[tilespmem:$0xC000] =	vst v63  }
0x2de: {  	s29 =	sand.u32 $0x1FFFFFF0, s30;
	s30 =	spop (v2sf);
	(v2sf) =	vpush v0, $0x8;
	_ =	sdelay $0x1  }
0x2df: {  	s31 =	sadd.s32 $0x4180, s28;
	s29 =	sadd.s32 s3, s29  }
0x2e0: {  	[tilespmem:s31], [sflag:$0x2] =	stream.linear.gather [hbm4b:s29+s2], $0x80, $0x38;
	[tilespmem:$0xC000] =	vst v63  }
0x2e1: {  	s29 =	sand.u32 $0x1FFFFFF0, s30  }
0x2e2: {  	s31 =	sadd.s32 $0x4200, s28;
	s29 =	sadd.s32 s3, s29;
	s30 =	spop (v2sf);
	(v2sf) =	vpush v0, $0x9  }
0x2e3: {  	[tilespmem:s31], [sflag:$0x2] =	stream.linear.gather [hbm4b:s29+s2], $0x80, $0x38;
	[tilespmem:$0xC000] =	vst v63  }
0x2e4: {  	s29 =	sand.u32 $0x1FFFFFF0, s30;
	s30 =	spop (v2sf);
	(v2sf) =	vpush v0, $0xA  }
0x2e5: {  	s31 =	sadd.s32 $0x4280, s28;
	s29 =	sadd.s32 s3, s29  }
0x2e6: {  	[tilespmem:s31], [sflag:$0x2] =	stream.linear.gather [hbm4b:s29+s2], $0x80, $0x38;
	[tilespmem:$0xC000] =	vst v63  }
0x2e7: {  	s29 =	sand.u32 $0x1FFFFFF0, s30;
	s30 =	spop (v2sf);
	(v2sf) =	vpush v0, $0xB;
	_ =	sdelay $0x2  }
0x2e8: {  	s31 =	sadd.s32 $0x4300, s28;
	s29 =	sadd.s32 s3, s29  }
0x2e9: {  	[tilespmem:s31], [sflag:$0x2] =	stream.linear.gather [hbm4b:s29+s2], $0x80, $0x38;
	[tilespmem:$0xC000] =	vst v63  }
0x2ea: {  	s29 =	sand.u32 $0x1FFFFFF0, s30;
	s30 =	spop (v2sf);
	(v2sf) =	vpush v0, $0xC;
	_ =	sdelay $0x1  }
0x2eb: {  	s31 =	sadd.s32 $0x4380, s28;
	s29 =	sadd.s32 s3, s29  }
0x2ec: {  	[tilespmem:s31], [sflag:$0x2] =	stream.linear.gather [hbm4b:s29+s2], $0x80, $0x38;
	[tilespmem:$0xC000] =	vst v63  }
0x2ed: {  	s29 =	sand.u32 $0x1FFFFFF0, s30  }
0x2ee: {  	s31 =	sadd.s32 $0x4400, s28;
	s29 =	sadd.s32 s3, s29;
	s30 =	spop (v2sf);
	(v2sf) =	vpush v0, $0xD  }
0x2ef: {  	[tilespmem:s31], [sflag:$0x2] =	stream.linear.gather [hbm4b:s29+s2], $0x80, $0x38;
	[tilespmem:$0xC000] =	vst v63  }
0x2f0: {  	s29 =	sand.u32 $0x1FFFFFF0, s30;
	s30 =	spop (v2sf);
	(v2sf) =	vpush v0, $0xE  }
0x2f1: {  	s31 =	sadd.s32 $0x4480, s28;
	s29 =	sadd.s32 s3, s29  }
0x2f2: {  	[tilespmem:s31], [sflag:$0x2] =	stream.linear.gather [hbm4b:s29+s2], $0x80, $0x38;
	[tilespmem:$0xC000] =	vst v63  }
0x2f3: {  	s29 =	sand.u32 $0x1FFFFFF0, s30;
	s30 =	spop (v2sf);
	(v2sf) =	vpush v0, $0xF;
	_ =	sdelay $0x2  }
0x2f4: {  	s31 =	sadd.s32 $0x4500, s28;
	s29 =	sadd.s32 s3, s29  }
0x2f5: {  	v63 =	vshll.u32 v1, $0x4;
	[tilespmem:s31], [sflag:$0x2] =	stream.linear.gather [hbm4b:s29+s2], $0x80, $0x38;
	[tilespmem:$0xC000] =	vst v63  }
0x2f6: {  	s29 =	sand.u32 $0x1FFFFFF0, s30;
	s30 =	spop (v2sf);
	(v2sf) =	vpush v63, $0x0;
	_ =	sdelay $0x1  }
0x2f7: {  	s31 =	sadd.s32 $0x4580, s28;
	s29 =	sadd.s32 s3, s29  }
0x2f8: {  	[tilespmem:s31], [sflag:$0x2] =	stream.linear.gather [hbm4b:s29+s2], $0x80, $0x38;
	[tilespmem:$0xC000] =	vst v63  }
0x2f9: {  	s29 =	sand.u32 $0x1FFFFFF0, s30  }
0x2fa: {  	s31 =	sadd.s32 $0x4600, s28;
	s29 =	sadd.s32 s3, s29;
	s30 =	spop (v2sf);
	(v2sf) =	vpush v63, $0x1  }
0x2fb: {  	[tilespmem:s31], [sflag:$0x2] =	stream.linear.gather [hbm4b:s29+s2], $0x80, $0x38;
	[tilespmem:$0xC000] =	vst v63  }
0x2fc: {  	s29 =	sand.u32 $0x1FFFFFF0, s30;
	s30 =	spop (v2sf);
	(v2sf) =	vpush v63, $0x2  }
0x2fd: {  	s31 =	sadd.s32 $0x4680, s28;
	s29 =	sadd.s32 s3, s29  }
0x2fe: {  	[tilespmem:s31], [sflag:$0x2] =	stream.linear.gather [hbm4b:s29+s2], $0x80, $0x38;
	[tilespmem:$0xC000] =	vst v63  }
0x2ff: {  	s29 =	sand.u32 $0x1FFFFFF0, s30;
	s30 =	spop (v2sf);
	(v2sf) =	vpush v63, $0x3;
	_ =	sdelay $0x2  }
0x300: {  	s31 =	sadd.s32 $0x4700, s28;
	s29 =	sadd.s32 s3, s29  }
0x301: {  	[tilespmem:s31], [sflag:$0x2] =	stream.linear.gather [hbm4b:s29+s2], $0x80, $0x38;
	[tilespmem:$0xC000] =	vst v63  }
0x302: {  	s29 =	sand.u32 $0x1FFFFFF0, s30;
	s30 =	spop (v2sf);
	(v2sf) =	vpush v63, $0x4;
	_ =	sdelay $0x1  }
0x303: {  	s31 =	sadd.s32 $0x4780, s28;
	s29 =	sadd.s32 s3, s29  }
0x304: {  	[tilespmem:s31], [sflag:$0x2] =	stream.linear.gather [hbm4b:s29+s2], $0x80, $0x38;
	[tilespmem:$0xC000] =	vst v63  }
0x305: {  	s29 =	sand.u32 $0x1FFFFFF0, s30  }
0x306: {  	s31 =	sadd.s32 $0x4800, s28;
	s29 =	sadd.s32 s3, s29;
	s30 =	spop (v2sf);
	(v2sf) =	vpush v63, $0x5  }
0x307: {  	[tilespmem:s31], [sflag:$0x2] =	stream.linear.gather [hbm4b:s29+s2], $0x80, $0x38;
	[tilespmem:$0xC000] =	vst v63  }
0x308: {  	s29 =	sand.u32 $0x1FFFFFF0, s30;
	s30 =	spop (v2sf);
	(v2sf) =	vpush v63, $0x6  }
0x309: {  	s31 =	sadd.s32 $0x4880, s28;
	s29 =	sadd.s32 s3, s29  }
0x30a: {  	[tilespmem:s31], [sflag:$0x2] =	stream.linear.gather [hbm4b:s29+s2], $0x80, $0x38;
	[tilespmem:$0xC000] =	vst v63  }
0x30b: {  	s29 =	sand.u32 $0x1FFFFFF0, s30;
	s30 =	spop (v2sf);
	(v2sf) =	vpush v63, $0x7;
	_ =	sdelay $0x1  }
0x30c: {  	s31 =	sadd.s32 $0x4900, s28;
	s29 =	sadd.s32 s3, s29  }
0x30d: {  	[tilespmem:s31], [sflag:$0x2] =	stream.linear.gather [hbm4b:s29+s2], $0x80, $0x38;
	[tilespmem:$0xC000] =	vst v63  }
0x30e: {  	s29 =	sand.u32 $0x1FFFFFF0, s30  }
0x30f: {  	s31 =	sadd.s32 $0x4980, s28;
	s29 =	sadd.s32 s3, s29;
	s30 =	spop (v2sf);
	(v2sf) =	vpush v63, $0x8  }
0x310: {  	[tilespmem:s31], [sflag:$0x2] =	stream.linear.gather [hbm4b:s29+s2], $0x80, $0x38;
	[tilespmem:$0xC000] =	vst v63  }
0x311: {  	s29 =	sand.u32 $0x1FFFFFF0, s30  }
0x312: {  	s31 =	sadd.s32 $0x4A00, s28;
	s29 =	sadd.s32 s3, s29  }
0x313: {  	[tilespmem:s31], [sflag:$0x2] =	stream.linear.gather [hbm4b:s29+s2], $0x80, $0x38;
	[tilespmem:$0xC000] =	vst v63  }
0x314: {  	s30 =	spop (v2sf);
	(v2sf) =	vpush v63, $0x9  }
0x315: {  	s29 =	sand.u32 $0x1FFFFFF0, s30  }
0x316: {  	s31 =	sadd.s32 $0x4A80, s28;
	s30 =	spop (v2sf);
	s29 =	sadd.s32 s3, s29  }
0x317: {  	[tilespmem:s31], [sflag:$0x2] =	stream.linear.gather [hbm4b:s29+s2], $0x80, $0x38;
	[tilespmem:$0xC000] =	vst v63  }
0x318: {  	s29 =	sand.u32 $0x1FFFFFF0, s30  }
0x319: {  	s31 =	sadd.s32 $0x4B00, s28;
	s30 =	spop (v2sf);
	s29 =	sadd.s32 s3, s29  }
0x31a: {  	[tilespmem:s31], [sflag:$0x2] =	stream.linear.gather [hbm4b:s29+s2], $0x80, $0x38;
	[tilespmem:$0xC000] =	vst v63  }
0x31b: {  	s29 =	sand.u32 $0x1FFFFFF0, s30  }
0x31c: {  	s31 =	sadd.s32 $0x4B80, s28;
	s29 =	sadd.s32 s3, s29  }
0x31d: {  	[tilespmem:s31], [sflag:$0x2] =	stream.linear.gather [hbm4b:s29+s2], $0x80, $0x38;
	[tilespmem:$0xC000] =	vst v63  }
0x31e: {  	s30 =	spop (v2sf)  }
0x31f: {  	s29 =	sand.u32 $0x1FFFFFF0, s30  }
0x320: {  	s31 =	sadd.s32 $0x4C00, s28;
	s29 =	sadd.s32 s3, s29  }
0x321: {  	[tilespmem:s31], [sflag:$0x2] =	stream.linear.gather [hbm4b:s29+s2], $0x80, $0x38;
	[tilespmem:$0xC000] =	vst v63  }
.Ltmp7:
0x322: {  	_ = 	snop;
	(pc) =	sbr.rel @p0 .LBB2_9-.Ltmp7, $4  }
0x323: {  	s31 =	spop (v2sf)  }
0x324: {  	s29 =	sand.u32 $0x1FFFFFF0, s31  }
0x325: {  	s28 =	sadd.s32 $0x4C80, s28;
	s29 =	sadd.s32 s3, s29  }
0x326: {  	[tilespmem:s28], [sflag:$0x2] =	stream.linear.gather [hbm4b:s29+s2], $0x80, $0x38;
	[tilespmem:$0xC000] =	vst v63  }
0x327: {  	_ =	swait.ge [sflag:s17], $0x80  }
0x328: {  	[sflag:s17] =	ssyncset.done $0x0  }
0x329: {  	[sflag:s17] =	ssyncadd.s32 $0xFFFFFF80  }
0x32a: {  	_ =	swait.ge [sflag:s17], $0x80  }
0x32b: {  	[sflag:s17] =	ssyncset.done $0x0  }
0x32c: {  	[sflag:s17] =	ssyncadd.s32 $0xFFFFFF80  }
0x32d: {  	_ =	swait.ge [sflag:s17], $0x80  }
0x32e: {  	[sflag:s17] =	ssyncset.done $0x0  }
0x32f: {  	[sflag:s17] =	ssyncadd.s32 $0xFFFFFF80  }
0x330: {  	_ =	swait.ge [sflag:s17], $0x80  }
0x331: {  	[sflag:s17] =	ssyncset.done $0x0  }
0x332: {  	[sflag:s17] =	ssyncadd.s32 $0xFFFFFF80  }
0x333: {  	_ =	swait.ge [sflag:s17], $0x80  }
0x334: {  	[sflag:s17] =	ssyncset.done $0x0  }
0x335: {  	[sflag:s17] =	ssyncadd.s32 $0xFFFFFF80  }
0x336: {  	_ =	swait.ge [sflag:s17], $0x80  }
0x337: {  	[sflag:s17] =	ssyncset.done $0x0  }
0x338: {  	[sflag:s17] =	ssyncadd.s32 $0xFFFFFF80  }
0x339: {  	_ =	swait.ge [sflag:s17], $0x80  }
0x33a: {  	[sflag:s17] =	ssyncset.done $0x0  }
0x33b: {  	[sflag:s17] =	ssyncadd.s32 $0xFFFFFF80  }
0x33c: {  	_ =	swait.ge [sflag:s17], $0x80  }
0x33d: {  	[sflag:s17] =	ssyncset.done $0x0  }
0x33e: {  	[sflag:s17] =	ssyncadd.s32 $0xFFFFFF80  }
0x33f: {  	_ =	swait.ge [sflag:s17], $0x80  }
0x340: {  	[sflag:s17] =	ssyncset.done $0x0  }
0x341: {  	[sflag:s17] =	ssyncadd.s32 $0xFFFFFF80  }
0x342: {  	_ =	swait.ge [sflag:s17], $0x80  }
0x343: {  	[sflag:s17] =	ssyncset.done $0x0  }
0x344: {  	[sflag:s17] =	ssyncadd.s32 $0xFFFFFF80  }
0x345: {  	_ =	swait.ge [sflag:s17], $0x80  }
0x346: {  	[sflag:s17] =	ssyncset.done $0x0  }
0x347: {  	[sflag:s17] =	ssyncadd.s32 $0xFFFFFF80  }
0x348: {  	_ =	swait.ge [sflag:s17], $0x80  }
0x349: {  	[sflag:s17] =	ssyncset.done $0x0  }
0x34a: {  	[sflag:s17] =	ssyncadd.s32 $0xFFFFFF80  }
0x34b: {  	_ =	swait.ge [sflag:s17], $0x80  }
0x34c: {  	[sflag:s17] =	ssyncset.done $0x0  }
0x34d: {  	[sflag:s17] =	ssyncadd.s32 $0xFFFFFF80  }
0x34e: {  	_ =	swait.ge [sflag:s17], $0x80  }
0x34f: {  	[sflag:s17] =	ssyncset.done $0x0  }
0x350: {  	[sflag:s17] =	ssyncadd.s32 $0xFFFFFF80  }
0x351: {  	_ =	swait.ge [sflag:s17], $0x80  }
0x352: {  	[sflag:s17] =	ssyncset.done $0x0  }
0x353: {  	[sflag:s17] =	ssyncadd.s32 $0xFFFFFF80  }
0x354: {  	_ =	swait.ge [sflag:s17], $0x80  }
0x355: {  	[sflag:s17] =	ssyncset.done $0x0  }
0x356: {  	[sflag:s17] =	ssyncadd.s32 $0xFFFFFF80  }
0x357: {  	_ =	swait.ge [sflag:s17], $0x80  }
0x358: {  	[sflag:s17] =	ssyncset.done $0x0  }
0x359: {  	[sflag:s17] =	ssyncadd.s32 $0xFFFFFF80  }
0x35a: {  	_ =	swait.ge [sflag:s17], $0x80  }
0x35b: {  	[sflag:s17] =	ssyncset.done $0x0  }
0x35c: {  	[sflag:s17] =	ssyncadd.s32 $0xFFFFFF80  }
0x35d: {  	_ =	swait.ge [sflag:s17], $0x80  }
0x35e: {  	[sflag:s17] =	ssyncset.done $0x0  }
0x35f: {  	[sflag:s17] =	ssyncadd.s32 $0xFFFFFF80  }
0x360: {  	_ =	swait.ge [sflag:s17], $0x80  }
0x361: {  	[sflag:s17] =	ssyncset.done $0x0  }
0x362: {  	[sflag:s17] =	ssyncadd.s32 $0xFFFFFF80  }
0x363: {  	_ =	swait.ge [sflag:s17], $0x80  }
0x364: {  	[sflag:s17] =	ssyncset.done $0x0  }
0x365: {  	[sflag:s17] =	ssyncadd.s32 $0xFFFFFF80  }
0x366: {  	_ =	swait.ge [sflag:s17], $0x80  }
0x367: {  	[sflag:s17] =	ssyncset.done $0x0  }
0x368: {  	[sflag:s17] =	ssyncadd.s32 $0xFFFFFF80  }
0x369: {  	_ =	swait.ge [sflag:s17], $0x80  }
0x36a: {  	[sflag:s17] =	ssyncset.done $0x0  }
0x36b: {  	[sflag:s17] =	ssyncadd.s32 $0xFFFFFF80  }
0x36c: {  	_ =	swait.ge [sflag:s17], $0x80  }
0x36d: {  	[sflag:s17] =	ssyncset.done $0x0  }
0x36e: {  	[sflag:s17] =	ssyncadd.s32 $0xFFFFFF80  }
0x36f: {  	_ =	swait.ge [sflag:s17], $0x80  }
0x370: {  	[sflag:s17] =	ssyncset.done $0x0  }
0x371: {  	s28 =	sadd.s32 s23, s11;
	[sflag:s17] =	ssyncadd.s32 $0xFFFFFF80  }
0x372: {  	s29 =	sadd.s32 $0xFFFFE000, s24;
	s28 =	sadd.s32 $0xFFFFFC00, s28;
	_ =	swait.ge [sflag:s17], $0x80  }
0x373: {  	s29 =	sand.u32 $0x6000, s29;
	s28 =	sand.u32 $0x1FFFFC00, s28;
	[sflag:s17] =	ssyncset.done $0x0  }
0x374: {  	s29 =	sadd.s32 $0x4000, s29;
	s28 =	sadd.s32 s4, s28;
	[sflag:s17] =	ssyncadd.s32 $0xFFFFFF80  }
0x375: {  	[hbm4b:s28+s2] =	stream.linear.scatter [tilespmem:s29], [sflag:$0x5], $0xD00, $0x38;
	[tilespmem:$0xC000] =	vst v63  }
.LBB2_9:
0x376: {  	_ =	swait.ge @p1 [sflag:s26], $0xD00  }
0x377: {  	[sflag:s26] =	ssyncset.done @p1 $0x0  }
0x378: {  	[sflag:s26] =	ssyncadd.s32 @p1 $0xFFFFF300  }
0x379: {  	v0 =	vld [tilespmem:s25+$0x100];
	_ =	sdelay $0x4  }
0x37a: {  	v0 =	vshll.u32 v0, $0x4  }
0x37b: {  	(v2sf) =	vpush v0, $0x0;
	_ =	sdelay $0x1  }
0x37c: {  	(v2sf) =	vpush v0, $0x1;
	_ =	sdelay $0x4  }
0x37d: {  	(v2sf) =	vpush v0, $0x2;
	_ =	sdelay $0x2  }
0x37e: {  	(v2sf) =	vpush v0, $0x3;
	_ =	sdelay $0x4  }
0x37f: {  	s28 =	spop (v2sf);
	(v2sf) =	vpush v0, $0x4;
	_ =	sdelay $0x1  }
0x380: {  	s30 =	spop (v2sf);
	(v2sf) =	vpush v0, $0x5  }
0x381: {  	s29 =	sadd.s32 $0x2000, s24  }
0x382: {  	s26 =	sand.u32 $0x6000, s29;
	s28 =	sand.u32 $0x1FFFFFF0, s28  }
0x383: {  	s29 =	sadd.s32 $0x4000, s26;
	s28 =	sadd.s32 s3, s28  }
0x384: {  	v1 =	vld [tilespmem:s25+$0x110];
	[tilespmem:s29], [sflag:$0x3] =	stream.linear.gather [hbm4b:s28+s2], $0x80, $0x38  }
0x385: {  	s28 =	sand.u32 $0x1FFFFFF0, s30;
	s30 =	spop (v2sf);
	(v2sf) =	vpush v0, $0x6  }
0x386: {  	s31 =	sadd.s32 $0x4080, s26;
	s28 =	sadd.s32 s3, s28  }
0x387: {  	[tilespmem:s31], [sflag:$0x3] =	stream.linear.gather [hbm4b:s28+s2], $0x80, $0x38;
	[tilespmem:$0xC000] =	vst v63  }
0x388: {  	s28 =	sand.u32 $0x1FFFFFF0, s30;
	s30 =	spop (v2sf);
	(v2sf) =	vpush v0, $0x7;
	_ =	sdelay $0x1  }
0x389: {  	s31 =	sadd.s32 $0x4100, s26;
	s28 =	sadd.s32 s3, s28  }
0x38a: {  	[tilespmem:s31], [sflag:$0x3] =	stream.linear.gather [hbm4b:s28+s2], $0x80, $0x38;
	[tilespmem:$0xC000] =	vst v63  }
0x38b: {  	s28 =	sand.u32 $0x1FFFFFF0, s30  }
0x38c: {  	s31 =	sadd.s32 $0x4180, s26;
	s28 =	sadd.s32 s3, s28;
	s30 =	spop (v2sf);
	(v2sf) =	vpush v0, $0x8  }
0x38d: {  	[tilespmem:s31], [sflag:$0x3] =	stream.linear.gather [hbm4b:s28+s2], $0x80, $0x38;
	[tilespmem:$0xC000] =	vst v63  }
0x38e: {  	s28 =	sand.u32 $0x1FFFFFF0, s30;
	s30 =	spop (v2sf);
	(v2sf) =	vpush v0, $0x9;
	_ =	sdelay $0x2  }
0x38f: {  	s31 =	sadd.s32 $0x4200, s26;
	s28 =	sadd.s32 s3, s28  }
0x390: {  	[tilespmem:s31], [sflag:$0x3] =	stream.linear.gather [hbm4b:s28+s2], $0x80, $0x38;
	[tilespmem:$0xC000] =	vst v63  }
0x391: {  	s28 =	sand.u32 $0x1FFFFFF0, s30;
	s30 =	spop (v2sf);
	(v2sf) =	vpush v0, $0xA  }
0x392: {  	s31 =	sadd.s32 $0x4280, s26;
	s28 =	sadd.s32 s3, s28  }
0x393: {  	[tilespmem:s31], [sflag:$0x3] =	stream.linear.gather [hbm4b:s28+s2], $0x80, $0x38;
	[tilespmem:$0xC000] =	vst v63  }
0x394: {  	s28 =	sand.u32 $0x1FFFFFF0, s30;
	s30 =	spop (v2sf);
	(v2sf) =	vpush v0, $0xB;
	_ =	sdelay $0x1  }
0x395: {  	s31 =	sadd.s32 $0x4300, s26;
	s28 =	sadd.s32 s3, s28  }
0x396: {  	[tilespmem:s31], [sflag:$0x3] =	stream.linear.gather [hbm4b:s28+s2], $0x80, $0x38;
	[tilespmem:$0xC000] =	vst v63  }
0x397: {  	s28 =	sand.u32 $0x1FFFFFF0, s30  }
0x398: {  	s31 =	sadd.s32 $0x4380, s26;
	s28 =	sadd.s32 s3, s28;
	s30 =	spop (v2sf);
	(v2sf) =	vpush v0, $0xC  }
0x399: {  	[tilespmem:s31], [sflag:$0x3] =	stream.linear.gather [hbm4b:s28+s2], $0x80, $0x38;
	[tilespmem:$0xC000] =	vst v63  }
0x39a: {  	s28 =	sand.u32 $0x1FFFFFF0, s30;
	s30 =	spop (v2sf);
	(v2sf) =	vpush v0, $0xD;
	_ =	sdelay $0x2  }
0x39b: {  	s31 =	sadd.s32 $0x4400, s26;
	s28 =	sadd.s32 s3, s28  }
0x39c: {  	[tilespmem:s31], [sflag:$0x3] =	stream.linear.gather [hbm4b:s28+s2], $0x80, $0x38;
	[tilespmem:$0xC000] =	vst v63  }
0x39d: {  	s28 =	sand.u32 $0x1FFFFFF0, s30;
	s30 =	spop (v2sf);
	(v2sf) =	vpush v0, $0xE  }
0x39e: {  	s31 =	sadd.s32 $0x4480, s26;
	s28 =	sadd.s32 s3, s28  }
0x39f: {  	[tilespmem:s31], [sflag:$0x3] =	stream.linear.gather [hbm4b:s28+s2], $0x80, $0x38;
	[tilespmem:$0xC000] =	vst v63  }
0x3a0: {  	s28 =	sand.u32 $0x1FFFFFF0, s30;
	s30 =	spop (v2sf);
	(v2sf) =	vpush v0, $0xF;
	_ =	sdelay $0x1  }
0x3a1: {  	s31 =	sadd.s32 $0x4500, s26;
	s28 =	sadd.s32 s3, s28  }
0x3a2: {  	[tilespmem:s31], [sflag:$0x3] =	stream.linear.gather [hbm4b:s28+s2], $0x80, $0x38;
	[tilespmem:$0xC000] =	vst v63  }
0x3a3: {  	v63 =	vshll.u32 v1, $0x4;
	s28 =	sand.u32 $0x1FFFFFF0, s30  }
0x3a4: {  	s31 =	sadd.s32 $0x4580, s26;
	s28 =	sadd.s32 s3, s28;
	s30 =	spop (v2sf);
	(v2sf) =	vpush v63, $0x0  }
0x3a5: {  	[tilespmem:s31], [sflag:$0x3] =	stream.linear.gather [hbm4b:s28+s2], $0x80, $0x38;
	[tilespmem:$0xC000] =	vst v63  }
0x3a6: {  	s28 =	sand.u32 $0x1FFFFFF0, s30;
	s30 =	spop (v2sf);
	(v2sf) =	vpush v63, $0x1;
	_ =	sdelay $0x2  }
0x3a7: {  	s31 =	sadd.s32 $0x4600, s26;
	s28 =	sadd.s32 s3, s28  }
0x3a8: {  	[tilespmem:s31], [sflag:$0x3] =	stream.linear.gather [hbm4b:s28+s2], $0x80, $0x38;
	[tilespmem:$0xC000] =	vst v63  }
0x3a9: {  	s28 =	sand.u32 $0x1FFFFFF0, s30;
	s30 =	spop (v2sf);
	(v2sf) =	vpush v63, $0x2  }
0x3aa: {  	s31 =	sadd.s32 $0x4680, s26;
	s28 =	sadd.s32 s3, s28  }
0x3ab: {  	[tilespmem:s31], [sflag:$0x3] =	stream.linear.gather [hbm4b:s28+s2], $0x80, $0x38;
	[tilespmem:$0xC000] =	vst v63  }
0x3ac: {  	s28 =	sand.u32 $0x1FFFFFF0, s30;
	s30 =	spop (v2sf);
	(v2sf) =	vpush v63, $0x3;
	_ =	sdelay $0x1  }
0x3ad: {  	s31 =	sadd.s32 $0x4700, s26;
	s28 =	sadd.s32 s3, s28  }
0x3ae: {  	[tilespmem:s31], [sflag:$0x3] =	stream.linear.gather [hbm4b:s28+s2], $0x80, $0x38;
	[tilespmem:$0xC000] =	vst v63  }
0x3af: {  	s28 =	sand.u32 $0x1FFFFFF0, s30  }
0x3b0: {  	s31 =	sadd.s32 $0x4780, s26;
	s28 =	sadd.s32 s3, s28;
	s30 =	spop (v2sf);
	(v2sf) =	vpush v63, $0x4  }
0x3b1: {  	[tilespmem:s31], [sflag:$0x3] =	stream.linear.gather [hbm4b:s28+s2], $0x80, $0x38;
	[tilespmem:$0xC000] =	vst v63  }
0x3b2: {  	s28 =	sand.u32 $0x1FFFFFF0, s30;
	s30 =	spop (v2sf);
	(v2sf) =	vpush v63, $0x5;
	_ =	sdelay $0x2  }
0x3b3: {  	s31 =	sadd.s32 $0x4800, s26;
	s28 =	sadd.s32 s3, s28  }
0x3b4: {  	[tilespmem:s31], [sflag:$0x3] =	stream.linear.gather [hbm4b:s28+s2], $0x80, $0x38;
	[tilespmem:$0xC000] =	vst v63  }
0x3b5: {  	s28 =	sand.u32 $0x1FFFFFF0, s30;
	s30 =	spop (v2sf);
	(v2sf) =	vpush v63, $0x6  }
0x3b6: {  	s31 =	sadd.s32 $0x4880, s26;
	s28 =	sadd.s32 s3, s28  }
0x3b7: {  	[tilespmem:s31], [sflag:$0x3] =	stream.linear.gather [hbm4b:s28+s2], $0x80, $0x38;
	[tilespmem:$0xC000] =	vst v63  }
0x3b8: {  	s28 =	sand.u32 $0x1FFFFFF0, s30;
	s30 =	spop (v2sf);
	(v2sf) =	vpush v63, $0x7;
	_ =	sdelay $0x1  }
0x3b9: {  	s31 =	sadd.s32 $0x4900, s26;
	s28 =	sadd.s32 s3, s28  }
0x3ba: {  	[tilespmem:s31], [sflag:$0x3] =	stream.linear.gather [hbm4b:s28+s2], $0x80, $0x38;
	[tilespmem:$0xC000] =	vst v63  }
0x3bb: {  	s28 =	sand.u32 $0x1FFFFFF0, s30  }
0x3bc: {  	s31 =	sadd.s32 $0x4980, s26;
	s28 =	sadd.s32 s3, s28;
	s30 =	spop (v2sf);
	(v2sf) =	vpush v63, $0x8  }
0x3bd: {  	[tilespmem:s31], [sflag:$0x3] =	stream.linear.gather [hbm4b:s28+s2], $0x80, $0x38;
	[tilespmem:$0xC000] =	vst v63  }
0x3be: {  	s28 =	sand.u32 $0x1FFFFFF0, s30;
	s30 =	spop (v2sf);
	(v2sf) =	vpush v63, $0x9;
	_ =	sdelay $0x1  }
0x3bf: {  	s31 =	sadd.s32 $0x4A00, s26;
	s28 =	sadd.s32 s3, s28  }
0x3c0: {  	[tilespmem:s31], [sflag:$0x3] =	stream.linear.gather [hbm4b:s28+s2], $0x80, $0x38;
	[tilespmem:$0xC000] =	vst v63  }
0x3c1: {  	s28 =	sand.u32 $0x1FFFFFF0, s30  }
0x3c2: {  	s31 =	sadd.s32 $0x4A80, s26;
	s30 =	spop (v2sf);
	s28 =	sadd.s32 s3, s28  }
0x3c3: {  	[tilespmem:s31], [sflag:$0x3] =	stream.linear.gather [hbm4b:s28+s2], $0x80, $0x38;
	[tilespmem:$0xC000] =	vst v63  }
0x3c4: {  	s28 =	sand.u32 $0x1FFFFFF0, s30  }
0x3c5: {  	s31 =	sadd.s32 $0x4B00, s26;
	s30 =	spop (v2sf);
	s28 =	sadd.s32 s3, s28  }
0x3c6: {  	[tilespmem:s31], [sflag:$0x3] =	stream.linear.gather [hbm4b:s28+s2], $0x80, $0x38;
	[tilespmem:$0xC000] =	vst v63  }
0x3c7: {  	s28 =	sand.u32 $0x1FFFFFF0, s30  }
0x3c8: {  	s31 =	sadd.s32 $0x4B80, s26;
	s28 =	sadd.s32 s3, s28  }
0x3c9: {  	[tilespmem:s31], [sflag:$0x3] =	stream.linear.gather [hbm4b:s28+s2], $0x80, $0x38;
	[tilespmem:$0xC000] =	vst v63  }
0x3ca: {  	s29 =	spop (v2sf)  }
0x3cb: {  	s30 =	sadd.s32 $0x4C00, s26;
	s28 =	sand.u32 $0x1FFFFFF0, s29  }
.Ltmp8:
0x3cc: {  	s31 =	spop (v2sf);
	s28 =	sadd.s32 s3, s28;
	(pc) =	sbr.rel @p0 .LBB2_11-.Ltmp8, $4  }
0x3cd: {  	[tilespmem:s30], [sflag:$0x3] =	stream.linear.gather [hbm4b:s28+s2], $0x80, $0x38;
	[tilespmem:$0xC000] =	vst v63  }
0x3ce: {  	s28 =	sand.u32 $0x1FFFFFF0, s31  }
0x3cf: {  	s26 =	sadd.s32 $0x4C80, s26;
	s28 =	sadd.s32 s3, s28  }
0x3d0: {  	[tilespmem:s26], [sflag:$0x3] =	stream.linear.gather [hbm4b:s28+s2], $0x80, $0x38;
	[tilespmem:$0xC000] =	vst v63  }
0x3d1: {  	_ =	swait.ge [sflag:s19], $0x80  }
0x3d2: {  	[sflag:s19] =	ssyncset.done $0x0  }
0x3d3: {  	[sflag:s19] =	ssyncadd.s32 $0xFFFFFF80  }
0x3d4: {  	_ =	swait.ge [sflag:s19], $0x80  }
0x3d5: {  	[sflag:s19] =	ssyncset.done $0x0  }
0x3d6: {  	[sflag:s19] =	ssyncadd.s32 $0xFFFFFF80  }
0x3d7: {  	_ =	swait.ge [sflag:s19], $0x80  }
0x3d8: {  	[sflag:s19] =	ssyncset.done $0x0  }
0x3d9: {  	[sflag:s19] =	ssyncadd.s32 $0xFFFFFF80  }
0x3da: {  	_ =	swait.ge [sflag:s19], $0x80  }
0x3db: {  	[sflag:s19] =	ssyncset.done $0x0  }
0x3dc: {  	[sflag:s19] =	ssyncadd.s32 $0xFFFFFF80  }
0x3dd: {  	_ =	swait.ge [sflag:s19], $0x80  }
0x3de: {  	[sflag:s19] =	ssyncset.done $0x0  }
0x3df: {  	[sflag:s19] =	ssyncadd.s32 $0xFFFFFF80  }
0x3e0: {  	_ =	swait.ge [sflag:s19], $0x80  }
0x3e1: {  	[sflag:s19] =	ssyncset.done $0x0  }
0x3e2: {  	[sflag:s19] =	ssyncadd.s32 $0xFFFFFF80  }
0x3e3: {  	_ =	swait.ge [sflag:s19], $0x80  }
0x3e4: {  	[sflag:s19] =	ssyncset.done $0x0  }
0x3e5: {  	[sflag:s19] =	ssyncadd.s32 $0xFFFFFF80  }
0x3e6: {  	_ =	swait.ge [sflag:s19], $0x80  }
0x3e7: {  	[sflag:s19] =	ssyncset.done $0x0  }
0x3e8: {  	[sflag:s19] =	ssyncadd.s32 $0xFFFFFF80  }
0x3e9: {  	_ =	swait.ge [sflag:s19], $0x80  }
0x3ea: {  	[sflag:s19] =	ssyncset.done $0x0  }
0x3eb: {  	[sflag:s19] =	ssyncadd.s32 $0xFFFFFF80  }
0x3ec: {  	_ =	swait.ge [sflag:s19], $0x80  }
0x3ed: {  	[sflag:s19] =	ssyncset.done $0x0  }
0x3ee: {  	[sflag:s19] =	ssyncadd.s32 $0xFFFFFF80  }
0x3ef: {  	_ =	swait.ge [sflag:s19], $0x80  }
0x3f0: {  	[sflag:s19] =	ssyncset.done $0x0  }
0x3f1: {  	[sflag:s19] =	ssyncadd.s32 $0xFFFFFF80  }
0x3f2: {  	_ =	swait.ge [sflag:s19], $0x80  }
0x3f3: {  	[sflag:s19] =	ssyncset.done $0x0  }
0x3f4: {  	[sflag:s19] =	ssyncadd.s32 $0xFFFFFF80  }
0x3f5: {  	_ =	swait.ge [sflag:s19], $0x80  }
0x3f6: {  	[sflag:s19] =	ssyncset.done $0x0  }
0x3f7: {  	[sflag:s19] =	ssyncadd.s32 $0xFFFFFF80  }
0x3f8: {  	_ =	swait.ge [sflag:s19], $0x80  }
0x3f9: {  	[sflag:s19] =	ssyncset.done $0x0  }
0x3fa: {  	[sflag:s19] =	ssyncadd.s32 $0xFFFFFF80  }
0x3fb: {  	_ =	swait.ge [sflag:s19], $0x80  }
0x3fc: {  	[sflag:s19] =	ssyncset.done $0x0  }
0x3fd: {  	[sflag:s19] =	ssyncadd.s32 $0xFFFFFF80  }
0x3fe: {  	_ =	swait.ge [sflag:s19], $0x80  }
0x3ff: {  	[sflag:s19] =	ssyncset.done $0x0  }
0x400: {  	[sflag:s19] =	ssyncadd.s32 $0xFFFFFF80  }
0x401: {  	_ =	swait.ge [sflag:s19], $0x80  }
0x402: {  	[sflag:s19] =	ssyncset.done $0x0  }
0x403: {  	[sflag:s19] =	ssyncadd.s32 $0xFFFFFF80  }
0x404: {  	_ =	swait.ge [sflag:s19], $0x80  }
0x405: {  	[sflag:s19] =	ssyncset.done $0x0  }
0x406: {  	[sflag:s19] =	ssyncadd.s32 $0xFFFFFF80  }
0x407: {  	_ =	swait.ge [sflag:s19], $0x80  }
0x408: {  	[sflag:s19] =	ssyncset.done $0x0  }
0x409: {  	[sflag:s19] =	ssyncadd.s32 $0xFFFFFF80  }
0x40a: {  	_ =	swait.ge [sflag:s19], $0x80  }
0x40b: {  	[sflag:s19] =	ssyncset.done $0x0  }
0x40c: {  	[sflag:s19] =	ssyncadd.s32 $0xFFFFFF80  }
0x40d: {  	_ =	swait.ge [sflag:s19], $0x80  }
0x40e: {  	[sflag:s19] =	ssyncset.done $0x0  }
0x40f: {  	[sflag:s19] =	ssyncadd.s32 $0xFFFFFF80  }
0x410: {  	_ =	swait.ge [sflag:s19], $0x80  }
0x411: {  	[sflag:s19] =	ssyncset.done $0x0  }
0x412: {  	[sflag:s19] =	ssyncadd.s32 $0xFFFFFF80  }
0x413: {  	_ =	swait.ge [sflag:s19], $0x80  }
0x414: {  	[sflag:s19] =	ssyncset.done $0x0  }
0x415: {  	[sflag:s19] =	ssyncadd.s32 $0xFFFFFF80  }
0x416: {  	_ =	swait.ge [sflag:s19], $0x80  }
0x417: {  	[sflag:s19] =	ssyncset.done $0x0  }
0x418: {  	[sflag:s19] =	ssyncadd.s32 $0xFFFFFF80  }
0x419: {  	_ =	swait.ge [sflag:s19], $0x80  }
0x41a: {  	[sflag:s19] =	ssyncset.done $0x0  }
.Ltmp9:
0x41b: {  	s26 =	sadd.s32 s23, s11;
	[sflag:s19] =	ssyncadd.s32 $0xFFFFFF80;
	(pc) =	sbr.rel .LBB2_11-.Ltmp9, $4  }
0x41c: {  	s28 =	sadd.s32 $0xFFFFF000, s24;
	s26 =	sadd.s32 $0xFFFFFE00, s26;
	_ =	swait.ge [sflag:s19], $0x80  }
0x41d: {  	s28 =	sand.u32 $0x7000, s28;
	s26 =	sand.u32 $0x1FFFFE00, s26;
	[sflag:s19] =	ssyncset.done $0x0  }
0x41e: {  	s28 =	sadd.s32 $0x4000, s28;
	s26 =	sadd.s32 s4, s26;
	[sflag:s19] =	ssyncadd.s32 $0xFFFFFF80  }
0x41f: {  	[hbm4b:s26+s2] =	stream.linear.scatter [tilespmem:s28], [sflag:$0x5], $0xD00, $0x38;
	[tilespmem:$0xC000] =	vst v63  }
.LBB2_13:
0x420: {  	_ =	sfence.sel $0x180000  }
0x421: {  	[bflag:$0x0] =	sbarrier.arrive $0xFFFF  }
0x422: {  	p0 =	sne.s32 s1, $0x0;
	_ =	strace $0x90000047  }
0x423: {  	s0 =	sadd.s32 @!p0 $0x100000, s0;
	[bflag:$0x2] =	sbarrier.arrive $0xFFFF  }
0x424: {  	[sflag:s0] =	ssyncadd.tile.s32 @!p0 $0x1;
	_ =	shalt  }
.Lfunc_end2:
_tile_overlayer_lowered:
.L_overlay_start_2:
0x425: {  	(tag) =	ssettag $0x2  }
0x426: {  	s0 =	rddreg [dreg:$0x0];
	s2 =	stileid.u32  }
0x427: {  	s1 =	rddreg [dreg:$0x1];
	p0 =	sne.s32 s2, $0x0  }
0x428: {  	s3 =	rddreg [dreg:$0x2];
	[bflag:$0x3] =	sbarrier.arrive $0xFFFF;
	s2 =	simm.s32 @!p0 $0x1C06  }
0x429: {  	[timem:s3], [sflag:s2] =	dma.local @!p0 [hbm:s0], s1  }
0x42a: {  	s0 =	simm.s32 @!p0 $0x6  }
0x42b: {  	_ =	swait.ge @!p0 [sflag:s0], s1  }
0x42c: {  	s1 =	ssub.s32 @!p0 $0x0, s1;
	[sflag:s0] =	ssyncset.done @!p0 $0x0  }
0x42d: {  	[sflag:s0] =	ssyncadd.s32 @!p0 s1  }
0x42e: {  	[bflag:$0x3] =	sbarrier.arrive $0xFFFF  }
0x42f: {  	_ =	shalt  }

</sc_bundles>
